<compile_context>
chip_gen: v7x
topology: tpu7x:2x2x1
jax: 0.10.2.dev20260603
libtpu: 0.0.44.dev20260713+nightly
codegen_flags: <defaults>
</compile_context>

<pallas_src>
import jax
import jax.numpy as jnp
from jax import lax
from jax.experimental import pallas as pl
from jax.experimental.pallas import tpu as pltpu
from jax.experimental.pallas import tpu_sc as plsc

N = 10000
E = 320000
NFEAT = 128
NHID = 128
NCLASS = 64
HF = NFEAT // 2

NC = 2
NS = 16
NW = NC * NS
CH = 80
NCHA = E // NS // CH
NCHB = E // NW // CH
NPAD = 10240
RPT = NPAD // NS
ZR = 64

_PREC = lax.Precision.DEFAULT
_SC_PARAMS = pltpu.CompilerParams(use_tc_tiling_on_sc=False)


def _memset_rows(ref, nrows, ncols, value):
  def row(r, _):
    def col(c, _):
      ref[r, pl.ds(c * 16, 16)] = jnp.full((16,), value, jnp.float32)
      return 0
    return lax.fori_loop(0, ncols // 16, col, 0)
  lax.fori_loop(0, nrows, row, 0)


def _agg_pipeline(nch, slots, lead, feat, src_v, dst_v, rows, acc,
                  gsem, ssem, deg_step=None, transform=None):
  def gather(j, slot):
    if transform is not None:
      transform(j)
    pltpu.async_copy(feat.at[src_v.at[j]], rows.at[slot], gsem)

  def wait_gather(slot):
    pltpu.make_async_copy(feat.at[src_v.at[0]], rows.at[slot], gsem).wait()

  def scatter(j, slot):
    pltpu.async_copy(rows.at[slot], acc.at[dst_v.at[j]], ssem, add=True)

  def drain_scatter(slot):
    pltpu.make_async_copy(rows.at[slot], acc.at[dst_v.at[0]], ssem).wait()

  for b in range(lead):
    gather(b, b)

  lag = slots - lead

  def round_(o, _):
    for b in range(slots):
      k = o * slots + b
      wait_gather(b)
      scatter(k, b)
      if deg_step is not None:
        deg_step(k)

      @pl.when(k >= lag)
      def _():
        drain_scatter(b)

      @pl.when(k + lead < nch)
      def _():
        gather(k + lead, (b + lead) % slots)
    return 0
  lax.fori_loop(0, nch // slots, round_, 0)
  for _ in range(lag):
    drain_scatter(0)


def _make_sc_layer1():
  mesh = plsc.VectorSubcoreMesh(core_axis_name="c", subcore_axis_name="s",
                                num_cores=NC, num_subcores=NS)
  out_type = [
      jax.ShapeDtypeStruct((NPAD, NFEAT), jnp.float32),
      jax.ShapeDtypeStruct((NC * NPAD, 16), jnp.float32),
  ]
  slots, lead = 5, 3
  scratch = [
      pltpu.VMEM((NCHA, CH), jnp.int32),
      pltpu.VMEM((NCHA, CH), jnp.int32),
      pltpu.VMEM((slots, CH, HF), jnp.float32),
      pltpu.VMEM((ZR, HF), jnp.float32),
      pltpu.VMEM((CH, 16), jnp.float32),
      pltpu.VMEM((ZR, 16), jnp.float32),
      pltpu.VMEM_SHARED((NPAD, HF), jnp.float32),
      pltpu.VMEM_SHARED((NPAD, 16), jnp.float32),
      pltpu.SemaphoreType.DMA,
      pltpu.SemaphoreType.DMA,
      pltpu.SemaphoreType.DMA,
  ]

  def body(feat2, srcw, dstw, agg_out, deg_out,
           src_v, dst_v, rows, zbuf, ones_v, zd, acc, dacc,
           gsem, ssem, dsem):
    cid = lax.axis_index("c")
    sid = lax.axis_index("s")

    _memset_rows(zbuf, ZR, HF, 0.0)
    _memset_rows(ones_v, CH, 16, 1.0)
    _memset_rows(zd, ZR, 16, 0.0)

    base = sid * RPT
    for k in range(RPT // ZR):
      pltpu.sync_copy(zbuf, acc.at[pl.ds(base + k * ZR, ZR)])
      pltpu.sync_copy(zd, dacc.at[pl.ds(base + k * ZR, ZR)])
    plsc.subcore_barrier()

    pltpu.sync_copy(srcw.at[sid], src_v)
    pltpu.sync_copy(dstw.at[sid], dst_v)

    def xform(j):
      for q in range(CH // 16):
        v = src_v[j, pl.ds(q * 16, 16)]
        src_v[j, pl.ds(q * 16, 16)] = v * 2 + cid

    def deg_step(k):
      @pl.when(k % 2 == cid)
      def _():
        pltpu.async_copy(ones_v, dacc.at[dst_v.at[k]], dsem, add=True)

      @pl.when((k % 2 == cid) & (k >= 2))
      def _():
        pltpu.make_async_copy(ones_v, dacc.at[dst_v.at[0]], dsem).wait()

    _agg_pipeline(NCHA, slots, lead, feat2, src_v, dst_v, rows, acc,
                  gsem, ssem, deg_step, xform)
    pltpu.make_async_copy(ones_v, dacc.at[dst_v.at[0]], dsem).wait()
    plsc.subcore_barrier()

    pltpu.sync_copy(acc.at[pl.ds(base, RPT)],
                    agg_out.at[pl.ds(base, RPT), pl.ds(cid * HF, HF)])
    obase = cid * NPAD + base
    pltpu.sync_copy(dacc.at[pl.ds(base, RPT)], deg_out.at[pl.ds(obase, RPT)])

  return pl.kernel(body, out_type=out_type, mesh=mesh, scratch_types=scratch,
                   compiler_params=_SC_PARAMS)


def _make_sc_layer2():
  mesh = plsc.VectorSubcoreMesh(core_axis_name="c", subcore_axis_name="s",
                                num_cores=NC, num_subcores=NS)
  out_type = [jax.ShapeDtypeStruct((NPAD, 2 * NCLASS), jnp.float32)]
  slots, lead = 5, 3
  scratch = [
      pltpu.VMEM((NCHB, CH), jnp.int32),
      pltpu.VMEM((NCHB, CH), jnp.int32),
      pltpu.VMEM((slots, CH, NCLASS), jnp.float32),
      pltpu.VMEM((ZR, NCLASS), jnp.float32),
      pltpu.VMEM_SHARED((NPAD, NCLASS), jnp.float32),
      pltpu.SemaphoreType.DMA,
      pltpu.SemaphoreType.DMA,
  ]

  def body(feat, srcw, dstw, agg_out, src_v, dst_v, rows, zbuf, acc,
           gsem, ssem):
    cid = lax.axis_index("c")
    sid = lax.axis_index("s")
    wid = sid * NC + cid

    _memset_rows(zbuf, ZR, NCLASS, 0.0)
    base = sid * RPT
    for k in range(RPT // ZR):
      pltpu.sync_copy(zbuf, acc.at[pl.ds(base + k * ZR, ZR)])
    plsc.subcore_barrier()

    pltpu.sync_copy(srcw.at[wid], src_v)
    pltpu.sync_copy(dstw.at[wid], dst_v)

    def xform(j):
      for q in range(CH // 16):
        v = src_v[j, pl.ds(q * 16, 16)]
        src_v[j, pl.ds(q * 16, 16)] = v * 2

    _agg_pipeline(NCHB, slots, lead, feat, src_v, dst_v, rows, acc,
                  gsem, ssem, None, xform)
    plsc.subcore_barrier()

    pltpu.sync_copy(acc.at[pl.ds(base, RPT)],
                    agg_out.at[pl.ds(base, RPT), pl.ds(cid * NCLASS, NCLASS)])

  return pl.kernel(body, out_type=out_type, mesh=mesh, scratch_types=scratch,
                   compiler_params=_SC_PARAMS)


_sc_cache = {}


def _sc_layer1():
  if "a" not in _sc_cache:
    _sc_cache["a"] = _make_sc_layer1()
  return _sc_cache["a"]


def _sc_layer2():
  if "b" not in _sc_cache:
    _sc_cache["b"] = _make_sc_layer2()
  return _sc_cache["b"]


BN = 2000


def _deg_inv(degp_ref):
  deg = degp_ref[0, :, 0:1] + degp_ref[1, :, 0:1]
  return 1.0 / jnp.maximum(deg, 1.0)


def _tc_mid_body(x_r, aggp_r, degp_r, w1s_r, w1n_r, b1_r, w2s_r, w2n_r,
                 b2_r, y2_r, self2_r):
  inv = _deg_inv(degp_r)
  agg = aggp_r[...] * inv
  x = x_r[...]
  h = (jnp.dot(x, w1s_r[...], preferred_element_type=jnp.float32,
               precision=_PREC)
       + jnp.dot(agg, w1n_r[...], preferred_element_type=jnp.float32,
                 precision=_PREC)
       + b1_r[...][None, :])
  h = jnp.maximum(h, 0.0)
  y2 = jnp.dot(h, w2n_r[...], preferred_element_type=jnp.float32,
               precision=_PREC)
  y2_r[...] = jnp.concatenate(
      [y2, jnp.zeros((BN, NCLASS), jnp.float32)], axis=1)
  self2_r[...] = (jnp.dot(h, w2s_r[...], preferred_element_type=jnp.float32,
                          precision=_PREC) + b2_r[...][None, :])


def _row_block(d):
  return pl.BlockSpec((BN, d), lambda i: (i, 0))


def _split_block(d):
  return pl.BlockSpec((2, BN, d), lambda i: (0, i, 0))


def _full_block(shape):
  nd = len(shape)
  return pl.BlockSpec(shape, (lambda i: (0,) * nd))


_tc_mid = pl.pallas_call(
    _tc_mid_body,
    grid=(N // BN,),
    in_specs=[
        _row_block(NFEAT),
        _row_block(NFEAT),
        _split_block(16),
        _full_block((NFEAT, NHID)),
        _full_block((NFEAT, NHID)),
        _full_block((NHID,)),
        _full_block((NHID, NCLASS)),
        _full_block((NHID, NCLASS)),
        _full_block((NCLASS,)),
    ],
    out_specs=[_row_block(2 * NCLASS), _row_block(NCLASS)],
    out_shape=[
        jax.ShapeDtypeStruct((N, 2 * NCLASS), jnp.float32),
        jax.ShapeDtypeStruct((N, NCLASS), jnp.float32),
    ],
)


def _tc_out_body(self2_r, aggp2_r, degp_r, out_r):
  inv = _deg_inv(degp_r)
  logits = self2_r[...] + (
      aggp2_r[:, 0:NCLASS] + aggp2_r[:, NCLASS:2 * NCLASS]) * inv
  m = jnp.max(logits, axis=1, keepdims=True)
  ex = jnp.exp(logits - m)
  lse = jnp.log(jnp.sum(ex, axis=1, keepdims=True)) + m
  out_r[...] = logits - lse


_tc_out = pl.pallas_call(
    _tc_out_body,
    grid=(N // BN,),
    in_specs=[_row_block(NCLASS), _row_block(2 * NCLASS), _split_block(16)],
    out_specs=_row_block(NCLASS),
    out_shape=jax.ShapeDtypeStruct((N, NCLASS), jnp.float32),
)


def kernel(x, edge_index, W1_self, W1_neigh, b1, W2_self, W2_neigh, b2):
  ei = edge_index.astype(jnp.int32)
  src, dst = ei[0], ei[1]
  feat2 = x.reshape(2 * N, HF)
  srcw_a = src.reshape(NS, NCHA, CH)
  dstw_a = dst.reshape(NS, NCHA, CH)
  aggx, degp = _sc_layer1()(feat2, srcw_a, dstw_a)
  degp = degp.reshape(NC, NPAD, 16)
  y2, self2 = _tc_mid(x, aggx, degp, W1_self, W1_neigh, b1,
                      W2_self, W2_neigh, b2)
  y2v = y2.reshape(2 * N, NCLASS)
  srcw_b = src.reshape(NW, NCHB, CH)
  dstw_b = dst.reshape(NW, NCHB, CH)
  (agg2,) = _sc_layer2()(y2v, srcw_b, dstw_b)
  return _tc_out(self2, agg2, degp)

# --- scband reference (transcript-rebuilt; emitter-appended) ---
"""Pipeline reference for scband-graph-sage-20538533609946 (READ-ONLY COPY).

The authoritative reference and input builder live on the scoring server;
editing this copy changes nothing except your own understanding.
"""

import jax, jax.numpy as jnp
import numpy as np

N = 10000
E = 320000
NFEAT = 128
NHID = 128
NCLASS = 64


def setup_inputs(seed: int = 0) -> dict:
    key = jax.random.key(seed)
    ks = jax.random.split(key, 8)
    x = jax.random.normal(ks[0], (N, NFEAT), dtype=jnp.float32)
    edge_index = jax.random.randint(ks[1], (2, E), 0, N, dtype=jnp.int64)
    # SAGEConv (mean aggregator) parameters, Glorot-ish init
    s1 = 1.0 / np.sqrt(NFEAT)
    s2 = 1.0 / np.sqrt(NHID)
    W1_self = jax.random.uniform(ks[2], (NFEAT, NHID), jnp.float32, -s1, s1)
    W1_neigh = jax.random.uniform(ks[3], (NFEAT, NHID), jnp.float32, -s1, s1)
    b1 = jnp.zeros((NHID,), dtype=jnp.float32)
    W2_self = jax.random.uniform(ks[4], (NHID, NCLASS), jnp.float32, -s2, s2)
    W2_neigh = jax.random.uniform(ks[5], (NHID, NCLASS), jnp.float32, -s2, s2)
    b2 = jnp.zeros((NCLASS,), dtype=jnp.float32)
    return {
        "x": x,
        "edge_index": edge_index,
        "W1_self": W1_self,
        "W1_neigh": W1_neigh,
        "b1": b1,
        "W2_self": W2_self,
        "W2_neigh": W2_neigh,
        "b2": b2,
    }


def _sage_conv(feat, src, dst, deg_inv, W_self, W_neigh, b):
    # mean aggregation of neighbor features (gather by src, scatter-add by dst)
    msg = feat[src]  # gather [E, d]
    agg = jax.ops.segment_sum(msg, dst, num_segments=N)  # scatter-add
    agg = agg * deg_inv[:, None]  # mean
    return feat @ W_self + agg @ W_neigh + b


def reference(x, edge_index, W1_self, W1_neigh, b1, W2_self, W2_neigh, b2):
    src = edge_index[0]
    dst = edge_index[1]
    deg = jax.ops.segment_sum(jnp.ones((E,), dtype=jnp.float32), dst, num_segments=N)
    deg_inv = 1.0 / jnp.clip(deg, 1.0, None)
    h = _sage_conv(x, src, dst, deg_inv, W1_self, W1_neigh, b1)
    h = jax.nn.relu(h)
    # dropout: eval mode (identity)
    h = _sage_conv(h, src, dst, deg_inv, W2_self, W2_neigh, b2)
    return jax.nn.log_softmax(h, axis=1)

if __name__ == "__main__":
    import jax
    _d = setup_inputs()
    print(jax.jit(kernel)(*tuple(_d.values())))

</pallas_src>

<mosaic_0001>
#map = affine_map<(d0, d1) -> (0, 0)>
#map1 = affine_map<(d0, d1) -> (0, 0, 0)>
module attributes {stable_mosaic.version = 14 : i64} {
  func.func @body(%arg0: i32, %arg1: i32, %arg2: memref<20000x64xf32, #tpu.memory_space<hbm>>, %arg3: memref<32x125x80xi32, #tpu.memory_space<hbm>>, %arg4: memref<32x125x80xi32, #tpu.memory_space<hbm>>, %arg5: memref<10240x128xf32, #tpu.memory_space<hbm>>, %arg6: memref<125x80xi32, #tpu.memory_space<vmem>>, %arg7: memref<125x80xi32, #tpu.memory_space<vmem>>, %arg8: memref<5x80x64xf32, #tpu.memory_space<vmem>>, %arg9: memref<64x64xf32, #tpu.memory_space<vmem>>, %arg10: memref<10240x64xf32, #tpu.memory_space<vmem_shared>>, %arg11: memref<!tpu.dma_semaphore, #tpu.memory_space<semaphore_mem>>, %arg12: memref<!tpu.dma_semaphore, #tpu.memory_space<semaphore_mem>>) attributes {dimension_semantics = [#tpu.dimension_semantics<core_parallel>, #tpu.dimension_semantics<subcore_parallel>], iteration_bounds = array<i64: 2, 16>, scalar_prefetch = 0 : i64, scratch_operands = 7 : i64, tpu.core_type = #tpu.core_type<sc_vector_subcore>, window_params = [{transform_indices = #map}, {transform_indices = #map1}, {transform_indices = #map1}, {transform_indices = #map}]} {
    %mul3A = arith.constant 2 : i32
    %mul3A_0 = arith.muli %arg1, %mul3A : i32
    %add3A = arith.addi %mul3A_0, %arg0 : i32
    %scan3A = arith.constant 0 : i32
    %scan3A_1 = arith.constant 0 : i32
    %scan3A_2 = arith.constant 64 : i32
    %scan3A_3 = arith.addi %scan3A_1, %scan3A_2 : i32
    %scan3A_4 = arith.constant 1 : i32
    %scan3A_5 = scf.for %scan3A_305 = %scan3A_1 to %scan3A_3 step %scan3A_4 iter_args(%scan3A_306 = %scan3A) -> (i32)  : i32 {
      %scan3A_307 = arith.constant 0 : i32
      %scan3A_308 = arith.constant 0 : i32
      %scan3A_309 = arith.constant 4 : i32
      %scan3A_310 = arith.addi %scan3A_308, %scan3A_309 : i32
      %scan3A_311 = arith.constant 1 : i32
      %scan3A_312 = scf.for %scan3A_314 = %scan3A_308 to %scan3A_310 step %scan3A_311 iter_args(%scan3A_315 = %scan3A_307) -> (i32)  : i32 {
        %broadcast_in_dim3A = arith.constant 0.000000e+00 : f32
        %broadcast_in_dim3A_316 = vector.broadcast %broadcast_in_dim3A : f32 to vector<16xf32>
        %mul3A_317 = arith.constant 16 : i32
        %mul3A_318 = arith.muli %scan3A_314, %mul3A_317 : i32
        %swap3A_319 = arith.index_cast %scan3A_305 : i32 to index
        %swap3A_320 = arith.index_cast %mul3A_318 : i32 to index
        %swap3A_321 = tpu.vector_load %arg9[%swap3A_319, %swap3A_320] {strides = array<i32>} : memref<64x64xf32, #tpu.memory_space<vmem>>, vector<1x16xf32>,
        %swap3A_322 = vector.shape_cast %swap3A_321 : vector<1x16xf32> to vector<16xf32>
        %swap3A_323 = vector.shape_cast %broadcast_in_dim3A_316 : vector<16xf32> to vector<1x16xf32>
        tpu.vector_store %arg9[%swap3A_319, %swap3A_320], %swap3A_323 {strides = array<i32>} : memref<64x64xf32, #tpu.memory_space<vmem>>, vector<1x16xf32>,
        %scan3A_324 = arith.constant 0 : i32
        scf.yield %scan3A_324 : i32
      }
      %scan3A_313 = arith.constant 4 : i32
      scf.yield %scan3A_312 : i32
    }
    %scan3A_6 = arith.constant 64 : i32
    %mul3A_7 = arith.constant 640 : i32
    %mul3A_8 = arith.muli %arg1, %mul3A_7 : i32
    %add3A_9 = arith.constant 0 : i32
    %add3A_10 = arith.addi %mul3A_8, %add3A_9 : i32
    "tpu.region"() ({
      %run_scoped3A = tpu.sem_alloc : memref<!tpu.dma_semaphore, #tpu.memory_space<semaphore_mem>>
      %dma_start3A_305 = arith.constant 0 : i32
      %dma_start3A_306 = tpu.memref_slice %arg10[%add3A_10, %dma_start3A_305] : memref<10240x64xf32, #tpu.memory_space<vmem_shared>> -> memref<64x64xf32, #tpu.memory_space<vmem_shared>>
      %dma_start3A_307 = arith.constant 0 : i32
      %dma_start3A_308 = tpu.memref_slice %arg10[%add3A_10, %dma_start3A_307] : memref<10240x64xf32, #tpu.memory_space<vmem_shared>> -> memref<64x64xf32, #tpu.memory_space<vmem_shared>>
      tpu.enqueue_dma source(%arg9 : memref<64x64xf32, #tpu.memory_space<vmem>>) target(%dma_start3A_308 : memref<64x64xf32, #tpu.memory_space<vmem_shared>>) target_semaphore(%run_scoped3A : memref<!tpu.dma_semaphore, #tpu.memory_space<semaphore_mem>>)
      %dma_wait3A_309 = arith.constant 0 : i32
      %dma_wait3A_310 = tpu.memref_slice %arg10[%add3A_10, %dma_wait3A_309] : memref<10240x64xf32, #tpu.memory_space<vmem_shared>> -> memref<64x64xf32, #tpu.memory_space<vmem_shared>>
      %dma_wait3A_311 = arith.constant 0 : i32
      %dma_wait3A_312 = tpu.memref_slice %arg10[%add3A_10, %dma_wait3A_311] : memref<10240x64xf32, #tpu.memory_space<vmem_shared>> -> memref<64x64xf32, #tpu.memory_space<vmem_shared>>
      tpu.wait_dma2 semaphore(%run_scoped3A : memref<!tpu.dma_semaphore, #tpu.memory_space<semaphore_mem>>) src(%arg9 : memref<64x64xf32, #tpu.memory_space<vmem>>) dst(%dma_wait3A_312 : memref<64x64xf32, #tpu.memory_space<vmem_shared>>)
      tpu.yield
    }) : () -> ()
    %add3A_11 = arith.constant 64 : i32
    %add3A_12 = arith.addi %mul3A_8, %add3A_11 : i32
    "tpu.region"() ({
      %run_scoped3A = tpu.sem_alloc : memref<!tpu.dma_semaphore, #tpu.memory_space<semaphore_mem>>
      %dma_start3A_305 = arith.constant 0 : i32
      %dma_start3A_306 = tpu.memref_slice %arg10[%add3A_12, %dma_start3A_305] : memref<10240x64xf32, #tpu.memory_space<vmem_shared>> -> memref<64x64xf32, #tpu.memory_space<vmem_shared>>
      %dma_start3A_307 = arith.constant 0 : i32
      %dma_start3A_308 = tpu.memref_slice %arg10[%add3A_12, %dma_start3A_307] : memref<10240x64xf32, #tpu.memory_space<vmem_shared>> -> memref<64x64xf32, #tpu.memory_space<vmem_shared>>
      tpu.enqueue_dma source(%arg9 : memref<64x64xf32, #tpu.memory_space<vmem>>) target(%dma_start3A_308 : memref<64x64xf32, #tpu.memory_space<vmem_shared>>) target_semaphore(%run_scoped3A : memref<!tpu.dma_semaphore, #tpu.memory_space<semaphore_mem>>)
      %dma_wait3A_309 = arith.constant 0 : i32
      %dma_wait3A_310 = tpu.memref_slice %arg10[%add3A_12, %dma_wait3A_309] : memref<10240x64xf32, #tpu.memory_space<vmem_shared>> -> memref<64x64xf32, #tpu.memory_space<vmem_shared>>
      %dma_wait3A_311 = arith.constant 0 : i32
      %dma_wait3A_312 = tpu.memref_slice %arg10[%add3A_12, %dma_wait3A_311] : memref<10240x64xf32, #tpu.memory_space<vmem_shared>> -> memref<64x64xf32, #tpu.memory_space<vmem_shared>>
      tpu.wait_dma2 semaphore(%run_scoped3A : memref<!tpu.dma_semaphore, #tpu.memory_space<semaphore_mem>>) src(%arg9 : memref<64x64xf32, #tpu.memory_space<vmem>>) dst(%dma_wait3A_312 : memref<64x64xf32, #tpu.memory_space<vmem_shared>>)
      tpu.yield
    }) : () -> ()
    %add3A_13 = arith.constant 128 : i32
    %add3A_14 = arith.addi %mul3A_8, %add3A_13 : i32
    "tpu.region"() ({
      %run_scoped3A = tpu.sem_alloc : memref<!tpu.dma_semaphore, #tpu.memory_space<semaphore_mem>>
      %dma_start3A_305 = arith.constant 0 : i32
      %dma_start3A_306 = tpu.memref_slice %arg10[%add3A_14, %dma_start3A_305] : memref<10240x64xf32, #tpu.memory_space<vmem_shared>> -> memref<64x64xf32, #tpu.memory_space<vmem_shared>>
      %dma_start3A_307 = arith.constant 0 : i32
      %dma_start3A_308 = tpu.memref_slice %arg10[%add3A_14, %dma_start3A_307] : memref<10240x64xf32, #tpu.memory_space<vmem_shared>> -> memref<64x64xf32, #tpu.memory_space<vmem_shared>>
      tpu.enqueue_dma source(%arg9 : memref<64x64xf32, #tpu.memory_space<vmem>>) target(%dma_start3A_308 : memref<64x64xf32, #tpu.memory_space<vmem_shared>>) target_semaphore(%run_scoped3A : memref<!tpu.dma_semaphore, #tpu.memory_space<semaphore_mem>>)
      %dma_wait3A_309 = arith.constant 0 : i32
      %dma_wait3A_310 = tpu.memref_slice %arg10[%add3A_14, %dma_wait3A_309] : memref<10240x64xf32, #tpu.memory_space<vmem_shared>> -> memref<64x64xf32, #tpu.memory_space<vmem_shared>>
      %dma_wait3A_311 = arith.constant 0 : i32
      %dma_wait3A_312 = tpu.memref_slice %arg10[%add3A_14, %dma_wait3A_311] : memref<10240x64xf32, #tpu.memory_space<vmem_shared>> -> memref<64x64xf32, #tpu.memory_space<vmem_shared>>
      tpu.wait_dma2 semaphore(%run_scoped3A : memref<!tpu.dma_semaphore, #tpu.memory_space<semaphore_mem>>) src(%arg9 : memref<64x64xf32, #tpu.memory_space<vmem>>) dst(%dma_wait3A_312 : memref<64x64xf32, #tpu.memory_space<vmem_shared>>)
      tpu.yield
    }) : () -> ()
    %add3A_15 = arith.constant 192 : i32
    %add3A_16 = arith.addi %mul3A_8, %add3A_15 : i32
    "tpu.region"() ({
      %run_scoped3A = tpu.sem_alloc : memref<!tpu.dma_semaphore, #tpu.memory_space<semaphore_mem>>
      %dma_start3A_305 = arith.constant 0 : i32
      %dma_start3A_306 = tpu.memref_slice %arg10[%add3A_16, %dma_start3A_305] : memref<10240x64xf32, #tpu.memory_space<vmem_shared>> -> memref<64x64xf32, #tpu.memory_space<vmem_shared>>
      %dma_start3A_307 = arith.constant 0 : i32
      %dma_start3A_308 = tpu.memref_slice %arg10[%add3A_16, %dma_start3A_307] : memref<10240x64xf32, #tpu.memory_space<vmem_shared>> -> memref<64x64xf32, #tpu.memory_space<vmem_shared>>
      tpu.enqueue_dma source(%arg9 : memref<64x64xf32, #tpu.memory_space<vmem>>) target(%dma_start3A_308 : memref<64x64xf32, #tpu.memory_space<vmem_shared>>) target_semaphore(%run_scoped3A : memref<!tpu.dma_semaphore, #tpu.memory_space<semaphore_mem>>)
      %dma_wait3A_309 = arith.constant 0 : i32
      %dma_wait3A_310 = tpu.memref_slice %arg10[%add3A_16, %dma_wait3A_309] : memref<10240x64xf32, #tpu.memory_space<vmem_shared>> -> memref<64x64xf32, #tpu.memory_space<vmem_shared>>
      %dma_wait3A_311 = arith.constant 0 : i32
      %dma_wait3A_312 = tpu.memref_slice %arg10[%add3A_16, %dma_wait3A_311] : memref<10240x64xf32, #tpu.memory_space<vmem_shared>> -> memref<64x64xf32, #tpu.memory_space<vmem_shared>>
      tpu.wait_dma2 semaphore(%run_scoped3A : memref<!tpu.dma_semaphore, #tpu.memory_space<semaphore_mem>>) src(%arg9 : memref<64x64xf32, #tpu.memory_space<vmem>>) dst(%dma_wait3A_312 : memref<64x64xf32, #tpu.memory_space<vmem_shared>>)
      tpu.yield
    }) : () -> ()
    %add3A_17 = arith.constant 256 : i32
    %add3A_18 = arith.addi %mul3A_8, %add3A_17 : i32
    "tpu.region"() ({
      %run_scoped3A = tpu.sem_alloc : memref<!tpu.dma_semaphore, #tpu.memory_space<semaphore_mem>>
      %dma_start3A_305 = arith.constant 0 : i32
      %dma_start3A_306 = tpu.memref_slice %arg10[%add3A_18, %dma_start3A_305] : memref<10240x64xf32, #tpu.memory_space<vmem_shared>> -> memref<64x64xf32, #tpu.memory_space<vmem_shared>>
      %dma_start3A_307 = arith.constant 0 : i32
      %dma_start3A_308 = tpu.memref_slice %arg10[%add3A_18, %dma_start3A_307] : memref<10240x64xf32, #tpu.memory_space<vmem_shared>> -> memref<64x64xf32, #tpu.memory_space<vmem_shared>>
      tpu.enqueue_dma source(%arg9 : memref<64x64xf32, #tpu.memory_space<vmem>>) target(%dma_start3A_308 : memref<64x64xf32, #tpu.memory_space<vmem_shared>>) target_semaphore(%run_scoped3A : memref<!tpu.dma_semaphore, #tpu.memory_space<semaphore_mem>>)
      %dma_wait3A_309 = arith.constant 0 : i32
      %dma_wait3A_310 = tpu.memref_slice %arg10[%add3A_18, %dma_wait3A_309] : memref<10240x64xf32, #tpu.memory_space<vmem_shared>> -> memref<64x64xf32, #tpu.memory_space<vmem_shared>>
      %dma_wait3A_311 = arith.constant 0 : i32
      %dma_wait3A_312 = tpu.memref_slice %arg10[%add3A_18, %dma_wait3A_311] : memref<10240x64xf32, #tpu.memory_space<vmem_shared>> -> memref<64x64xf32, #tpu.memory_space<vmem_shared>>
      tpu.wait_dma2 semaphore(%run_scoped3A : memref<!tpu.dma_semaphore, #tpu.memory_space<semaphore_mem>>) src(%arg9 : memref<64x64xf32, #tpu.memory_space<vmem>>) dst(%dma_wait3A_312 : memref<64x64xf32, #tpu.memory_space<vmem_shared>>)
      tpu.yield
    }) : () -> ()
    %add3A_19 = arith.constant 320 : i32
    %add3A_20 = arith.addi %mul3A_8, %add3A_19 : i32
    "tpu.region"() ({
      %run_scoped3A = tpu.sem_alloc : memref<!tpu.dma_semaphore, #tpu.memory_space<semaphore_mem>>
      %dma_start3A_305 = arith.constant 0 : i32
      %dma_start3A_306 = tpu.memref_slice %arg10[%add3A_20, %dma_start3A_305] : memref<10240x64xf32, #tpu.memory_space<vmem_shared>> -> memref<64x64xf32, #tpu.memory_space<vmem_shared>>
      %dma_start3A_307 = arith.constant 0 : i32
      %dma_start3A_308 = tpu.memref_slice %arg10[%add3A_20, %dma_start3A_307] : memref<10240x64xf32, #tpu.memory_space<vmem_shared>> -> memref<64x64xf32, #tpu.memory_space<vmem_shared>>
      tpu.enqueue_dma source(%arg9 : memref<64x64xf32, #tpu.memory_space<vmem>>) target(%dma_start3A_308 : memref<64x64xf32, #tpu.memory_space<vmem_shared>>) target_semaphore(%run_scoped3A : memref<!tpu.dma_semaphore, #tpu.memory_space<semaphore_mem>>)
      %dma_wait3A_309 = arith.constant 0 : i32
      %dma_wait3A_310 = tpu.memref_slice %arg10[%add3A_20, %dma_wait3A_309] : memref<10240x64xf32, #tpu.memory_space<vmem_shared>> -> memref<64x64xf32, #tpu.memory_space<vmem_shared>>
      %dma_wait3A_311 = arith.constant 0 : i32
      %dma_wait3A_312 = tpu.memref_slice %arg10[%add3A_20, %dma_wait3A_311] : memref<10240x64xf32, #tpu.memory_space<vmem_shared>> -> memref<64x64xf32, #tpu.memory_space<vmem_shared>>
      tpu.wait_dma2 semaphore(%run_scoped3A : memref<!tpu.dma_semaphore, #tpu.memory_space<semaphore_mem>>) src(%arg9 : memref<64x64xf32, #tpu.memory_space<vmem>>) dst(%dma_wait3A_312 : memref<64x64xf32, #tpu.memory_space<vmem_shared>>)
      tpu.yield
    }) : () -> ()
    %add3A_21 = arith.constant 384 : i32
    %add3A_22 = arith.addi %mul3A_8, %add3A_21 : i32
    "tpu.region"() ({
      %run_scoped3A = tpu.sem_alloc : memref<!tpu.dma_semaphore, #tpu.memory_space<semaphore_mem>>
      %dma_start3A_305 = arith.constant 0 : i32
      %dma_start3A_306 = tpu.memref_slice %arg10[%add3A_22, %dma_start3A_305] : memref<10240x64xf32, #tpu.memory_space<vmem_shared>> -> memref<64x64xf32, #tpu.memory_space<vmem_shared>>
      %dma_start3A_307 = arith.constant 0 : i32
      %dma_start3A_308 = tpu.memref_slice %arg10[%add3A_22, %dma_start3A_307] : memref<10240x64xf32, #tpu.memory_space<vmem_shared>> -> memref<64x64xf32, #tpu.memory_space<vmem_shared>>
      tpu.enqueue_dma source(%arg9 : memref<64x64xf32, #tpu.memory_space<vmem>>) target(%dma_start3A_308 : memref<64x64xf32, #tpu.memory_space<vmem_shared>>) target_semaphore(%run_scoped3A : memref<!tpu.dma_semaphore, #tpu.memory_space<semaphore_mem>>)
      %dma_wait3A_309 = arith.constant 0 : i32
      %dma_wait3A_310 = tpu.memref_slice %arg10[%add3A_22, %dma_wait3A_309] : memref<10240x64xf32, #tpu.memory_space<vmem_shared>> -> memref<64x64xf32, #tpu.memory_space<vmem_shared>>
      %dma_wait3A_311 = arith.constant 0 : i32
      %dma_wait3A_312 = tpu.memref_slice %arg10[%add3A_22, %dma_wait3A_311] : memref<10240x64xf32, #tpu.memory_space<vmem_shared>> -> memref<64x64xf32, #tpu.memory_space<vmem_shared>>
      tpu.wait_dma2 semaphore(%run_scoped3A : memref<!tpu.dma_semaphore, #tpu.memory_space<semaphore_mem>>) src(%arg9 : memref<64x64xf32, #tpu.memory_space<vmem>>) dst(%dma_wait3A_312 : memref<64x64xf32, #tpu.memory_space<vmem_shared>>)
      tpu.yield
    }) : () -> ()
    %add3A_23 = arith.constant 448 : i32
    %add3A_24 = arith.addi %mul3A_8, %add3A_23 : i32
    "tpu.region"() ({
      %run_scoped3A = tpu.sem_alloc : memref<!tpu.dma_semaphore, #tpu.memory_space<semaphore_mem>>
      %dma_start3A_305 = arith.constant 0 : i32
      %dma_start3A_306 = tpu.memref_slice %arg10[%add3A_24, %dma_start3A_305] : memref<10240x64xf32, #tpu.memory_space<vmem_shared>> -> memref<64x64xf32, #tpu.memory_space<vmem_shared>>
      %dma_start3A_307 = arith.constant 0 : i32
      %dma_start3A_308 = tpu.memref_slice %arg10[%add3A_24, %dma_start3A_307] : memref<10240x64xf32, #tpu.memory_space<vmem_shared>> -> memref<64x64xf32, #tpu.memory_space<vmem_shared>>
      tpu.enqueue_dma source(%arg9 : memref<64x64xf32, #tpu.memory_space<vmem>>) target(%dma_start3A_308 : memref<64x64xf32, #tpu.memory_space<vmem_shared>>) target_semaphore(%run_scoped3A : memref<!tpu.dma_semaphore, #tpu.memory_space<semaphore_mem>>)
      %dma_wait3A_309 = arith.constant 0 : i32
      %dma_wait3A_310 = tpu.memref_slice %arg10[%add3A_24, %dma_wait3A_309] : memref<10240x64xf32, #tpu.memory_space<vmem_shared>> -> memref<64x64xf32, #tpu.memory_space<vmem_shared>>
      %dma_wait3A_311 = arith.constant 0 : i32
      %dma_wait3A_312 = tpu.memref_slice %arg10[%add3A_24, %dma_wait3A_311] : memref<10240x64xf32, #tpu.memory_space<vmem_shared>> -> memref<64x64xf32, #tpu.memory_space<vmem_shared>>
      tpu.wait_dma2 semaphore(%run_scoped3A : memref<!tpu.dma_semaphore, #tpu.memory_space<semaphore_mem>>) src(%arg9 : memref<64x64xf32, #tpu.memory_space<vmem>>) dst(%dma_wait3A_312 : memref<64x64xf32, #tpu.memory_space<vmem_shared>>)
      tpu.yield
    }) : () -> ()
    %add3A_25 = arith.constant 512 : i32
    %add3A_26 = arith.addi %mul3A_8, %add3A_25 : i32
    "tpu.region"() ({
      %run_scoped3A = tpu.sem_alloc : memref<!tpu.dma_semaphore, #tpu.memory_space<semaphore_mem>>
      %dma_start3A_305 = arith.constant 0 : i32
      %dma_start3A_306 = tpu.memref_slice %arg10[%add3A_26, %dma_start3A_305] : memref<10240x64xf32, #tpu.memory_space<vmem_shared>> -> memref<64x64xf32, #tpu.memory_space<vmem_shared>>
      %dma_start3A_307 = arith.constant 0 : i32
      %dma_start3A_308 = tpu.memref_slice %arg10[%add3A_26, %dma_start3A_307] : memref<10240x64xf32, #tpu.memory_space<vmem_shared>> -> memref<64x64xf32, #tpu.memory_space<vmem_shared>>
      tpu.enqueue_dma source(%arg9 : memref<64x64xf32, #tpu.memory_space<vmem>>) target(%dma_start3A_308 : memref<64x64xf32, #tpu.memory_space<vmem_shared>>) target_semaphore(%run_scoped3A : memref<!tpu.dma_semaphore, #tpu.memory_space<semaphore_mem>>)
      %dma_wait3A_309 = arith.constant 0 : i32
      %dma_wait3A_310 = tpu.memref_slice %arg10[%add3A_26, %dma_wait3A_309] : memref<10240x64xf32, #tpu.memory_space<vmem_shared>> -> memref<64x64xf32, #tpu.memory_space<vmem_shared>>
      %dma_wait3A_311 = arith.constant 0 : i32
      %dma_wait3A_312 = tpu.memref_slice %arg10[%add3A_26, %dma_wait3A_311] : memref<10240x64xf32, #tpu.memory_space<vmem_shared>> -> memref<64x64xf32, #tpu.memory_space<vmem_shared>>
      tpu.wait_dma2 semaphore(%run_scoped3A : memref<!tpu.dma_semaphore, #tpu.memory_space<semaphore_mem>>) src(%arg9 : memref<64x64xf32, #tpu.memory_space<vmem>>) dst(%dma_wait3A_312 : memref<64x64xf32, #tpu.memory_space<vmem_shared>>)
      tpu.yield
    }) : () -> ()
    %add3A_27 = arith.constant 576 : i32
    %add3A_28 = arith.addi %mul3A_8, %add3A_27 : i32
    "tpu.region"() ({
      %run_scoped3A = tpu.sem_alloc : memref<!tpu.dma_semaphore, #tpu.memory_space<semaphore_mem>>
      %dma_start3A_305 = arith.constant 0 : i32
      %dma_start3A_306 = tpu.memref_slice %arg10[%add3A_28, %dma_start3A_305] : memref<10240x64xf32, #tpu.memory_space<vmem_shared>> -> memref<64x64xf32, #tpu.memory_space<vmem_shared>>
      %dma_start3A_307 = arith.constant 0 : i32
      %dma_start3A_308 = tpu.memref_slice %arg10[%add3A_28, %dma_start3A_307] : memref<10240x64xf32, #tpu.memory_space<vmem_shared>> -> memref<64x64xf32, #tpu.memory_space<vmem_shared>>
      tpu.enqueue_dma source(%arg9 : memref<64x64xf32, #tpu.memory_space<vmem>>) target(%dma_start3A_308 : memref<64x64xf32, #tpu.memory_space<vmem_shared>>) target_semaphore(%run_scoped3A : memref<!tpu.dma_semaphore, #tpu.memory_space<semaphore_mem>>)
      %dma_wait3A_309 = arith.constant 0 : i32
      %dma_wait3A_310 = tpu.memref_slice %arg10[%add3A_28, %dma_wait3A_309] : memref<10240x64xf32, #tpu.memory_space<vmem_shared>> -> memref<64x64xf32, #tpu.memory_space<vmem_shared>>
      %dma_wait3A_311 = arith.constant 0 : i32
      %dma_wait3A_312 = tpu.memref_slice %arg10[%add3A_28, %dma_wait3A_311] : memref<10240x64xf32, #tpu.memory_space<vmem_shared>> -> memref<64x64xf32, #tpu.memory_space<vmem_shared>>
      tpu.wait_dma2 semaphore(%run_scoped3A : memref<!tpu.dma_semaphore, #tpu.memory_space<semaphore_mem>>) src(%arg9 : memref<64x64xf32, #tpu.memory_space<vmem>>) dst(%dma_wait3A_312 : memref<64x64xf32, #tpu.memory_space<vmem_shared>>)
      tpu.yield
    }) : () -> ()
    %barrier3A = arith.constant 0 : index
    tpu.barrier barrier_id(%barrier3A)
    "tpu.region"() ({
      %run_scoped3A = tpu.sem_alloc : memref<!tpu.dma_semaphore, #tpu.memory_space<semaphore_mem>>
      %dma_start3A_305 = arith.constant 0 : i32
      %dma_start3A_306 = arith.constant 0 : i32
      %dma_start3A_307 = tpu.memref_slice %arg3[%add3A, %dma_start3A_305, %dma_start3A_306] : memref<32x125x80xi32, #tpu.memory_space<hbm>> -> memref<1x125x80xi32, #tpu.memory_space<hbm>>
      %dma_start3A_308 = tpu.memref_squeeze %dma_start3A_307 : memref<1x125x80xi32, #tpu.memory_space<hbm>> -> memref<125x80xi32, #tpu.memory_space<hbm>>
      %dma_start3A_309 = arith.constant 0 : i32
      %dma_start3A_310 = arith.constant 0 : i32
      %dma_start3A_311 = tpu.memref_slice %arg3[%add3A, %dma_start3A_309, %dma_start3A_310] : memref<32x125x80xi32, #tpu.memory_space<hbm>> -> memref<1x125x80xi32, #tpu.memory_space<hbm>>
      %dma_start3A_312 = tpu.memref_squeeze %dma_start3A_311 : memref<1x125x80xi32, #tpu.memory_space<hbm>> -> memref<125x80xi32, #tpu.memory_space<hbm>>
      tpu.enqueue_dma source(%dma_start3A_312 : memref<125x80xi32, #tpu.memory_space<hbm>>) target(%arg6 : memref<125x80xi32, #tpu.memory_space<vmem>>) target_semaphore(%run_scoped3A : memref<!tpu.dma_semaphore, #tpu.memory_space<semaphore_mem>>)
      %dma_wait3A_313 = arith.constant 0 : i32
      %dma_wait3A_314 = arith.constant 0 : i32
      %dma_wait3A_315 = tpu.memref_slice %arg3[%add3A, %dma_wait3A_313, %dma_wait3A_314] : memref<32x125x80xi32, #tpu.memory_space<hbm>> -> memref<1x125x80xi32, #tpu.memory_space<hbm>>
      %dma_wait3A_316 = tpu.memref_squeeze %dma_wait3A_315 : memref<1x125x80xi32, #tpu.memory_space<hbm>> -> memref<125x80xi32, #tpu.memory_space<hbm>>
      %dma_wait3A_317 = arith.constant 0 : i32
      %dma_wait3A_318 = arith.constant 0 : i32
      %dma_wait3A_319 = tpu.memref_slice %arg3[%add3A, %dma_wait3A_317, %dma_wait3A_318] : memref<32x125x80xi32, #tpu.memory_space<hbm>> -> memref<1x125x80xi32, #tpu.memory_space<hbm>>
      %dma_wait3A_320 = tpu.memref_squeeze %dma_wait3A_319 : memref<1x125x80xi32, #tpu.memory_space<hbm>> -> memref<125x80xi32, #tpu.memory_space<hbm>>
      tpu.wait_dma2 semaphore(%run_scoped3A : memref<!tpu.dma_semaphore, #tpu.memory_space<semaphore_mem>>) src(%dma_wait3A_320 : memref<125x80xi32, #tpu.memory_space<hbm>>) dst(%arg6 : memref<125x80xi32, #tpu.memory_space<vmem>>)
      tpu.yield
    }) : () -> ()
    "tpu.region"() ({
      %run_scoped3A = tpu.sem_alloc : memref<!tpu.dma_semaphore, #tpu.memory_space<semaphore_mem>>
      %dma_start3A_305 = arith.constant 0 : i32
      %dma_start3A_306 = arith.constant 0 : i32
      %dma_start3A_307 = tpu.memref_slice %arg4[%add3A, %dma_start3A_305, %dma_start3A_306] : memref<32x125x80xi32, #tpu.memory_space<hbm>> -> memref<1x125x80xi32, #tpu.memory_space<hbm>>
      %dma_start3A_308 = tpu.memref_squeeze %dma_start3A_307 : memref<1x125x80xi32, #tpu.memory_space<hbm>> -> memref<125x80xi32, #tpu.memory_space<hbm>>
      %dma_start3A_309 = arith.constant 0 : i32
      %dma_start3A_310 = arith.constant 0 : i32
      %dma_start3A_311 = tpu.memref_slice %arg4[%add3A, %dma_start3A_309, %dma_start3A_310] : memref<32x125x80xi32, #tpu.memory_space<hbm>> -> memref<1x125x80xi32, #tpu.memory_space<hbm>>
      %dma_start3A_312 = tpu.memref_squeeze %dma_start3A_311 : memref<1x125x80xi32, #tpu.memory_space<hbm>> -> memref<125x80xi32, #tpu.memory_space<hbm>>
      tpu.enqueue_dma source(%dma_start3A_312 : memref<125x80xi32, #tpu.memory_space<hbm>>) target(%arg7 : memref<125x80xi32, #tpu.memory_space<vmem>>) target_semaphore(%run_scoped3A : memref<!tpu.dma_semaphore, #tpu.memory_space<semaphore_mem>>)
      %dma_wait3A_313 = arith.constant 0 : i32
      %dma_wait3A_314 = arith.constant 0 : i32
      %dma_wait3A_315 = tpu.memref_slice %arg4[%add3A, %dma_wait3A_313, %dma_wait3A_314] : memref<32x125x80xi32, #tpu.memory_space<hbm>> -> memref<1x125x80xi32, #tpu.memory_space<hbm>>
      %dma_wait3A_316 = tpu.memref_squeeze %dma_wait3A_315 : memref<1x125x80xi32, #tpu.memory_space<hbm>> -> memref<125x80xi32, #tpu.memory_space<hbm>>
      %dma_wait3A_317 = arith.constant 0 : i32
      %dma_wait3A_318 = arith.constant 0 : i32
      %dma_wait3A_319 = tpu.memref_slice %arg4[%add3A, %dma_wait3A_317, %dma_wait3A_318] : memref<32x125x80xi32, #tpu.memory_space<hbm>> -> memref<1x125x80xi32, #tpu.memory_space<hbm>>
      %dma_wait3A_320 = tpu.memref_squeeze %dma_wait3A_319 : memref<1x125x80xi32, #tpu.memory_space<hbm>> -> memref<125x80xi32, #tpu.memory_space<hbm>>
      tpu.wait_dma2 semaphore(%run_scoped3A : memref<!tpu.dma_semaphore, #tpu.memory_space<semaphore_mem>>) src(%dma_wait3A_320 : memref<125x80xi32, #tpu.memory_space<hbm>>) dst(%arg7 : memref<125x80xi32, #tpu.memory_space<vmem>>)
      tpu.yield
    }) : () -> ()
    %get3A = arith.constant 0 : i32
    %get3A_29 = arith.index_cast %get3A : i32 to index
    %get3A_30 = arith.constant 0 : index
    %get3A_31 = tpu.vector_load %arg6[%get3A_29, %get3A_30] {strides = array<i32>} : memref<125x80xi32, #tpu.memory_space<vmem>>, vector<1x16xi32>,
    %get3A_32 = vector.shape_cast %get3A_31 : vector<1x16xi32> to vector<16xi32>
    %mul3A_33 = arith.constant 2 : i32
    %mul3A_34 = vector.broadcast %mul3A_33 : i32 to vector<16xi32>
    %mul3A_35 = arith.muli %get3A_32, %mul3A_34 : vector<16xi32>
    %swap3A = arith.constant 0 : i32
    %swap3A_36 = arith.index_cast %swap3A : i32 to index
    %swap3A_37 = arith.constant 0 : index
    %swap3A_38 = tpu.vector_load %arg6[%swap3A_36, %swap3A_37] {strides = array<i32>} : memref<125x80xi32, #tpu.memory_space<vmem>>, vector<1x16xi32>,
    %swap3A_39 = vector.shape_cast %swap3A_38 : vector<1x16xi32> to vector<16xi32>
    %swap3A_40 = vector.shape_cast %mul3A_35 : vector<16xi32> to vector<1x16xi32>
    tpu.vector_store %arg6[%swap3A_36, %swap3A_37], %swap3A_40 {strides = array<i32>} : memref<125x80xi32, #tpu.memory_space<vmem>>, vector<1x16xi32>,
    %get3A_41 = arith.constant 0 : i32
    %get3A_42 = arith.index_cast %get3A_41 : i32 to index
    %get3A_43 = arith.constant 16 : index
    %get3A_44 = tpu.vector_load %arg6[%get3A_42, %get3A_43] {strides = array<i32>} : memref<125x80xi32, #tpu.memory_space<vmem>>, vector<1x16xi32>,
    %get3A_45 = vector.shape_cast %get3A_44 : vector<1x16xi32> to vector<16xi32>
    %mul3A_46 = arith.constant 2 : i32
    %mul3A_47 = vector.broadcast %mul3A_46 : i32 to vector<16xi32>
    %mul3A_48 = arith.muli %get3A_45, %mul3A_47 : vector<16xi32>
    %swap3A_49 = arith.constant 0 : i32
    %swap3A_50 = arith.index_cast %swap3A_49 : i32 to index
    %swap3A_51 = arith.constant 16 : index
    %swap3A_52 = tpu.vector_load %arg6[%swap3A_50, %swap3A_51] {strides = array<i32>} : memref<125x80xi32, #tpu.memory_space<vmem>>, vector<1x16xi32>,
    %swap3A_53 = vector.shape_cast %swap3A_52 : vector<1x16xi32> to vector<16xi32>
    %swap3A_54 = vector.shape_cast %mul3A_48 : vector<16xi32> to vector<1x16xi32>
    tpu.vector_store %arg6[%swap3A_50, %swap3A_51], %swap3A_54 {strides = array<i32>} : memref<125x80xi32, #tpu.memory_space<vmem>>, vector<1x16xi32>,
    %get3A_55 = arith.constant 0 : i32
    %get3A_56 = arith.index_cast %get3A_55 : i32 to index
    %get3A_57 = arith.constant 32 : index
    %get3A_58 = tpu.vector_load %arg6[%get3A_56, %get3A_57] {strides = array<i32>} : memref<125x80xi32, #tpu.memory_space<vmem>>, vector<1x16xi32>,
    %get3A_59 = vector.shape_cast %get3A_58 : vector<1x16xi32> to vector<16xi32>
    %mul3A_60 = arith.constant 2 : i32
    %mul3A_61 = vector.broadcast %mul3A_60 : i32 to vector<16xi32>
    %mul3A_62 = arith.muli %get3A_59, %mul3A_61 : vector<16xi32>
    %swap3A_63 = arith.constant 0 : i32
    %swap3A_64 = arith.index_cast %swap3A_63 : i32 to index
    %swap3A_65 = arith.constant 32 : index
    %swap3A_66 = tpu.vector_load %arg6[%swap3A_64, %swap3A_65] {strides = array<i32>} : memref<125x80xi32, #tpu.memory_space<vmem>>, vector<1x16xi32>,
    %swap3A_67 = vector.shape_cast %swap3A_66 : vector<1x16xi32> to vector<16xi32>
    %swap3A_68 = vector.shape_cast %mul3A_62 : vector<16xi32> to vector<1x16xi32>
    tpu.vector_store %arg6[%swap3A_64, %swap3A_65], %swap3A_68 {strides = array<i32>} : memref<125x80xi32, #tpu.memory_space<vmem>>, vector<1x16xi32>,
    %get3A_69 = arith.constant 0 : i32
    %get3A_70 = arith.index_cast %get3A_69 : i32 to index
    %get3A_71 = arith.constant 48 : index
    %get3A_72 = tpu.vector_load %arg6[%get3A_70, %get3A_71] {strides = array<i32>} : memref<125x80xi32, #tpu.memory_space<vmem>>, vector<1x16xi32>,
    %get3A_73 = vector.shape_cast %get3A_72 : vector<1x16xi32> to vector<16xi32>
    %mul3A_74 = arith.constant 2 : i32
    %mul3A_75 = vector.broadcast %mul3A_74 : i32 to vector<16xi32>
    %mul3A_76 = arith.muli %get3A_73, %mul3A_75 : vector<16xi32>
    %swap3A_77 = arith.constant 0 : i32
    %swap3A_78 = arith.index_cast %swap3A_77 : i32 to index
    %swap3A_79 = arith.constant 48 : index
    %swap3A_80 = tpu.vector_load %arg6[%swap3A_78, %swap3A_79] {strides = array<i32>} : memref<125x80xi32, #tpu.memory_space<vmem>>, vector<1x16xi32>,
    %swap3A_81 = vector.shape_cast %swap3A_80 : vector<1x16xi32> to vector<16xi32>
    %swap3A_82 = vector.shape_cast %mul3A_76 : vector<16xi32> to vector<1x16xi32>
    tpu.vector_store %arg6[%swap3A_78, %swap3A_79], %swap3A_82 {strides = array<i32>} : memref<125x80xi32, #tpu.memory_space<vmem>>, vector<1x16xi32>,
    %get3A_83 = arith.constant 0 : i32
    %get3A_84 = arith.index_cast %get3A_83 : i32 to index
    %get3A_85 = arith.constant 64 : index
    %get3A_86 = tpu.vector_load %arg6[%get3A_84, %get3A_85] {strides = array<i32>} : memref<125x80xi32, #tpu.memory_space<vmem>>, vector<1x16xi32>,
    %get3A_87 = vector.shape_cast %get3A_86 : vector<1x16xi32> to vector<16xi32>
    %mul3A_88 = arith.constant 2 : i32
    %mul3A_89 = vector.broadcast %mul3A_88 : i32 to vector<16xi32>
    %mul3A_90 = arith.muli %get3A_87, %mul3A_89 : vector<16xi32>
    %swap3A_91 = arith.constant 0 : i32
    %swap3A_92 = arith.index_cast %swap3A_91 : i32 to index
    %swap3A_93 = arith.constant 64 : index
    %swap3A_94 = tpu.vector_load %arg6[%swap3A_92, %swap3A_93] {strides = array<i32>} : memref<125x80xi32, #tpu.memory_space<vmem>>, vector<1x16xi32>,
    %swap3A_95 = vector.shape_cast %swap3A_94 : vector<1x16xi32> to vector<16xi32>
    %swap3A_96 = vector.shape_cast %mul3A_90 : vector<16xi32> to vector<1x16xi32>
    tpu.vector_store %arg6[%swap3A_92, %swap3A_93], %swap3A_96 {strides = array<i32>} : memref<125x80xi32, #tpu.memory_space<vmem>>, vector<1x16xi32>,
    %dma_start3A = arith.constant 0 : i32
    %dma_start3A_97 = arith.constant 0 : i32
    %dma_start3A_98 = arith.constant 0 : i32
    %dma_start3A_99 = arith.constant 0 : i32
    %dma_start3A_100 = tpu.memref_slice %arg8[%dma_start3A_97, %dma_start3A_98, %dma_start3A_99] : memref<5x80x64xf32, #tpu.memory_space<vmem>> -> memref<1x80x64xf32, #tpu.memory_space<vmem>>
    %dma_start3A_101 = tpu.memref_squeeze %dma_start3A_100 : memref<1x80x64xf32, #tpu.memory_space<vmem>> -> memref<80x64xf32, #tpu.memory_space<vmem>>
    %dma_start3A_102 = arith.constant 0 : i32
    %dma_start3A_103 = tpu.memref_slice %arg6[%dma_start3A, %dma_start3A_102] : memref<125x80xi32, #tpu.memory_space<vmem>> -> memref<1x80xi32, #tpu.memory_space<vmem>>
    %dma_start3A_104 = tpu.memref_squeeze %dma_start3A_103 : memref<1x80xi32, #tpu.memory_space<vmem>> -> memref<80xi32, #tpu.memory_space<vmem>>
    %dma_start3A_105 = arith.constant 0 : i32
    %dma_start3A_106 = arith.constant 0 : i32
    %dma_start3A_107 = tpu.memref_slice %arg2[%dma_start3A_105, %dma_start3A_106] : memref<20000x64xf32, #tpu.memory_space<hbm>> -> memref<20000x64xf32, #tpu.memory_space<hbm>>
    tpu.enqueue_indirect_dma source(%dma_start3A_107 : memref<20000x64xf32, #tpu.memory_space<hbm>>) target(%dma_start3A_101 : memref<80x64xf32, #tpu.memory_space<vmem>>) offsets(%dma_start3A_104 : memref<80xi32, #tpu.memory_space<vmem>>) semaphore(%arg11 : memref<!tpu.dma_semaphore, #tpu.memory_space<semaphore_mem>>)
    %get3A_108 = arith.constant 1 : i32
    %get3A_109 = arith.index_cast %get3A_108 : i32 to index
    %get3A_110 = arith.constant 0 : index
    %get3A_111 = tpu.vector_load %arg6[%get3A_109, %get3A_110] {strides = array<i32>} : memref<125x80xi32, #tpu.memory_space<vmem>>, vector<1x16xi32>,
    %get3A_112 = vector.shape_cast %get3A_111 : vector<1x16xi32> to vector<16xi32>
    %mul3A_113 = arith.constant 2 : i32
    %mul3A_114 = vector.broadcast %mul3A_113 : i32 to vector<16xi32>
    %mul3A_115 = arith.muli %get3A_112, %mul3A_114 : vector<16xi32>
    %swap3A_116 = arith.constant 1 : i32
    %swap3A_117 = arith.index_cast %swap3A_116 : i32 to index
    %swap3A_118 = arith.constant 0 : index
    %swap3A_119 = tpu.vector_load %arg6[%swap3A_117, %swap3A_118] {strides = array<i32>} : memref<125x80xi32, #tpu.memory_space<vmem>>, vector<1x16xi32>,
    %swap3A_120 = vector.shape_cast %swap3A_119 : vector<1x16xi32> to vector<16xi32>
    %swap3A_121 = vector.shape_cast %mul3A_115 : vector<16xi32> to vector<1x16xi32>
    tpu.vector_store %arg6[%swap3A_117, %swap3A_118], %swap3A_121 {strides = array<i32>} : memref<125x80xi32, #tpu.memory_space<vmem>>, vector<1x16xi32>,
    %get3A_122 = arith.constant 1 : i32
    %get3A_123 = arith.index_cast %get3A_122 : i32 to index
    %get3A_124 = arith.constant 16 : index
    %get3A_125 = tpu.vector_load %arg6[%get3A_123, %get3A_124] {strides = array<i32>} : memref<125x80xi32, #tpu.memory_space<vmem>>, vector<1x16xi32>,
    %get3A_126 = vector.shape_cast %get3A_125 : vector<1x16xi32> to vector<16xi32>
    %mul3A_127 = arith.constant 2 : i32
    %mul3A_128 = vector.broadcast %mul3A_127 : i32 to vector<16xi32>
    %mul3A_129 = arith.muli %get3A_126, %mul3A_128 : vector<16xi32>
    %swap3A_130 = arith.constant 1 : i32
    %swap3A_131 = arith.index_cast %swap3A_130 : i32 to index
    %swap3A_132 = arith.constant 16 : index
    %swap3A_133 = tpu.vector_load %arg6[%swap3A_131, %swap3A_132] {strides = array<i32>} : memref<125x80xi32, #tpu.memory_space<vmem>>, vector<1x16xi32>,
    %swap3A_134 = vector.shape_cast %swap3A_133 : vector<1x16xi32> to vector<16xi32>
    %swap3A_135 = vector.shape_cast %mul3A_129 : vector<16xi32> to vector<1x16xi32>
    tpu.vector_store %arg6[%swap3A_131, %swap3A_132], %swap3A_135 {strides = array<i32>} : memref<125x80xi32, #tpu.memory_space<vmem>>, vector<1x16xi32>,
    %get3A_136 = arith.constant 1 : i32
    %get3A_137 = arith.index_cast %get3A_136 : i32 to index
    %get3A_138 = arith.constant 32 : index
    %get3A_139 = tpu.vector_load %arg6[%get3A_137, %get3A_138] {strides = array<i32>} : memref<125x80xi32, #tpu.memory_space<vmem>>, vector<1x16xi32>,
    %get3A_140 = vector.shape_cast %get3A_139 : vector<1x16xi32> to vector<16xi32>
    %mul3A_141 = arith.constant 2 : i32
    %mul3A_142 = vector.broadcast %mul3A_141 : i32 to vector<16xi32>
    %mul3A_143 = arith.muli %get3A_140, %mul3A_142 : vector<16xi32>
    %swap3A_144 = arith.constant 1 : i32
    %swap3A_145 = arith.index_cast %swap3A_144 : i32 to index
    %swap3A_146 = arith.constant 32 : index
    %swap3A_147 = tpu.vector_load %arg6[%swap3A_145, %swap3A_146] {strides = array<i32>} : memref<125x80xi32, #tpu.memory_space<vmem>>, vector<1x16xi32>,
    %swap3A_148 = vector.shape_cast %swap3A_147 : vector<1x16xi32> to vector<16xi32>
    %swap3A_149 = vector.shape_cast %mul3A_143 : vector<16xi32> to vector<1x16xi32>
    tpu.vector_store %arg6[%swap3A_145, %swap3A_146], %swap3A_149 {strides = array<i32>} : memref<125x80xi32, #tpu.memory_space<vmem>>, vector<1x16xi32>,
    %get3A_150 = arith.constant 1 : i32
    %get3A_151 = arith.index_cast %get3A_150 : i32 to index
    %get3A_152 = arith.constant 48 : index
    %get3A_153 = tpu.vector_load %arg6[%get3A_151, %get3A_152] {strides = array<i32>} : memref<125x80xi32, #tpu.memory_space<vmem>>, vector<1x16xi32>,
    %get3A_154 = vector.shape_cast %get3A_153 : vector<1x16xi32> to vector<16xi32>
    %mul3A_155 = arith.constant 2 : i32
    %mul3A_156 = vector.broadcast %mul3A_155 : i32 to vector<16xi32>
    %mul3A_157 = arith.muli %get3A_154, %mul3A_156 : vector<16xi32>
    %swap3A_158 = arith.constant 1 : i32
    %swap3A_159 = arith.index_cast %swap3A_158 : i32 to index
    %swap3A_160 = arith.constant 48 : index
    %swap3A_161 = tpu.vector_load %arg6[%swap3A_159, %swap3A_160] {strides = array<i32>} : memref<125x80xi32, #tpu.memory_space<vmem>>, vector<1x16xi32>,
    %swap3A_162 = vector.shape_cast %swap3A_161 : vector<1x16xi32> to vector<16xi32>
    %swap3A_163 = vector.shape_cast %mul3A_157 : vector<16xi32> to vector<1x16xi32>
    tpu.vector_store %arg6[%swap3A_159, %swap3A_160], %swap3A_163 {strides = array<i32>} : memref<125x80xi32, #tpu.memory_space<vmem>>, vector<1x16xi32>,
    %get3A_164 = arith.constant 1 : i32
    %get3A_165 = arith.index_cast %get3A_164 : i32 to index
    %get3A_166 = arith.constant 64 : index
    %get3A_167 = tpu.vector_load %arg6[%get3A_165, %get3A_166] {strides = array<i32>} : memref<125x80xi32, #tpu.memory_space<vmem>>, vector<1x16xi32>,
    %get3A_168 = vector.shape_cast %get3A_167 : vector<1x16xi32> to vector<16xi32>
    %mul3A_169 = arith.constant 2 : i32
    %mul3A_170 = vector.broadcast %mul3A_169 : i32 to vector<16xi32>
    %mul3A_171 = arith.muli %get3A_168, %mul3A_170 : vector<16xi32>
    %swap3A_172 = arith.constant 1 : i32
    %swap3A_173 = arith.index_cast %swap3A_172 : i32 to index
    %swap3A_174 = arith.constant 64 : index
    %swap3A_175 = tpu.vector_load %arg6[%swap3A_173, %swap3A_174] {strides = array<i32>} : memref<125x80xi32, #tpu.memory_space<vmem>>, vector<1x16xi32>,
    %swap3A_176 = vector.shape_cast %swap3A_175 : vector<1x16xi32> to vector<16xi32>
    %swap3A_177 = vector.shape_cast %mul3A_171 : vector<16xi32> to vector<1x16xi32>
    tpu.vector_store %arg6[%swap3A_173, %swap3A_174], %swap3A_177 {strides = array<i32>} : memref<125x80xi32, #tpu.memory_space<vmem>>, vector<1x16xi32>,
    %dma_start3A_178 = arith.constant 1 : i32
    %dma_start3A_179 = arith.constant 1 : i32
    %dma_start3A_180 = arith.constant 0 : i32
    %dma_start3A_181 = arith.constant 0 : i32
    %dma_start3A_182 = tpu.memref_slice %arg8[%dma_start3A_179, %dma_start3A_180, %dma_start3A_181] : memref<5x80x64xf32, #tpu.memory_space<vmem>> -> memref<1x80x64xf32, #tpu.memory_space<vmem>>
    %dma_start3A_183 = tpu.memref_squeeze %dma_start3A_182 : memref<1x80x64xf32, #tpu.memory_space<vmem>> -> memref<80x64xf32, #tpu.memory_space<vmem>>
    %dma_start3A_184 = arith.constant 0 : i32
    %dma_start3A_185 = tpu.memref_slice %arg6[%dma_start3A_178, %dma_start3A_184] : memref<125x80xi32, #tpu.memory_space<vmem>> -> memref<1x80xi32, #tpu.memory_space<vmem>>
    %dma_start3A_186 = tpu.memref_squeeze %dma_start3A_185 : memref<1x80xi32, #tpu.memory_space<vmem>> -> memref<80xi32, #tpu.memory_space<vmem>>
    %dma_start3A_187 = arith.constant 0 : i32
    %dma_start3A_188 = arith.constant 0 : i32
    %dma_start3A_189 = tpu.memref_slice %arg2[%dma_start3A_187, %dma_start3A_188] : memref<20000x64xf32, #tpu.memory_space<hbm>> -> memref<20000x64xf32, #tpu.memory_space<hbm>>
    tpu.enqueue_indirect_dma source(%dma_start3A_189 : memref<20000x64xf32, #tpu.memory_space<hbm>>) target(%dma_start3A_183 : memref<80x64xf32, #tpu.memory_space<vmem>>) offsets(%dma_start3A_186 : memref<80xi32, #tpu.memory_space<vmem>>) semaphore(%arg11 : memref<!tpu.dma_semaphore, #tpu.memory_space<semaphore_mem>>)
    %get3A_190 = arith.constant 2 : i32
    %get3A_191 = arith.index_cast %get3A_190 : i32 to index
    %get3A_192 = arith.constant 0 : index
    %get3A_193 = tpu.vector_load %arg6[%get3A_191, %get3A_192] {strides = array<i32>} : memref<125x80xi32, #tpu.memory_space<vmem>>, vector<1x16xi32>,
    %get3A_194 = vector.shape_cast %get3A_193 : vector<1x16xi32> to vector<16xi32>
    %mul3A_195 = arith.constant 2 : i32
    %mul3A_196 = vector.broadcast %mul3A_195 : i32 to vector<16xi32>
    %mul3A_197 = arith.muli %get3A_194, %mul3A_196 : vector<16xi32>
    %swap3A_198 = arith.constant 2 : i32
    %swap3A_199 = arith.index_cast %swap3A_198 : i32 to index
    %swap3A_200 = arith.constant 0 : index
    %swap3A_201 = tpu.vector_load %arg6[%swap3A_199, %swap3A_200] {strides = array<i32>} : memref<125x80xi32, #tpu.memory_space<vmem>>, vector<1x16xi32>,
    %swap3A_202 = vector.shape_cast %swap3A_201 : vector<1x16xi32> to vector<16xi32>
    %swap3A_203 = vector.shape_cast %mul3A_197 : vector<16xi32> to vector<1x16xi32>
    tpu.vector_store %arg6[%swap3A_199, %swap3A_200], %swap3A_203 {strides = array<i32>} : memref<125x80xi32, #tpu.memory_space<vmem>>, vector<1x16xi32>,
    %get3A_204 = arith.constant 2 : i32
    %get3A_205 = arith.index_cast %get3A_204 : i32 to index
    %get3A_206 = arith.constant 16 : index
    %get3A_207 = tpu.vector_load %arg6[%get3A_205, %get3A_206] {strides = array<i32>} : memref<125x80xi32, #tpu.memory_space<vmem>>, vector<1x16xi32>,
    %get3A_208 = vector.shape_cast %get3A_207 : vector<1x16xi32> to vector<16xi32>
    %mul3A_209 = arith.constant 2 : i32
    %mul3A_210 = vector.broadcast %mul3A_209 : i32 to vector<16xi32>
    %mul3A_211 = arith.muli %get3A_208, %mul3A_210 : vector<16xi32>
    %swap3A_212 = arith.constant 2 : i32
    %swap3A_213 = arith.index_cast %swap3A_212 : i32 to index
    %swap3A_214 = arith.constant 16 : index
    %swap3A_215 = tpu.vector_load %arg6[%swap3A_213, %swap3A_214] {strides = array<i32>} : memref<125x80xi32, #tpu.memory_space<vmem>>, vector<1x16xi32>,
    %swap3A_216 = vector.shape_cast %swap3A_215 : vector<1x16xi32> to vector<16xi32>
    %swap3A_217 = vector.shape_cast %mul3A_211 : vector<16xi32> to vector<1x16xi32>
    tpu.vector_store %arg6[%swap3A_213, %swap3A_214], %swap3A_217 {strides = array<i32>} : memref<125x80xi32, #tpu.memory_space<vmem>>, vector<1x16xi32>,
    %get3A_218 = arith.constant 2 : i32
    %get3A_219 = arith.index_cast %get3A_218 : i32 to index
    %get3A_220 = arith.constant 32 : index
    %get3A_221 = tpu.vector_load %arg6[%get3A_219, %get3A_220] {strides = array<i32>} : memref<125x80xi32, #tpu.memory_space<vmem>>, vector<1x16xi32>,
    %get3A_222 = vector.shape_cast %get3A_221 : vector<1x16xi32> to vector<16xi32>
    %mul3A_223 = arith.constant 2 : i32
    %mul3A_224 = vector.broadcast %mul3A_223 : i32 to vector<16xi32>
    %mul3A_225 = arith.muli %get3A_222, %mul3A_224 : vector<16xi32>
    %swap3A_226 = arith.constant 2 : i32
    %swap3A_227 = arith.index_cast %swap3A_226 : i32 to index
    %swap3A_228 = arith.constant 32 : index
    %swap3A_229 = tpu.vector_load %arg6[%swap3A_227, %swap3A_228] {strides = array<i32>} : memref<125x80xi32, #tpu.memory_space<vmem>>, vector<1x16xi32>,
    %swap3A_230 = vector.shape_cast %swap3A_229 : vector<1x16xi32> to vector<16xi32>
    %swap3A_231 = vector.shape_cast %mul3A_225 : vector<16xi32> to vector<1x16xi32>
    tpu.vector_store %arg6[%swap3A_227, %swap3A_228], %swap3A_231 {strides = array<i32>} : memref<125x80xi32, #tpu.memory_space<vmem>>, vector<1x16xi32>,
    %get3A_232 = arith.constant 2 : i32
    %get3A_233 = arith.index_cast %get3A_232 : i32 to index
    %get3A_234 = arith.constant 48 : index
    %get3A_235 = tpu.vector_load %arg6[%get3A_233, %get3A_234] {strides = array<i32>} : memref<125x80xi32, #tpu.memory_space<vmem>>, vector<1x16xi32>,
    %get3A_236 = vector.shape_cast %get3A_235 : vector<1x16xi32> to vector<16xi32>
    %mul3A_237 = arith.constant 2 : i32
    %mul3A_238 = vector.broadcast %mul3A_237 : i32 to vector<16xi32>
    %mul3A_239 = arith.muli %get3A_236, %mul3A_238 : vector<16xi32>
    %swap3A_240 = arith.constant 2 : i32
    %swap3A_241 = arith.index_cast %swap3A_240 : i32 to index
    %swap3A_242 = arith.constant 48 : index
    %swap3A_243 = tpu.vector_load %arg6[%swap3A_241, %swap3A_242] {strides = array<i32>} : memref<125x80xi32, #tpu.memory_space<vmem>>, vector<1x16xi32>,
    %swap3A_244 = vector.shape_cast %swap3A_243 : vector<1x16xi32> to vector<16xi32>
    %swap3A_245 = vector.shape_cast %mul3A_239 : vector<16xi32> to vector<1x16xi32>
    tpu.vector_store %arg6[%swap3A_241, %swap3A_242], %swap3A_245 {strides = array<i32>} : memref<125x80xi32, #tpu.memory_space<vmem>>, vector<1x16xi32>,
    %get3A_246 = arith.constant 2 : i32
    %get3A_247 = arith.index_cast %get3A_246 : i32 to index
    %get3A_248 = arith.constant 64 : index
    %get3A_249 = tpu.vector_load %arg6[%get3A_247, %get3A_248] {strides = array<i32>} : memref<125x80xi32, #tpu.memory_space<vmem>>, vector<1x16xi32>,
    %get3A_250 = vector.shape_cast %get3A_249 : vector<1x16xi32> to vector<16xi32>
    %mul3A_251 = arith.constant 2 : i32
    %mul3A_252 = vector.broadcast %mul3A_251 : i32 to vector<16xi32>
    %mul3A_253 = arith.muli %get3A_250, %mul3A_252 : vector<16xi32>
    %swap3A_254 = arith.constant 2 : i32
    %swap3A_255 = arith.index_cast %swap3A_254 : i32 to index
    %swap3A_256 = arith.constant 64 : index
    %swap3A_257 = tpu.vector_load %arg6[%swap3A_255, %swap3A_256] {strides = array<i32>} : memref<125x80xi32, #tpu.memory_space<vmem>>, vector<1x16xi32>,
    %swap3A_258 = vector.shape_cast %swap3A_257 : vector<1x16xi32> to vector<16xi32>
    %swap3A_259 = vector.shape_cast %mul3A_253 : vector<16xi32> to vector<1x16xi32>
    tpu.vector_store %arg6[%swap3A_255, %swap3A_256], %swap3A_259 {strides = array<i32>} : memref<125x80xi32, #tpu.memory_space<vmem>>, vector<1x16xi32>,
    %dma_start3A_260 = arith.constant 2 : i32
    %dma_start3A_261 = arith.constant 2 : i32
    %dma_start3A_262 = arith.constant 0 : i32
    %dma_start3A_263 = arith.constant 0 : i32
    %dma_start3A_264 = tpu.memref_slice %arg8[%dma_start3A_261, %dma_start3A_262, %dma_start3A_263] : memref<5x80x64xf32, #tpu.memory_space<vmem>> -> memref<1x80x64xf32, #tpu.memory_space<vmem>>
    %dma_start3A_265 = tpu.memref_squeeze %dma_start3A_264 : memref<1x80x64xf32, #tpu.memory_space<vmem>> -> memref<80x64xf32, #tpu.memory_space<vmem>>
    %dma_start3A_266 = arith.constant 0 : i32
    %dma_start3A_267 = tpu.memref_slice %arg6[%dma_start3A_260, %dma_start3A_266] : memref<125x80xi32, #tpu.memory_space<vmem>> -> memref<1x80xi32, #tpu.memory_space<vmem>>
    %dma_start3A_268 = tpu.memref_squeeze %dma_start3A_267 : memref<1x80xi32, #tpu.memory_space<vmem>> -> memref<80xi32, #tpu.memory_space<vmem>>
    %dma_start3A_269 = arith.constant 0 : i32
    %dma_start3A_270 = arith.constant 0 : i32
    %dma_start3A_271 = tpu.memref_slice %arg2[%dma_start3A_269, %dma_start3A_270] : memref<20000x64xf32, #tpu.memory_space<hbm>> -> memref<20000x64xf32, #tpu.memory_space<hbm>>
    tpu.enqueue_indirect_dma source(%dma_start3A_271 : memref<20000x64xf32, #tpu.memory_space<hbm>>) target(%dma_start3A_265 : memref<80x64xf32, #tpu.memory_space<vmem>>) offsets(%dma_start3A_268 : memref<80xi32, #tpu.memory_space<vmem>>) semaphore(%arg11 : memref<!tpu.dma_semaphore, #tpu.memory_space<semaphore_mem>>)
    %scan3A_272 = arith.constant 0 : i32
    %scan3A_273 = arith.constant 0 : i32
    %scan3A_274 = arith.constant 25 : i32
    %scan3A_275 = arith.addi %scan3A_273, %scan3A_274 : i32
    %scan3A_276 = arith.constant 1 : i32
    %scan3A_277 = scf.for %scan3A_305 = %scan3A_273 to %scan3A_275 step %scan3A_276 iter_args(%scan3A_306 = %scan3A_272) -> (i32)  : i32 {
      %mul3A_307 = arith.constant 5 : i32
      %mul3A_308 = arith.muli %scan3A_305, %mul3A_307 : i32
      %add3A_309 = arith.constant 0 : i32
      %add3A_310 = arith.addi %mul3A_308, %add3A_309 : i32
      %dma_wait3A_311 = arith.constant 0 : i32
      %dma_wait3A_312 = arith.constant 0 : i32
      %dma_wait3A_313 = arith.constant 0 : i32
      %dma_wait3A_314 = arith.constant 0 : i32
      %dma_wait3A_315 = tpu.memref_slice %arg8[%dma_wait3A_312, %dma_wait3A_313, %dma_wait3A_314] : memref<5x80x64xf32, #tpu.memory_space<vmem>> -> memref<1x80x64xf32, #tpu.memory_space<vmem>>
      %dma_wait3A_316 = tpu.memref_squeeze %dma_wait3A_315 : memref<1x80x64xf32, #tpu.memory_space<vmem>> -> memref<80x64xf32, #tpu.memory_space<vmem>>
      %dma_wait3A_317 = arith.constant 0 : i32
      %dma_wait3A_318 = tpu.memref_slice %arg6[%dma_wait3A_311, %dma_wait3A_317] : memref<125x80xi32, #tpu.memory_space<vmem>> -> memref<1x80xi32, #tpu.memory_space<vmem>>
      %dma_wait3A_319 = tpu.memref_squeeze %dma_wait3A_318 : memref<1x80xi32, #tpu.memory_space<vmem>> -> memref<80xi32, #tpu.memory_space<vmem>>
      %dma_wait3A_320 = arith.constant 0 : i32
      %dma_wait3A_321 = arith.constant 0 : i32
      %dma_wait3A_322 = tpu.memref_slice %arg2[%dma_wait3A_320, %dma_wait3A_321] : memref<20000x64xf32, #tpu.memory_space<hbm>> -> memref<20000x64xf32, #tpu.memory_space<hbm>>
      tpu.wait_indirect_dma semaphore(%arg11 : memref<!tpu.dma_semaphore, #tpu.memory_space<semaphore_mem>>) src(%dma_wait3A_322 : memref<20000x64xf32, #tpu.memory_space<hbm>>) dst(%dma_wait3A_316 : memref<80x64xf32, #tpu.memory_space<vmem>>)
      %dma_start3A_323 = arith.constant 0 : i32
      %dma_start3A_324 = arith.constant 0 : i32
      %dma_start3A_325 = arith.constant 0 : i32
      %dma_start3A_326 = tpu.memref_slice %arg8[%dma_start3A_323, %dma_start3A_324, %dma_start3A_325] : memref<5x80x64xf32, #tpu.memory_space<vmem>> -> memref<1x80x64xf32, #tpu.memory_space<vmem>>
      %dma_start3A_327 = tpu.memref_squeeze %dma_start3A_326 : memref<1x80x64xf32, #tpu.memory_space<vmem>> -> memref<80x64xf32, #tpu.memory_space<vmem>>
      %dma_start3A_328 = arith.constant 0 : i32
      %dma_start3A_329 = tpu.memref_slice %arg7[%add3A_310, %dma_start3A_328] : memref<125x80xi32, #tpu.memory_space<vmem>> -> memref<1x80xi32, #tpu.memory_space<vmem>>
      %dma_start3A_330 = tpu.memref_squeeze %dma_start3A_329 : memref<1x80xi32, #tpu.memory_space<vmem>> -> memref<80xi32, #tpu.memory_space<vmem>>
      %dma_start3A_331 = arith.constant 0 : i32
      %dma_start3A_332 = arith.constant 0 : i32
      %dma_start3A_333 = tpu.memref_slice %arg10[%dma_start3A_331, %dma_start3A_332] : memref<10240x64xf32, #tpu.memory_space<vmem_shared>> -> memref<10240x64xf32, #tpu.memory_space<vmem_shared>>
      tpu.enqueue_indirect_dma source(%dma_start3A_327 : memref<80x64xf32, #tpu.memory_space<vmem>>) target(%dma_start3A_333 : memref<10240x64xf32, #tpu.memory_space<vmem_shared>>) offsets(%dma_start3A_330 : memref<80xi32, #tpu.memory_space<vmem>>) semaphore(%arg12 : memref<!tpu.dma_semaphore, #tpu.memory_space<semaphore_mem>>) {add = true}
      %ge3A = arith.constant 2 : i32
      %ge3A_334 = arith.cmpi sge, %add3A_310, %ge3A : i32
      %convert_element_type3A = arith.extui %ge3A_334 : i1 to i32
      %cond3A = arith.constant 0 : i32
      %cond3A_335 = arith.cmpi ne, %convert_element_type3A, %cond3A : i32
      scf.if %cond3A_335 {
        %dma_wait3A_499 = arith.constant 0 : i32
        %dma_wait3A_500 = arith.constant 0 : i32
        %dma_wait3A_501 = arith.constant 0 : i32
        %dma_wait3A_502 = arith.constant 0 : i32
        %dma_wait3A_503 = tpu.memref_slice %arg8[%dma_wait3A_499, %dma_wait3A_501, %dma_wait3A_502] : memref<5x80x64xf32, #tpu.memory_space<vmem>> -> memref<1x80x64xf32, #tpu.memory_space<vmem>>
        %dma_wait3A_504 = tpu.memref_squeeze %dma_wait3A_503 : memref<1x80x64xf32, #tpu.memory_space<vmem>> -> memref<80x64xf32, #tpu.memory_space<vmem>>
        %dma_wait3A_505 = arith.constant 0 : i32
        %dma_wait3A_506 = tpu.memref_slice %arg7[%dma_wait3A_500, %dma_wait3A_505] : memref<125x80xi32, #tpu.memory_space<vmem>> -> memref<1x80xi32, #tpu.memory_space<vmem>>
        %dma_wait3A_507 = tpu.memref_squeeze %dma_wait3A_506 : memref<1x80xi32, #tpu.memory_space<vmem>> -> memref<80xi32, #tpu.memory_space<vmem>>
        %dma_wait3A_508 = arith.constant 0 : i32
        %dma_wait3A_509 = arith.constant 0 : i32
        %dma_wait3A_510 = tpu.memref_slice %arg10[%dma_wait3A_508, %dma_wait3A_509] : memref<10240x64xf32, #tpu.memory_space<vmem_shared>> -> memref<10240x64xf32, #tpu.memory_space<vmem_shared>>
        tpu.wait_indirect_dma semaphore(%arg12 : memref<!tpu.dma_semaphore, #tpu.memory_space<semaphore_mem>>) src(%dma_wait3A_504 : memref<80x64xf32, #tpu.memory_space<vmem>>) dst(%dma_wait3A_510 : memref<10240x64xf32, #tpu.memory_space<vmem_shared>>)
      } else {
      }
      %add3A_336 = arith.constant 3 : i32
      %add3A_337 = arith.addi %add3A_310, %add3A_336 : i32
      %lt3A = arith.constant 125 : i32
      %lt3A_338 = arith.cmpi slt, %add3A_337, %lt3A : i32
      %convert_element_type3A_339 = arith.extui %lt3A_338 : i1 to i32
      %cond3A_340 = arith.constant 0 : i32
      %cond3A_341 = arith.cmpi ne, %convert_element_type3A_339, %cond3A_340 : i32
      scf.if %cond3A_341 {
        %add3A_499 = arith.constant 3 : i32
        %add3A_500 = arith.addi %add3A_310, %add3A_499 : i32
        %get3A_501 = arith.index_cast %add3A_500 : i32 to index
        %get3A_502 = arith.constant 0 : index
        %get3A_503 = tpu.vector_load %arg6[%get3A_501, %get3A_502] {strides = array<i32>} : memref<125x80xi32, #tpu.memory_space<vmem>>, vector<1x16xi32>,
        %get3A_504 = vector.shape_cast %get3A_503 : vector<1x16xi32> to vector<16xi32>
        %mul3A_505 = arith.constant 2 : i32
        %mul3A_506 = vector.broadcast %mul3A_505 : i32 to vector<16xi32>
        %mul3A_507 = arith.muli %get3A_504, %mul3A_506 : vector<16xi32>
        %swap3A_508 = arith.index_cast %add3A_500 : i32 to index
        %swap3A_509 = arith.constant 0 : index
        %swap3A_510 = tpu.vector_load %arg6[%swap3A_508, %swap3A_509] {strides = array<i32>} : memref<125x80xi32, #tpu.memory_space<vmem>>, vector<1x16xi32>,
        %swap3A_511 = vector.shape_cast %swap3A_510 : vector<1x16xi32> to vector<16xi32>
        %swap3A_512 = vector.shape_cast %mul3A_507 : vector<16xi32> to vector<1x16xi32>
        tpu.vector_store %arg6[%swap3A_508, %swap3A_509], %swap3A_512 {strides = array<i32>} : memref<125x80xi32, #tpu.memory_space<vmem>>, vector<1x16xi32>,
        %get3A_513 = arith.index_cast %add3A_500 : i32 to index
        %get3A_514 = arith.constant 16 : index
        %get3A_515 = tpu.vector_load %arg6[%get3A_513, %get3A_514] {strides = array<i32>} : memref<125x80xi32, #tpu.memory_space<vmem>>, vector<1x16xi32>,
        %get3A_516 = vector.shape_cast %get3A_515 : vector<1x16xi32> to vector<16xi32>
        %mul3A_517 = arith.constant 2 : i32
        %mul3A_518 = vector.broadcast %mul3A_517 : i32 to vector<16xi32>
        %mul3A_519 = arith.muli %get3A_516, %mul3A_518 : vector<16xi32>
        %swap3A_520 = arith.index_cast %add3A_500 : i32 to index
        %swap3A_521 = arith.constant 16 : index
        %swap3A_522 = tpu.vector_load %arg6[%swap3A_520, %swap3A_521] {strides = array<i32>} : memref<125x80xi32, #tpu.memory_space<vmem>>, vector<1x16xi32>,
        %swap3A_523 = vector.shape_cast %swap3A_522 : vector<1x16xi32> to vector<16xi32>
        %swap3A_524 = vector.shape_cast %mul3A_519 : vector<16xi32> to vector<1x16xi32>
        tpu.vector_store %arg6[%swap3A_520, %swap3A_521], %swap3A_524 {strides = array<i32>} : memref<125x80xi32, #tpu.memory_space<vmem>>, vector<1x16xi32>,
        %get3A_525 = arith.index_cast %add3A_500 : i32 to index
        %get3A_526 = arith.constant 32 : index
        %get3A_527 = tpu.vector_load %arg6[%get3A_525, %get3A_526] {strides = array<i32>} : memref<125x80xi32, #tpu.memory_space<vmem>>, vector<1x16xi32>,
        %get3A_528 = vector.shape_cast %get3A_527 : vector<1x16xi32> to vector<16xi32>
        %mul3A_529 = arith.constant 2 : i32
        %mul3A_530 = vector.broadcast %mul3A_529 : i32 to vector<16xi32>
        %mul3A_531 = arith.muli %get3A_528, %mul3A_530 : vector<16xi32>
        %swap3A_532 = arith.index_cast %add3A_500 : i32 to index
        %swap3A_533 = arith.constant 32 : index
        %swap3A_534 = tpu.vector_load %arg6[%swap3A_532, %swap3A_533] {strides = array<i32>} : memref<125x80xi32, #tpu.memory_space<vmem>>, vector<1x16xi32>,
        %swap3A_535 = vector.shape_cast %swap3A_534 : vector<1x16xi32> to vector<16xi32>
        %swap3A_536 = vector.shape_cast %mul3A_531 : vector<16xi32> to vector<1x16xi32>
        tpu.vector_store %arg6[%swap3A_532, %swap3A_533], %swap3A_536 {strides = array<i32>} : memref<125x80xi32, #tpu.memory_space<vmem>>, vector<1x16xi32>,
        %get3A_537 = arith.index_cast %add3A_500 : i32 to index
        %get3A_538 = arith.constant 48 : index
        %get3A_539 = tpu.vector_load %arg6[%get3A_537, %get3A_538] {strides = array<i32>} : memref<125x80xi32, #tpu.memory_space<vmem>>, vector<1x16xi32>,
        %get3A_540 = vector.shape_cast %get3A_539 : vector<1x16xi32> to vector<16xi32>
        %mul3A_541 = arith.constant 2 : i32
        %mul3A_542 = vector.broadcast %mul3A_541 : i32 to vector<16xi32>
        %mul3A_543 = arith.muli %get3A_540, %mul3A_542 : vector<16xi32>
        %swap3A_544 = arith.index_cast %add3A_500 : i32 to index
        %swap3A_545 = arith.constant 48 : index
        %swap3A_546 = tpu.vector_load %arg6[%swap3A_544, %swap3A_545] {strides = array<i32>} : memref<125x80xi32, #tpu.memory_space<vmem>>, vector<1x16xi32>,
        %swap3A_547 = vector.shape_cast %swap3A_546 : vector<1x16xi32> to vector<16xi32>
        %swap3A_548 = vector.shape_cast %mul3A_543 : vector<16xi32> to vector<1x16xi32>
        tpu.vector_store %arg6[%swap3A_544, %swap3A_545], %swap3A_548 {strides = array<i32>} : memref<125x80xi32, #tpu.memory_space<vmem>>, vector<1x16xi32>,
        %get3A_549 = arith.index_cast %add3A_500 : i32 to index
        %get3A_550 = arith.constant 64 : index
        %get3A_551 = tpu.vector_load %arg6[%get3A_549, %get3A_550] {strides = array<i32>} : memref<125x80xi32, #tpu.memory_space<vmem>>, vector<1x16xi32>,
        %get3A_552 = vector.shape_cast %get3A_551 : vector<1x16xi32> to vector<16xi32>
        %mul3A_553 = arith.constant 2 : i32
        %mul3A_554 = vector.broadcast %mul3A_553 : i32 to vector<16xi32>
        %mul3A_555 = arith.muli %get3A_552, %mul3A_554 : vector<16xi32>
        %swap3A_556 = arith.index_cast %add3A_500 : i32 to index
        %swap3A_557 = arith.constant 64 : index
        %swap3A_558 = tpu.vector_load %arg6[%swap3A_556, %swap3A_557] {strides = array<i32>} : memref<125x80xi32, #tpu.memory_space<vmem>>, vector<1x16xi32>,
        %swap3A_559 = vector.shape_cast %swap3A_558 : vector<1x16xi32> to vector<16xi32>
        %swap3A_560 = vector.shape_cast %mul3A_555 : vector<16xi32> to vector<1x16xi32>
        tpu.vector_store %arg6[%swap3A_556, %swap3A_557], %swap3A_560 {strides = array<i32>} : memref<125x80xi32, #tpu.memory_space<vmem>>, vector<1x16xi32>,
        %dma_start3A_561 = arith.constant 3 : i32
        %dma_start3A_562 = arith.constant 0 : i32
        %dma_start3A_563 = arith.constant 0 : i32
        %dma_start3A_564 = tpu.memref_slice %arg8[%dma_start3A_561, %dma_start3A_562, %dma_start3A_563] : memref<5x80x64xf32, #tpu.memory_space<vmem>> -> memref<1x80x64xf32, #tpu.memory_space<vmem>>
        %dma_start3A_565 = tpu.memref_squeeze %dma_start3A_564 : memref<1x80x64xf32, #tpu.memory_space<vmem>> -> memref<80x64xf32, #tpu.memory_space<vmem>>
        %dma_start3A_566 = arith.constant 0 : i32
        %dma_start3A_567 = tpu.memref_slice %arg6[%add3A_500, %dma_start3A_566] : memref<125x80xi32, #tpu.memory_space<vmem>> -> memref<1x80xi32, #tpu.memory_space<vmem>>
        %dma_start3A_568 = tpu.memref_squeeze %dma_start3A_567 : memref<1x80xi32, #tpu.memory_space<vmem>> -> memref<80xi32, #tpu.memory_space<vmem>>
        %dma_start3A_569 = arith.constant 0 : i32
        %dma_start3A_570 = arith.constant 0 : i32
        %dma_start3A_571 = tpu.memref_slice %arg2[%dma_start3A_569, %dma_start3A_570] : memref<20000x64xf32, #tpu.memory_space<hbm>> -> memref<20000x64xf32, #tpu.memory_space<hbm>>
        tpu.enqueue_indirect_dma source(%dma_start3A_571 : memref<20000x64xf32, #tpu.memory_space<hbm>>) target(%dma_start3A_565 : memref<80x64xf32, #tpu.memory_space<vmem>>) offsets(%dma_start3A_568 : memref<80xi32, #tpu.memory_space<vmem>>) semaphore(%arg11 : memref<!tpu.dma_semaphore, #tpu.memory_space<semaphore_mem>>)
      } else {
      }
      %mul3A_342 = arith.constant 5 : i32
      %mul3A_343 = arith.muli %scan3A_305, %mul3A_342 : i32
      %add3A_344 = arith.constant 1 : i32
      %add3A_345 = arith.addi %mul3A_343, %add3A_344 : i32
      %dma_wait3A_346 = arith.constant 0 : i32
      %dma_wait3A_347 = arith.constant 1 : i32
      %dma_wait3A_348 = arith.constant 0 : i32
      %dma_wait3A_349 = arith.constant 0 : i32
      %dma_wait3A_350 = tpu.memref_slice %arg8[%dma_wait3A_347, %dma_wait3A_348, %dma_wait3A_349] : memref<5x80x64xf32, #tpu.memory_space<vmem>> -> memref<1x80x64xf32, #tpu.memory_space<vmem>>
      %dma_wait3A_351 = tpu.memref_squeeze %dma_wait3A_350 : memref<1x80x64xf32, #tpu.memory_space<vmem>> -> memref<80x64xf32, #tpu.memory_space<vmem>>
      %dma_wait3A_352 = arith.constant 0 : i32
      %dma_wait3A_353 = tpu.memref_slice %arg6[%dma_wait3A_346, %dma_wait3A_352] : memref<125x80xi32, #tpu.memory_space<vmem>> -> memref<1x80xi32, #tpu.memory_space<vmem>>
      %dma_wait3A_354 = tpu.memref_squeeze %dma_wait3A_353 : memref<1x80xi32, #tpu.memory_space<vmem>> -> memref<80xi32, #tpu.memory_space<vmem>>
      %dma_wait3A_355 = arith.constant 0 : i32
      %dma_wait3A_356 = arith.constant 0 : i32
      %dma_wait3A_357 = tpu.memref_slice %arg2[%dma_wait3A_355, %dma_wait3A_356] : memref<20000x64xf32, #tpu.memory_space<hbm>> -> memref<20000x64xf32, #tpu.memory_space<hbm>>
      tpu.wait_indirect_dma semaphore(%arg11 : memref<!tpu.dma_semaphore, #tpu.memory_space<semaphore_mem>>) src(%dma_wait3A_357 : memref<20000x64xf32, #tpu.memory_space<hbm>>) dst(%dma_wait3A_351 : memref<80x64xf32, #tpu.memory_space<vmem>>)
      %dma_start3A_358 = arith.constant 1 : i32
      %dma_start3A_359 = arith.constant 0 : i32
      %dma_start3A_360 = arith.constant 0 : i32
      %dma_start3A_361 = tpu.memref_slice %arg8[%dma_start3A_358, %dma_start3A_359, %dma_start3A_360] : memref<5x80x64xf32, #tpu.memory_space<vmem>> -> memref<1x80x64xf32, #tpu.memory_space<vmem>>
      %dma_start3A_362 = tpu.memref_squeeze %dma_start3A_361 : memref<1x80x64xf32, #tpu.memory_space<vmem>> -> memref<80x64xf32, #tpu.memory_space<vmem>>
      %dma_start3A_363 = arith.constant 0 : i32
      %dma_start3A_364 = tpu.memref_slice %arg7[%add3A_345, %dma_start3A_363] : memref<125x80xi32, #tpu.memory_space<vmem>> -> memref<1x80xi32, #tpu.memory_space<vmem>>
      %dma_start3A_365 = tpu.memref_squeeze %dma_start3A_364 : memref<1x80xi32, #tpu.memory_space<vmem>> -> memref<80xi32, #tpu.memory_space<vmem>>
      %dma_start3A_366 = arith.constant 0 : i32
      %dma_start3A_367 = arith.constant 0 : i32
      %dma_start3A_368 = tpu.memref_slice %arg10[%dma_start3A_366, %dma_start3A_367] : memref<10240x64xf32, #tpu.memory_space<vmem_shared>> -> memref<10240x64xf32, #tpu.memory_space<vmem_shared>>
      tpu.enqueue_indirect_dma source(%dma_start3A_362 : memref<80x64xf32, #tpu.memory_space<vmem>>) target(%dma_start3A_368 : memref<10240x64xf32, #tpu.memory_space<vmem_shared>>) offsets(%dma_start3A_365 : memref<80xi32, #tpu.memory_space<vmem>>) semaphore(%arg12 : memref<!tpu.dma_semaphore, #tpu.memory_space<semaphore_mem>>) {add = true}
      %ge3A_369 = arith.constant 2 : i32
      %ge3A_370 = arith.cmpi sge, %add3A_345, %ge3A_369 : i32
      %convert_element_type3A_371 = arith.extui %ge3A_370 : i1 to i32
      %cond3A_372 = arith.constant 0 : i32
      %cond3A_373 = arith.cmpi ne, %convert_element_type3A_371, %cond3A_372 : i32
      scf.if %cond3A_373 {
        %dma_wait3A_499 = arith.constant 1 : i32
        %dma_wait3A_500 = arith.constant 0 : i32
        %dma_wait3A_501 = arith.constant 0 : i32
        %dma_wait3A_502 = arith.constant 0 : i32
        %dma_wait3A_503 = tpu.memref_slice %arg8[%dma_wait3A_499, %dma_wait3A_501, %dma_wait3A_502] : memref<5x80x64xf32, #tpu.memory_space<vmem>> -> memref<1x80x64xf32, #tpu.memory_space<vmem>>
        %dma_wait3A_504 = tpu.memref_squeeze %dma_wait3A_503 : memref<1x80x64xf32, #tpu.memory_space<vmem>> -> memref<80x64xf32, #tpu.memory_space<vmem>>
        %dma_wait3A_505 = arith.constant 0 : i32
        %dma_wait3A_506 = tpu.memref_slice %arg7[%dma_wait3A_500, %dma_wait3A_505] : memref<125x80xi32, #tpu.memory_space<vmem>> -> memref<1x80xi32, #tpu.memory_space<vmem>>
        %dma_wait3A_507 = tpu.memref_squeeze %dma_wait3A_506 : memref<1x80xi32, #tpu.memory_space<vmem>> -> memref<80xi32, #tpu.memory_space<vmem>>
        %dma_wait3A_508 = arith.constant 0 : i32
        %dma_wait3A_509 = arith.constant 0 : i32
        %dma_wait3A_510 = tpu.memref_slice %arg10[%dma_wait3A_508, %dma_wait3A_509] : memref<10240x64xf32, #tpu.memory_space<vmem_shared>> -> memref<10240x64xf32, #tpu.memory_space<vmem_shared>>
        tpu.wait_indirect_dma semaphore(%arg12 : memref<!tpu.dma_semaphore, #tpu.memory_space<semaphore_mem>>) src(%dma_wait3A_504 : memref<80x64xf32, #tpu.memory_space<vmem>>) dst(%dma_wait3A_510 : memref<10240x64xf32, #tpu.memory_space<vmem_shared>>)
      } else {
      }
      %add3A_374 = arith.constant 3 : i32
      %add3A_375 = arith.addi %add3A_345, %add3A_374 : i32
      %lt3A_376 = arith.constant 125 : i32
      %lt3A_377 = arith.cmpi slt, %add3A_375, %lt3A_376 : i32
      %convert_element_type3A_378 = arith.extui %lt3A_377 : i1 to i32
      %cond3A_379 = arith.constant 0 : i32
      %cond3A_380 = arith.cmpi ne, %convert_element_type3A_378, %cond3A_379 : i32
      scf.if %cond3A_380 {
        %add3A_499 = arith.constant 3 : i32
        %add3A_500 = arith.addi %add3A_345, %add3A_499 : i32
        %get3A_501 = arith.index_cast %add3A_500 : i32 to index
        %get3A_502 = arith.constant 0 : index
        %get3A_503 = tpu.vector_load %arg6[%get3A_501, %get3A_502] {strides = array<i32>} : memref<125x80xi32, #tpu.memory_space<vmem>>, vector<1x16xi32>,
        %get3A_504 = vector.shape_cast %get3A_503 : vector<1x16xi32> to vector<16xi32>
        %mul3A_505 = arith.constant 2 : i32
        %mul3A_506 = vector.broadcast %mul3A_505 : i32 to vector<16xi32>
        %mul3A_507 = arith.muli %get3A_504, %mul3A_506 : vector<16xi32>
        %swap3A_508 = arith.index_cast %add3A_500 : i32 to index
        %swap3A_509 = arith.constant 0 : index
        %swap3A_510 = tpu.vector_load %arg6[%swap3A_508, %swap3A_509] {strides = array<i32>} : memref<125x80xi32, #tpu.memory_space<vmem>>, vector<1x16xi32>,
        %swap3A_511 = vector.shape_cast %swap3A_510 : vector<1x16xi32> to vector<16xi32>
        %swap3A_512 = vector.shape_cast %mul3A_507 : vector<16xi32> to vector<1x16xi32>
        tpu.vector_store %arg6[%swap3A_508, %swap3A_509], %swap3A_512 {strides = array<i32>} : memref<125x80xi32, #tpu.memory_space<vmem>>, vector<1x16xi32>,
        %get3A_513 = arith.index_cast %add3A_500 : i32 to index
        %get3A_514 = arith.constant 16 : index
        %get3A_515 = tpu.vector_load %arg6[%get3A_513, %get3A_514] {strides = array<i32>} : memref<125x80xi32, #tpu.memory_space<vmem>>, vector<1x16xi32>,
        %get3A_516 = vector.shape_cast %get3A_515 : vector<1x16xi32> to vector<16xi32>
        %mul3A_517 = arith.constant 2 : i32
        %mul3A_518 = vector.broadcast %mul3A_517 : i32 to vector<16xi32>
        %mul3A_519 = arith.muli %get3A_516, %mul3A_518 : vector<16xi32>
        %swap3A_520 = arith.index_cast %add3A_500 : i32 to index
        %swap3A_521 = arith.constant 16 : index
        %swap3A_522 = tpu.vector_load %arg6[%swap3A_520, %swap3A_521] {strides = array<i32>} : memref<125x80xi32, #tpu.memory_space<vmem>>, vector<1x16xi32>,
        %swap3A_523 = vector.shape_cast %swap3A_522 : vector<1x16xi32> to vector<16xi32>
        %swap3A_524 = vector.shape_cast %mul3A_519 : vector<16xi32> to vector<1x16xi32>
        tpu.vector_store %arg6[%swap3A_520, %swap3A_521], %swap3A_524 {strides = array<i32>} : memref<125x80xi32, #tpu.memory_space<vmem>>, vector<1x16xi32>,
        %get3A_525 = arith.index_cast %add3A_500 : i32 to index
        %get3A_526 = arith.constant 32 : index
        %get3A_527 = tpu.vector_load %arg6[%get3A_525, %get3A_526] {strides = array<i32>} : memref<125x80xi32, #tpu.memory_space<vmem>>, vector<1x16xi32>,
        %get3A_528 = vector.shape_cast %get3A_527 : vector<1x16xi32> to vector<16xi32>
        %mul3A_529 = arith.constant 2 : i32
        %mul3A_530 = vector.broadcast %mul3A_529 : i32 to vector<16xi32>
        %mul3A_531 = arith.muli %get3A_528, %mul3A_530 : vector<16xi32>
        %swap3A_532 = arith.index_cast %add3A_500 : i32 to index
        %swap3A_533 = arith.constant 32 : index
        %swap3A_534 = tpu.vector_load %arg6[%swap3A_532, %swap3A_533] {strides = array<i32>} : memref<125x80xi32, #tpu.memory_space<vmem>>, vector<1x16xi32>,
        %swap3A_535 = vector.shape_cast %swap3A_534 : vector<1x16xi32> to vector<16xi32>
        %swap3A_536 = vector.shape_cast %mul3A_531 : vector<16xi32> to vector<1x16xi32>
        tpu.vector_store %arg6[%swap3A_532, %swap3A_533], %swap3A_536 {strides = array<i32>} : memref<125x80xi32, #tpu.memory_space<vmem>>, vector<1x16xi32>,
        %get3A_537 = arith.index_cast %add3A_500 : i32 to index
        %get3A_538 = arith.constant 48 : index
        %get3A_539 = tpu.vector_load %arg6[%get3A_537, %get3A_538] {strides = array<i32>} : memref<125x80xi32, #tpu.memory_space<vmem>>, vector<1x16xi32>,
        %get3A_540 = vector.shape_cast %get3A_539 : vector<1x16xi32> to vector<16xi32>
        %mul3A_541 = arith.constant 2 : i32
        %mul3A_542 = vector.broadcast %mul3A_541 : i32 to vector<16xi32>
        %mul3A_543 = arith.muli %get3A_540, %mul3A_542 : vector<16xi32>
        %swap3A_544 = arith.index_cast %add3A_500 : i32 to index
        %swap3A_545 = arith.constant 48 : index
        %swap3A_546 = tpu.vector_load %arg6[%swap3A_544, %swap3A_545] {strides = array<i32>} : memref<125x80xi32, #tpu.memory_space<vmem>>, vector<1x16xi32>,
        %swap3A_547 = vector.shape_cast %swap3A_546 : vector<1x16xi32> to vector<16xi32>
        %swap3A_548 = vector.shape_cast %mul3A_543 : vector<16xi32> to vector<1x16xi32>
        tpu.vector_store %arg6[%swap3A_544, %swap3A_545], %swap3A_548 {strides = array<i32>} : memref<125x80xi32, #tpu.memory_space<vmem>>, vector<1x16xi32>,
        %get3A_549 = arith.index_cast %add3A_500 : i32 to index
        %get3A_550 = arith.constant 64 : index
        %get3A_551 = tpu.vector_load %arg6[%get3A_549, %get3A_550] {strides = array<i32>} : memref<125x80xi32, #tpu.memory_space<vmem>>, vector<1x16xi32>,
        %get3A_552 = vector.shape_cast %get3A_551 : vector<1x16xi32> to vector<16xi32>
        %mul3A_553 = arith.constant 2 : i32
        %mul3A_554 = vector.broadcast %mul3A_553 : i32 to vector<16xi32>
        %mul3A_555 = arith.muli %get3A_552, %mul3A_554 : vector<16xi32>
        %swap3A_556 = arith.index_cast %add3A_500 : i32 to index
        %swap3A_557 = arith.constant 64 : index
        %swap3A_558 = tpu.vector_load %arg6[%swap3A_556, %swap3A_557] {strides = array<i32>} : memref<125x80xi32, #tpu.memory_space<vmem>>, vector<1x16xi32>,
        %swap3A_559 = vector.shape_cast %swap3A_558 : vector<1x16xi32> to vector<16xi32>
        %swap3A_560 = vector.shape_cast %mul3A_555 : vector<16xi32> to vector<1x16xi32>
        tpu.vector_store %arg6[%swap3A_556, %swap3A_557], %swap3A_560 {strides = array<i32>} : memref<125x80xi32, #tpu.memory_space<vmem>>, vector<1x16xi32>,
        %dma_start3A_561 = arith.constant 4 : i32
        %dma_start3A_562 = arith.constant 0 : i32
        %dma_start3A_563 = arith.constant 0 : i32
        %dma_start3A_564 = tpu.memref_slice %arg8[%dma_start3A_561, %dma_start3A_562, %dma_start3A_563] : memref<5x80x64xf32, #tpu.memory_space<vmem>> -> memref<1x80x64xf32, #tpu.memory_space<vmem>>
        %dma_start3A_565 = tpu.memref_squeeze %dma_start3A_564 : memref<1x80x64xf32, #tpu.memory_space<vmem>> -> memref<80x64xf32, #tpu.memory_space<vmem>>
        %dma_start3A_566 = arith.constant 0 : i32
        %dma_start3A_567 = tpu.memref_slice %arg6[%add3A_500, %dma_start3A_566] : memref<125x80xi32, #tpu.memory_space<vmem>> -> memref<1x80xi32, #tpu.memory_space<vmem>>
        %dma_start3A_568 = tpu.memref_squeeze %dma_start3A_567 : memref<1x80xi32, #tpu.memory_space<vmem>> -> memref<80xi32, #tpu.memory_space<vmem>>
        %dma_start3A_569 = arith.constant 0 : i32
        %dma_start3A_570 = arith.constant 0 : i32
        %dma_start3A_571 = tpu.memref_slice %arg2[%dma_start3A_569, %dma_start3A_570] : memref<20000x64xf32, #tpu.memory_space<hbm>> -> memref<20000x64xf32, #tpu.memory_space<hbm>>
        tpu.enqueue_indirect_dma source(%dma_start3A_571 : memref<20000x64xf32, #tpu.memory_space<hbm>>) target(%dma_start3A_565 : memref<80x64xf32, #tpu.memory_space<vmem>>) offsets(%dma_start3A_568 : memref<80xi32, #tpu.memory_space<vmem>>) semaphore(%arg11 : memref<!tpu.dma_semaphore, #tpu.memory_space<semaphore_mem>>)
      } else {
      }
      %mul3A_381 = arith.constant 5 : i32
      %mul3A_382 = arith.muli %scan3A_305, %mul3A_381 : i32
      %add3A_383 = arith.constant 2 : i32
      %add3A_384 = arith.addi %mul3A_382, %add3A_383 : i32
      %dma_wait3A_385 = arith.constant 0 : i32
      %dma_wait3A_386 = arith.constant 2 : i32
      %dma_wait3A_387 = arith.constant 0 : i32
      %dma_wait3A_388 = arith.constant 0 : i32
      %dma_wait3A_389 = tpu.memref_slice %arg8[%dma_wait3A_386, %dma_wait3A_387, %dma_wait3A_388] : memref<5x80x64xf32, #tpu.memory_space<vmem>> -> memref<1x80x64xf32, #tpu.memory_space<vmem>>
      %dma_wait3A_390 = tpu.memref_squeeze %dma_wait3A_389 : memref<1x80x64xf32, #tpu.memory_space<vmem>> -> memref<80x64xf32, #tpu.memory_space<vmem>>
      %dma_wait3A_391 = arith.constant 0 : i32
      %dma_wait3A_392 = tpu.memref_slice %arg6[%dma_wait3A_385, %dma_wait3A_391] : memref<125x80xi32, #tpu.memory_space<vmem>> -> memref<1x80xi32, #tpu.memory_space<vmem>>
      %dma_wait3A_393 = tpu.memref_squeeze %dma_wait3A_392 : memref<1x80xi32, #tpu.memory_space<vmem>> -> memref<80xi32, #tpu.memory_space<vmem>>
      %dma_wait3A_394 = arith.constant 0 : i32
      %dma_wait3A_395 = arith.constant 0 : i32
      %dma_wait3A_396 = tpu.memref_slice %arg2[%dma_wait3A_394, %dma_wait3A_395] : memref<20000x64xf32, #tpu.memory_space<hbm>> -> memref<20000x64xf32, #tpu.memory_space<hbm>>
      tpu.wait_indirect_dma semaphore(%arg11 : memref<!tpu.dma_semaphore, #tpu.memory_space<semaphore_mem>>) src(%dma_wait3A_396 : memref<20000x64xf32, #tpu.memory_space<hbm>>) dst(%dma_wait3A_390 : memref<80x64xf32, #tpu.memory_space<vmem>>)
      %dma_start3A_397 = arith.constant 2 : i32
      %dma_start3A_398 = arith.constant 0 : i32
      %dma_start3A_399 = arith.constant 0 : i32
      %dma_start3A_400 = tpu.memref_slice %arg8[%dma_start3A_397, %dma_start3A_398, %dma_start3A_399] : memref<5x80x64xf32, #tpu.memory_space<vmem>> -> memref<1x80x64xf32, #tpu.memory_space<vmem>>
      %dma_start3A_401 = tpu.memref_squeeze %dma_start3A_400 : memref<1x80x64xf32, #tpu.memory_space<vmem>> -> memref<80x64xf32, #tpu.memory_space<vmem>>
      %dma_start3A_402 = arith.constant 0 : i32
      %dma_start3A_403 = tpu.memref_slice %arg7[%add3A_384, %dma_start3A_402] : memref<125x80xi32, #tpu.memory_space<vmem>> -> memref<1x80xi32, #tpu.memory_space<vmem>>
      %dma_start3A_404 = tpu.memref_squeeze %dma_start3A_403 : memref<1x80xi32, #tpu.memory_space<vmem>> -> memref<80xi32, #tpu.memory_space<vmem>>
      %dma_start3A_405 = arith.constant 0 : i32
      %dma_start3A_406 = arith.constant 0 : i32
      %dma_start3A_407 = tpu.memref_slice %arg10[%dma_start3A_405, %dma_start3A_406] : memref<10240x64xf32, #tpu.memory_space<vmem_shared>> -> memref<10240x64xf32, #tpu.memory_space<vmem_shared>>
      tpu.enqueue_indirect_dma source(%dma_start3A_401 : memref<80x64xf32, #tpu.memory_space<vmem>>) target(%dma_start3A_407 : memref<10240x64xf32, #tpu.memory_space<vmem_shared>>) offsets(%dma_start3A_404 : memref<80xi32, #tpu.memory_space<vmem>>) semaphore(%arg12 : memref<!tpu.dma_semaphore, #tpu.memory_space<semaphore_mem>>) {add = true}
      %ge3A_408 = arith.constant 2 : i32
      %ge3A_409 = arith.cmpi sge, %add3A_384, %ge3A_408 : i32
      %convert_element_type3A_410 = arith.extui %ge3A_409 : i1 to i32
      %cond3A_411 = arith.constant 0 : i32
      %cond3A_412 = arith.cmpi ne, %convert_element_type3A_410, %cond3A_411 : i32
      scf.if %cond3A_412 {
        %dma_wait3A_499 = arith.constant 2 : i32
        %dma_wait3A_500 = arith.constant 0 : i32
        %dma_wait3A_501 = arith.constant 0 : i32
        %dma_wait3A_502 = arith.constant 0 : i32
        %dma_wait3A_503 = tpu.memref_slice %arg8[%dma_wait3A_499, %dma_wait3A_501, %dma_wait3A_502] : memref<5x80x64xf32, #tpu.memory_space<vmem>> -> memref<1x80x64xf32, #tpu.memory_space<vmem>>
        %dma_wait3A_504 = tpu.memref_squeeze %dma_wait3A_503 : memref<1x80x64xf32, #tpu.memory_space<vmem>> -> memref<80x64xf32, #tpu.memory_space<vmem>>
        %dma_wait3A_505 = arith.constant 0 : i32
        %dma_wait3A_506 = tpu.memref_slice %arg7[%dma_wait3A_500, %dma_wait3A_505] : memref<125x80xi32, #tpu.memory_space<vmem>> -> memref<1x80xi32, #tpu.memory_space<vmem>>
        %dma_wait3A_507 = tpu.memref_squeeze %dma_wait3A_506 : memref<1x80xi32, #tpu.memory_space<vmem>> -> memref<80xi32, #tpu.memory_space<vmem>>
        %dma_wait3A_508 = arith.constant 0 : i32
        %dma_wait3A_509 = arith.constant 0 : i32
        %dma_wait3A_510 = tpu.memref_slice %arg10[%dma_wait3A_508, %dma_wait3A_509] : memref<10240x64xf32, #tpu.memory_space<vmem_shared>> -> memref<10240x64xf32, #tpu.memory_space<vmem_shared>>
        tpu.wait_indirect_dma semaphore(%arg12 : memref<!tpu.dma_semaphore, #tpu.memory_space<semaphore_mem>>) src(%dma_wait3A_504 : memref<80x64xf32, #tpu.memory_space<vmem>>) dst(%dma_wait3A_510 : memref<10240x64xf32, #tpu.memory_space<vmem_shared>>)
      } else {
      }
      %add3A_413 = arith.constant 3 : i32
      %add3A_414 = arith.addi %add3A_384, %add3A_413 : i32
      %lt3A_415 = arith.constant 125 : i32
      %lt3A_416 = arith.cmpi slt, %add3A_414, %lt3A_415 : i32
      %convert_element_type3A_417 = arith.extui %lt3A_416 : i1 to i32
      %cond3A_418 = arith.constant 0 : i32
      %cond3A_419 = arith.cmpi ne, %convert_element_type3A_417, %cond3A_418 : i32
      scf.if %cond3A_419 {
        %add3A_499 = arith.constant 3 : i32
        %add3A_500 = arith.addi %add3A_384, %add3A_499 : i32
        %get3A_501 = arith.index_cast %add3A_500 : i32 to index
        %get3A_502 = arith.constant 0 : index
        %get3A_503 = tpu.vector_load %arg6[%get3A_501, %get3A_502] {strides = array<i32>} : memref<125x80xi32, #tpu.memory_space<vmem>>, vector<1x16xi32>,
        %get3A_504 = vector.shape_cast %get3A_503 : vector<1x16xi32> to vector<16xi32>
        %mul3A_505 = arith.constant 2 : i32
        %mul3A_506 = vector.broadcast %mul3A_505 : i32 to vector<16xi32>
        %mul3A_507 = arith.muli %get3A_504, %mul3A_506 : vector<16xi32>
        %swap3A_508 = arith.index_cast %add3A_500 : i32 to index
        %swap3A_509 = arith.constant 0 : index
        %swap3A_510 = tpu.vector_load %arg6[%swap3A_508, %swap3A_509] {strides = array<i32>} : memref<125x80xi32, #tpu.memory_space<vmem>>, vector<1x16xi32>,
        %swap3A_511 = vector.shape_cast %swap3A_510 : vector<1x16xi32> to vector<16xi32>
        %swap3A_512 = vector.shape_cast %mul3A_507 : vector<16xi32> to vector<1x16xi32>
        tpu.vector_store %arg6[%swap3A_508, %swap3A_509], %swap3A_512 {strides = array<i32>} : memref<125x80xi32, #tpu.memory_space<vmem>>, vector<1x16xi32>,
        %get3A_513 = arith.index_cast %add3A_500 : i32 to index
        %get3A_514 = arith.constant 16 : index
        %get3A_515 = tpu.vector_load %arg6[%get3A_513, %get3A_514] {strides = array<i32>} : memref<125x80xi32, #tpu.memory_space<vmem>>, vector<1x16xi32>,
        %get3A_516 = vector.shape_cast %get3A_515 : vector<1x16xi32> to vector<16xi32>
        %mul3A_517 = arith.constant 2 : i32
        %mul3A_518 = vector.broadcast %mul3A_517 : i32 to vector<16xi32>
        %mul3A_519 = arith.muli %get3A_516, %mul3A_518 : vector<16xi32>
        %swap3A_520 = arith.index_cast %add3A_500 : i32 to index
        %swap3A_521 = arith.constant 16 : index
        %swap3A_522 = tpu.vector_load %arg6[%swap3A_520, %swap3A_521] {strides = array<i32>} : memref<125x80xi32, #tpu.memory_space<vmem>>, vector<1x16xi32>,
        %swap3A_523 = vector.shape_cast %swap3A_522 : vector<1x16xi32> to vector<16xi32>
        %swap3A_524 = vector.shape_cast %mul3A_519 : vector<16xi32> to vector<1x16xi32>
        tpu.vector_store %arg6[%swap3A_520, %swap3A_521], %swap3A_524 {strides = array<i32>} : memref<125x80xi32, #tpu.memory_space<vmem>>, vector<1x16xi32>,
        %get3A_525 = arith.index_cast %add3A_500 : i32 to index
        %get3A_526 = arith.constant 32 : index
        %get3A_527 = tpu.vector_load %arg6[%get3A_525, %get3A_526] {strides = array<i32>} : memref<125x80xi32, #tpu.memory_space<vmem>>, vector<1x16xi32>,
        %get3A_528 = vector.shape_cast %get3A_527 : vector<1x16xi32> to vector<16xi32>
        %mul3A_529 = arith.constant 2 : i32
        %mul3A_530 = vector.broadcast %mul3A_529 : i32 to vector<16xi32>
        %mul3A_531 = arith.muli %get3A_528, %mul3A_530 : vector<16xi32>
        %swap3A_532 = arith.index_cast %add3A_500 : i32 to index
        %swap3A_533 = arith.constant 32 : index
        %swap3A_534 = tpu.vector_load %arg6[%swap3A_532, %swap3A_533] {strides = array<i32>} : memref<125x80xi32, #tpu.memory_space<vmem>>, vector<1x16xi32>,
        %swap3A_535 = vector.shape_cast %swap3A_534 : vector<1x16xi32> to vector<16xi32>
        %swap3A_536 = vector.shape_cast %mul3A_531 : vector<16xi32> to vector<1x16xi32>
        tpu.vector_store %arg6[%swap3A_532, %swap3A_533], %swap3A_536 {strides = array<i32>} : memref<125x80xi32, #tpu.memory_space<vmem>>, vector<1x16xi32>,
        %get3A_537 = arith.index_cast %add3A_500 : i32 to index
        %get3A_538 = arith.constant 48 : index
        %get3A_539 = tpu.vector_load %arg6[%get3A_537, %get3A_538] {strides = array<i32>} : memref<125x80xi32, #tpu.memory_space<vmem>>, vector<1x16xi32>,
        %get3A_540 = vector.shape_cast %get3A_539 : vector<1x16xi32> to vector<16xi32>
        %mul3A_541 = arith.constant 2 : i32
        %mul3A_542 = vector.broadcast %mul3A_541 : i32 to vector<16xi32>
        %mul3A_543 = arith.muli %get3A_540, %mul3A_542 : vector<16xi32>
        %swap3A_544 = arith.index_cast %add3A_500 : i32 to index
        %swap3A_545 = arith.constant 48 : index
        %swap3A_546 = tpu.vector_load %arg6[%swap3A_544, %swap3A_545] {strides = array<i32>} : memref<125x80xi32, #tpu.memory_space<vmem>>, vector<1x16xi32>,
        %swap3A_547 = vector.shape_cast %swap3A_546 : vector<1x16xi32> to vector<16xi32>
        %swap3A_548 = vector.shape_cast %mul3A_543 : vector<16xi32> to vector<1x16xi32>
        tpu.vector_store %arg6[%swap3A_544, %swap3A_545], %swap3A_548 {strides = array<i32>} : memref<125x80xi32, #tpu.memory_space<vmem>>, vector<1x16xi32>,
        %get3A_549 = arith.index_cast %add3A_500 : i32 to index
        %get3A_550 = arith.constant 64 : index
        %get3A_551 = tpu.vector_load %arg6[%get3A_549, %get3A_550] {strides = array<i32>} : memref<125x80xi32, #tpu.memory_space<vmem>>, vector<1x16xi32>,
        %get3A_552 = vector.shape_cast %get3A_551 : vector<1x16xi32> to vector<16xi32>
        %mul3A_553 = arith.constant 2 : i32
        %mul3A_554 = vector.broadcast %mul3A_553 : i32 to vector<16xi32>
        %mul3A_555 = arith.muli %get3A_552, %mul3A_554 : vector<16xi32>
        %swap3A_556 = arith.index_cast %add3A_500 : i32 to index
        %swap3A_557 = arith.constant 64 : index
        %swap3A_558 = tpu.vector_load %arg6[%swap3A_556, %swap3A_557] {strides = array<i32>} : memref<125x80xi32, #tpu.memory_space<vmem>>, vector<1x16xi32>,
        %swap3A_559 = vector.shape_cast %swap3A_558 : vector<1x16xi32> to vector<16xi32>
        %swap3A_560 = vector.shape_cast %mul3A_555 : vector<16xi32> to vector<1x16xi32>
        tpu.vector_store %arg6[%swap3A_556, %swap3A_557], %swap3A_560 {strides = array<i32>} : memref<125x80xi32, #tpu.memory_space<vmem>>, vector<1x16xi32>,
        %dma_start3A_561 = arith.constant 0 : i32
        %dma_start3A_562 = arith.constant 0 : i32
        %dma_start3A_563 = arith.constant 0 : i32
        %dma_start3A_564 = tpu.memref_slice %arg8[%dma_start3A_561, %dma_start3A_562, %dma_start3A_563] : memref<5x80x64xf32, #tpu.memory_space<vmem>> -> memref<1x80x64xf32, #tpu.memory_space<vmem>>
        %dma_start3A_565 = tpu.memref_squeeze %dma_start3A_564 : memref<1x80x64xf32, #tpu.memory_space<vmem>> -> memref<80x64xf32, #tpu.memory_space<vmem>>
        %dma_start3A_566 = arith.constant 0 : i32
        %dma_start3A_567 = tpu.memref_slice %arg6[%add3A_500, %dma_start3A_566] : memref<125x80xi32, #tpu.memory_space<vmem>> -> memref<1x80xi32, #tpu.memory_space<vmem>>
        %dma_start3A_568 = tpu.memref_squeeze %dma_start3A_567 : memref<1x80xi32, #tpu.memory_space<vmem>> -> memref<80xi32, #tpu.memory_space<vmem>>
        %dma_start3A_569 = arith.constant 0 : i32
        %dma_start3A_570 = arith.constant 0 : i32
        %dma_start3A_571 = tpu.memref_slice %arg2[%dma_start3A_569, %dma_start3A_570] : memref<20000x64xf32, #tpu.memory_space<hbm>> -> memref<20000x64xf32, #tpu.memory_space<hbm>>
        tpu.enqueue_indirect_dma source(%dma_start3A_571 : memref<20000x64xf32, #tpu.memory_space<hbm>>) target(%dma_start3A_565 : memref<80x64xf32, #tpu.memory_space<vmem>>) offsets(%dma_start3A_568 : memref<80xi32, #tpu.memory_space<vmem>>) semaphore(%arg11 : memref<!tpu.dma_semaphore, #tpu.memory_space<semaphore_mem>>)
      } else {
      }
      %mul3A_420 = arith.constant 5 : i32
      %mul3A_421 = arith.muli %scan3A_305, %mul3A_420 : i32
      %add3A_422 = arith.constant 3 : i32
      %add3A_423 = arith.addi %mul3A_421, %add3A_422 : i32
      %dma_wait3A_424 = arith.constant 0 : i32
      %dma_wait3A_425 = arith.constant 3 : i32
      %dma_wait3A_426 = arith.constant 0 : i32
      %dma_wait3A_427 = arith.constant 0 : i32
      %dma_wait3A_428 = tpu.memref_slice %arg8[%dma_wait3A_425, %dma_wait3A_426, %dma_wait3A_427] : memref<5x80x64xf32, #tpu.memory_space<vmem>> -> memref<1x80x64xf32, #tpu.memory_space<vmem>>
      %dma_wait3A_429 = tpu.memref_squeeze %dma_wait3A_428 : memref<1x80x64xf32, #tpu.memory_space<vmem>> -> memref<80x64xf32, #tpu.memory_space<vmem>>
      %dma_wait3A_430 = arith.constant 0 : i32
      %dma_wait3A_431 = tpu.memref_slice %arg6[%dma_wait3A_424, %dma_wait3A_430] : memref<125x80xi32, #tpu.memory_space<vmem>> -> memref<1x80xi32, #tpu.memory_space<vmem>>
      %dma_wait3A_432 = tpu.memref_squeeze %dma_wait3A_431 : memref<1x80xi32, #tpu.memory_space<vmem>> -> memref<80xi32, #tpu.memory_space<vmem>>
      %dma_wait3A_433 = arith.constant 0 : i32
      %dma_wait3A_434 = arith.constant 0 : i32
      %dma_wait3A_435 = tpu.memref_slice %arg2[%dma_wait3A_433, %dma_wait3A_434] : memref<20000x64xf32, #tpu.memory_space<hbm>> -> memref<20000x64xf32, #tpu.memory_space<hbm>>
      tpu.wait_indirect_dma semaphore(%arg11 : memref<!tpu.dma_semaphore, #tpu.memory_space<semaphore_mem>>) src(%dma_wait3A_435 : memref<20000x64xf32, #tpu.memory_space<hbm>>) dst(%dma_wait3A_429 : memref<80x64xf32, #tpu.memory_space<vmem>>)
      %dma_start3A_436 = arith.constant 3 : i32
      %dma_start3A_437 = arith.constant 0 : i32
      %dma_start3A_438 = arith.constant 0 : i32
      %dma_start3A_439 = tpu.memref_slice %arg8[%dma_start3A_436, %dma_start3A_437, %dma_start3A_438] : memref<5x80x64xf32, #tpu.memory_space<vmem>> -> memref<1x80x64xf32, #tpu.memory_space<vmem>>
      %dma_start3A_440 = tpu.memref_squeeze %dma_start3A_439 : memref<1x80x64xf32, #tpu.memory_space<vmem>> -> memref<80x64xf32, #tpu.memory_space<vmem>>
      %dma_start3A_441 = arith.constant 0 : i32
      %dma_start3A_442 = tpu.memref_slice %arg7[%add3A_423, %dma_start3A_441] : memref<125x80xi32, #tpu.memory_space<vmem>> -> memref<1x80xi32, #tpu.memory_space<vmem>>
      %dma_start3A_443 = tpu.memref_squeeze %dma_start3A_442 : memref<1x80xi32, #tpu.memory_space<vmem>> -> memref<80xi32, #tpu.memory_space<vmem>>
      %dma_start3A_444 = arith.constant 0 : i32
      %dma_start3A_445 = arith.constant 0 : i32
      %dma_start3A_446 = tpu.memref_slice %arg10[%dma_start3A_444, %dma_start3A_445] : memref<10240x64xf32, #tpu.memory_space<vmem_shared>> -> memref<10240x64xf32, #tpu.memory_space<vmem_shared>>
      tpu.enqueue_indirect_dma source(%dma_start3A_440 : memref<80x64xf32, #tpu.memory_space<vmem>>) target(%dma_start3A_446 : memref<10240x64xf32, #tpu.memory_space<vmem_shared>>) offsets(%dma_start3A_443 : memref<80xi32, #tpu.memory_space<vmem>>) semaphore(%arg12 : memref<!tpu.dma_semaphore, #tpu.memory_space<semaphore_mem>>) {add = true}
      %ge3A_447 = arith.constant 2 : i32
      %ge3A_448 = arith.cmpi sge, %add3A_423, %ge3A_447 : i32
      %convert_element_type3A_449 = arith.extui %ge3A_448 : i1 to i32
      %cond3A_450 = arith.constant 0 : i32
      %cond3A_451 = arith.cmpi ne, %convert_element_type3A_449, %cond3A_450 : i32
      scf.if %cond3A_451 {
        %dma_wait3A_499 = arith.constant 3 : i32
        %dma_wait3A_500 = arith.constant 0 : i32
        %dma_wait3A_501 = arith.constant 0 : i32
        %dma_wait3A_502 = arith.constant 0 : i32
        %dma_wait3A_503 = tpu.memref_slice %arg8[%dma_wait3A_499, %dma_wait3A_501, %dma_wait3A_502] : memref<5x80x64xf32, #tpu.memory_space<vmem>> -> memref<1x80x64xf32, #tpu.memory_space<vmem>>
        %dma_wait3A_504 = tpu.memref_squeeze %dma_wait3A_503 : memref<1x80x64xf32, #tpu.memory_space<vmem>> -> memref<80x64xf32, #tpu.memory_space<vmem>>
        %dma_wait3A_505 = arith.constant 0 : i32
        %dma_wait3A_506 = tpu.memref_slice %arg7[%dma_wait3A_500, %dma_wait3A_505] : memref<125x80xi32, #tpu.memory_space<vmem>> -> memref<1x80xi32, #tpu.memory_space<vmem>>
        %dma_wait3A_507 = tpu.memref_squeeze %dma_wait3A_506 : memref<1x80xi32, #tpu.memory_space<vmem>> -> memref<80xi32, #tpu.memory_space<vmem>>
        %dma_wait3A_508 = arith.constant 0 : i32
        %dma_wait3A_509 = arith.constant 0 : i32
        %dma_wait3A_510 = tpu.memref_slice %arg10[%dma_wait3A_508, %dma_wait3A_509] : memref<10240x64xf32, #tpu.memory_space<vmem_shared>> -> memref<10240x64xf32, #tpu.memory_space<vmem_shared>>
        tpu.wait_indirect_dma semaphore(%arg12 : memref<!tpu.dma_semaphore, #tpu.memory_space<semaphore_mem>>) src(%dma_wait3A_504 : memref<80x64xf32, #tpu.memory_space<vmem>>) dst(%dma_wait3A_510 : memref<10240x64xf32, #tpu.memory_space<vmem_shared>>)
      } else {
      }
      %add3A_452 = arith.constant 3 : i32
      %add3A_453 = arith.addi %add3A_423, %add3A_452 : i32
      %lt3A_454 = arith.constant 125 : i32
      %lt3A_455 = arith.cmpi slt, %add3A_453, %lt3A_454 : i32
      %convert_element_type3A_456 = arith.extui %lt3A_455 : i1 to i32
      %cond3A_457 = arith.constant 0 : i32
      %cond3A_458 = arith.cmpi ne, %convert_element_type3A_456, %cond3A_457 : i32
      scf.if %cond3A_458 {
        %add3A_499 = arith.constant 3 : i32
        %add3A_500 = arith.addi %add3A_423, %add3A_499 : i32
        %get3A_501 = arith.index_cast %add3A_500 : i32 to index
        %get3A_502 = arith.constant 0 : index
        %get3A_503 = tpu.vector_load %arg6[%get3A_501, %get3A_502] {strides = array<i32>} : memref<125x80xi32, #tpu.memory_space<vmem>>, vector<1x16xi32>,
        %get3A_504 = vector.shape_cast %get3A_503 : vector<1x16xi32> to vector<16xi32>
        %mul3A_505 = arith.constant 2 : i32
        %mul3A_506 = vector.broadcast %mul3A_505 : i32 to vector<16xi32>
        %mul3A_507 = arith.muli %get3A_504, %mul3A_506 : vector<16xi32>
        %swap3A_508 = arith.index_cast %add3A_500 : i32 to index
        %swap3A_509 = arith.constant 0 : index
        %swap3A_510 = tpu.vector_load %arg6[%swap3A_508, %swap3A_509] {strides = array<i32>} : memref<125x80xi32, #tpu.memory_space<vmem>>, vector<1x16xi32>,
        %swap3A_511 = vector.shape_cast %swap3A_510 : vector<1x16xi32> to vector<16xi32>
        %swap3A_512 = vector.shape_cast %mul3A_507 : vector<16xi32> to vector<1x16xi32>
        tpu.vector_store %arg6[%swap3A_508, %swap3A_509], %swap3A_512 {strides = array<i32>} : memref<125x80xi32, #tpu.memory_space<vmem>>, vector<1x16xi32>,
        %get3A_513 = arith.index_cast %add3A_500 : i32 to index
        %get3A_514 = arith.constant 16 : index
        %get3A_515 = tpu.vector_load %arg6[%get3A_513, %get3A_514] {strides = array<i32>} : memref<125x80xi32, #tpu.memory_space<vmem>>, vector<1x16xi32>,
        %get3A_516 = vector.shape_cast %get3A_515 : vector<1x16xi32> to vector<16xi32>
        %mul3A_517 = arith.constant 2 : i32
        %mul3A_518 = vector.broadcast %mul3A_517 : i32 to vector<16xi32>
        %mul3A_519 = arith.muli %get3A_516, %mul3A_518 : vector<16xi32>
        %swap3A_520 = arith.index_cast %add3A_500 : i32 to index
        %swap3A_521 = arith.constant 16 : index
        %swap3A_522 = tpu.vector_load %arg6[%swap3A_520, %swap3A_521] {strides = array<i32>} : memref<125x80xi32, #tpu.memory_space<vmem>>, vector<1x16xi32>,
        %swap3A_523 = vector.shape_cast %swap3A_522 : vector<1x16xi32> to vector<16xi32>
        %swap3A_524 = vector.shape_cast %mul3A_519 : vector<16xi32> to vector<1x16xi32>
        tpu.vector_store %arg6[%swap3A_520, %swap3A_521], %swap3A_524 {strides = array<i32>} : memref<125x80xi32, #tpu.memory_space<vmem>>, vector<1x16xi32>,
        %get3A_525 = arith.index_cast %add3A_500 : i32 to index
        %get3A_526 = arith.constant 32 : index
        %get3A_527 = tpu.vector_load %arg6[%get3A_525, %get3A_526] {strides = array<i32>} : memref<125x80xi32, #tpu.memory_space<vmem>>, vector<1x16xi32>,
        %get3A_528 = vector.shape_cast %get3A_527 : vector<1x16xi32> to vector<16xi32>
        %mul3A_529 = arith.constant 2 : i32
        %mul3A_530 = vector.broadcast %mul3A_529 : i32 to vector<16xi32>
        %mul3A_531 = arith.muli %get3A_528, %mul3A_530 : vector<16xi32>
        %swap3A_532 = arith.index_cast %add3A_500 : i32 to index
        %swap3A_533 = arith.constant 32 : index
        %swap3A_534 = tpu.vector_load %arg6[%swap3A_532, %swap3A_533] {strides = array<i32>} : memref<125x80xi32, #tpu.memory_space<vmem>>, vector<1x16xi32>,
        %swap3A_535 = vector.shape_cast %swap3A_534 : vector<1x16xi32> to vector<16xi32>
        %swap3A_536 = vector.shape_cast %mul3A_531 : vector<16xi32> to vector<1x16xi32>
        tpu.vector_store %arg6[%swap3A_532, %swap3A_533], %swap3A_536 {strides = array<i32>} : memref<125x80xi32, #tpu.memory_space<vmem>>, vector<1x16xi32>,
        %get3A_537 = arith.index_cast %add3A_500 : i32 to index
        %get3A_538 = arith.constant 48 : index
        %get3A_539 = tpu.vector_load %arg6[%get3A_537, %get3A_538] {strides = array<i32>} : memref<125x80xi32, #tpu.memory_space<vmem>>, vector<1x16xi32>,
        %get3A_540 = vector.shape_cast %get3A_539 : vector<1x16xi32> to vector<16xi32>
        %mul3A_541 = arith.constant 2 : i32
        %mul3A_542 = vector.broadcast %mul3A_541 : i32 to vector<16xi32>
        %mul3A_543 = arith.muli %get3A_540, %mul3A_542 : vector<16xi32>
        %swap3A_544 = arith.index_cast %add3A_500 : i32 to index
        %swap3A_545 = arith.constant 48 : index
        %swap3A_546 = tpu.vector_load %arg6[%swap3A_544, %swap3A_545] {strides = array<i32>} : memref<125x80xi32, #tpu.memory_space<vmem>>, vector<1x16xi32>,
        %swap3A_547 = vector.shape_cast %swap3A_546 : vector<1x16xi32> to vector<16xi32>
        %swap3A_548 = vector.shape_cast %mul3A_543 : vector<16xi32> to vector<1x16xi32>
        tpu.vector_store %arg6[%swap3A_544, %swap3A_545], %swap3A_548 {strides = array<i32>} : memref<125x80xi32, #tpu.memory_space<vmem>>, vector<1x16xi32>,
        %get3A_549 = arith.index_cast %add3A_500 : i32 to index
        %get3A_550 = arith.constant 64 : index
        %get3A_551 = tpu.vector_load %arg6[%get3A_549, %get3A_550] {strides = array<i32>} : memref<125x80xi32, #tpu.memory_space<vmem>>, vector<1x16xi32>,
        %get3A_552 = vector.shape_cast %get3A_551 : vector<1x16xi32> to vector<16xi32>
        %mul3A_553 = arith.constant 2 : i32
        %mul3A_554 = vector.broadcast %mul3A_553 : i32 to vector<16xi32>
        %mul3A_555 = arith.muli %get3A_552, %mul3A_554 : vector<16xi32>
        %swap3A_556 = arith.index_cast %add3A_500 : i32 to index
        %swap3A_557 = arith.constant 64 : index
        %swap3A_558 = tpu.vector_load %arg6[%swap3A_556, %swap3A_557] {strides = array<i32>} : memref<125x80xi32, #tpu.memory_space<vmem>>, vector<1x16xi32>,
        %swap3A_559 = vector.shape_cast %swap3A_558 : vector<1x16xi32> to vector<16xi32>
        %swap3A_560 = vector.shape_cast %mul3A_555 : vector<16xi32> to vector<1x16xi32>
        tpu.vector_store %arg6[%swap3A_556, %swap3A_557], %swap3A_560 {strides = array<i32>} : memref<125x80xi32, #tpu.memory_space<vmem>>, vector<1x16xi32>,
        %dma_start3A_561 = arith.constant 1 : i32
        %dma_start3A_562 = arith.constant 0 : i32
        %dma_start3A_563 = arith.constant 0 : i32
        %dma_start3A_564 = tpu.memref_slice %arg8[%dma_start3A_561, %dma_start3A_562, %dma_start3A_563] : memref<5x80x64xf32, #tpu.memory_space<vmem>> -> memref<1x80x64xf32, #tpu.memory_space<vmem>>
        %dma_start3A_565 = tpu.memref_squeeze %dma_start3A_564 : memref<1x80x64xf32, #tpu.memory_space<vmem>> -> memref<80x64xf32, #tpu.memory_space<vmem>>
        %dma_start3A_566 = arith.constant 0 : i32
        %dma_start3A_567 = tpu.memref_slice %arg6[%add3A_500, %dma_start3A_566] : memref<125x80xi32, #tpu.memory_space<vmem>> -> memref<1x80xi32, #tpu.memory_space<vmem>>
        %dma_start3A_568 = tpu.memref_squeeze %dma_start3A_567 : memref<1x80xi32, #tpu.memory_space<vmem>> -> memref<80xi32, #tpu.memory_space<vmem>>
        %dma_start3A_569 = arith.constant 0 : i32
        %dma_start3A_570 = arith.constant 0 : i32
        %dma_start3A_571 = tpu.memref_slice %arg2[%dma_start3A_569, %dma_start3A_570] : memref<20000x64xf32, #tpu.memory_space<hbm>> -> memref<20000x64xf32, #tpu.memory_space<hbm>>
        tpu.enqueue_indirect_dma source(%dma_start3A_571 : memref<20000x64xf32, #tpu.memory_space<hbm>>) target(%dma_start3A_565 : memref<80x64xf32, #tpu.memory_space<vmem>>) offsets(%dma_start3A_568 : memref<80xi32, #tpu.memory_space<vmem>>) semaphore(%arg11 : memref<!tpu.dma_semaphore, #tpu.memory_space<semaphore_mem>>)
      } else {
      }
      %mul3A_459 = arith.constant 5 : i32
      %mul3A_460 = arith.muli %scan3A_305, %mul3A_459 : i32
      %add3A_461 = arith.constant 4 : i32
      %add3A_462 = arith.addi %mul3A_460, %add3A_461 : i32
      %dma_wait3A_463 = arith.constant 0 : i32
      %dma_wait3A_464 = arith.constant 4 : i32
      %dma_wait3A_465 = arith.constant 0 : i32
      %dma_wait3A_466 = arith.constant 0 : i32
      %dma_wait3A_467 = tpu.memref_slice %arg8[%dma_wait3A_464, %dma_wait3A_465, %dma_wait3A_466] : memref<5x80x64xf32, #tpu.memory_space<vmem>> -> memref<1x80x64xf32, #tpu.memory_space<vmem>>
      %dma_wait3A_468 = tpu.memref_squeeze %dma_wait3A_467 : memref<1x80x64xf32, #tpu.memory_space<vmem>> -> memref<80x64xf32, #tpu.memory_space<vmem>>
      %dma_wait3A_469 = arith.constant 0 : i32
      %dma_wait3A_470 = tpu.memref_slice %arg6[%dma_wait3A_463, %dma_wait3A_469] : memref<125x80xi32, #tpu.memory_space<vmem>> -> memref<1x80xi32, #tpu.memory_space<vmem>>
      %dma_wait3A_471 = tpu.memref_squeeze %dma_wait3A_470 : memref<1x80xi32, #tpu.memory_space<vmem>> -> memref<80xi32, #tpu.memory_space<vmem>>
      %dma_wait3A_472 = arith.constant 0 : i32
      %dma_wait3A_473 = arith.constant 0 : i32
      %dma_wait3A_474 = tpu.memref_slice %arg2[%dma_wait3A_472, %dma_wait3A_473] : memref<20000x64xf32, #tpu.memory_space<hbm>> -> memref<20000x64xf32, #tpu.memory_space<hbm>>
      tpu.wait_indirect_dma semaphore(%arg11 : memref<!tpu.dma_semaphore, #tpu.memory_space<semaphore_mem>>) src(%dma_wait3A_474 : memref<20000x64xf32, #tpu.memory_space<hbm>>) dst(%dma_wait3A_468 : memref<80x64xf32, #tpu.memory_space<vmem>>)
      %dma_start3A_475 = arith.constant 4 : i32
      %dma_start3A_476 = arith.constant 0 : i32
      %dma_start3A_477 = arith.constant 0 : i32
      %dma_start3A_478 = tpu.memref_slice %arg8[%dma_start3A_475, %dma_start3A_476, %dma_start3A_477] : memref<5x80x64xf32, #tpu.memory_space<vmem>> -> memref<1x80x64xf32, #tpu.memory_space<vmem>>
      %dma_start3A_479 = tpu.memref_squeeze %dma_start3A_478 : memref<1x80x64xf32, #tpu.memory_space<vmem>> -> memref<80x64xf32, #tpu.memory_space<vmem>>
      %dma_start3A_480 = arith.constant 0 : i32
      %dma_start3A_481 = tpu.memref_slice %arg7[%add3A_462, %dma_start3A_480] : memref<125x80xi32, #tpu.memory_space<vmem>> -> memref<1x80xi32, #tpu.memory_space<vmem>>
      %dma_start3A_482 = tpu.memref_squeeze %dma_start3A_481 : memref<1x80xi32, #tpu.memory_space<vmem>> -> memref<80xi32, #tpu.memory_space<vmem>>
      %dma_start3A_483 = arith.constant 0 : i32
      %dma_start3A_484 = arith.constant 0 : i32
      %dma_start3A_485 = tpu.memref_slice %arg10[%dma_start3A_483, %dma_start3A_484] : memref<10240x64xf32, #tpu.memory_space<vmem_shared>> -> memref<10240x64xf32, #tpu.memory_space<vmem_shared>>
      tpu.enqueue_indirect_dma source(%dma_start3A_479 : memref<80x64xf32, #tpu.memory_space<vmem>>) target(%dma_start3A_485 : memref<10240x64xf32, #tpu.memory_space<vmem_shared>>) offsets(%dma_start3A_482 : memref<80xi32, #tpu.memory_space<vmem>>) semaphore(%arg12 : memref<!tpu.dma_semaphore, #tpu.memory_space<semaphore_mem>>) {add = true}
      %ge3A_486 = arith.constant 2 : i32
      %ge3A_487 = arith.cmpi sge, %add3A_462, %ge3A_486 : i32
      %convert_element_type3A_488 = arith.extui %ge3A_487 : i1 to i32
      %cond3A_489 = arith.constant 0 : i32
      %cond3A_490 = arith.cmpi ne, %convert_element_type3A_488, %cond3A_489 : i32
      scf.if %cond3A_490 {
        %dma_wait3A_499 = arith.constant 4 : i32
        %dma_wait3A_500 = arith.constant 0 : i32
        %dma_wait3A_501 = arith.constant 0 : i32
        %dma_wait3A_502 = arith.constant 0 : i32
        %dma_wait3A_503 = tpu.memref_slice %arg8[%dma_wait3A_499, %dma_wait3A_501, %dma_wait3A_502] : memref<5x80x64xf32, #tpu.memory_space<vmem>> -> memref<1x80x64xf32, #tpu.memory_space<vmem>>
        %dma_wait3A_504 = tpu.memref_squeeze %dma_wait3A_503 : memref<1x80x64xf32, #tpu.memory_space<vmem>> -> memref<80x64xf32, #tpu.memory_space<vmem>>
        %dma_wait3A_505 = arith.constant 0 : i32
        %dma_wait3A_506 = tpu.memref_slice %arg7[%dma_wait3A_500, %dma_wait3A_505] : memref<125x80xi32, #tpu.memory_space<vmem>> -> memref<1x80xi32, #tpu.memory_space<vmem>>
        %dma_wait3A_507 = tpu.memref_squeeze %dma_wait3A_506 : memref<1x80xi32, #tpu.memory_space<vmem>> -> memref<80xi32, #tpu.memory_space<vmem>>
        %dma_wait3A_508 = arith.constant 0 : i32
        %dma_wait3A_509 = arith.constant 0 : i32
        %dma_wait3A_510 = tpu.memref_slice %arg10[%dma_wait3A_508, %dma_wait3A_509] : memref<10240x64xf32, #tpu.memory_space<vmem_shared>> -> memref<10240x64xf32, #tpu.memory_space<vmem_shared>>
        tpu.wait_indirect_dma semaphore(%arg12 : memref<!tpu.dma_semaphore, #tpu.memory_space<semaphore_mem>>) src(%dma_wait3A_504 : memref<80x64xf32, #tpu.memory_space<vmem>>) dst(%dma_wait3A_510 : memref<10240x64xf32, #tpu.memory_space<vmem_shared>>)
      } else {
      }
      %add3A_491 = arith.constant 3 : i32
      %add3A_492 = arith.addi %add3A_462, %add3A_491 : i32
      %lt3A_493 = arith.constant 125 : i32
      %lt3A_494 = arith.cmpi slt, %add3A_492, %lt3A_493 : i32
      %convert_element_type3A_495 = arith.extui %lt3A_494 : i1 to i32
      %cond3A_496 = arith.constant 0 : i32
      %cond3A_497 = arith.cmpi ne, %convert_element_type3A_495, %cond3A_496 : i32
      scf.if %cond3A_497 {
        %add3A_499 = arith.constant 3 : i32
        %add3A_500 = arith.addi %add3A_462, %add3A_499 : i32
        %get3A_501 = arith.index_cast %add3A_500 : i32 to index
        %get3A_502 = arith.constant 0 : index
        %get3A_503 = tpu.vector_load %arg6[%get3A_501, %get3A_502] {strides = array<i32>} : memref<125x80xi32, #tpu.memory_space<vmem>>, vector<1x16xi32>,
        %get3A_504 = vector.shape_cast %get3A_503 : vector<1x16xi32> to vector<16xi32>
        %mul3A_505 = arith.constant 2 : i32
        %mul3A_506 = vector.broadcast %mul3A_505 : i32 to vector<16xi32>
        %mul3A_507 = arith.muli %get3A_504, %mul3A_506 : vector<16xi32>
        %swap3A_508 = arith.index_cast %add3A_500 : i32 to index
        %swap3A_509 = arith.constant 0 : index
        %swap3A_510 = tpu.vector_load %arg6[%swap3A_508, %swap3A_509] {strides = array<i32>} : memref<125x80xi32, #tpu.memory_space<vmem>>, vector<1x16xi32>,
        %swap3A_511 = vector.shape_cast %swap3A_510 : vector<1x16xi32> to vector<16xi32>
        %swap3A_512 = vector.shape_cast %mul3A_507 : vector<16xi32> to vector<1x16xi32>
        tpu.vector_store %arg6[%swap3A_508, %swap3A_509], %swap3A_512 {strides = array<i32>} : memref<125x80xi32, #tpu.memory_space<vmem>>, vector<1x16xi32>,
        %get3A_513 = arith.index_cast %add3A_500 : i32 to index
        %get3A_514 = arith.constant 16 : index
        %get3A_515 = tpu.vector_load %arg6[%get3A_513, %get3A_514] {strides = array<i32>} : memref<125x80xi32, #tpu.memory_space<vmem>>, vector<1x16xi32>,
        %get3A_516 = vector.shape_cast %get3A_515 : vector<1x16xi32> to vector<16xi32>
        %mul3A_517 = arith.constant 2 : i32
        %mul3A_518 = vector.broadcast %mul3A_517 : i32 to vector<16xi32>
        %mul3A_519 = arith.muli %get3A_516, %mul3A_518 : vector<16xi32>
        %swap3A_520 = arith.index_cast %add3A_500 : i32 to index
        %swap3A_521 = arith.constant 16 : index
        %swap3A_522 = tpu.vector_load %arg6[%swap3A_520, %swap3A_521] {strides = array<i32>} : memref<125x80xi32, #tpu.memory_space<vmem>>, vector<1x16xi32>,
        %swap3A_523 = vector.shape_cast %swap3A_522 : vector<1x16xi32> to vector<16xi32>
        %swap3A_524 = vector.shape_cast %mul3A_519 : vector<16xi32> to vector<1x16xi32>
        tpu.vector_store %arg6[%swap3A_520, %swap3A_521], %swap3A_524 {strides = array<i32>} : memref<125x80xi32, #tpu.memory_space<vmem>>, vector<1x16xi32>,
        %get3A_525 = arith.index_cast %add3A_500 : i32 to index
        %get3A_526 = arith.constant 32 : index
        %get3A_527 = tpu.vector_load %arg6[%get3A_525, %get3A_526] {strides = array<i32>} : memref<125x80xi32, #tpu.memory_space<vmem>>, vector<1x16xi32>,
        %get3A_528 = vector.shape_cast %get3A_527 : vector<1x16xi32> to vector<16xi32>
        %mul3A_529 = arith.constant 2 : i32
        %mul3A_530 = vector.broadcast %mul3A_529 : i32 to vector<16xi32>
        %mul3A_531 = arith.muli %get3A_528, %mul3A_530 : vector<16xi32>
        %swap3A_532 = arith.index_cast %add3A_500 : i32 to index
        %swap3A_533 = arith.constant 32 : index
        %swap3A_534 = tpu.vector_load %arg6[%swap3A_532, %swap3A_533] {strides = array<i32>} : memref<125x80xi32, #tpu.memory_space<vmem>>, vector<1x16xi32>,
        %swap3A_535 = vector.shape_cast %swap3A_534 : vector<1x16xi32> to vector<16xi32>
        %swap3A_536 = vector.shape_cast %mul3A_531 : vector<16xi32> to vector<1x16xi32>
        tpu.vector_store %arg6[%swap3A_532, %swap3A_533], %swap3A_536 {strides = array<i32>} : memref<125x80xi32, #tpu.memory_space<vmem>>, vector<1x16xi32>,
        %get3A_537 = arith.index_cast %add3A_500 : i32 to index
        %get3A_538 = arith.constant 48 : index
        %get3A_539 = tpu.vector_load %arg6[%get3A_537, %get3A_538] {strides = array<i32>} : memref<125x80xi32, #tpu.memory_space<vmem>>, vector<1x16xi32>,
        %get3A_540 = vector.shape_cast %get3A_539 : vector<1x16xi32> to vector<16xi32>
        %mul3A_541 = arith.constant 2 : i32
        %mul3A_542 = vector.broadcast %mul3A_541 : i32 to vector<16xi32>
        %mul3A_543 = arith.muli %get3A_540, %mul3A_542 : vector<16xi32>
        %swap3A_544 = arith.index_cast %add3A_500 : i32 to index
        %swap3A_545 = arith.constant 48 : index
        %swap3A_546 = tpu.vector_load %arg6[%swap3A_544, %swap3A_545] {strides = array<i32>} : memref<125x80xi32, #tpu.memory_space<vmem>>, vector<1x16xi32>,
        %swap3A_547 = vector.shape_cast %swap3A_546 : vector<1x16xi32> to vector<16xi32>
        %swap3A_548 = vector.shape_cast %mul3A_543 : vector<16xi32> to vector<1x16xi32>
        tpu.vector_store %arg6[%swap3A_544, %swap3A_545], %swap3A_548 {strides = array<i32>} : memref<125x80xi32, #tpu.memory_space<vmem>>, vector<1x16xi32>,
        %get3A_549 = arith.index_cast %add3A_500 : i32 to index
        %get3A_550 = arith.constant 64 : index
        %get3A_551 = tpu.vector_load %arg6[%get3A_549, %get3A_550] {strides = array<i32>} : memref<125x80xi32, #tpu.memory_space<vmem>>, vector<1x16xi32>,
        %get3A_552 = vector.shape_cast %get3A_551 : vector<1x16xi32> to vector<16xi32>
        %mul3A_553 = arith.constant 2 : i32
        %mul3A_554 = vector.broadcast %mul3A_553 : i32 to vector<16xi32>
        %mul3A_555 = arith.muli %get3A_552, %mul3A_554 : vector<16xi32>
        %swap3A_556 = arith.index_cast %add3A_500 : i32 to index
        %swap3A_557 = arith.constant 64 : index
        %swap3A_558 = tpu.vector_load %arg6[%swap3A_556, %swap3A_557] {strides = array<i32>} : memref<125x80xi32, #tpu.memory_space<vmem>>, vector<1x16xi32>,
        %swap3A_559 = vector.shape_cast %swap3A_558 : vector<1x16xi32> to vector<16xi32>
        %swap3A_560 = vector.shape_cast %mul3A_555 : vector<16xi32> to vector<1x16xi32>
        tpu.vector_store %arg6[%swap3A_556, %swap3A_557], %swap3A_560 {strides = array<i32>} : memref<125x80xi32, #tpu.memory_space<vmem>>, vector<1x16xi32>,
        %dma_start3A_561 = arith.constant 2 : i32
        %dma_start3A_562 = arith.constant 0 : i32
        %dma_start3A_563 = arith.constant 0 : i32
        %dma_start3A_564 = tpu.memref_slice %arg8[%dma_start3A_561, %dma_start3A_562, %dma_start3A_563] : memref<5x80x64xf32, #tpu.memory_space<vmem>> -> memref<1x80x64xf32, #tpu.memory_space<vmem>>
        %dma_start3A_565 = tpu.memref_squeeze %dma_start3A_564 : memref<1x80x64xf32, #tpu.memory_space<vmem>> -> memref<80x64xf32, #tpu.memory_space<vmem>>
        %dma_start3A_566 = arith.constant 0 : i32
        %dma_start3A_567 = tpu.memref_slice %arg6[%add3A_500, %dma_start3A_566] : memref<125x80xi32, #tpu.memory_space<vmem>> -> memref<1x80xi32, #tpu.memory_space<vmem>>
        %dma_start3A_568 = tpu.memref_squeeze %dma_start3A_567 : memref<1x80xi32, #tpu.memory_space<vmem>> -> memref<80xi32, #tpu.memory_space<vmem>>
        %dma_start3A_569 = arith.constant 0 : i32
        %dma_start3A_570 = arith.constant 0 : i32
        %dma_start3A_571 = tpu.memref_slice %arg2[%dma_start3A_569, %dma_start3A_570] : memref<20000x64xf32, #tpu.memory_space<hbm>> -> memref<20000x64xf32, #tpu.memory_space<hbm>>
        tpu.enqueue_indirect_dma source(%dma_start3A_571 : memref<20000x64xf32, #tpu.memory_space<hbm>>) target(%dma_start3A_565 : memref<80x64xf32, #tpu.memory_space<vmem>>) offsets(%dma_start3A_568 : memref<80xi32, #tpu.memory_space<vmem>>) semaphore(%arg11 : memref<!tpu.dma_semaphore, #tpu.memory_space<semaphore_mem>>)
      } else {
      }
      %scan3A_498 = arith.constant 0 : i32
      scf.yield %scan3A_498 : i32
    }
    %scan3A_278 = arith.constant 25 : i32
    %dma_wait3A = arith.constant 0 : i32
    %dma_wait3A_279 = arith.constant 0 : i32
    %dma_wait3A_280 = arith.constant 0 : i32
    %dma_wait3A_281 = arith.constant 0 : i32
    %dma_wait3A_282 = tpu.memref_slice %arg8[%dma_wait3A, %dma_wait3A_280, %dma_wait3A_281] : memref<5x80x64xf32, #tpu.memory_space<vmem>> -> memref<1x80x64xf32, #tpu.memory_space<vmem>>
    %dma_wait3A_283 = tpu.memref_squeeze %dma_wait3A_282 : memref<1x80x64xf32, #tpu.memory_space<vmem>> -> memref<80x64xf32, #tpu.memory_space<vmem>>
    %dma_wait3A_284 = arith.constant 0 : i32
    %dma_wait3A_285 = tpu.memref_slice %arg7[%dma_wait3A_279, %dma_wait3A_284] : memref<125x80xi32, #tpu.memory_space<vmem>> -> memref<1x80xi32, #tpu.memory_space<vmem>>
    %dma_wait3A_286 = tpu.memref_squeeze %dma_wait3A_285 : memref<1x80xi32, #tpu.memory_space<vmem>> -> memref<80xi32, #tpu.memory_space<vmem>>
    %dma_wait3A_287 = arith.constant 0 : i32
    %dma_wait3A_288 = arith.constant 0 : i32
    %dma_wait3A_289 = tpu.memref_slice %arg10[%dma_wait3A_287, %dma_wait3A_288] : memref<10240x64xf32, #tpu.memory_space<vmem_shared>> -> memref<10240x64xf32, #tpu.memory_space<vmem_shared>>
    tpu.wait_indirect_dma semaphore(%arg12 : memref<!tpu.dma_semaphore, #tpu.memory_space<semaphore_mem>>) src(%dma_wait3A_283 : memref<80x64xf32, #tpu.memory_space<vmem>>) dst(%dma_wait3A_289 : memref<10240x64xf32, #tpu.memory_space<vmem_shared>>)
    %dma_wait3A_290 = arith.constant 0 : i32
    %dma_wait3A_291 = arith.constant 0 : i32
    %dma_wait3A_292 = arith.constant 0 : i32
    %dma_wait3A_293 = arith.constant 0 : i32
    %dma_wait3A_294 = tpu.memref_slice %arg8[%dma_wait3A_290, %dma_wait3A_292, %dma_wait3A_293] : memref<5x80x64xf32, #tpu.memory_space<vmem>> -> memref<1x80x64xf32, #tpu.memory_space<vmem>>
    %dma_wait3A_295 = tpu.memref_squeeze %dma_wait3A_294 : memref<1x80x64xf32, #tpu.memory_space<vmem>> -> memref<80x64xf32, #tpu.memory_space<vmem>>
    %dma_wait3A_296 = arith.constant 0 : i32
    %dma_wait3A_297 = tpu.memref_slice %arg7[%dma_wait3A_291, %dma_wait3A_296] : memref<125x80xi32, #tpu.memory_space<vmem>> -> memref<1x80xi32, #tpu.memory_space<vmem>>
    %dma_wait3A_298 = tpu.memref_squeeze %dma_wait3A_297 : memref<1x80xi32, #tpu.memory_space<vmem>> -> memref<80xi32, #tpu.memory_space<vmem>>
    %dma_wait3A_299 = arith.constant 0 : i32
    %dma_wait3A_300 = arith.constant 0 : i32
    %dma_wait3A_301 = tpu.memref_slice %arg10[%dma_wait3A_299, %dma_wait3A_300] : memref<10240x64xf32, #tpu.memory_space<vmem_shared>> -> memref<10240x64xf32, #tpu.memory_space<vmem_shared>>
    tpu.wait_indirect_dma semaphore(%arg12 : memref<!tpu.dma_semaphore, #tpu.memory_space<semaphore_mem>>) src(%dma_wait3A_295 : memref<80x64xf32, #tpu.memory_space<vmem>>) dst(%dma_wait3A_301 : memref<10240x64xf32, #tpu.memory_space<vmem_shared>>)
    %barrier3A_302 = arith.constant 0 : index
    tpu.barrier barrier_id(%barrier3A_302)
    %mul3A_303 = arith.constant 64 : i32
    %mul3A_304 = arith.muli %arg0, %mul3A_303 : i32
    "tpu.region"() ({
      %run_scoped3A = tpu.sem_alloc : memref<!tpu.dma_semaphore, #tpu.memory_space<semaphore_mem>>
      %dma_start3A_305 = tpu.memref_slice %arg5[%mul3A_8, %mul3A_304] : memref<10240x128xf32, #tpu.memory_space<hbm>> -> memref<640x64xf32, #tpu.memory_space<hbm>>
      %dma_start3A_306 = arith.constant 0 : i32
      %dma_start3A_307 = tpu.memref_slice %arg10[%mul3A_8, %dma_start3A_306] : memref<10240x64xf32, #tpu.memory_space<vmem_shared>> -> memref<640x64xf32, #tpu.memory_space<vmem_shared>>
      tpu.enqueue_dma source(%dma_start3A_307 : memref<640x64xf32, #tpu.memory_space<vmem_shared>>) target(%dma_start3A_305 : memref<640x64xf32, #tpu.memory_space<hbm>>) target_semaphore(%run_scoped3A : memref<!tpu.dma_semaphore, #tpu.memory_space<semaphore_mem>>)
      %dma_wait3A_308 = tpu.memref_slice %arg5[%mul3A_8, %mul3A_304] : memref<10240x128xf32, #tpu.memory_space<hbm>> -> memref<640x64xf32, #tpu.memory_space<hbm>>
      %dma_wait3A_309 = arith.constant 0 : i32
      %dma_wait3A_310 = tpu.memref_slice %arg10[%mul3A_8, %dma_wait3A_309] : memref<10240x64xf32, #tpu.memory_space<vmem_shared>> -> memref<640x64xf32, #tpu.memory_space<vmem_shared>>
      tpu.wait_dma2 semaphore(%run_scoped3A : memref<!tpu.dma_semaphore, #tpu.memory_space<semaphore_mem>>) src(%dma_wait3A_310 : memref<640x64xf32, #tpu.memory_space<vmem_shared>>) dst(%dma_wait3A_308 : memref<640x64xf32, #tpu.memory_space<hbm>>)
      tpu.yield
    }) : () -> ()
    return
  }
}

#map = affine_map<(d0, d1) -> (0, 0)>
#map1 = affine_map<(d0, d1) -> (0, 0, 0)>
module attributes {stable_mosaic.version = 14 : i64} {
  func.func @body(%arg0: i32, %arg1: i32, %arg2: memref<20000x64xf32, #tpu.memory_space<hbm>>, %arg3: memref<16x250x80xi32, #tpu.memory_space<hbm>>, %arg4: memref<16x250x80xi32, #tpu.memory_space<hbm>>, %arg5: memref<10240x128xf32, #tpu.memory_space<hbm>>, %arg6: memref<20480x16xf32, #tpu.memory_space<hbm>>, %arg7: memref<250x80xi32, #tpu.memory_space<vmem>>, %arg8: memref<250x80xi32, #tpu.memory_space<vmem>>, %arg9: memref<5x80x64xf32, #tpu.memory_space<vmem>>, %arg10: memref<64x64xf32, #tpu.memory_space<vmem>>, %arg11: memref<80x16xf32, #tpu.memory_space<vmem>>, %arg12: memref<64x16xf32, #tpu.memory_space<vmem>>, %arg13: memref<10240x64xf32, #tpu.memory_space<vmem_shared>>, %arg14: memref<10240x16xf32, #tpu.memory_space<vmem_shared>>, %arg15: memref<!tpu.dma_semaphore, #tpu.memory_space<semaphore_mem>>, %arg16: memref<!tpu.dma_semaphore, #tpu.memory_space<semaphore_mem>>, %arg17: memref<!tpu.dma_semaphore, #tpu.memory_space<semaphore_mem>>) attributes {dimension_semantics = [#tpu.dimension_semantics<core_parallel>, #tpu.dimension_semantics<subcore_parallel>], iteration_bounds = array<i64: 2, 16>, scalar_prefetch = 0 : i64, scratch_operands = 11 : i64, tpu.core_type = #tpu.core_type<sc_vector_subcore>, window_params = [{transform_indices = #map}, {transform_indices = #map1}, {transform_indices = #map1}, {transform_indices = #map}, {transform_indices = #map}]} {
    %scan3A = arith.constant 0 : i32
    %scan3A_0 = arith.constant 0 : i32
    %scan3A_1 = arith.constant 64 : i32
    %scan3A_2 = arith.addi %scan3A_0, %scan3A_1 : i32
    %scan3A_3 = arith.constant 1 : i32
    %scan3A_4 = scf.for %scan3A_376 = %scan3A_0 to %scan3A_2 step %scan3A_3 iter_args(%scan3A_377 = %scan3A) -> (i32)  : i32 {
      %scan3A_378 = arith.constant 0 : i32
      %scan3A_379 = arith.constant 0 : i32
      %scan3A_380 = arith.constant 4 : i32
      %scan3A_381 = arith.addi %scan3A_379, %scan3A_380 : i32
      %scan3A_382 = arith.constant 1 : i32
      %scan3A_383 = scf.for %scan3A_385 = %scan3A_379 to %scan3A_381 step %scan3A_382 iter_args(%scan3A_386 = %scan3A_378) -> (i32)  : i32 {
        %broadcast_in_dim3A = arith.constant 0.000000e+00 : f32
        %broadcast_in_dim3A_387 = vector.broadcast %broadcast_in_dim3A : f32 to vector<16xf32>
        %mul3A_388 = arith.constant 16 : i32
        %mul3A_389 = arith.muli %scan3A_385, %mul3A_388 : i32
        %swap3A_390 = arith.index_cast %scan3A_376 : i32 to index
        %swap3A_391 = arith.index_cast %mul3A_389 : i32 to index
        %swap3A_392 = tpu.vector_load %arg10[%swap3A_390, %swap3A_391] {strides = array<i32>} : memref<64x64xf32, #tpu.memory_space<vmem>>, vector<1x16xf32>,
        %swap3A_393 = vector.shape_cast %swap3A_392 : vector<1x16xf32> to vector<16xf32>
        %swap3A_394 = vector.shape_cast %broadcast_in_dim3A_387 : vector<16xf32> to vector<1x16xf32>
        tpu.vector_store %arg10[%swap3A_390, %swap3A_391], %swap3A_394 {strides = array<i32>} : memref<64x64xf32, #tpu.memory_space<vmem>>, vector<1x16xf32>,
        %scan3A_395 = arith.constant 0 : i32
        scf.yield %scan3A_395 : i32
      }
      %scan3A_384 = arith.constant 4 : i32
      scf.yield %scan3A_383 : i32
    }
    %scan3A_5 = arith.constant 64 : i32
    %scan3A_6 = arith.constant 0 : i32
    %scan3A_7 = arith.constant 0 : i32
    %scan3A_8 = arith.constant 80 : i32
    %scan3A_9 = arith.addi %scan3A_7, %scan3A_8 : i32
    %scan3A_10 = arith.constant 1 : i32
    %scan3A_11 = scf.for %scan3A_376 = %scan3A_7 to %scan3A_9 step %scan3A_10 iter_args(%scan3A_377 = %scan3A_6) -> (i32)  : i32 {
      %scan3A_378 = arith.constant 0 : i32
      %scan3A_379 = arith.constant 0 : i32
      %broadcast_in_dim3A = arith.constant 1.000000e+00 : f32
      %broadcast_in_dim3A_380 = vector.broadcast %broadcast_in_dim3A : f32 to vector<16xf32>
      %mul3A_381 = arith.constant 16 : i32
      %mul3A_382 = arith.muli %scan3A_379, %mul3A_381 : i32
      %swap3A_383 = arith.index_cast %scan3A_376 : i32 to index
      %swap3A_384 = arith.index_cast %mul3A_382 : i32 to index
      %swap3A_385 = tpu.vector_load %arg11[%swap3A_383, %swap3A_384] {strides = array<i32>} : memref<80x16xf32, #tpu.memory_space<vmem>>, vector<1x16xf32>,
      %swap3A_386 = vector.shape_cast %swap3A_385 : vector<1x16xf32> to vector<16xf32>
      %swap3A_387 = vector.shape_cast %broadcast_in_dim3A_380 : vector<16xf32> to vector<1x16xf32>
      tpu.vector_store %arg11[%swap3A_383, %swap3A_384], %swap3A_387 {strides = array<i32>} : memref<80x16xf32, #tpu.memory_space<vmem>>, vector<1x16xf32>,
      %scan3A_388 = arith.constant 0 : i32
      %scan3A_389 = arith.constant 1 : i32
      scf.yield %scan3A_388 : i32
    }
    %scan3A_12 = arith.constant 80 : i32
    %scan3A_13 = arith.constant 0 : i32
    %scan3A_14 = arith.constant 0 : i32
    %scan3A_15 = arith.constant 64 : i32
    %scan3A_16 = arith.addi %scan3A_14, %scan3A_15 : i32
    %scan3A_17 = arith.constant 1 : i32
    %scan3A_18 = scf.for %scan3A_376 = %scan3A_14 to %scan3A_16 step %scan3A_17 iter_args(%scan3A_377 = %scan3A_13) -> (i32)  : i32 {
      %scan3A_378 = arith.constant 0 : i32
      %scan3A_379 = arith.constant 0 : i32
      %broadcast_in_dim3A = arith.constant 0.000000e+00 : f32
      %broadcast_in_dim3A_380 = vector.broadcast %broadcast_in_dim3A : f32 to vector<16xf32>
      %mul3A_381 = arith.constant 16 : i32
      %mul3A_382 = arith.muli %scan3A_379, %mul3A_381 : i32
      %swap3A_383 = arith.index_cast %scan3A_376 : i32 to index
      %swap3A_384 = arith.index_cast %mul3A_382 : i32 to index
      %swap3A_385 = tpu.vector_load %arg12[%swap3A_383, %swap3A_384] {strides = array<i32>} : memref<64x16xf32, #tpu.memory_space<vmem>>, vector<1x16xf32>,
      %swap3A_386 = vector.shape_cast %swap3A_385 : vector<1x16xf32> to vector<16xf32>
      %swap3A_387 = vector.shape_cast %broadcast_in_dim3A_380 : vector<16xf32> to vector<1x16xf32>
      tpu.vector_store %arg12[%swap3A_383, %swap3A_384], %swap3A_387 {strides = array<i32>} : memref<64x16xf32, #tpu.memory_space<vmem>>, vector<1x16xf32>,
      %scan3A_388 = arith.constant 0 : i32
      %scan3A_389 = arith.constant 1 : i32
      scf.yield %scan3A_388 : i32
    }
    %scan3A_19 = arith.constant 64 : i32
    %mul3A = arith.constant 640 : i32
    %mul3A_20 = arith.muli %arg1, %mul3A : i32
    %add3A = arith.constant 0 : i32
    %add3A_21 = arith.addi %mul3A_20, %add3A : i32
    "tpu.region"() ({
      %run_scoped3A = tpu.sem_alloc : memref<!tpu.dma_semaphore, #tpu.memory_space<semaphore_mem>>
      %dma_start3A_376 = arith.constant 0 : i32
      %dma_start3A_377 = tpu.memref_slice %arg13[%add3A_21, %dma_start3A_376] : memref<10240x64xf32, #tpu.memory_space<vmem_shared>> -> memref<64x64xf32, #tpu.memory_space<vmem_shared>>
      %dma_start3A_378 = arith.constant 0 : i32
      %dma_start3A_379 = tpu.memref_slice %arg13[%add3A_21, %dma_start3A_378] : memref<10240x64xf32, #tpu.memory_space<vmem_shared>> -> memref<64x64xf32, #tpu.memory_space<vmem_shared>>
      tpu.enqueue_dma source(%arg10 : memref<64x64xf32, #tpu.memory_space<vmem>>) target(%dma_start3A_379 : memref<64x64xf32, #tpu.memory_space<vmem_shared>>) target_semaphore(%run_scoped3A : memref<!tpu.dma_semaphore, #tpu.memory_space<semaphore_mem>>)
      %dma_wait3A_380 = arith.constant 0 : i32
      %dma_wait3A_381 = tpu.memref_slice %arg13[%add3A_21, %dma_wait3A_380] : memref<10240x64xf32, #tpu.memory_space<vmem_shared>> -> memref<64x64xf32, #tpu.memory_space<vmem_shared>>
      %dma_wait3A_382 = arith.constant 0 : i32
      %dma_wait3A_383 = tpu.memref_slice %arg13[%add3A_21, %dma_wait3A_382] : memref<10240x64xf32, #tpu.memory_space<vmem_shared>> -> memref<64x64xf32, #tpu.memory_space<vmem_shared>>
      tpu.wait_dma2 semaphore(%run_scoped3A : memref<!tpu.dma_semaphore, #tpu.memory_space<semaphore_mem>>) src(%arg10 : memref<64x64xf32, #tpu.memory_space<vmem>>) dst(%dma_wait3A_383 : memref<64x64xf32, #tpu.memory_space<vmem_shared>>)
      tpu.yield
    }) : () -> ()
    %add3A_22 = arith.constant 0 : i32
    %add3A_23 = arith.addi %mul3A_20, %add3A_22 : i32
    "tpu.region"() ({
      %run_scoped3A = tpu.sem_alloc : memref<!tpu.dma_semaphore, #tpu.memory_space<semaphore_mem>>
      %dma_start3A_376 = arith.constant 0 : i32
      %dma_start3A_377 = tpu.memref_slice %arg14[%add3A_23, %dma_start3A_376] : memref<10240x16xf32, #tpu.memory_space<vmem_shared>> -> memref<64x16xf32, #tpu.memory_space<vmem_shared>>
      %dma_start3A_378 = arith.constant 0 : i32
      %dma_start3A_379 = tpu.memref_slice %arg14[%add3A_23, %dma_start3A_378] : memref<10240x16xf32, #tpu.memory_space<vmem_shared>> -> memref<64x16xf32, #tpu.memory_space<vmem_shared>>
      tpu.enqueue_dma source(%arg12 : memref<64x16xf32, #tpu.memory_space<vmem>>) target(%dma_start3A_379 : memref<64x16xf32, #tpu.memory_space<vmem_shared>>) target_semaphore(%run_scoped3A : memref<!tpu.dma_semaphore, #tpu.memory_space<semaphore_mem>>)
      %dma_wait3A_380 = arith.constant 0 : i32
      %dma_wait3A_381 = tpu.memref_slice %arg14[%add3A_23, %dma_wait3A_380] : memref<10240x16xf32, #tpu.memory_space<vmem_shared>> -> memref<64x16xf32, #tpu.memory_space<vmem_shared>>
      %dma_wait3A_382 = arith.constant 0 : i32
      %dma_wait3A_383 = tpu.memref_slice %arg14[%add3A_23, %dma_wait3A_382] : memref<10240x16xf32, #tpu.memory_space<vmem_shared>> -> memref<64x16xf32, #tpu.memory_space<vmem_shared>>
      tpu.wait_dma2 semaphore(%run_scoped3A : memref<!tpu.dma_semaphore, #tpu.memory_space<semaphore_mem>>) src(%arg12 : memref<64x16xf32, #tpu.memory_space<vmem>>) dst(%dma_wait3A_383 : memref<64x16xf32, #tpu.memory_space<vmem_shared>>)
      tpu.yield
    }) : () -> ()
    %add3A_24 = arith.constant 64 : i32
    %add3A_25 = arith.addi %mul3A_20, %add3A_24 : i32
    "tpu.region"() ({
      %run_scoped3A = tpu.sem_alloc : memref<!tpu.dma_semaphore, #tpu.memory_space<semaphore_mem>>
      %dma_start3A_376 = arith.constant 0 : i32
      %dma_start3A_377 = tpu.memref_slice %arg13[%add3A_25, %dma_start3A_376] : memref<10240x64xf32, #tpu.memory_space<vmem_shared>> -> memref<64x64xf32, #tpu.memory_space<vmem_shared>>
      %dma_start3A_378 = arith.constant 0 : i32
      %dma_start3A_379 = tpu.memref_slice %arg13[%add3A_25, %dma_start3A_378] : memref<10240x64xf32, #tpu.memory_space<vmem_shared>> -> memref<64x64xf32, #tpu.memory_space<vmem_shared>>
      tpu.enqueue_dma source(%arg10 : memref<64x64xf32, #tpu.memory_space<vmem>>) target(%dma_start3A_379 : memref<64x64xf32, #tpu.memory_space<vmem_shared>>) target_semaphore(%run_scoped3A : memref<!tpu.dma_semaphore, #tpu.memory_space<semaphore_mem>>)
      %dma_wait3A_380 = arith.constant 0 : i32
      %dma_wait3A_381 = tpu.memref_slice %arg13[%add3A_25, %dma_wait3A_380] : memref<10240x64xf32, #tpu.memory_space<vmem_shared>> -> memref<64x64xf32, #tpu.memory_space<vmem_shared>>
      %dma_wait3A_382 = arith.constant 0 : i32
      %dma_wait3A_383 = tpu.memref_slice %arg13[%add3A_25, %dma_wait3A_382] : memref<10240x64xf32, #tpu.memory_space<vmem_shared>> -> memref<64x64xf32, #tpu.memory_space<vmem_shared>>
      tpu.wait_dma2 semaphore(%run_scoped3A : memref<!tpu.dma_semaphore, #tpu.memory_space<semaphore_mem>>) src(%arg10 : memref<64x64xf32, #tpu.memory_space<vmem>>) dst(%dma_wait3A_383 : memref<64x64xf32, #tpu.memory_space<vmem_shared>>)
      tpu.yield
    }) : () -> ()
    %add3A_26 = arith.constant 64 : i32
    %add3A_27 = arith.addi %mul3A_20, %add3A_26 : i32
    "tpu.region"() ({
      %run_scoped3A = tpu.sem_alloc : memref<!tpu.dma_semaphore, #tpu.memory_space<semaphore_mem>>
      %dma_start3A_376 = arith.constant 0 : i32
      %dma_start3A_377 = tpu.memref_slice %arg14[%add3A_27, %dma_start3A_376] : memref<10240x16xf32, #tpu.memory_space<vmem_shared>> -> memref<64x16xf32, #tpu.memory_space<vmem_shared>>
      %dma_start3A_378 = arith.constant 0 : i32
      %dma_start3A_379 = tpu.memref_slice %arg14[%add3A_27, %dma_start3A_378] : memref<10240x16xf32, #tpu.memory_space<vmem_shared>> -> memref<64x16xf32, #tpu.memory_space<vmem_shared>>
      tpu.enqueue_dma source(%arg12 : memref<64x16xf32, #tpu.memory_space<vmem>>) target(%dma_start3A_379 : memref<64x16xf32, #tpu.memory_space<vmem_shared>>) target_semaphore(%run_scoped3A : memref<!tpu.dma_semaphore, #tpu.memory_space<semaphore_mem>>)
      %dma_wait3A_380 = arith.constant 0 : i32
      %dma_wait3A_381 = tpu.memref_slice %arg14[%add3A_27, %dma_wait3A_380] : memref<10240x16xf32, #tpu.memory_space<vmem_shared>> -> memref<64x16xf32, #tpu.memory_space<vmem_shared>>
      %dma_wait3A_382 = arith.constant 0 : i32
      %dma_wait3A_383 = tpu.memref_slice %arg14[%add3A_27, %dma_wait3A_382] : memref<10240x16xf32, #tpu.memory_space<vmem_shared>> -> memref<64x16xf32, #tpu.memory_space<vmem_shared>>
      tpu.wait_dma2 semaphore(%run_scoped3A : memref<!tpu.dma_semaphore, #tpu.memory_space<semaphore_mem>>) src(%arg12 : memref<64x16xf32, #tpu.memory_space<vmem>>) dst(%dma_wait3A_383 : memref<64x16xf32, #tpu.memory_space<vmem_shared>>)
      tpu.yield
    }) : () -> ()
    %add3A_28 = arith.constant 128 : i32
    %add3A_29 = arith.addi %mul3A_20, %add3A_28 : i32
    "tpu.region"() ({
      %run_scoped3A = tpu.sem_alloc : memref<!tpu.dma_semaphore, #tpu.memory_space<semaphore_mem>>
      %dma_start3A_376 = arith.constant 0 : i32
      %dma_start3A_377 = tpu.memref_slice %arg13[%add3A_29, %dma_start3A_376] : memref<10240x64xf32, #tpu.memory_space<vmem_shared>> -> memref<64x64xf32, #tpu.memory_space<vmem_shared>>
      %dma_start3A_378 = arith.constant 0 : i32
      %dma_start3A_379 = tpu.memref_slice %arg13[%add3A_29, %dma_start3A_378] : memref<10240x64xf32, #tpu.memory_space<vmem_shared>> -> memref<64x64xf32, #tpu.memory_space<vmem_shared>>
      tpu.enqueue_dma source(%arg10 : memref<64x64xf32, #tpu.memory_space<vmem>>) target(%dma_start3A_379 : memref<64x64xf32, #tpu.memory_space<vmem_shared>>) target_semaphore(%run_scoped3A : memref<!tpu.dma_semaphore, #tpu.memory_space<semaphore_mem>>)
      %dma_wait3A_380 = arith.constant 0 : i32
      %dma_wait3A_381 = tpu.memref_slice %arg13[%add3A_29, %dma_wait3A_380] : memref<10240x64xf32, #tpu.memory_space<vmem_shared>> -> memref<64x64xf32, #tpu.memory_space<vmem_shared>>
      %dma_wait3A_382 = arith.constant 0 : i32
      %dma_wait3A_383 = tpu.memref_slice %arg13[%add3A_29, %dma_wait3A_382] : memref<10240x64xf32, #tpu.memory_space<vmem_shared>> -> memref<64x64xf32, #tpu.memory_space<vmem_shared>>
      tpu.wait_dma2 semaphore(%run_scoped3A : memref<!tpu.dma_semaphore, #tpu.memory_space<semaphore_mem>>) src(%arg10 : memref<64x64xf32, #tpu.memory_space<vmem>>) dst(%dma_wait3A_383 : memref<64x64xf32, #tpu.memory_space<vmem_shared>>)
      tpu.yield
    }) : () -> ()
    %add3A_30 = arith.constant 128 : i32
    %add3A_31 = arith.addi %mul3A_20, %add3A_30 : i32
    "tpu.region"() ({
      %run_scoped3A = tpu.sem_alloc : memref<!tpu.dma_semaphore, #tpu.memory_space<semaphore_mem>>
      %dma_start3A_376 = arith.constant 0 : i32
      %dma_start3A_377 = tpu.memref_slice %arg14[%add3A_31, %dma_start3A_376] : memref<10240x16xf32, #tpu.memory_space<vmem_shared>> -> memref<64x16xf32, #tpu.memory_space<vmem_shared>>
      %dma_start3A_378 = arith.constant 0 : i32
      %dma_start3A_379 = tpu.memref_slice %arg14[%add3A_31, %dma_start3A_378] : memref<10240x16xf32, #tpu.memory_space<vmem_shared>> -> memref<64x16xf32, #tpu.memory_space<vmem_shared>>
      tpu.enqueue_dma source(%arg12 : memref<64x16xf32, #tpu.memory_space<vmem>>) target(%dma_start3A_379 : memref<64x16xf32, #tpu.memory_space<vmem_shared>>) target_semaphore(%run_scoped3A : memref<!tpu.dma_semaphore, #tpu.memory_space<semaphore_mem>>)
      %dma_wait3A_380 = arith.constant 0 : i32
      %dma_wait3A_381 = tpu.memref_slice %arg14[%add3A_31, %dma_wait3A_380] : memref<10240x16xf32, #tpu.memory_space<vmem_shared>> -> memref<64x16xf32, #tpu.memory_space<vmem_shared>>
      %dma_wait3A_382 = arith.constant 0 : i32
      %dma_wait3A_383 = tpu.memref_slice %arg14[%add3A_31, %dma_wait3A_382] : memref<10240x16xf32, #tpu.memory_space<vmem_shared>> -> memref<64x16xf32, #tpu.memory_space<vmem_shared>>
      tpu.wait_dma2 semaphore(%run_scoped3A : memref<!tpu.dma_semaphore, #tpu.memory_space<semaphore_mem>>) src(%arg12 : memref<64x16xf32, #tpu.memory_space<vmem>>) dst(%dma_wait3A_383 : memref<64x16xf32, #tpu.memory_space<vmem_shared>>)
      tpu.yield
    }) : () -> ()
    %add3A_32 = arith.constant 192 : i32
    %add3A_33 = arith.addi %mul3A_20, %add3A_32 : i32
    "tpu.region"() ({
      %run_scoped3A = tpu.sem_alloc : memref<!tpu.dma_semaphore, #tpu.memory_space<semaphore_mem>>
      %dma_start3A_376 = arith.constant 0 : i32
      %dma_start3A_377 = tpu.memref_slice %arg13[%add3A_33, %dma_start3A_376] : memref<10240x64xf32, #tpu.memory_space<vmem_shared>> -> memref<64x64xf32, #tpu.memory_space<vmem_shared>>
      %dma_start3A_378 = arith.constant 0 : i32
      %dma_start3A_379 = tpu.memref_slice %arg13[%add3A_33, %dma_start3A_378] : memref<10240x64xf32, #tpu.memory_space<vmem_shared>> -> memref<64x64xf32, #tpu.memory_space<vmem_shared>>
      tpu.enqueue_dma source(%arg10 : memref<64x64xf32, #tpu.memory_space<vmem>>) target(%dma_start3A_379 : memref<64x64xf32, #tpu.memory_space<vmem_shared>>) target_semaphore(%run_scoped3A : memref<!tpu.dma_semaphore, #tpu.memory_space<semaphore_mem>>)
      %dma_wait3A_380 = arith.constant 0 : i32
      %dma_wait3A_381 = tpu.memref_slice %arg13[%add3A_33, %dma_wait3A_380] : memref<10240x64xf32, #tpu.memory_space<vmem_shared>> -> memref<64x64xf32, #tpu.memory_space<vmem_shared>>
      %dma_wait3A_382 = arith.constant 0 : i32
      %dma_wait3A_383 = tpu.memref_slice %arg13[%add3A_33, %dma_wait3A_382] : memref<10240x64xf32, #tpu.memory_space<vmem_shared>> -> memref<64x64xf32, #tpu.memory_space<vmem_shared>>
      tpu.wait_dma2 semaphore(%run_scoped3A : memref<!tpu.dma_semaphore, #tpu.memory_space<semaphore_mem>>) src(%arg10 : memref<64x64xf32, #tpu.memory_space<vmem>>) dst(%dma_wait3A_383 : memref<64x64xf32, #tpu.memory_space<vmem_shared>>)
      tpu.yield
    }) : () -> ()
    %add3A_34 = arith.constant 192 : i32
    %add3A_35 = arith.addi %mul3A_20, %add3A_34 : i32
    "tpu.region"() ({
      %run_scoped3A = tpu.sem_alloc : memref<!tpu.dma_semaphore, #tpu.memory_space<semaphore_mem>>
      %dma_start3A_376 = arith.constant 0 : i32
      %dma_start3A_377 = tpu.memref_slice %arg14[%add3A_35, %dma_start3A_376] : memref<10240x16xf32, #tpu.memory_space<vmem_shared>> -> memref<64x16xf32, #tpu.memory_space<vmem_shared>>
      %dma_start3A_378 = arith.constant 0 : i32
      %dma_start3A_379 = tpu.memref_slice %arg14[%add3A_35, %dma_start3A_378] : memref<10240x16xf32, #tpu.memory_space<vmem_shared>> -> memref<64x16xf32, #tpu.memory_space<vmem_shared>>
      tpu.enqueue_dma source(%arg12 : memref<64x16xf32, #tpu.memory_space<vmem>>) target(%dma_start3A_379 : memref<64x16xf32, #tpu.memory_space<vmem_shared>>) target_semaphore(%run_scoped3A : memref<!tpu.dma_semaphore, #tpu.memory_space<semaphore_mem>>)
      %dma_wait3A_380 = arith.constant 0 : i32
      %dma_wait3A_381 = tpu.memref_slice %arg14[%add3A_35, %dma_wait3A_380] : memref<10240x16xf32, #tpu.memory_space<vmem_shared>> -> memref<64x16xf32, #tpu.memory_space<vmem_shared>>
      %dma_wait3A_382 = arith.constant 0 : i32
      %dma_wait3A_383 = tpu.memref_slice %arg14[%add3A_35, %dma_wait3A_382] : memref<10240x16xf32, #tpu.memory_space<vmem_shared>> -> memref<64x16xf32, #tpu.memory_space<vmem_shared>>
      tpu.wait_dma2 semaphore(%run_scoped3A : memref<!tpu.dma_semaphore, #tpu.memory_space<semaphore_mem>>) src(%arg12 : memref<64x16xf32, #tpu.memory_space<vmem>>) dst(%dma_wait3A_383 : memref<64x16xf32, #tpu.memory_space<vmem_shared>>)
      tpu.yield
    }) : () -> ()
    %add3A_36 = arith.constant 256 : i32
    %add3A_37 = arith.addi %mul3A_20, %add3A_36 : i32
    "tpu.region"() ({
      %run_scoped3A = tpu.sem_alloc : memref<!tpu.dma_semaphore, #tpu.memory_space<semaphore_mem>>
      %dma_start3A_376 = arith.constant 0 : i32
      %dma_start3A_377 = tpu.memref_slice %arg13[%add3A_37, %dma_start3A_376] : memref<10240x64xf32, #tpu.memory_space<vmem_shared>> -> memref<64x64xf32, #tpu.memory_space<vmem_shared>>
      %dma_start3A_378 = arith.constant 0 : i32
      %dma_start3A_379 = tpu.memref_slice %arg13[%add3A_37, %dma_start3A_378] : memref<10240x64xf32, #tpu.memory_space<vmem_shared>> -> memref<64x64xf32, #tpu.memory_space<vmem_shared>>
      tpu.enqueue_dma source(%arg10 : memref<64x64xf32, #tpu.memory_space<vmem>>) target(%dma_start3A_379 : memref<64x64xf32, #tpu.memory_space<vmem_shared>>) target_semaphore(%run_scoped3A : memref<!tpu.dma_semaphore, #tpu.memory_space<semaphore_mem>>)
      %dma_wait3A_380 = arith.constant 0 : i32
      %dma_wait3A_381 = tpu.memref_slice %arg13[%add3A_37, %dma_wait3A_380] : memref<10240x64xf32, #tpu.memory_space<vmem_shared>> -> memref<64x64xf32, #tpu.memory_space<vmem_shared>>
      %dma_wait3A_382 = arith.constant 0 : i32
      %dma_wait3A_383 = tpu.memref_slice %arg13[%add3A_37, %dma_wait3A_382] : memref<10240x64xf32, #tpu.memory_space<vmem_shared>> -> memref<64x64xf32, #tpu.memory_space<vmem_shared>>
      tpu.wait_dma2 semaphore(%run_scoped3A : memref<!tpu.dma_semaphore, #tpu.memory_space<semaphore_mem>>) src(%arg10 : memref<64x64xf32, #tpu.memory_space<vmem>>) dst(%dma_wait3A_383 : memref<64x64xf32, #tpu.memory_space<vmem_shared>>)
      tpu.yield
    }) : () -> ()
    %add3A_38 = arith.constant 256 : i32
    %add3A_39 = arith.addi %mul3A_20, %add3A_38 : i32
    "tpu.region"() ({
      %run_scoped3A = tpu.sem_alloc : memref<!tpu.dma_semaphore, #tpu.memory_space<semaphore_mem>>
      %dma_start3A_376 = arith.constant 0 : i32
      %dma_start3A_377 = tpu.memref_slice %arg14[%add3A_39, %dma_start3A_376] : memref<10240x16xf32, #tpu.memory_space<vmem_shared>> -> memref<64x16xf32, #tpu.memory_space<vmem_shared>>
      %dma_start3A_378 = arith.constant 0 : i32
      %dma_start3A_379 = tpu.memref_slice %arg14[%add3A_39, %dma_start3A_378] : memref<10240x16xf32, #tpu.memory_space<vmem_shared>> -> memref<64x16xf32, #tpu.memory_space<vmem_shared>>
      tpu.enqueue_dma source(%arg12 : memref<64x16xf32, #tpu.memory_space<vmem>>) target(%dma_start3A_379 : memref<64x16xf32, #tpu.memory_space<vmem_shared>>) target_semaphore(%run_scoped3A : memref<!tpu.dma_semaphore, #tpu.memory_space<semaphore_mem>>)
      %dma_wait3A_380 = arith.constant 0 : i32
      %dma_wait3A_381 = tpu.memref_slice %arg14[%add3A_39, %dma_wait3A_380] : memref<10240x16xf32, #tpu.memory_space<vmem_shared>> -> memref<64x16xf32, #tpu.memory_space<vmem_shared>>
      %dma_wait3A_382 = arith.constant 0 : i32
      %dma_wait3A_383 = tpu.memref_slice %arg14[%add3A_39, %dma_wait3A_382] : memref<10240x16xf32, #tpu.memory_space<vmem_shared>> -> memref<64x16xf32, #tpu.memory_space<vmem_shared>>
      tpu.wait_dma2 semaphore(%run_scoped3A : memref<!tpu.dma_semaphore, #tpu.memory_space<semaphore_mem>>) src(%arg12 : memref<64x16xf32, #tpu.memory_space<vmem>>) dst(%dma_wait3A_383 : memref<64x16xf32, #tpu.memory_space<vmem_shared>>)
      tpu.yield
    }) : () -> ()
    %add3A_40 = arith.constant 320 : i32
    %add3A_41 = arith.addi %mul3A_20, %add3A_40 : i32
    "tpu.region"() ({
      %run_scoped3A = tpu.sem_alloc : memref<!tpu.dma_semaphore, #tpu.memory_space<semaphore_mem>>
      %dma_start3A_376 = arith.constant 0 : i32
      %dma_start3A_377 = tpu.memref_slice %arg13[%add3A_41, %dma_start3A_376] : memref<10240x64xf32, #tpu.memory_space<vmem_shared>> -> memref<64x64xf32, #tpu.memory_space<vmem_shared>>
      %dma_start3A_378 = arith.constant 0 : i32
      %dma_start3A_379 = tpu.memref_slice %arg13[%add3A_41, %dma_start3A_378] : memref<10240x64xf32, #tpu.memory_space<vmem_shared>> -> memref<64x64xf32, #tpu.memory_space<vmem_shared>>
      tpu.enqueue_dma source(%arg10 : memref<64x64xf32, #tpu.memory_space<vmem>>) target(%dma_start3A_379 : memref<64x64xf32, #tpu.memory_space<vmem_shared>>) target_semaphore(%run_scoped3A : memref<!tpu.dma_semaphore, #tpu.memory_space<semaphore_mem>>)
      %dma_wait3A_380 = arith.constant 0 : i32
      %dma_wait3A_381 = tpu.memref_slice %arg13[%add3A_41, %dma_wait3A_380] : memref<10240x64xf32, #tpu.memory_space<vmem_shared>> -> memref<64x64xf32, #tpu.memory_space<vmem_shared>>
      %dma_wait3A_382 = arith.constant 0 : i32
      %dma_wait3A_383 = tpu.memref_slice %arg13[%add3A_41, %dma_wait3A_382] : memref<10240x64xf32, #tpu.memory_space<vmem_shared>> -> memref<64x64xf32, #tpu.memory_space<vmem_shared>>
      tpu.wait_dma2 semaphore(%run_scoped3A : memref<!tpu.dma_semaphore, #tpu.memory_space<semaphore_mem>>) src(%arg10 : memref<64x64xf32, #tpu.memory_space<vmem>>) dst(%dma_wait3A_383 : memref<64x64xf32, #tpu.memory_space<vmem_shared>>)
      tpu.yield
    }) : () -> ()
    %add3A_42 = arith.constant 320 : i32
    %add3A_43 = arith.addi %mul3A_20, %add3A_42 : i32
    "tpu.region"() ({
      %run_scoped3A = tpu.sem_alloc : memref<!tpu.dma_semaphore, #tpu.memory_space<semaphore_mem>>
      %dma_start3A_376 = arith.constant 0 : i32
      %dma_start3A_377 = tpu.memref_slice %arg14[%add3A_43, %dma_start3A_376] : memref<10240x16xf32, #tpu.memory_space<vmem_shared>> -> memref<64x16xf32, #tpu.memory_space<vmem_shared>>
      %dma_start3A_378 = arith.constant 0 : i32
      %dma_start3A_379 = tpu.memref_slice %arg14[%add3A_43, %dma_start3A_378] : memref<10240x16xf32, #tpu.memory_space<vmem_shared>> -> memref<64x16xf32, #tpu.memory_space<vmem_shared>>
      tpu.enqueue_dma source(%arg12 : memref<64x16xf32, #tpu.memory_space<vmem>>) target(%dma_start3A_379 : memref<64x16xf32, #tpu.memory_space<vmem_shared>>) target_semaphore(%run_scoped3A : memref<!tpu.dma_semaphore, #tpu.memory_space<semaphore_mem>>)
      %dma_wait3A_380 = arith.constant 0 : i32
      %dma_wait3A_381 = tpu.memref_slice %arg14[%add3A_43, %dma_wait3A_380] : memref<10240x16xf32, #tpu.memory_space<vmem_shared>> -> memref<64x16xf32, #tpu.memory_space<vmem_shared>>
      %dma_wait3A_382 = arith.constant 0 : i32
      %dma_wait3A_383 = tpu.memref_slice %arg14[%add3A_43, %dma_wait3A_382] : memref<10240x16xf32, #tpu.memory_space<vmem_shared>> -> memref<64x16xf32, #tpu.memory_space<vmem_shared>>
      tpu.wait_dma2 semaphore(%run_scoped3A : memref<!tpu.dma_semaphore, #tpu.memory_space<semaphore_mem>>) src(%arg12 : memref<64x16xf32, #tpu.memory_space<vmem>>) dst(%dma_wait3A_383 : memref<64x16xf32, #tpu.memory_space<vmem_shared>>)
      tpu.yield
    }) : () -> ()
    %add3A_44 = arith.constant 384 : i32
    %add3A_45 = arith.addi %mul3A_20, %add3A_44 : i32
    "tpu.region"() ({
      %run_scoped3A = tpu.sem_alloc : memref<!tpu.dma_semaphore, #tpu.memory_space<semaphore_mem>>
      %dma_start3A_376 = arith.constant 0 : i32
      %dma_start3A_377 = tpu.memref_slice %arg13[%add3A_45, %dma_start3A_376] : memref<10240x64xf32, #tpu.memory_space<vmem_shared>> -> memref<64x64xf32, #tpu.memory_space<vmem_shared>>
      %dma_start3A_378 = arith.constant 0 : i32
      %dma_start3A_379 = tpu.memref_slice %arg13[%add3A_45, %dma_start3A_378] : memref<10240x64xf32, #tpu.memory_space<vmem_shared>> -> memref<64x64xf32, #tpu.memory_space<vmem_shared>>
      tpu.enqueue_dma source(%arg10 : memref<64x64xf32, #tpu.memory_space<vmem>>) target(%dma_start3A_379 : memref<64x64xf32, #tpu.memory_space<vmem_shared>>) target_semaphore(%run_scoped3A : memref<!tpu.dma_semaphore, #tpu.memory_space<semaphore_mem>>)
      %dma_wait3A_380 = arith.constant 0 : i32
      %dma_wait3A_381 = tpu.memref_slice %arg13[%add3A_45, %dma_wait3A_380] : memref<10240x64xf32, #tpu.memory_space<vmem_shared>> -> memref<64x64xf32, #tpu.memory_space<vmem_shared>>
      %dma_wait3A_382 = arith.constant 0 : i32
      %dma_wait3A_383 = tpu.memref_slice %arg13[%add3A_45, %dma_wait3A_382] : memref<10240x64xf32, #tpu.memory_space<vmem_shared>> -> memref<64x64xf32, #tpu.memory_space<vmem_shared>>
      tpu.wait_dma2 semaphore(%run_scoped3A : memref<!tpu.dma_semaphore, #tpu.memory_space<semaphore_mem>>) src(%arg10 : memref<64x64xf32, #tpu.memory_space<vmem>>) dst(%dma_wait3A_383 : memref<64x64xf32, #tpu.memory_space<vmem_shared>>)
      tpu.yield
    }) : () -> ()
    %add3A_46 = arith.constant 384 : i32
    %add3A_47 = arith.addi %mul3A_20, %add3A_46 : i32
    "tpu.region"() ({
      %run_scoped3A = tpu.sem_alloc : memref<!tpu.dma_semaphore, #tpu.memory_space<semaphore_mem>>
      %dma_start3A_376 = arith.constant 0 : i32
      %dma_start3A_377 = tpu.memref_slice %arg14[%add3A_47, %dma_start3A_376] : memref<10240x16xf32, #tpu.memory_space<vmem_shared>> -> memref<64x16xf32, #tpu.memory_space<vmem_shared>>
      %dma_start3A_378 = arith.constant 0 : i32
      %dma_start3A_379 = tpu.memref_slice %arg14[%add3A_47, %dma_start3A_378] : memref<10240x16xf32, #tpu.memory_space<vmem_shared>> -> memref<64x16xf32, #tpu.memory_space<vmem_shared>>
      tpu.enqueue_dma source(%arg12 : memref<64x16xf32, #tpu.memory_space<vmem>>) target(%dma_start3A_379 : memref<64x16xf32, #tpu.memory_space<vmem_shared>>) target_semaphore(%run_scoped3A : memref<!tpu.dma_semaphore, #tpu.memory_space<semaphore_mem>>)
      %dma_wait3A_380 = arith.constant 0 : i32
      %dma_wait3A_381 = tpu.memref_slice %arg14[%add3A_47, %dma_wait3A_380] : memref<10240x16xf32, #tpu.memory_space<vmem_shared>> -> memref<64x16xf32, #tpu.memory_space<vmem_shared>>
      %dma_wait3A_382 = arith.constant 0 : i32
      %dma_wait3A_383 = tpu.memref_slice %arg14[%add3A_47, %dma_wait3A_382] : memref<10240x16xf32, #tpu.memory_space<vmem_shared>> -> memref<64x16xf32, #tpu.memory_space<vmem_shared>>
      tpu.wait_dma2 semaphore(%run_scoped3A : memref<!tpu.dma_semaphore, #tpu.memory_space<semaphore_mem>>) src(%arg12 : memref<64x16xf32, #tpu.memory_space<vmem>>) dst(%dma_wait3A_383 : memref<64x16xf32, #tpu.memory_space<vmem_shared>>)
      tpu.yield
    }) : () -> ()
    %add3A_48 = arith.constant 448 : i32
    %add3A_49 = arith.addi %mul3A_20, %add3A_48 : i32
    "tpu.region"() ({
      %run_scoped3A = tpu.sem_alloc : memref<!tpu.dma_semaphore, #tpu.memory_space<semaphore_mem>>
      %dma_start3A_376 = arith.constant 0 : i32
      %dma_start3A_377 = tpu.memref_slice %arg13[%add3A_49, %dma_start3A_376] : memref<10240x64xf32, #tpu.memory_space<vmem_shared>> -> memref<64x64xf32, #tpu.memory_space<vmem_shared>>
      %dma_start3A_378 = arith.constant 0 : i32
      %dma_start3A_379 = tpu.memref_slice %arg13[%add3A_49, %dma_start3A_378] : memref<10240x64xf32, #tpu.memory_space<vmem_shared>> -> memref<64x64xf32, #tpu.memory_space<vmem_shared>>
      tpu.enqueue_dma source(%arg10 : memref<64x64xf32, #tpu.memory_space<vmem>>) target(%dma_start3A_379 : memref<64x64xf32, #tpu.memory_space<vmem_shared>>) target_semaphore(%run_scoped3A : memref<!tpu.dma_semaphore, #tpu.memory_space<semaphore_mem>>)
      %dma_wait3A_380 = arith.constant 0 : i32
      %dma_wait3A_381 = tpu.memref_slice %arg13[%add3A_49, %dma_wait3A_380] : memref<10240x64xf32, #tpu.memory_space<vmem_shared>> -> memref<64x64xf32, #tpu.memory_space<vmem_shared>>
      %dma_wait3A_382 = arith.constant 0 : i32
      %dma_wait3A_383 = tpu.memref_slice %arg13[%add3A_49, %dma_wait3A_382] : memref<10240x64xf32, #tpu.memory_space<vmem_shared>> -> memref<64x64xf32, #tpu.memory_space<vmem_shared>>
      tpu.wait_dma2 semaphore(%run_scoped3A : memref<!tpu.dma_semaphore, #tpu.memory_space<semaphore_mem>>) src(%arg10 : memref<64x64xf32, #tpu.memory_space<vmem>>) dst(%dma_wait3A_383 : memref<64x64xf32, #tpu.memory_space<vmem_shared>>)
      tpu.yield
    }) : () -> ()
    %add3A_50 = arith.constant 448 : i32
    %add3A_51 = arith.addi %mul3A_20, %add3A_50 : i32
    "tpu.region"() ({
      %run_scoped3A = tpu.sem_alloc : memref<!tpu.dma_semaphore, #tpu.memory_space<semaphore_mem>>
      %dma_start3A_376 = arith.constant 0 : i32
      %dma_start3A_377 = tpu.memref_slice %arg14[%add3A_51, %dma_start3A_376] : memref<10240x16xf32, #tpu.memory_space<vmem_shared>> -> memref<64x16xf32, #tpu.memory_space<vmem_shared>>
      %dma_start3A_378 = arith.constant 0 : i32
      %dma_start3A_379 = tpu.memref_slice %arg14[%add3A_51, %dma_start3A_378] : memref<10240x16xf32, #tpu.memory_space<vmem_shared>> -> memref<64x16xf32, #tpu.memory_space<vmem_shared>>
      tpu.enqueue_dma source(%arg12 : memref<64x16xf32, #tpu.memory_space<vmem>>) target(%dma_start3A_379 : memref<64x16xf32, #tpu.memory_space<vmem_shared>>) target_semaphore(%run_scoped3A : memref<!tpu.dma_semaphore, #tpu.memory_space<semaphore_mem>>)
      %dma_wait3A_380 = arith.constant 0 : i32
      %dma_wait3A_381 = tpu.memref_slice %arg14[%add3A_51, %dma_wait3A_380] : memref<10240x16xf32, #tpu.memory_space<vmem_shared>> -> memref<64x16xf32, #tpu.memory_space<vmem_shared>>
      %dma_wait3A_382 = arith.constant 0 : i32
      %dma_wait3A_383 = tpu.memref_slice %arg14[%add3A_51, %dma_wait3A_382] : memref<10240x16xf32, #tpu.memory_space<vmem_shared>> -> memref<64x16xf32, #tpu.memory_space<vmem_shared>>
      tpu.wait_dma2 semaphore(%run_scoped3A : memref<!tpu.dma_semaphore, #tpu.memory_space<semaphore_mem>>) src(%arg12 : memref<64x16xf32, #tpu.memory_space<vmem>>) dst(%dma_wait3A_383 : memref<64x16xf32, #tpu.memory_space<vmem_shared>>)
      tpu.yield
    }) : () -> ()
    %add3A_52 = arith.constant 512 : i32
    %add3A_53 = arith.addi %mul3A_20, %add3A_52 : i32
    "tpu.region"() ({
      %run_scoped3A = tpu.sem_alloc : memref<!tpu.dma_semaphore, #tpu.memory_space<semaphore_mem>>
      %dma_start3A_376 = arith.constant 0 : i32
      %dma_start3A_377 = tpu.memref_slice %arg13[%add3A_53, %dma_start3A_376] : memref<10240x64xf32, #tpu.memory_space<vmem_shared>> -> memref<64x64xf32, #tpu.memory_space<vmem_shared>>
      %dma_start3A_378 = arith.constant 0 : i32
      %dma_start3A_379 = tpu.memref_slice %arg13[%add3A_53, %dma_start3A_378] : memref<10240x64xf32, #tpu.memory_space<vmem_shared>> -> memref<64x64xf32, #tpu.memory_space<vmem_shared>>
      tpu.enqueue_dma source(%arg10 : memref<64x64xf32, #tpu.memory_space<vmem>>) target(%dma_start3A_379 : memref<64x64xf32, #tpu.memory_space<vmem_shared>>) target_semaphore(%run_scoped3A : memref<!tpu.dma_semaphore, #tpu.memory_space<semaphore_mem>>)
      %dma_wait3A_380 = arith.constant 0 : i32
      %dma_wait3A_381 = tpu.memref_slice %arg13[%add3A_53, %dma_wait3A_380] : memref<10240x64xf32, #tpu.memory_space<vmem_shared>> -> memref<64x64xf32, #tpu.memory_space<vmem_shared>>
      %dma_wait3A_382 = arith.constant 0 : i32
      %dma_wait3A_383 = tpu.memref_slice %arg13[%add3A_53, %dma_wait3A_382] : memref<10240x64xf32, #tpu.memory_space<vmem_shared>> -> memref<64x64xf32, #tpu.memory_space<vmem_shared>>
      tpu.wait_dma2 semaphore(%run_scoped3A : memref<!tpu.dma_semaphore, #tpu.memory_space<semaphore_mem>>) src(%arg10 : memref<64x64xf32, #tpu.memory_space<vmem>>) dst(%dma_wait3A_383 : memref<64x64xf32, #tpu.memory_space<vmem_shared>>)
      tpu.yield
    }) : () -> ()
    %add3A_54 = arith.constant 512 : i32
    %add3A_55 = arith.addi %mul3A_20, %add3A_54 : i32
    "tpu.region"() ({
      %run_scoped3A = tpu.sem_alloc : memref<!tpu.dma_semaphore, #tpu.memory_space<semaphore_mem>>
      %dma_start3A_376 = arith.constant 0 : i32
      %dma_start3A_377 = tpu.memref_slice %arg14[%add3A_55, %dma_start3A_376] : memref<10240x16xf32, #tpu.memory_space<vmem_shared>> -> memref<64x16xf32, #tpu.memory_space<vmem_shared>>
      %dma_start3A_378 = arith.constant 0 : i32
      %dma_start3A_379 = tpu.memref_slice %arg14[%add3A_55, %dma_start3A_378] : memref<10240x16xf32, #tpu.memory_space<vmem_shared>> -> memref<64x16xf32, #tpu.memory_space<vmem_shared>>
      tpu.enqueue_dma source(%arg12 : memref<64x16xf32, #tpu.memory_space<vmem>>) target(%dma_start3A_379 : memref<64x16xf32, #tpu.memory_space<vmem_shared>>) target_semaphore(%run_scoped3A : memref<!tpu.dma_semaphore, #tpu.memory_space<semaphore_mem>>)
      %dma_wait3A_380 = arith.constant 0 : i32
      %dma_wait3A_381 = tpu.memref_slice %arg14[%add3A_55, %dma_wait3A_380] : memref<10240x16xf32, #tpu.memory_space<vmem_shared>> -> memref<64x16xf32, #tpu.memory_space<vmem_shared>>
      %dma_wait3A_382 = arith.constant 0 : i32
      %dma_wait3A_383 = tpu.memref_slice %arg14[%add3A_55, %dma_wait3A_382] : memref<10240x16xf32, #tpu.memory_space<vmem_shared>> -> memref<64x16xf32, #tpu.memory_space<vmem_shared>>
      tpu.wait_dma2 semaphore(%run_scoped3A : memref<!tpu.dma_semaphore, #tpu.memory_space<semaphore_mem>>) src(%arg12 : memref<64x16xf32, #tpu.memory_space<vmem>>) dst(%dma_wait3A_383 : memref<64x16xf32, #tpu.memory_space<vmem_shared>>)
      tpu.yield
    }) : () -> ()
    %add3A_56 = arith.constant 576 : i32
    %add3A_57 = arith.addi %mul3A_20, %add3A_56 : i32
    "tpu.region"() ({
      %run_scoped3A = tpu.sem_alloc : memref<!tpu.dma_semaphore, #tpu.memory_space<semaphore_mem>>
      %dma_start3A_376 = arith.constant 0 : i32
      %dma_start3A_377 = tpu.memref_slice %arg13[%add3A_57, %dma_start3A_376] : memref<10240x64xf32, #tpu.memory_space<vmem_shared>> -> memref<64x64xf32, #tpu.memory_space<vmem_shared>>
      %dma_start3A_378 = arith.constant 0 : i32
      %dma_start3A_379 = tpu.memref_slice %arg13[%add3A_57, %dma_start3A_378] : memref<10240x64xf32, #tpu.memory_space<vmem_shared>> -> memref<64x64xf32, #tpu.memory_space<vmem_shared>>
      tpu.enqueue_dma source(%arg10 : memref<64x64xf32, #tpu.memory_space<vmem>>) target(%dma_start3A_379 : memref<64x64xf32, #tpu.memory_space<vmem_shared>>) target_semaphore(%run_scoped3A : memref<!tpu.dma_semaphore, #tpu.memory_space<semaphore_mem>>)
      %dma_wait3A_380 = arith.constant 0 : i32
      %dma_wait3A_381 = tpu.memref_slice %arg13[%add3A_57, %dma_wait3A_380] : memref<10240x64xf32, #tpu.memory_space<vmem_shared>> -> memref<64x64xf32, #tpu.memory_space<vmem_shared>>
      %dma_wait3A_382 = arith.constant 0 : i32
      %dma_wait3A_383 = tpu.memref_slice %arg13[%add3A_57, %dma_wait3A_382] : memref<10240x64xf32, #tpu.memory_space<vmem_shared>> -> memref<64x64xf32, #tpu.memory_space<vmem_shared>>
      tpu.wait_dma2 semaphore(%run_scoped3A : memref<!tpu.dma_semaphore, #tpu.memory_space<semaphore_mem>>) src(%arg10 : memref<64x64xf32, #tpu.memory_space<vmem>>) dst(%dma_wait3A_383 : memref<64x64xf32, #tpu.memory_space<vmem_shared>>)
      tpu.yield
    }) : () -> ()
    %add3A_58 = arith.constant 576 : i32
    %add3A_59 = arith.addi %mul3A_20, %add3A_58 : i32
    "tpu.region"() ({
      %run_scoped3A = tpu.sem_alloc : memref<!tpu.dma_semaphore, #tpu.memory_space<semaphore_mem>>
      %dma_start3A_376 = arith.constant 0 : i32
      %dma_start3A_377 = tpu.memref_slice %arg14[%add3A_59, %dma_start3A_376] : memref<10240x16xf32, #tpu.memory_space<vmem_shared>> -> memref<64x16xf32, #tpu.memory_space<vmem_shared>>
      %dma_start3A_378 = arith.constant 0 : i32
      %dma_start3A_379 = tpu.memref_slice %arg14[%add3A_59, %dma_start3A_378] : memref<10240x16xf32, #tpu.memory_space<vmem_shared>> -> memref<64x16xf32, #tpu.memory_space<vmem_shared>>
      tpu.enqueue_dma source(%arg12 : memref<64x16xf32, #tpu.memory_space<vmem>>) target(%dma_start3A_379 : memref<64x16xf32, #tpu.memory_space<vmem_shared>>) target_semaphore(%run_scoped3A : memref<!tpu.dma_semaphore, #tpu.memory_space<semaphore_mem>>)
      %dma_wait3A_380 = arith.constant 0 : i32
      %dma_wait3A_381 = tpu.memref_slice %arg14[%add3A_59, %dma_wait3A_380] : memref<10240x16xf32, #tpu.memory_space<vmem_shared>> -> memref<64x16xf32, #tpu.memory_space<vmem_shared>>
      %dma_wait3A_382 = arith.constant 0 : i32
      %dma_wait3A_383 = tpu.memref_slice %arg14[%add3A_59, %dma_wait3A_382] : memref<10240x16xf32, #tpu.memory_space<vmem_shared>> -> memref<64x16xf32, #tpu.memory_space<vmem_shared>>
      tpu.wait_dma2 semaphore(%run_scoped3A : memref<!tpu.dma_semaphore, #tpu.memory_space<semaphore_mem>>) src(%arg12 : memref<64x16xf32, #tpu.memory_space<vmem>>) dst(%dma_wait3A_383 : memref<64x16xf32, #tpu.memory_space<vmem_shared>>)
      tpu.yield
    }) : () -> ()
    %barrier3A = arith.constant 0 : index
    tpu.barrier barrier_id(%barrier3A)
    "tpu.region"() ({
      %run_scoped3A = tpu.sem_alloc : memref<!tpu.dma_semaphore, #tpu.memory_space<semaphore_mem>>
      %dma_start3A_376 = arith.constant 0 : i32
      %dma_start3A_377 = arith.constant 0 : i32
      %dma_start3A_378 = tpu.memref_slice %arg3[%arg1, %dma_start3A_376, %dma_start3A_377] : memref<16x250x80xi32, #tpu.memory_space<hbm>> -> memref<1x250x80xi32, #tpu.memory_space<hbm>>
      %dma_start3A_379 = tpu.memref_squeeze %dma_start3A_378 : memref<1x250x80xi32, #tpu.memory_space<hbm>> -> memref<250x80xi32, #tpu.memory_space<hbm>>
      %dma_start3A_380 = arith.constant 0 : i32
      %dma_start3A_381 = arith.constant 0 : i32
      %dma_start3A_382 = tpu.memref_slice %arg3[%arg1, %dma_start3A_380, %dma_start3A_381] : memref<16x250x80xi32, #tpu.memory_space<hbm>> -> memref<1x250x80xi32, #tpu.memory_space<hbm>>
      %dma_start3A_383 = tpu.memref_squeeze %dma_start3A_382 : memref<1x250x80xi32, #tpu.memory_space<hbm>> -> memref<250x80xi32, #tpu.memory_space<hbm>>
      tpu.enqueue_dma source(%dma_start3A_383 : memref<250x80xi32, #tpu.memory_space<hbm>>) target(%arg7 : memref<250x80xi32, #tpu.memory_space<vmem>>) target_semaphore(%run_scoped3A : memref<!tpu.dma_semaphore, #tpu.memory_space<semaphore_mem>>)
      %dma_wait3A_384 = arith.constant 0 : i32
      %dma_wait3A_385 = arith.constant 0 : i32
      %dma_wait3A_386 = tpu.memref_slice %arg3[%arg1, %dma_wait3A_384, %dma_wait3A_385] : memref<16x250x80xi32, #tpu.memory_space<hbm>> -> memref<1x250x80xi32, #tpu.memory_space<hbm>>
      %dma_wait3A_387 = tpu.memref_squeeze %dma_wait3A_386 : memref<1x250x80xi32, #tpu.memory_space<hbm>> -> memref<250x80xi32, #tpu.memory_space<hbm>>
      %dma_wait3A_388 = arith.constant 0 : i32
      %dma_wait3A_389 = arith.constant 0 : i32
      %dma_wait3A_390 = tpu.memref_slice %arg3[%arg1, %dma_wait3A_388, %dma_wait3A_389] : memref<16x250x80xi32, #tpu.memory_space<hbm>> -> memref<1x250x80xi32, #tpu.memory_space<hbm>>
      %dma_wait3A_391 = tpu.memref_squeeze %dma_wait3A_390 : memref<1x250x80xi32, #tpu.memory_space<hbm>> -> memref<250x80xi32, #tpu.memory_space<hbm>>
      tpu.wait_dma2 semaphore(%run_scoped3A : memref<!tpu.dma_semaphore, #tpu.memory_space<semaphore_mem>>) src(%dma_wait3A_391 : memref<250x80xi32, #tpu.memory_space<hbm>>) dst(%arg7 : memref<250x80xi32, #tpu.memory_space<vmem>>)
      tpu.yield
    }) : () -> ()
    "tpu.region"() ({
      %run_scoped3A = tpu.sem_alloc : memref<!tpu.dma_semaphore, #tpu.memory_space<semaphore_mem>>
      %dma_start3A_376 = arith.constant 0 : i32
      %dma_start3A_377 = arith.constant 0 : i32
      %dma_start3A_378 = tpu.memref_slice %arg4[%arg1, %dma_start3A_376, %dma_start3A_377] : memref<16x250x80xi32, #tpu.memory_space<hbm>> -> memref<1x250x80xi32, #tpu.memory_space<hbm>>
      %dma_start3A_379 = tpu.memref_squeeze %dma_start3A_378 : memref<1x250x80xi32, #tpu.memory_space<hbm>> -> memref<250x80xi32, #tpu.memory_space<hbm>>
      %dma_start3A_380 = arith.constant 0 : i32
      %dma_start3A_381 = arith.constant 0 : i32
      %dma_start3A_382 = tpu.memref_slice %arg4[%arg1, %dma_start3A_380, %dma_start3A_381] : memref<16x250x80xi32, #tpu.memory_space<hbm>> -> memref<1x250x80xi32, #tpu.memory_space<hbm>>
      %dma_start3A_383 = tpu.memref_squeeze %dma_start3A_382 : memref<1x250x80xi32, #tpu.memory_space<hbm>> -> memref<250x80xi32, #tpu.memory_space<hbm>>
      tpu.enqueue_dma source(%dma_start3A_383 : memref<250x80xi32, #tpu.memory_space<hbm>>) target(%arg8 : memref<250x80xi32, #tpu.memory_space<vmem>>) target_semaphore(%run_scoped3A : memref<!tpu.dma_semaphore, #tpu.memory_space<semaphore_mem>>)
      %dma_wait3A_384 = arith.constant 0 : i32
      %dma_wait3A_385 = arith.constant 0 : i32
      %dma_wait3A_386 = tpu.memref_slice %arg4[%arg1, %dma_wait3A_384, %dma_wait3A_385] : memref<16x250x80xi32, #tpu.memory_space<hbm>> -> memref<1x250x80xi32, #tpu.memory_space<hbm>>
      %dma_wait3A_387 = tpu.memref_squeeze %dma_wait3A_386 : memref<1x250x80xi32, #tpu.memory_space<hbm>> -> memref<250x80xi32, #tpu.memory_space<hbm>>
      %dma_wait3A_388 = arith.constant 0 : i32
      %dma_wait3A_389 = arith.constant 0 : i32
      %dma_wait3A_390 = tpu.memref_slice %arg4[%arg1, %dma_wait3A_388, %dma_wait3A_389] : memref<16x250x80xi32, #tpu.memory_space<hbm>> -> memref<1x250x80xi32, #tpu.memory_space<hbm>>
      %dma_wait3A_391 = tpu.memref_squeeze %dma_wait3A_390 : memref<1x250x80xi32, #tpu.memory_space<hbm>> -> memref<250x80xi32, #tpu.memory_space<hbm>>
      tpu.wait_dma2 semaphore(%run_scoped3A : memref<!tpu.dma_semaphore, #tpu.memory_space<semaphore_mem>>) src(%dma_wait3A_391 : memref<250x80xi32, #tpu.memory_space<hbm>>) dst(%arg8 : memref<250x80xi32, #tpu.memory_space<vmem>>)
      tpu.yield
    }) : () -> ()
    %get3A = arith.constant 0 : i32
    %get3A_60 = arith.index_cast %get3A : i32 to index
    %get3A_61 = arith.constant 0 : index
    %get3A_62 = tpu.vector_load %arg7[%get3A_60, %get3A_61] {strides = array<i32>} : memref<250x80xi32, #tpu.memory_space<vmem>>, vector<1x16xi32>,
    %get3A_63 = vector.shape_cast %get3A_62 : vector<1x16xi32> to vector<16xi32>
    %mul3A_64 = arith.constant 2 : i32
    %mul3A_65 = vector.broadcast %mul3A_64 : i32 to vector<16xi32>
    %mul3A_66 = arith.muli %get3A_63, %mul3A_65 : vector<16xi32>
    %add3A_67 = vector.broadcast %arg0 : i32 to vector<16xi32>
    %add3A_68 = arith.addi %mul3A_66, %add3A_67 : vector<16xi32>
    %swap3A = arith.constant 0 : i32
    %swap3A_69 = arith.index_cast %swap3A : i32 to index
    %swap3A_70 = arith.constant 0 : index
    %swap3A_71 = tpu.vector_load %arg7[%swap3A_69, %swap3A_70] {strides = array<i32>} : memref<250x80xi32, #tpu.memory_space<vmem>>, vector<1x16xi32>,
    %swap3A_72 = vector.shape_cast %swap3A_71 : vector<1x16xi32> to vector<16xi32>
    %swap3A_73 = vector.shape_cast %add3A_68 : vector<16xi32> to vector<1x16xi32>
    tpu.vector_store %arg7[%swap3A_69, %swap3A_70], %swap3A_73 {strides = array<i32>} : memref<250x80xi32, #tpu.memory_space<vmem>>, vector<1x16xi32>,
    %get3A_74 = arith.constant 0 : i32
    %get3A_75 = arith.index_cast %get3A_74 : i32 to index
    %get3A_76 = arith.constant 16 : index
    %get3A_77 = tpu.vector_load %arg7[%get3A_75, %get3A_76] {strides = array<i32>} : memref<250x80xi32, #tpu.memory_space<vmem>>, vector<1x16xi32>,
    %get3A_78 = vector.shape_cast %get3A_77 : vector<1x16xi32> to vector<16xi32>
    %mul3A_79 = arith.constant 2 : i32
    %mul3A_80 = vector.broadcast %mul3A_79 : i32 to vector<16xi32>
    %mul3A_81 = arith.muli %get3A_78, %mul3A_80 : vector<16xi32>
    %add3A_82 = vector.broadcast %arg0 : i32 to vector<16xi32>
    %add3A_83 = arith.addi %mul3A_81, %add3A_82 : vector<16xi32>
    %swap3A_84 = arith.constant 0 : i32
    %swap3A_85 = arith.index_cast %swap3A_84 : i32 to index
    %swap3A_86 = arith.constant 16 : index
    %swap3A_87 = tpu.vector_load %arg7[%swap3A_85, %swap3A_86] {strides = array<i32>} : memref<250x80xi32, #tpu.memory_space<vmem>>, vector<1x16xi32>,
    %swap3A_88 = vector.shape_cast %swap3A_87 : vector<1x16xi32> to vector<16xi32>
    %swap3A_89 = vector.shape_cast %add3A_83 : vector<16xi32> to vector<1x16xi32>
    tpu.vector_store %arg7[%swap3A_85, %swap3A_86], %swap3A_89 {strides = array<i32>} : memref<250x80xi32, #tpu.memory_space<vmem>>, vector<1x16xi32>,
    %get3A_90 = arith.constant 0 : i32
    %get3A_91 = arith.index_cast %get3A_90 : i32 to index
    %get3A_92 = arith.constant 32 : index
    %get3A_93 = tpu.vector_load %arg7[%get3A_91, %get3A_92] {strides = array<i32>} : memref<250x80xi32, #tpu.memory_space<vmem>>, vector<1x16xi32>,
    %get3A_94 = vector.shape_cast %get3A_93 : vector<1x16xi32> to vector<16xi32>
    %mul3A_95 = arith.constant 2 : i32
    %mul3A_96 = vector.broadcast %mul3A_95 : i32 to vector<16xi32>
    %mul3A_97 = arith.muli %get3A_94, %mul3A_96 : vector<16xi32>
    %add3A_98 = vector.broadcast %arg0 : i32 to vector<16xi32>
    %add3A_99 = arith.addi %mul3A_97, %add3A_98 : vector<16xi32>
    %swap3A_100 = arith.constant 0 : i32
    %swap3A_101 = arith.index_cast %swap3A_100 : i32 to index
    %swap3A_102 = arith.constant 32 : index
    %swap3A_103 = tpu.vector_load %arg7[%swap3A_101, %swap3A_102] {strides = array<i32>} : memref<250x80xi32, #tpu.memory_space<vmem>>, vector<1x16xi32>,
    %swap3A_104 = vector.shape_cast %swap3A_103 : vector<1x16xi32> to vector<16xi32>
    %swap3A_105 = vector.shape_cast %add3A_99 : vector<16xi32> to vector<1x16xi32>
    tpu.vector_store %arg7[%swap3A_101, %swap3A_102], %swap3A_105 {strides = array<i32>} : memref<250x80xi32, #tpu.memory_space<vmem>>, vector<1x16xi32>,
    %get3A_106 = arith.constant 0 : i32
    %get3A_107 = arith.index_cast %get3A_106 : i32 to index
    %get3A_108 = arith.constant 48 : index
    %get3A_109 = tpu.vector_load %arg7[%get3A_107, %get3A_108] {strides = array<i32>} : memref<250x80xi32, #tpu.memory_space<vmem>>, vector<1x16xi32>,
    %get3A_110 = vector.shape_cast %get3A_109 : vector<1x16xi32> to vector<16xi32>
    %mul3A_111 = arith.constant 2 : i32
    %mul3A_112 = vector.broadcast %mul3A_111 : i32 to vector<16xi32>
    %mul3A_113 = arith.muli %get3A_110, %mul3A_112 : vector<16xi32>
    %add3A_114 = vector.broadcast %arg0 : i32 to vector<16xi32>
    %add3A_115 = arith.addi %mul3A_113, %add3A_114 : vector<16xi32>
    %swap3A_116 = arith.constant 0 : i32
    %swap3A_117 = arith.index_cast %swap3A_116 : i32 to index
    %swap3A_118 = arith.constant 48 : index
    %swap3A_119 = tpu.vector_load %arg7[%swap3A_117, %swap3A_118] {strides = array<i32>} : memref<250x80xi32, #tpu.memory_space<vmem>>, vector<1x16xi32>,
    %swap3A_120 = vector.shape_cast %swap3A_119 : vector<1x16xi32> to vector<16xi32>
    %swap3A_121 = vector.shape_cast %add3A_115 : vector<16xi32> to vector<1x16xi32>
    tpu.vector_store %arg7[%swap3A_117, %swap3A_118], %swap3A_121 {strides = array<i32>} : memref<250x80xi32, #tpu.memory_space<vmem>>, vector<1x16xi32>,
    %get3A_122 = arith.constant 0 : i32
    %get3A_123 = arith.index_cast %get3A_122 : i32 to index
    %get3A_124 = arith.constant 64 : index
    %get3A_125 = tpu.vector_load %arg7[%get3A_123, %get3A_124] {strides = array<i32>} : memref<250x80xi32, #tpu.memory_space<vmem>>, vector<1x16xi32>,
    %get3A_126 = vector.shape_cast %get3A_125 : vector<1x16xi32> to vector<16xi32>
    %mul3A_127 = arith.constant 2 : i32
    %mul3A_128 = vector.broadcast %mul3A_127 : i32 to vector<16xi32>
    %mul3A_129 = arith.muli %get3A_126, %mul3A_128 : vector<16xi32>
    %add3A_130 = vector.broadcast %arg0 : i32 to vector<16xi32>
    %add3A_131 = arith.addi %mul3A_129, %add3A_130 : vector<16xi32>
    %swap3A_132 = arith.constant 0 : i32
    %swap3A_133 = arith.index_cast %swap3A_132 : i32 to index
    %swap3A_134 = arith.constant 64 : index
    %swap3A_135 = tpu.vector_load %arg7[%swap3A_133, %swap3A_134] {strides = array<i32>} : memref<250x80xi32, #tpu.memory_space<vmem>>, vector<1x16xi32>,
    %swap3A_136 = vector.shape_cast %swap3A_135 : vector<1x16xi32> to vector<16xi32>
    %swap3A_137 = vector.shape_cast %add3A_131 : vector<16xi32> to vector<1x16xi32>
    tpu.vector_store %arg7[%swap3A_133, %swap3A_134], %swap3A_137 {strides = array<i32>} : memref<250x80xi32, #tpu.memory_space<vmem>>, vector<1x16xi32>,
    %dma_start3A = arith.constant 0 : i32
    %dma_start3A_138 = arith.constant 0 : i32
    %dma_start3A_139 = arith.constant 0 : i32
    %dma_start3A_140 = arith.constant 0 : i32
    %dma_start3A_141 = tpu.memref_slice %arg9[%dma_start3A_138, %dma_start3A_139, %dma_start3A_140] : memref<5x80x64xf32, #tpu.memory_space<vmem>> -> memref<1x80x64xf32, #tpu.memory_space<vmem>>
    %dma_start3A_142 = tpu.memref_squeeze %dma_start3A_141 : memref<1x80x64xf32, #tpu.memory_space<vmem>> -> memref<80x64xf32, #tpu.memory_space<vmem>>
    %dma_start3A_143 = arith.constant 0 : i32
    %dma_start3A_144 = tpu.memref_slice %arg7[%dma_start3A, %dma_start3A_143] : memref<250x80xi32, #tpu.memory_space<vmem>> -> memref<1x80xi32, #tpu.memory_space<vmem>>
    %dma_start3A_145 = tpu.memref_squeeze %dma_start3A_144 : memref<1x80xi32, #tpu.memory_space<vmem>> -> memref<80xi32, #tpu.memory_space<vmem>>
    %dma_start3A_146 = arith.constant 0 : i32
    %dma_start3A_147 = arith.constant 0 : i32
    %dma_start3A_148 = tpu.memref_slice %arg2[%dma_start3A_146, %dma_start3A_147] : memref<20000x64xf32, #tpu.memory_space<hbm>> -> memref<20000x64xf32, #tpu.memory_space<hbm>>
    tpu.enqueue_indirect_dma source(%dma_start3A_148 : memref<20000x64xf32, #tpu.memory_space<hbm>>) target(%dma_start3A_142 : memref<80x64xf32, #tpu.memory_space<vmem>>) offsets(%dma_start3A_145 : memref<80xi32, #tpu.memory_space<vmem>>) semaphore(%arg15 : memref<!tpu.dma_semaphore, #tpu.memory_space<semaphore_mem>>)
    %get3A_149 = arith.constant 1 : i32
    %get3A_150 = arith.index_cast %get3A_149 : i32 to index
    %get3A_151 = arith.constant 0 : index
    %get3A_152 = tpu.vector_load %arg7[%get3A_150, %get3A_151] {strides = array<i32>} : memref<250x80xi32, #tpu.memory_space<vmem>>, vector<1x16xi32>,
    %get3A_153 = vector.shape_cast %get3A_152 : vector<1x16xi32> to vector<16xi32>
    %mul3A_154 = arith.constant 2 : i32
    %mul3A_155 = vector.broadcast %mul3A_154 : i32 to vector<16xi32>
    %mul3A_156 = arith.muli %get3A_153, %mul3A_155 : vector<16xi32>
    %add3A_157 = vector.broadcast %arg0 : i32 to vector<16xi32>
    %add3A_158 = arith.addi %mul3A_156, %add3A_157 : vector<16xi32>
    %swap3A_159 = arith.constant 1 : i32
    %swap3A_160 = arith.index_cast %swap3A_159 : i32 to index
    %swap3A_161 = arith.constant 0 : index
    %swap3A_162 = tpu.vector_load %arg7[%swap3A_160, %swap3A_161] {strides = array<i32>} : memref<250x80xi32, #tpu.memory_space<vmem>>, vector<1x16xi32>,
    %swap3A_163 = vector.shape_cast %swap3A_162 : vector<1x16xi32> to vector<16xi32>
    %swap3A_164 = vector.shape_cast %add3A_158 : vector<16xi32> to vector<1x16xi32>
    tpu.vector_store %arg7[%swap3A_160, %swap3A_161], %swap3A_164 {strides = array<i32>} : memref<250x80xi32, #tpu.memory_space<vmem>>, vector<1x16xi32>,
    %get3A_165 = arith.constant 1 : i32
    %get3A_166 = arith.index_cast %get3A_165 : i32 to index
    %get3A_167 = arith.constant 16 : index
    %get3A_168 = tpu.vector_load %arg7[%get3A_166, %get3A_167] {strides = array<i32>} : memref<250x80xi32, #tpu.memory_space<vmem>>, vector<1x16xi32>,
    %get3A_169 = vector.shape_cast %get3A_168 : vector<1x16xi32> to vector<16xi32>
    %mul3A_170 = arith.constant 2 : i32
    %mul3A_171 = vector.broadcast %mul3A_170 : i32 to vector<16xi32>
    %mul3A_172 = arith.muli %get3A_169, %mul3A_171 : vector<16xi32>
    %add3A_173 = vector.broadcast %arg0 : i32 to vector<16xi32>
    %add3A_174 = arith.addi %mul3A_172, %add3A_173 : vector<16xi32>
    %swap3A_175 = arith.constant 1 : i32
    %swap3A_176 = arith.index_cast %swap3A_175 : i32 to index
    %swap3A_177 = arith.constant 16 : index
    %swap3A_178 = tpu.vector_load %arg7[%swap3A_176, %swap3A_177] {strides = array<i32>} : memref<250x80xi32, #tpu.memory_space<vmem>>, vector<1x16xi32>,
    %swap3A_179 = vector.shape_cast %swap3A_178 : vector<1x16xi32> to vector<16xi32>
    %swap3A_180 = vector.shape_cast %add3A_174 : vector<16xi32> to vector<1x16xi32>
    tpu.vector_store %arg7[%swap3A_176, %swap3A_177], %swap3A_180 {strides = array<i32>} : memref<250x80xi32, #tpu.memory_space<vmem>>, vector<1x16xi32>,
    %get3A_181 = arith.constant 1 : i32
    %get3A_182 = arith.index_cast %get3A_181 : i32 to index
    %get3A_183 = arith.constant 32 : index
    %get3A_184 = tpu.vector_load %arg7[%get3A_182, %get3A_183] {strides = array<i32>} : memref<250x80xi32, #tpu.memory_space<vmem>>, vector<1x16xi32>,
    %get3A_185 = vector.shape_cast %get3A_184 : vector<1x16xi32> to vector<16xi32>
    %mul3A_186 = arith.constant 2 : i32
    %mul3A_187 = vector.broadcast %mul3A_186 : i32 to vector<16xi32>
    %mul3A_188 = arith.muli %get3A_185, %mul3A_187 : vector<16xi32>
    %add3A_189 = vector.broadcast %arg0 : i32 to vector<16xi32>
    %add3A_190 = arith.addi %mul3A_188, %add3A_189 : vector<16xi32>
    %swap3A_191 = arith.constant 1 : i32
    %swap3A_192 = arith.index_cast %swap3A_191 : i32 to index
    %swap3A_193 = arith.constant 32 : index
    %swap3A_194 = tpu.vector_load %arg7[%swap3A_192, %swap3A_193] {strides = array<i32>} : memref<250x80xi32, #tpu.memory_space<vmem>>, vector<1x16xi32>,
    %swap3A_195 = vector.shape_cast %swap3A_194 : vector<1x16xi32> to vector<16xi32>
    %swap3A_196 = vector.shape_cast %add3A_190 : vector<16xi32> to vector<1x16xi32>
    tpu.vector_store %arg7[%swap3A_192, %swap3A_193], %swap3A_196 {strides = array<i32>} : memref<250x80xi32, #tpu.memory_space<vmem>>, vector<1x16xi32>,
    %get3A_197 = arith.constant 1 : i32
    %get3A_198 = arith.index_cast %get3A_197 : i32 to index
    %get3A_199 = arith.constant 48 : index
    %get3A_200 = tpu.vector_load %arg7[%get3A_198, %get3A_199] {strides = array<i32>} : memref<250x80xi32, #tpu.memory_space<vmem>>, vector<1x16xi32>,
    %get3A_201 = vector.shape_cast %get3A_200 : vector<1x16xi32> to vector<16xi32>
    %mul3A_202 = arith.constant 2 : i32
    %mul3A_203 = vector.broadcast %mul3A_202 : i32 to vector<16xi32>
    %mul3A_204 = arith.muli %get3A_201, %mul3A_203 : vector<16xi32>
    %add3A_205 = vector.broadcast %arg0 : i32 to vector<16xi32>
    %add3A_206 = arith.addi %mul3A_204, %add3A_205 : vector<16xi32>
    %swap3A_207 = arith.constant 1 : i32
    %swap3A_208 = arith.index_cast %swap3A_207 : i32 to index
    %swap3A_209 = arith.constant 48 : index
    %swap3A_210 = tpu.vector_load %arg7[%swap3A_208, %swap3A_209] {strides = array<i32>} : memref<250x80xi32, #tpu.memory_space<vmem>>, vector<1x16xi32>,
    %swap3A_211 = vector.shape_cast %swap3A_210 : vector<1x16xi32> to vector<16xi32>
    %swap3A_212 = vector.shape_cast %add3A_206 : vector<16xi32> to vector<1x16xi32>
    tpu.vector_store %arg7[%swap3A_208, %swap3A_209], %swap3A_212 {strides = array<i32>} : memref<250x80xi32, #tpu.memory_space<vmem>>, vector<1x16xi32>,
    %get3A_213 = arith.constant 1 : i32
    %get3A_214 = arith.index_cast %get3A_213 : i32 to index
    %get3A_215 = arith.constant 64 : index
    %get3A_216 = tpu.vector_load %arg7[%get3A_214, %get3A_215] {strides = array<i32>} : memref<250x80xi32, #tpu.memory_space<vmem>>, vector<1x16xi32>,
    %get3A_217 = vector.shape_cast %get3A_216 : vector<1x16xi32> to vector<16xi32>
    %mul3A_218 = arith.constant 2 : i32
    %mul3A_219 = vector.broadcast %mul3A_218 : i32 to vector<16xi32>
    %mul3A_220 = arith.muli %get3A_217, %mul3A_219 : vector<16xi32>
    %add3A_221 = vector.broadcast %arg0 : i32 to vector<16xi32>
    %add3A_222 = arith.addi %mul3A_220, %add3A_221 : vector<16xi32>
    %swap3A_223 = arith.constant 1 : i32
    %swap3A_224 = arith.index_cast %swap3A_223 : i32 to index
    %swap3A_225 = arith.constant 64 : index
    %swap3A_226 = tpu.vector_load %arg7[%swap3A_224, %swap3A_225] {strides = array<i32>} : memref<250x80xi32, #tpu.memory_space<vmem>>, vector<1x16xi32>,
    %swap3A_227 = vector.shape_cast %swap3A_226 : vector<1x16xi32> to vector<16xi32>
    %swap3A_228 = vector.shape_cast %add3A_222 : vector<16xi32> to vector<1x16xi32>
    tpu.vector_store %arg7[%swap3A_224, %swap3A_225], %swap3A_228 {strides = array<i32>} : memref<250x80xi32, #tpu.memory_space<vmem>>, vector<1x16xi32>,
    %dma_start3A_229 = arith.constant 1 : i32
    %dma_start3A_230 = arith.constant 1 : i32
    %dma_start3A_231 = arith.constant 0 : i32
    %dma_start3A_232 = arith.constant 0 : i32
    %dma_start3A_233 = tpu.memref_slice %arg9[%dma_start3A_230, %dma_start3A_231, %dma_start3A_232] : memref<5x80x64xf32, #tpu.memory_space<vmem>> -> memref<1x80x64xf32, #tpu.memory_space<vmem>>
    %dma_start3A_234 = tpu.memref_squeeze %dma_start3A_233 : memref<1x80x64xf32, #tpu.memory_space<vmem>> -> memref<80x64xf32, #tpu.memory_space<vmem>>
    %dma_start3A_235 = arith.constant 0 : i32
    %dma_start3A_236 = tpu.memref_slice %arg7[%dma_start3A_229, %dma_start3A_235] : memref<250x80xi32, #tpu.memory_space<vmem>> -> memref<1x80xi32, #tpu.memory_space<vmem>>
    %dma_start3A_237 = tpu.memref_squeeze %dma_start3A_236 : memref<1x80xi32, #tpu.memory_space<vmem>> -> memref<80xi32, #tpu.memory_space<vmem>>
    %dma_start3A_238 = arith.constant 0 : i32
    %dma_start3A_239 = arith.constant 0 : i32
    %dma_start3A_240 = tpu.memref_slice %arg2[%dma_start3A_238, %dma_start3A_239] : memref<20000x64xf32, #tpu.memory_space<hbm>> -> memref<20000x64xf32, #tpu.memory_space<hbm>>
    tpu.enqueue_indirect_dma source(%dma_start3A_240 : memref<20000x64xf32, #tpu.memory_space<hbm>>) target(%dma_start3A_234 : memref<80x64xf32, #tpu.memory_space<vmem>>) offsets(%dma_start3A_237 : memref<80xi32, #tpu.memory_space<vmem>>) semaphore(%arg15 : memref<!tpu.dma_semaphore, #tpu.memory_space<semaphore_mem>>)
    %get3A_241 = arith.constant 2 : i32
    %get3A_242 = arith.index_cast %get3A_241 : i32 to index
    %get3A_243 = arith.constant 0 : index
    %get3A_244 = tpu.vector_load %arg7[%get3A_242, %get3A_243] {strides = array<i32>} : memref<250x80xi32, #tpu.memory_space<vmem>>, vector<1x16xi32>,
    %get3A_245 = vector.shape_cast %get3A_244 : vector<1x16xi32> to vector<16xi32>
    %mul3A_246 = arith.constant 2 : i32
    %mul3A_247 = vector.broadcast %mul3A_246 : i32 to vector<16xi32>
    %mul3A_248 = arith.muli %get3A_245, %mul3A_247 : vector<16xi32>
    %add3A_249 = vector.broadcast %arg0 : i32 to vector<16xi32>
    %add3A_250 = arith.addi %mul3A_248, %add3A_249 : vector<16xi32>
    %swap3A_251 = arith.constant 2 : i32
    %swap3A_252 = arith.index_cast %swap3A_251 : i32 to index
    %swap3A_253 = arith.constant 0 : index
    %swap3A_254 = tpu.vector_load %arg7[%swap3A_252, %swap3A_253] {strides = array<i32>} : memref<250x80xi32, #tpu.memory_space<vmem>>, vector<1x16xi32>,
    %swap3A_255 = vector.shape_cast %swap3A_254 : vector<1x16xi32> to vector<16xi32>
    %swap3A_256 = vector.shape_cast %add3A_250 : vector<16xi32> to vector<1x16xi32>
    tpu.vector_store %arg7[%swap3A_252, %swap3A_253], %swap3A_256 {strides = array<i32>} : memref<250x80xi32, #tpu.memory_space<vmem>>, vector<1x16xi32>,
    %get3A_257 = arith.constant 2 : i32
    %get3A_258 = arith.index_cast %get3A_257 : i32 to index
    %get3A_259 = arith.constant 16 : index
    %get3A_260 = tpu.vector_load %arg7[%get3A_258, %get3A_259] {strides = array<i32>} : memref<250x80xi32, #tpu.memory_space<vmem>>, vector<1x16xi32>,
    %get3A_261 = vector.shape_cast %get3A_260 : vector<1x16xi32> to vector<16xi32>
    %mul3A_262 = arith.constant 2 : i32
    %mul3A_263 = vector.broadcast %mul3A_262 : i32 to vector<16xi32>
    %mul3A_264 = arith.muli %get3A_261, %mul3A_263 : vector<16xi32>
    %add3A_265 = vector.broadcast %arg0 : i32 to vector<16xi32>
    %add3A_266 = arith.addi %mul3A_264, %add3A_265 : vector<16xi32>
    %swap3A_267 = arith.constant 2 : i32
    %swap3A_268 = arith.index_cast %swap3A_267 : i32 to index
    %swap3A_269 = arith.constant 16 : index
    %swap3A_270 = tpu.vector_load %arg7[%swap3A_268, %swap3A_269] {strides = array<i32>} : memref<250x80xi32, #tpu.memory_space<vmem>>, vector<1x16xi32>,
    %swap3A_271 = vector.shape_cast %swap3A_270 : vector<1x16xi32> to vector<16xi32>
    %swap3A_272 = vector.shape_cast %add3A_266 : vector<16xi32> to vector<1x16xi32>
    tpu.vector_store %arg7[%swap3A_268, %swap3A_269], %swap3A_272 {strides = array<i32>} : memref<250x80xi32, #tpu.memory_space<vmem>>, vector<1x16xi32>,
    %get3A_273 = arith.constant 2 : i32
    %get3A_274 = arith.index_cast %get3A_273 : i32 to index
    %get3A_275 = arith.constant 32 : index
    %get3A_276 = tpu.vector_load %arg7[%get3A_274, %get3A_275] {strides = array<i32>} : memref<250x80xi32, #tpu.memory_space<vmem>>, vector<1x16xi32>,
    %get3A_277 = vector.shape_cast %get3A_276 : vector<1x16xi32> to vector<16xi32>
    %mul3A_278 = arith.constant 2 : i32
    %mul3A_279 = vector.broadcast %mul3A_278 : i32 to vector<16xi32>
    %mul3A_280 = arith.muli %get3A_277, %mul3A_279 : vector<16xi32>
    %add3A_281 = vector.broadcast %arg0 : i32 to vector<16xi32>
    %add3A_282 = arith.addi %mul3A_280, %add3A_281 : vector<16xi32>
    %swap3A_283 = arith.constant 2 : i32
    %swap3A_284 = arith.index_cast %swap3A_283 : i32 to index
    %swap3A_285 = arith.constant 32 : index
    %swap3A_286 = tpu.vector_load %arg7[%swap3A_284, %swap3A_285] {strides = array<i32>} : memref<250x80xi32, #tpu.memory_space<vmem>>, vector<1x16xi32>,
    %swap3A_287 = vector.shape_cast %swap3A_286 : vector<1x16xi32> to vector<16xi32>
    %swap3A_288 = vector.shape_cast %add3A_282 : vector<16xi32> to vector<1x16xi32>
    tpu.vector_store %arg7[%swap3A_284, %swap3A_285], %swap3A_288 {strides = array<i32>} : memref<250x80xi32, #tpu.memory_space<vmem>>, vector<1x16xi32>,
    %get3A_289 = arith.constant 2 : i32
    %get3A_290 = arith.index_cast %get3A_289 : i32 to index
    %get3A_291 = arith.constant 48 : index
    %get3A_292 = tpu.vector_load %arg7[%get3A_290, %get3A_291] {strides = array<i32>} : memref<250x80xi32, #tpu.memory_space<vmem>>, vector<1x16xi32>,
    %get3A_293 = vector.shape_cast %get3A_292 : vector<1x16xi32> to vector<16xi32>
    %mul3A_294 = arith.constant 2 : i32
    %mul3A_295 = vector.broadcast %mul3A_294 : i32 to vector<16xi32>
    %mul3A_296 = arith.muli %get3A_293, %mul3A_295 : vector<16xi32>
    %add3A_297 = vector.broadcast %arg0 : i32 to vector<16xi32>
    %add3A_298 = arith.addi %mul3A_296, %add3A_297 : vector<16xi32>
    %swap3A_299 = arith.constant 2 : i32
    %swap3A_300 = arith.index_cast %swap3A_299 : i32 to index
    %swap3A_301 = arith.constant 48 : index
    %swap3A_302 = tpu.vector_load %arg7[%swap3A_300, %swap3A_301] {strides = array<i32>} : memref<250x80xi32, #tpu.memory_space<vmem>>, vector<1x16xi32>,
    %swap3A_303 = vector.shape_cast %swap3A_302 : vector<1x16xi32> to vector<16xi32>
    %swap3A_304 = vector.shape_cast %add3A_298 : vector<16xi32> to vector<1x16xi32>
    tpu.vector_store %arg7[%swap3A_300, %swap3A_301], %swap3A_304 {strides = array<i32>} : memref<250x80xi32, #tpu.memory_space<vmem>>, vector<1x16xi32>,
    %get3A_305 = arith.constant 2 : i32
    %get3A_306 = arith.index_cast %get3A_305 : i32 to index
    %get3A_307 = arith.constant 64 : index
    %get3A_308 = tpu.vector_load %arg7[%get3A_306, %get3A_307] {strides = array<i32>} : memref<250x80xi32, #tpu.memory_space<vmem>>, vector<1x16xi32>,
    %get3A_309 = vector.shape_cast %get3A_308 : vector<1x16xi32> to vector<16xi32>
    %mul3A_310 = arith.constant 2 : i32
    %mul3A_311 = vector.broadcast %mul3A_310 : i32 to vector<16xi32>
    %mul3A_312 = arith.muli %get3A_309, %mul3A_311 : vector<16xi32>
    %add3A_313 = vector.broadcast %arg0 : i32 to vector<16xi32>
    %add3A_314 = arith.addi %mul3A_312, %add3A_313 : vector<16xi32>
    %swap3A_315 = arith.constant 2 : i32
    %swap3A_316 = arith.index_cast %swap3A_315 : i32 to index
    %swap3A_317 = arith.constant 64 : index
    %swap3A_318 = tpu.vector_load %arg7[%swap3A_316, %swap3A_317] {strides = array<i32>} : memref<250x80xi32, #tpu.memory_space<vmem>>, vector<1x16xi32>,
    %swap3A_319 = vector.shape_cast %swap3A_318 : vector<1x16xi32> to vector<16xi32>
    %swap3A_320 = vector.shape_cast %add3A_314 : vector<16xi32> to vector<1x16xi32>
    tpu.vector_store %arg7[%swap3A_316, %swap3A_317], %swap3A_320 {strides = array<i32>} : memref<250x80xi32, #tpu.memory_space<vmem>>, vector<1x16xi32>,
    %dma_start3A_321 = arith.constant 2 : i32
    %dma_start3A_322 = arith.constant 2 : i32
    %dma_start3A_323 = arith.constant 0 : i32
    %dma_start3A_324 = arith.constant 0 : i32
    %dma_start3A_325 = tpu.memref_slice %arg9[%dma_start3A_322, %dma_start3A_323, %dma_start3A_324] : memref<5x80x64xf32, #tpu.memory_space<vmem>> -> memref<1x80x64xf32, #tpu.memory_space<vmem>>
    %dma_start3A_326 = tpu.memref_squeeze %dma_start3A_325 : memref<1x80x64xf32, #tpu.memory_space<vmem>> -> memref<80x64xf32, #tpu.memory_space<vmem>>
    %dma_start3A_327 = arith.constant 0 : i32
    %dma_start3A_328 = tpu.memref_slice %arg7[%dma_start3A_321, %dma_start3A_327] : memref<250x80xi32, #tpu.memory_space<vmem>> -> memref<1x80xi32, #tpu.memory_space<vmem>>
    %dma_start3A_329 = tpu.memref_squeeze %dma_start3A_328 : memref<1x80xi32, #tpu.memory_space<vmem>> -> memref<80xi32, #tpu.memory_space<vmem>>
    %dma_start3A_330 = arith.constant 0 : i32
    %dma_start3A_331 = arith.constant 0 : i32
    %dma_start3A_332 = tpu.memref_slice %arg2[%dma_start3A_330, %dma_start3A_331] : memref<20000x64xf32, #tpu.memory_space<hbm>> -> memref<20000x64xf32, #tpu.memory_space<hbm>>
    tpu.enqueue_indirect_dma source(%dma_start3A_332 : memref<20000x64xf32, #tpu.memory_space<hbm>>) target(%dma_start3A_326 : memref<80x64xf32, #tpu.memory_space<vmem>>) offsets(%dma_start3A_329 : memref<80xi32, #tpu.memory_space<vmem>>) semaphore(%arg15 : memref<!tpu.dma_semaphore, #tpu.memory_space<semaphore_mem>>)
    %scan3A_333 = arith.constant 0 : i32
    %scan3A_334 = arith.constant 0 : i32
    %scan3A_335 = arith.constant 50 : i32
    %scan3A_336 = arith.addi %scan3A_334, %scan3A_335 : i32
    %scan3A_337 = arith.constant 1 : i32
    %scan3A_338 = scf.for %scan3A_376 = %scan3A_334 to %scan3A_336 step %scan3A_337 iter_args(%scan3A_377 = %scan3A_333) -> (i32)  : i32 {
      %mul3A_378 = arith.constant 5 : i32
      %mul3A_379 = arith.muli %scan3A_376, %mul3A_378 : i32
      %add3A_380 = arith.constant 0 : i32
      %add3A_381 = arith.addi %mul3A_379, %add3A_380 : i32
      %dma_wait3A_382 = arith.constant 0 : i32
      %dma_wait3A_383 = arith.constant 0 : i32
      %dma_wait3A_384 = arith.constant 0 : i32
      %dma_wait3A_385 = arith.constant 0 : i32
      %dma_wait3A_386 = tpu.memref_slice %arg9[%dma_wait3A_383, %dma_wait3A_384, %dma_wait3A_385] : memref<5x80x64xf32, #tpu.memory_space<vmem>> -> memref<1x80x64xf32, #tpu.memory_space<vmem>>
      %dma_wait3A_387 = tpu.memref_squeeze %dma_wait3A_386 : memref<1x80x64xf32, #tpu.memory_space<vmem>> -> memref<80x64xf32, #tpu.memory_space<vmem>>
      %dma_wait3A_388 = arith.constant 0 : i32
      %dma_wait3A_389 = tpu.memref_slice %arg7[%dma_wait3A_382, %dma_wait3A_388] : memref<250x80xi32, #tpu.memory_space<vmem>> -> memref<1x80xi32, #tpu.memory_space<vmem>>
      %dma_wait3A_390 = tpu.memref_squeeze %dma_wait3A_389 : memref<1x80xi32, #tpu.memory_space<vmem>> -> memref<80xi32, #tpu.memory_space<vmem>>
      %dma_wait3A_391 = arith.constant 0 : i32
      %dma_wait3A_392 = arith.constant 0 : i32
      %dma_wait3A_393 = tpu.memref_slice %arg2[%dma_wait3A_391, %dma_wait3A_392] : memref<20000x64xf32, #tpu.memory_space<hbm>> -> memref<20000x64xf32, #tpu.memory_space<hbm>>
      tpu.wait_indirect_dma semaphore(%arg15 : memref<!tpu.dma_semaphore, #tpu.memory_space<semaphore_mem>>) src(%dma_wait3A_393 : memref<20000x64xf32, #tpu.memory_space<hbm>>) dst(%dma_wait3A_387 : memref<80x64xf32, #tpu.memory_space<vmem>>)
      %dma_start3A_394 = arith.constant 0 : i32
      %dma_start3A_395 = arith.constant 0 : i32
      %dma_start3A_396 = arith.constant 0 : i32
      %dma_start3A_397 = tpu.memref_slice %arg9[%dma_start3A_394, %dma_start3A_395, %dma_start3A_396] : memref<5x80x64xf32, #tpu.memory_space<vmem>> -> memref<1x80x64xf32, #tpu.memory_space<vmem>>
      %dma_start3A_398 = tpu.memref_squeeze %dma_start3A_397 : memref<1x80x64xf32, #tpu.memory_space<vmem>> -> memref<80x64xf32, #tpu.memory_space<vmem>>
      %dma_start3A_399 = arith.constant 0 : i32
      %dma_start3A_400 = tpu.memref_slice %arg8[%add3A_381, %dma_start3A_399] : memref<250x80xi32, #tpu.memory_space<vmem>> -> memref<1x80xi32, #tpu.memory_space<vmem>>
      %dma_start3A_401 = tpu.memref_squeeze %dma_start3A_400 : memref<1x80xi32, #tpu.memory_space<vmem>> -> memref<80xi32, #tpu.memory_space<vmem>>
      %dma_start3A_402 = arith.constant 0 : i32
      %dma_start3A_403 = arith.constant 0 : i32
      %dma_start3A_404 = tpu.memref_slice %arg13[%dma_start3A_402, %dma_start3A_403] : memref<10240x64xf32, #tpu.memory_space<vmem_shared>> -> memref<10240x64xf32, #tpu.memory_space<vmem_shared>>
      tpu.enqueue_indirect_dma source(%dma_start3A_398 : memref<80x64xf32, #tpu.memory_space<vmem>>) target(%dma_start3A_404 : memref<10240x64xf32, #tpu.memory_space<vmem_shared>>) offsets(%dma_start3A_401 : memref<80xi32, #tpu.memory_space<vmem>>) semaphore(%arg16 : memref<!tpu.dma_semaphore, #tpu.memory_space<semaphore_mem>>) {add = true}
      %jit3A = arith.constant 2 : i32
      %eq3A = arith.constant 0 : i32
      %eq3A_405 = arith.cmpi eq, %jit3A, %eq3A : i32
      %jit3A_406 = arith.constant 1 : i32
      %select_n3A = arith.select %eq3A_405, %jit3A_406, %jit3A : i32
      %rem3A = arith.remsi %add3A_381, %select_n3A : i32
      %ne3A = arith.constant 0 : i32
      %ne3A_407 = arith.cmpi ne, %rem3A, %ne3A : i32
      %lt3A = arith.constant 0 : i32
      %lt3A_408 = arith.cmpi slt, %rem3A, %lt3A : i32
      %lt3A_409 = arith.constant 0 : i32
      %lt3A_410 = arith.cmpi slt, %select_n3A, %lt3A_409 : i32
      %ne3A_411 = arith.xori %lt3A_408, %lt3A_410 : i1
      %and3A = arith.andi %ne3A_411, %ne3A_407 : i1
      %add3A_412 = arith.addi %rem3A, %select_n3A : i32
      %select_n3A_413 = arith.select %and3A, %add3A_412, %rem3A : i32
      %eq3A_414 = arith.cmpi eq, %select_n3A_413, %arg0 : i32
      %convert_element_type3A = arith.extui %eq3A_414 : i1 to i32
      %cond3A = arith.constant 0 : i32
      %cond3A_415 = arith.cmpi ne, %convert_element_type3A, %cond3A : i32
      scf.if %cond3A_415 {
        %dma_start3A_779 = arith.constant 0 : i32
        %dma_start3A_780 = tpu.memref_slice %arg8[%add3A_381, %dma_start3A_779] : memref<250x80xi32, #tpu.memory_space<vmem>> -> memref<1x80xi32, #tpu.memory_space<vmem>>
        %dma_start3A_781 = tpu.memref_squeeze %dma_start3A_780 : memref<1x80xi32, #tpu.memory_space<vmem>> -> memref<80xi32, #tpu.memory_space<vmem>>
        %dma_start3A_782 = arith.constant 0 : i32
        %dma_start3A_783 = arith.constant 0 : i32
        %dma_start3A_784 = tpu.memref_slice %arg14[%dma_start3A_782, %dma_start3A_783] : memref<10240x16xf32, #tpu.memory_space<vmem_shared>> -> memref<10240x16xf32, #tpu.memory_space<vmem_shared>>
        tpu.enqueue_indirect_dma source(%arg11 : memref<80x16xf32, #tpu.memory_space<vmem>>) target(%dma_start3A_784 : memref<10240x16xf32, #tpu.memory_space<vmem_shared>>) offsets(%dma_start3A_781 : memref<80xi32, #tpu.memory_space<vmem>>) semaphore(%arg17 : memref<!tpu.dma_semaphore, #tpu.memory_space<semaphore_mem>>) {add = true}
      } else {
      }
      %jit3A_416 = arith.constant 2 : i32
      %eq3A_417 = arith.constant 0 : i32
      %eq3A_418 = arith.cmpi eq, %jit3A_416, %eq3A_417 : i32
      %jit3A_419 = arith.constant 1 : i32
      %select_n3A_420 = arith.select %eq3A_418, %jit3A_419, %jit3A_416 : i32
      %rem3A_421 = arith.remsi %add3A_381, %select_n3A_420 : i32
      %ne3A_422 = arith.constant 0 : i32
      %ne3A_423 = arith.cmpi ne, %rem3A_421, %ne3A_422 : i32
      %lt3A_424 = arith.constant 0 : i32
      %lt3A_425 = arith.cmpi slt, %rem3A_421, %lt3A_424 : i32
      %lt3A_426 = arith.constant 0 : i32
      %lt3A_427 = arith.cmpi slt, %select_n3A_420, %lt3A_426 : i32
      %ne3A_428 = arith.xori %lt3A_425, %lt3A_427 : i1
      %and3A_429 = arith.andi %ne3A_428, %ne3A_423 : i1
      %add3A_430 = arith.addi %rem3A_421, %select_n3A_420 : i32
      %select_n3A_431 = arith.select %and3A_429, %add3A_430, %rem3A_421 : i32
      %eq3A_432 = arith.cmpi eq, %select_n3A_431, %arg0 : i32
      %ge3A = arith.constant 2 : i32
      %ge3A_433 = arith.cmpi sge, %add3A_381, %ge3A : i32
      %and3A_434 = arith.andi %eq3A_432, %ge3A_433 : i1
      %convert_element_type3A_435 = arith.extui %and3A_434 : i1 to i32
      %cond3A_436 = arith.constant 0 : i32
      %cond3A_437 = arith.cmpi ne, %convert_element_type3A_435, %cond3A_436 : i32
      scf.if %cond3A_437 {
        %dma_wait3A_779 = arith.constant 0 : i32
        %dma_wait3A_780 = arith.constant 0 : i32
        %dma_wait3A_781 = tpu.memref_slice %arg8[%dma_wait3A_779, %dma_wait3A_780] : memref<250x80xi32, #tpu.memory_space<vmem>> -> memref<1x80xi32, #tpu.memory_space<vmem>>
        %dma_wait3A_782 = tpu.memref_squeeze %dma_wait3A_781 : memref<1x80xi32, #tpu.memory_space<vmem>> -> memref<80xi32, #tpu.memory_space<vmem>>
        %dma_wait3A_783 = arith.constant 0 : i32
        %dma_wait3A_784 = arith.constant 0 : i32
        %dma_wait3A_785 = tpu.memref_slice %arg14[%dma_wait3A_783, %dma_wait3A_784] : memref<10240x16xf32, #tpu.memory_space<vmem_shared>> -> memref<10240x16xf32, #tpu.memory_space<vmem_shared>>
        tpu.wait_indirect_dma semaphore(%arg17 : memref<!tpu.dma_semaphore, #tpu.memory_space<semaphore_mem>>) src(%arg11 : memref<80x16xf32, #tpu.memory_space<vmem>>) dst(%dma_wait3A_785 : memref<10240x16xf32, #tpu.memory_space<vmem_shared>>)
      } else {
      }
      %ge3A_438 = arith.constant 2 : i32
      %ge3A_439 = arith.cmpi sge, %add3A_381, %ge3A_438 : i32
      %convert_element_type3A_440 = arith.extui %ge3A_439 : i1 to i32
      %cond3A_441 = arith.constant 0 : i32
      %cond3A_442 = arith.cmpi ne, %convert_element_type3A_440, %cond3A_441 : i32
      scf.if %cond3A_442 {
        %dma_wait3A_779 = arith.constant 0 : i32
        %dma_wait3A_780 = arith.constant 0 : i32
        %dma_wait3A_781 = arith.constant 0 : i32
        %dma_wait3A_782 = arith.constant 0 : i32
        %dma_wait3A_783 = tpu.memref_slice %arg9[%dma_wait3A_779, %dma_wait3A_781, %dma_wait3A_782] : memref<5x80x64xf32, #tpu.memory_space<vmem>> -> memref<1x80x64xf32, #tpu.memory_space<vmem>>
        %dma_wait3A_784 = tpu.memref_squeeze %dma_wait3A_783 : memref<1x80x64xf32, #tpu.memory_space<vmem>> -> memref<80x64xf32, #tpu.memory_space<vmem>>
        %dma_wait3A_785 = arith.constant 0 : i32
        %dma_wait3A_786 = tpu.memref_slice %arg8[%dma_wait3A_780, %dma_wait3A_785] : memref<250x80xi32, #tpu.memory_space<vmem>> -> memref<1x80xi32, #tpu.memory_space<vmem>>
        %dma_wait3A_787 = tpu.memref_squeeze %dma_wait3A_786 : memref<1x80xi32, #tpu.memory_space<vmem>> -> memref<80xi32, #tpu.memory_space<vmem>>
        %dma_wait3A_788 = arith.constant 0 : i32
        %dma_wait3A_789 = arith.constant 0 : i32
        %dma_wait3A_790 = tpu.memref_slice %arg13[%dma_wait3A_788, %dma_wait3A_789] : memref<10240x64xf32, #tpu.memory_space<vmem_shared>> -> memref<10240x64xf32, #tpu.memory_space<vmem_shared>>
        tpu.wait_indirect_dma semaphore(%arg16 : memref<!tpu.dma_semaphore, #tpu.memory_space<semaphore_mem>>) src(%dma_wait3A_784 : memref<80x64xf32, #tpu.memory_space<vmem>>) dst(%dma_wait3A_790 : memref<10240x64xf32, #tpu.memory_space<vmem_shared>>)
      } else {
      }
      %add3A_443 = arith.constant 3 : i32
      %add3A_444 = arith.addi %add3A_381, %add3A_443 : i32
      %lt3A_445 = arith.constant 250 : i32
      %lt3A_446 = arith.cmpi slt, %add3A_444, %lt3A_445 : i32
      %convert_element_type3A_447 = arith.extui %lt3A_446 : i1 to i32
      %cond3A_448 = arith.constant 0 : i32
      %cond3A_449 = arith.cmpi ne, %convert_element_type3A_447, %cond3A_448 : i32
      scf.if %cond3A_449 {
        %add3A_779 = arith.constant 3 : i32
        %add3A_780 = arith.addi %add3A_381, %add3A_779 : i32
        %get3A_781 = arith.index_cast %add3A_780 : i32 to index
        %get3A_782 = arith.constant 0 : index
        %get3A_783 = tpu.vector_load %arg7[%get3A_781, %get3A_782] {strides = array<i32>} : memref<250x80xi32, #tpu.memory_space<vmem>>, vector<1x16xi32>,
        %get3A_784 = vector.shape_cast %get3A_783 : vector<1x16xi32> to vector<16xi32>
        %mul3A_785 = arith.constant 2 : i32
        %mul3A_786 = vector.broadcast %mul3A_785 : i32 to vector<16xi32>
        %mul3A_787 = arith.muli %get3A_784, %mul3A_786 : vector<16xi32>
        %add3A_788 = vector.broadcast %arg0 : i32 to vector<16xi32>
        %add3A_789 = arith.addi %mul3A_787, %add3A_788 : vector<16xi32>
        %swap3A_790 = arith.index_cast %add3A_780 : i32 to index
        %swap3A_791 = arith.constant 0 : index
        %swap3A_792 = tpu.vector_load %arg7[%swap3A_790, %swap3A_791] {strides = array<i32>} : memref<250x80xi32, #tpu.memory_space<vmem>>, vector<1x16xi32>,
        %swap3A_793 = vector.shape_cast %swap3A_792 : vector<1x16xi32> to vector<16xi32>
        %swap3A_794 = vector.shape_cast %add3A_789 : vector<16xi32> to vector<1x16xi32>
        tpu.vector_store %arg7[%swap3A_790, %swap3A_791], %swap3A_794 {strides = array<i32>} : memref<250x80xi32, #tpu.memory_space<vmem>>, vector<1x16xi32>,
        %get3A_795 = arith.index_cast %add3A_780 : i32 to index
        %get3A_796 = arith.constant 16 : index
        %get3A_797 = tpu.vector_load %arg7[%get3A_795, %get3A_796] {strides = array<i32>} : memref<250x80xi32, #tpu.memory_space<vmem>>, vector<1x16xi32>,
        %get3A_798 = vector.shape_cast %get3A_797 : vector<1x16xi32> to vector<16xi32>
        %mul3A_799 = arith.constant 2 : i32
        %mul3A_800 = vector.broadcast %mul3A_799 : i32 to vector<16xi32>
        %mul3A_801 = arith.muli %get3A_798, %mul3A_800 : vector<16xi32>
        %add3A_802 = vector.broadcast %arg0 : i32 to vector<16xi32>
        %add3A_803 = arith.addi %mul3A_801, %add3A_802 : vector<16xi32>
        %swap3A_804 = arith.index_cast %add3A_780 : i32 to index
        %swap3A_805 = arith.constant 16 : index
        %swap3A_806 = tpu.vector_load %arg7[%swap3A_804, %swap3A_805] {strides = array<i32>} : memref<250x80xi32, #tpu.memory_space<vmem>>, vector<1x16xi32>,
        %swap3A_807 = vector.shape_cast %swap3A_806 : vector<1x16xi32> to vector<16xi32>
        %swap3A_808 = vector.shape_cast %add3A_803 : vector<16xi32> to vector<1x16xi32>
        tpu.vector_store %arg7[%swap3A_804, %swap3A_805], %swap3A_808 {strides = array<i32>} : memref<250x80xi32, #tpu.memory_space<vmem>>, vector<1x16xi32>,
        %get3A_809 = arith.index_cast %add3A_780 : i32 to index
        %get3A_810 = arith.constant 32 : index
        %get3A_811 = tpu.vector_load %arg7[%get3A_809, %get3A_810] {strides = array<i32>} : memref<250x80xi32, #tpu.memory_space<vmem>>, vector<1x16xi32>,
        %get3A_812 = vector.shape_cast %get3A_811 : vector<1x16xi32> to vector<16xi32>
        %mul3A_813 = arith.constant 2 : i32
        %mul3A_814 = vector.broadcast %mul3A_813 : i32 to vector<16xi32>
        %mul3A_815 = arith.muli %get3A_812, %mul3A_814 : vector<16xi32>
        %add3A_816 = vector.broadcast %arg0 : i32 to vector<16xi32>
        %add3A_817 = arith.addi %mul3A_815, %add3A_816 : vector<16xi32>
        %swap3A_818 = arith.index_cast %add3A_780 : i32 to index
        %swap3A_819 = arith.constant 32 : index
        %swap3A_820 = tpu.vector_load %arg7[%swap3A_818, %swap3A_819] {strides = array<i32>} : memref<250x80xi32, #tpu.memory_space<vmem>>, vector<1x16xi32>,
        %swap3A_821 = vector.shape_cast %swap3A_820 : vector<1x16xi32> to vector<16xi32>
        %swap3A_822 = vector.shape_cast %add3A_817 : vector<16xi32> to vector<1x16xi32>
        tpu.vector_store %arg7[%swap3A_818, %swap3A_819], %swap3A_822 {strides = array<i32>} : memref<250x80xi32, #tpu.memory_space<vmem>>, vector<1x16xi32>,
        %get3A_823 = arith.index_cast %add3A_780 : i32 to index
        %get3A_824 = arith.constant 48 : index
        %get3A_825 = tpu.vector_load %arg7[%get3A_823, %get3A_824] {strides = array<i32>} : memref<250x80xi32, #tpu.memory_space<vmem>>, vector<1x16xi32>,
        %get3A_826 = vector.shape_cast %get3A_825 : vector<1x16xi32> to vector<16xi32>
        %mul3A_827 = arith.constant 2 : i32
        %mul3A_828 = vector.broadcast %mul3A_827 : i32 to vector<16xi32>
        %mul3A_829 = arith.muli %get3A_826, %mul3A_828 : vector<16xi32>
        %add3A_830 = vector.broadcast %arg0 : i32 to vector<16xi32>
        %add3A_831 = arith.addi %mul3A_829, %add3A_830 : vector<16xi32>
        %swap3A_832 = arith.index_cast %add3A_780 : i32 to index
        %swap3A_833 = arith.constant 48 : index
        %swap3A_834 = tpu.vector_load %arg7[%swap3A_832, %swap3A_833] {strides = array<i32>} : memref<250x80xi32, #tpu.memory_space<vmem>>, vector<1x16xi32>,
        %swap3A_835 = vector.shape_cast %swap3A_834 : vector<1x16xi32> to vector<16xi32>
        %swap3A_836 = vector.shape_cast %add3A_831 : vector<16xi32> to vector<1x16xi32>
        tpu.vector_store %arg7[%swap3A_832, %swap3A_833], %swap3A_836 {strides = array<i32>} : memref<250x80xi32, #tpu.memory_space<vmem>>, vector<1x16xi32>,
        %get3A_837 = arith.index_cast %add3A_780 : i32 to index
        %get3A_838 = arith.constant 64 : index
        %get3A_839 = tpu.vector_load %arg7[%get3A_837, %get3A_838] {strides = array<i32>} : memref<250x80xi32, #tpu.memory_space<vmem>>, vector<1x16xi32>,
        %get3A_840 = vector.shape_cast %get3A_839 : vector<1x16xi32> to vector<16xi32>
        %mul3A_841 = arith.constant 2 : i32
        %mul3A_842 = vector.broadcast %mul3A_841 : i32 to vector<16xi32>
        %mul3A_843 = arith.muli %get3A_840, %mul3A_842 : vector<16xi32>
        %add3A_844 = vector.broadcast %arg0 : i32 to vector<16xi32>
        %add3A_845 = arith.addi %mul3A_843, %add3A_844 : vector<16xi32>
        %swap3A_846 = arith.index_cast %add3A_780 : i32 to index
        %swap3A_847 = arith.constant 64 : index
        %swap3A_848 = tpu.vector_load %arg7[%swap3A_846, %swap3A_847] {strides = array<i32>} : memref<250x80xi32, #tpu.memory_space<vmem>>, vector<1x16xi32>,
        %swap3A_849 = vector.shape_cast %swap3A_848 : vector<1x16xi32> to vector<16xi32>
        %swap3A_850 = vector.shape_cast %add3A_845 : vector<16xi32> to vector<1x16xi32>
        tpu.vector_store %arg7[%swap3A_846, %swap3A_847], %swap3A_850 {strides = array<i32>} : memref<250x80xi32, #tpu.memory_space<vmem>>, vector<1x16xi32>,
        %dma_start3A_851 = arith.constant 3 : i32
        %dma_start3A_852 = arith.constant 0 : i32
        %dma_start3A_853 = arith.constant 0 : i32
        %dma_start3A_854 = tpu.memref_slice %arg9[%dma_start3A_851, %dma_start3A_852, %dma_start3A_853] : memref<5x80x64xf32, #tpu.memory_space<vmem>> -> memref<1x80x64xf32, #tpu.memory_space<vmem>>
        %dma_start3A_855 = tpu.memref_squeeze %dma_start3A_854 : memref<1x80x64xf32, #tpu.memory_space<vmem>> -> memref<80x64xf32, #tpu.memory_space<vmem>>
        %dma_start3A_856 = arith.constant 0 : i32
        %dma_start3A_857 = tpu.memref_slice %arg7[%add3A_780, %dma_start3A_856] : memref<250x80xi32, #tpu.memory_space<vmem>> -> memref<1x80xi32, #tpu.memory_space<vmem>>
        %dma_start3A_858 = tpu.memref_squeeze %dma_start3A_857 : memref<1x80xi32, #tpu.memory_space<vmem>> -> memref<80xi32, #tpu.memory_space<vmem>>
        %dma_start3A_859 = arith.constant 0 : i32
        %dma_start3A_860 = arith.constant 0 : i32
        %dma_start3A_861 = tpu.memref_slice %arg2[%dma_start3A_859, %dma_start3A_860] : memref<20000x64xf32, #tpu.memory_space<hbm>> -> memref<20000x64xf32, #tpu.memory_space<hbm>>
        tpu.enqueue_indirect_dma source(%dma_start3A_861 : memref<20000x64xf32, #tpu.memory_space<hbm>>) target(%dma_start3A_855 : memref<80x64xf32, #tpu.memory_space<vmem>>) offsets(%dma_start3A_858 : memref<80xi32, #tpu.memory_space<vmem>>) semaphore(%arg15 : memref<!tpu.dma_semaphore, #tpu.memory_space<semaphore_mem>>)
      } else {
      }
      %mul3A_450 = arith.constant 5 : i32
      %mul3A_451 = arith.muli %scan3A_376, %mul3A_450 : i32
      %add3A_452 = arith.constant 1 : i32
      %add3A_453 = arith.addi %mul3A_451, %add3A_452 : i32
      %dma_wait3A_454 = arith.constant 0 : i32
      %dma_wait3A_455 = arith.constant 1 : i32
      %dma_wait3A_456 = arith.constant 0 : i32
      %dma_wait3A_457 = arith.constant 0 : i32
      %dma_wait3A_458 = tpu.memref_slice %arg9[%dma_wait3A_455, %dma_wait3A_456, %dma_wait3A_457] : memref<5x80x64xf32, #tpu.memory_space<vmem>> -> memref<1x80x64xf32, #tpu.memory_space<vmem>>
      %dma_wait3A_459 = tpu.memref_squeeze %dma_wait3A_458 : memref<1x80x64xf32, #tpu.memory_space<vmem>> -> memref<80x64xf32, #tpu.memory_space<vmem>>
      %dma_wait3A_460 = arith.constant 0 : i32
      %dma_wait3A_461 = tpu.memref_slice %arg7[%dma_wait3A_454, %dma_wait3A_460] : memref<250x80xi32, #tpu.memory_space<vmem>> -> memref<1x80xi32, #tpu.memory_space<vmem>>
      %dma_wait3A_462 = tpu.memref_squeeze %dma_wait3A_461 : memref<1x80xi32, #tpu.memory_space<vmem>> -> memref<80xi32, #tpu.memory_space<vmem>>
      %dma_wait3A_463 = arith.constant 0 : i32
      %dma_wait3A_464 = arith.constant 0 : i32
      %dma_wait3A_465 = tpu.memref_slice %arg2[%dma_wait3A_463, %dma_wait3A_464] : memref<20000x64xf32, #tpu.memory_space<hbm>> -> memref<20000x64xf32, #tpu.memory_space<hbm>>
      tpu.wait_indirect_dma semaphore(%arg15 : memref<!tpu.dma_semaphore, #tpu.memory_space<semaphore_mem>>) src(%dma_wait3A_465 : memref<20000x64xf32, #tpu.memory_space<hbm>>) dst(%dma_wait3A_459 : memref<80x64xf32, #tpu.memory_space<vmem>>)
      %dma_start3A_466 = arith.constant 1 : i32
      %dma_start3A_467 = arith.constant 0 : i32
      %dma_start3A_468 = arith.constant 0 : i32
      %dma_start3A_469 = tpu.memref_slice %arg9[%dma_start3A_466, %dma_start3A_467, %dma_start3A_468] : memref<5x80x64xf32, #tpu.memory_space<vmem>> -> memref<1x80x64xf32, #tpu.memory_space<vmem>>
      %dma_start3A_470 = tpu.memref_squeeze %dma_start3A_469 : memref<1x80x64xf32, #tpu.memory_space<vmem>> -> memref<80x64xf32, #tpu.memory_space<vmem>>
      %dma_start3A_471 = arith.constant 0 : i32
      %dma_start3A_472 = tpu.memref_slice %arg8[%add3A_453, %dma_start3A_471] : memref<250x80xi32, #tpu.memory_space<vmem>> -> memref<1x80xi32, #tpu.memory_space<vmem>>
      %dma_start3A_473 = tpu.memref_squeeze %dma_start3A_472 : memref<1x80xi32, #tpu.memory_space<vmem>> -> memref<80xi32, #tpu.memory_space<vmem>>
      %dma_start3A_474 = arith.constant 0 : i32
      %dma_start3A_475 = arith.constant 0 : i32
      %dma_start3A_476 = tpu.memref_slice %arg13[%dma_start3A_474, %dma_start3A_475] : memref<10240x64xf32, #tpu.memory_space<vmem_shared>> -> memref<10240x64xf32, #tpu.memory_space<vmem_shared>>
      tpu.enqueue_indirect_dma source(%dma_start3A_470 : memref<80x64xf32, #tpu.memory_space<vmem>>) target(%dma_start3A_476 : memref<10240x64xf32, #tpu.memory_space<vmem_shared>>) offsets(%dma_start3A_473 : memref<80xi32, #tpu.memory_space<vmem>>) semaphore(%arg16 : memref<!tpu.dma_semaphore, #tpu.memory_space<semaphore_mem>>) {add = true}
      %jit3A_477 = arith.constant 2 : i32
      %eq3A_478 = arith.constant 0 : i32
      %eq3A_479 = arith.cmpi eq, %jit3A_477, %eq3A_478 : i32
      %jit3A_480 = arith.constant 1 : i32
      %select_n3A_481 = arith.select %eq3A_479, %jit3A_480, %jit3A_477 : i32
      %rem3A_482 = arith.remsi %add3A_453, %select_n3A_481 : i32
      %ne3A_483 = arith.constant 0 : i32
      %ne3A_484 = arith.cmpi ne, %rem3A_482, %ne3A_483 : i32
      %lt3A_485 = arith.constant 0 : i32
      %lt3A_486 = arith.cmpi slt, %rem3A_482, %lt3A_485 : i32
      %lt3A_487 = arith.constant 0 : i32
      %lt3A_488 = arith.cmpi slt, %select_n3A_481, %lt3A_487 : i32
      %ne3A_489 = arith.xori %lt3A_486, %lt3A_488 : i1
      %and3A_490 = arith.andi %ne3A_489, %ne3A_484 : i1
      %add3A_491 = arith.addi %rem3A_482, %select_n3A_481 : i32
      %select_n3A_492 = arith.select %and3A_490, %add3A_491, %rem3A_482 : i32
      %eq3A_493 = arith.cmpi eq, %select_n3A_492, %arg0 : i32
      %convert_element_type3A_494 = arith.extui %eq3A_493 : i1 to i32
      %cond3A_495 = arith.constant 0 : i32
      %cond3A_496 = arith.cmpi ne, %convert_element_type3A_494, %cond3A_495 : i32
      scf.if %cond3A_496 {
        %dma_start3A_779 = arith.constant 0 : i32
        %dma_start3A_780 = tpu.memref_slice %arg8[%add3A_453, %dma_start3A_779] : memref<250x80xi32, #tpu.memory_space<vmem>> -> memref<1x80xi32, #tpu.memory_space<vmem>>
        %dma_start3A_781 = tpu.memref_squeeze %dma_start3A_780 : memref<1x80xi32, #tpu.memory_space<vmem>> -> memref<80xi32, #tpu.memory_space<vmem>>
        %dma_start3A_782 = arith.constant 0 : i32
        %dma_start3A_783 = arith.constant 0 : i32
        %dma_start3A_784 = tpu.memref_slice %arg14[%dma_start3A_782, %dma_start3A_783] : memref<10240x16xf32, #tpu.memory_space<vmem_shared>> -> memref<10240x16xf32, #tpu.memory_space<vmem_shared>>
        tpu.enqueue_indirect_dma source(%arg11 : memref<80x16xf32, #tpu.memory_space<vmem>>) target(%dma_start3A_784 : memref<10240x16xf32, #tpu.memory_space<vmem_shared>>) offsets(%dma_start3A_781 : memref<80xi32, #tpu.memory_space<vmem>>) semaphore(%arg17 : memref<!tpu.dma_semaphore, #tpu.memory_space<semaphore_mem>>) {add = true}
      } else {
      }
      %jit3A_497 = arith.constant 2 : i32
      %eq3A_498 = arith.constant 0 : i32
      %eq3A_499 = arith.cmpi eq, %jit3A_497, %eq3A_498 : i32
      %jit3A_500 = arith.constant 1 : i32
      %select_n3A_501 = arith.select %eq3A_499, %jit3A_500, %jit3A_497 : i32
      %rem3A_502 = arith.remsi %add3A_453, %select_n3A_501 : i32
      %ne3A_503 = arith.constant 0 : i32
      %ne3A_504 = arith.cmpi ne, %rem3A_502, %ne3A_503 : i32
      %lt3A_505 = arith.constant 0 : i32
      %lt3A_506 = arith.cmpi slt, %rem3A_502, %lt3A_505 : i32
      %lt3A_507 = arith.constant 0 : i32
      %lt3A_508 = arith.cmpi slt, %select_n3A_501, %lt3A_507 : i32
      %ne3A_509 = arith.xori %lt3A_506, %lt3A_508 : i1
      %and3A_510 = arith.andi %ne3A_509, %ne3A_504 : i1
      %add3A_511 = arith.addi %rem3A_502, %select_n3A_501 : i32
      %select_n3A_512 = arith.select %and3A_510, %add3A_511, %rem3A_502 : i32
      %eq3A_513 = arith.cmpi eq, %select_n3A_512, %arg0 : i32
      %ge3A_514 = arith.constant 2 : i32
      %ge3A_515 = arith.cmpi sge, %add3A_453, %ge3A_514 : i32
      %and3A_516 = arith.andi %eq3A_513, %ge3A_515 : i1
      %convert_element_type3A_517 = arith.extui %and3A_516 : i1 to i32
      %cond3A_518 = arith.constant 0 : i32
      %cond3A_519 = arith.cmpi ne, %convert_element_type3A_517, %cond3A_518 : i32
      scf.if %cond3A_519 {
        %dma_wait3A_779 = arith.constant 0 : i32
        %dma_wait3A_780 = arith.constant 0 : i32
        %dma_wait3A_781 = tpu.memref_slice %arg8[%dma_wait3A_779, %dma_wait3A_780] : memref<250x80xi32, #tpu.memory_space<vmem>> -> memref<1x80xi32, #tpu.memory_space<vmem>>
        %dma_wait3A_782 = tpu.memref_squeeze %dma_wait3A_781 : memref<1x80xi32, #tpu.memory_space<vmem>> -> memref<80xi32, #tpu.memory_space<vmem>>
        %dma_wait3A_783 = arith.constant 0 : i32
        %dma_wait3A_784 = arith.constant 0 : i32
        %dma_wait3A_785 = tpu.memref_slice %arg14[%dma_wait3A_783, %dma_wait3A_784] : memref<10240x16xf32, #tpu.memory_space<vmem_shared>> -> memref<10240x16xf32, #tpu.memory_space<vmem_shared>>
        tpu.wait_indirect_dma semaphore(%arg17 : memref<!tpu.dma_semaphore, #tpu.memory_space<semaphore_mem>>) src(%arg11 : memref<80x16xf32, #tpu.memory_space<vmem>>) dst(%dma_wait3A_785 : memref<10240x16xf32, #tpu.memory_space<vmem_shared>>)
      } else {
      }
      %ge3A_520 = arith.constant 2 : i32
      %ge3A_521 = arith.cmpi sge, %add3A_453, %ge3A_520 : i32
      %convert_element_type3A_522 = arith.extui %ge3A_521 : i1 to i32
      %cond3A_523 = arith.constant 0 : i32
      %cond3A_524 = arith.cmpi ne, %convert_element_type3A_522, %cond3A_523 : i32
      scf.if %cond3A_524 {
        %dma_wait3A_779 = arith.constant 1 : i32
        %dma_wait3A_780 = arith.constant 0 : i32
        %dma_wait3A_781 = arith.constant 0 : i32
        %dma_wait3A_782 = arith.constant 0 : i32
        %dma_wait3A_783 = tpu.memref_slice %arg9[%dma_wait3A_779, %dma_wait3A_781, %dma_wait3A_782] : memref<5x80x64xf32, #tpu.memory_space<vmem>> -> memref<1x80x64xf32, #tpu.memory_space<vmem>>
        %dma_wait3A_784 = tpu.memref_squeeze %dma_wait3A_783 : memref<1x80x64xf32, #tpu.memory_space<vmem>> -> memref<80x64xf32, #tpu.memory_space<vmem>>
        %dma_wait3A_785 = arith.constant 0 : i32
        %dma_wait3A_786 = tpu.memref_slice %arg8[%dma_wait3A_780, %dma_wait3A_785] : memref<250x80xi32, #tpu.memory_space<vmem>> -> memref<1x80xi32, #tpu.memory_space<vmem>>
        %dma_wait3A_787 = tpu.memref_squeeze %dma_wait3A_786 : memref<1x80xi32, #tpu.memory_space<vmem>> -> memref<80xi32, #tpu.memory_space<vmem>>
        %dma_wait3A_788 = arith.constant 0 : i32
        %dma_wait3A_789 = arith.constant 0 : i32
        %dma_wait3A_790 = tpu.memref_slice %arg13[%dma_wait3A_788, %dma_wait3A_789] : memref<10240x64xf32, #tpu.memory_space<vmem_shared>> -> memref<10240x64xf32, #tpu.memory_space<vmem_shared>>
        tpu.wait_indirect_dma semaphore(%arg16 : memref<!tpu.dma_semaphore, #tpu.memory_space<semaphore_mem>>) src(%dma_wait3A_784 : memref<80x64xf32, #tpu.memory_space<vmem>>) dst(%dma_wait3A_790 : memref<10240x64xf32, #tpu.memory_space<vmem_shared>>)
      } else {
      }
      %add3A_525 = arith.constant 3 : i32
      %add3A_526 = arith.addi %add3A_453, %add3A_525 : i32
      %lt3A_527 = arith.constant 250 : i32
      %lt3A_528 = arith.cmpi slt, %add3A_526, %lt3A_527 : i32
      %convert_element_type3A_529 = arith.extui %lt3A_528 : i1 to i32
      %cond3A_530 = arith.constant 0 : i32
      %cond3A_531 = arith.cmpi ne, %convert_element_type3A_529, %cond3A_530 : i32
      scf.if %cond3A_531 {
        %add3A_779 = arith.constant 3 : i32
        %add3A_780 = arith.addi %add3A_453, %add3A_779 : i32
        %get3A_781 = arith.index_cast %add3A_780 : i32 to index
        %get3A_782 = arith.constant 0 : index
        %get3A_783 = tpu.vector_load %arg7[%get3A_781, %get3A_782] {strides = array<i32>} : memref<250x80xi32, #tpu.memory_space<vmem>>, vector<1x16xi32>,
        %get3A_784 = vector.shape_cast %get3A_783 : vector<1x16xi32> to vector<16xi32>
        %mul3A_785 = arith.constant 2 : i32
        %mul3A_786 = vector.broadcast %mul3A_785 : i32 to vector<16xi32>
        %mul3A_787 = arith.muli %get3A_784, %mul3A_786 : vector<16xi32>
        %add3A_788 = vector.broadcast %arg0 : i32 to vector<16xi32>
        %add3A_789 = arith.addi %mul3A_787, %add3A_788 : vector<16xi32>
        %swap3A_790 = arith.index_cast %add3A_780 : i32 to index
        %swap3A_791 = arith.constant 0 : index
        %swap3A_792 = tpu.vector_load %arg7[%swap3A_790, %swap3A_791] {strides = array<i32>} : memref<250x80xi32, #tpu.memory_space<vmem>>, vector<1x16xi32>,
        %swap3A_793 = vector.shape_cast %swap3A_792 : vector<1x16xi32> to vector<16xi32>
        %swap3A_794 = vector.shape_cast %add3A_789 : vector<16xi32> to vector<1x16xi32>
        tpu.vector_store %arg7[%swap3A_790, %swap3A_791], %swap3A_794 {strides = array<i32>} : memref<250x80xi32, #tpu.memory_space<vmem>>, vector<1x16xi32>,
        %get3A_795 = arith.index_cast %add3A_780 : i32 to index
        %get3A_796 = arith.constant 16 : index
        %get3A_797 = tpu.vector_load %arg7[%get3A_795, %get3A_796] {strides = array<i32>} : memref<250x80xi32, #tpu.memory_space<vmem>>, vector<1x16xi32>,
        %get3A_798 = vector.shape_cast %get3A_797 : vector<1x16xi32> to vector<16xi32>
        %mul3A_799 = arith.constant 2 : i32
        %mul3A_800 = vector.broadcast %mul3A_799 : i32 to vector<16xi32>
        %mul3A_801 = arith.muli %get3A_798, %mul3A_800 : vector<16xi32>
        %add3A_802 = vector.broadcast %arg0 : i32 to vector<16xi32>
        %add3A_803 = arith.addi %mul3A_801, %add3A_802 : vector<16xi32>
        %swap3A_804 = arith.index_cast %add3A_780 : i32 to index
        %swap3A_805 = arith.constant 16 : index
        %swap3A_806 = tpu.vector_load %arg7[%swap3A_804, %swap3A_805] {strides = array<i32>} : memref<250x80xi32, #tpu.memory_space<vmem>>, vector<1x16xi32>,
        %swap3A_807 = vector.shape_cast %swap3A_806 : vector<1x16xi32> to vector<16xi32>
        %swap3A_808 = vector.shape_cast %add3A_803 : vector<16xi32> to vector<1x16xi32>
        tpu.vector_store %arg7[%swap3A_804, %swap3A_805], %swap3A_808 {strides = array<i32>} : memref<250x80xi32, #tpu.memory_space<vmem>>, vector<1x16xi32>,
        %get3A_809 = arith.index_cast %add3A_780 : i32 to index
        %get3A_810 = arith.constant 32 : index
        %get3A_811 = tpu.vector_load %arg7[%get3A_809, %get3A_810] {strides = array<i32>} : memref<250x80xi32, #tpu.memory_space<vmem>>, vector<1x16xi32>,
        %get3A_812 = vector.shape_cast %get3A_811 : vector<1x16xi32> to vector<16xi32>
        %mul3A_813 = arith.constant 2 : i32
        %mul3A_814 = vector.broadcast %mul3A_813 : i32 to vector<16xi32>
        %mul3A_815 = arith.muli %get3A_812, %mul3A_814 : vector<16xi32>
        %add3A_816 = vector.broadcast %arg0 : i32 to vector<16xi32>
        %add3A_817 = arith.addi %mul3A_815, %add3A_816 : vector<16xi32>
        %swap3A_818 = arith.index_cast %add3A_780 : i32 to index
        %swap3A_819 = arith.constant 32 : index
        %swap3A_820 = tpu.vector_load %arg7[%swap3A_818, %swap3A_819] {strides = array<i32>} : memref<250x80xi32, #tpu.memory_space<vmem>>, vector<1x16xi32>,
        %swap3A_821 = vector.shape_cast %swap3A_820 : vector<1x16xi32> to vector<16xi32>
        %swap3A_822 = vector.shape_cast %add3A_817 : vector<16xi32> to vector<1x16xi32>
        tpu.vector_store %arg7[%swap3A_818, %swap3A_819], %swap3A_822 {strides = array<i32>} : memref<250x80xi32, #tpu.memory_space<vmem>>, vector<1x16xi32>,
        %get3A_823 = arith.index_cast %add3A_780 : i32 to index
        %get3A_824 = arith.constant 48 : index
        %get3A_825 = tpu.vector_load %arg7[%get3A_823, %get3A_824] {strides = array<i32>} : memref<250x80xi32, #tpu.memory_space<vmem>>, vector<1x16xi32>,
        %get3A_826 = vector.shape_cast %get3A_825 : vector<1x16xi32> to vector<16xi32>
        %mul3A_827 = arith.constant 2 : i32
        %mul3A_828 = vector.broadcast %mul3A_827 : i32 to vector<16xi32>
        %mul3A_829 = arith.muli %get3A_826, %mul3A_828 : vector<16xi32>
        %add3A_830 = vector.broadcast %arg0 : i32 to vector<16xi32>
        %add3A_831 = arith.addi %mul3A_829, %add3A_830 : vector<16xi32>
        %swap3A_832 = arith.index_cast %add3A_780 : i32 to index
        %swap3A_833 = arith.constant 48 : index
        %swap3A_834 = tpu.vector_load %arg7[%swap3A_832, %swap3A_833] {strides = array<i32>} : memref<250x80xi32, #tpu.memory_space<vmem>>, vector<1x16xi32>,
        %swap3A_835 = vector.shape_cast %swap3A_834 : vector<1x16xi32> to vector<16xi32>
        %swap3A_836 = vector.shape_cast %add3A_831 : vector<16xi32> to vector<1x16xi32>
        tpu.vector_store %arg7[%swap3A_832, %swap3A_833], %swap3A_836 {strides = array<i32>} : memref<250x80xi32, #tpu.memory_space<vmem>>, vector<1x16xi32>,
        %get3A_837 = arith.index_cast %add3A_780 : i32 to index
        %get3A_838 = arith.constant 64 : index
        %get3A_839 = tpu.vector_load %arg7[%get3A_837, %get3A_838] {strides = array<i32>} : memref<250x80xi32, #tpu.memory_space<vmem>>, vector<1x16xi32>,
        %get3A_840 = vector.shape_cast %get3A_839 : vector<1x16xi32> to vector<16xi32>
        %mul3A_841 = arith.constant 2 : i32
        %mul3A_842 = vector.broadcast %mul3A_841 : i32 to vector<16xi32>
        %mul3A_843 = arith.muli %get3A_840, %mul3A_842 : vector<16xi32>
        %add3A_844 = vector.broadcast %arg0 : i32 to vector<16xi32>
        %add3A_845 = arith.addi %mul3A_843, %add3A_844 : vector<16xi32>
        %swap3A_846 = arith.index_cast %add3A_780 : i32 to index
        %swap3A_847 = arith.constant 64 : index
        %swap3A_848 = tpu.vector_load %arg7[%swap3A_846, %swap3A_847] {strides = array<i32>} : memref<250x80xi32, #tpu.memory_space<vmem>>, vector<1x16xi32>,
        %swap3A_849 = vector.shape_cast %swap3A_848 : vector<1x16xi32> to vector<16xi32>
        %swap3A_850 = vector.shape_cast %add3A_845 : vector<16xi32> to vector<1x16xi32>
        tpu.vector_store %arg7[%swap3A_846, %swap3A_847], %swap3A_850 {strides = array<i32>} : memref<250x80xi32, #tpu.memory_space<vmem>>, vector<1x16xi32>,
        %dma_start3A_851 = arith.constant 4 : i32
        %dma_start3A_852 = arith.constant 0 : i32
        %dma_start3A_853 = arith.constant 0 : i32
        %dma_start3A_854 = tpu.memref_slice %arg9[%dma_start3A_851, %dma_start3A_852, %dma_start3A_853] : memref<5x80x64xf32, #tpu.memory_space<vmem>> -> memref<1x80x64xf32, #tpu.memory_space<vmem>>
        %dma_start3A_855 = tpu.memref_squeeze %dma_start3A_854 : memref<1x80x64xf32, #tpu.memory_space<vmem>> -> memref<80x64xf32, #tpu.memory_space<vmem>>
        %dma_start3A_856 = arith.constant 0 : i32
        %dma_start3A_857 = tpu.memref_slice %arg7[%add3A_780, %dma_start3A_856] : memref<250x80xi32, #tpu.memory_space<vmem>> -> memref<1x80xi32, #tpu.memory_space<vmem>>
        %dma_start3A_858 = tpu.memref_squeeze %dma_start3A_857 : memref<1x80xi32, #tpu.memory_space<vmem>> -> memref<80xi32, #tpu.memory_space<vmem>>
        %dma_start3A_859 = arith.constant 0 : i32
        %dma_start3A_860 = arith.constant 0 : i32
        %dma_start3A_861 = tpu.memref_slice %arg2[%dma_start3A_859, %dma_start3A_860] : memref<20000x64xf32, #tpu.memory_space<hbm>> -> memref<20000x64xf32, #tpu.memory_space<hbm>>
        tpu.enqueue_indirect_dma source(%dma_start3A_861 : memref<20000x64xf32, #tpu.memory_space<hbm>>) target(%dma_start3A_855 : memref<80x64xf32, #tpu.memory_space<vmem>>) offsets(%dma_start3A_858 : memref<80xi32, #tpu.memory_space<vmem>>) semaphore(%arg15 : memref<!tpu.dma_semaphore, #tpu.memory_space<semaphore_mem>>)
      } else {
      }
      %mul3A_532 = arith.constant 5 : i32
      %mul3A_533 = arith.muli %scan3A_376, %mul3A_532 : i32
      %add3A_534 = arith.constant 2 : i32
      %add3A_535 = arith.addi %mul3A_533, %add3A_534 : i32
      %dma_wait3A_536 = arith.constant 0 : i32
      %dma_wait3A_537 = arith.constant 2 : i32
      %dma_wait3A_538 = arith.constant 0 : i32
      %dma_wait3A_539 = arith.constant 0 : i32
      %dma_wait3A_540 = tpu.memref_slice %arg9[%dma_wait3A_537, %dma_wait3A_538, %dma_wait3A_539] : memref<5x80x64xf32, #tpu.memory_space<vmem>> -> memref<1x80x64xf32, #tpu.memory_space<vmem>>
      %dma_wait3A_541 = tpu.memref_squeeze %dma_wait3A_540 : memref<1x80x64xf32, #tpu.memory_space<vmem>> -> memref<80x64xf32, #tpu.memory_space<vmem>>
      %dma_wait3A_542 = arith.constant 0 : i32
      %dma_wait3A_543 = tpu.memref_slice %arg7[%dma_wait3A_536, %dma_wait3A_542] : memref<250x80xi32, #tpu.memory_space<vmem>> -> memref<1x80xi32, #tpu.memory_space<vmem>>
      %dma_wait3A_544 = tpu.memref_squeeze %dma_wait3A_543 : memref<1x80xi32, #tpu.memory_space<vmem>> -> memref<80xi32, #tpu.memory_space<vmem>>
      %dma_wait3A_545 = arith.constant 0 : i32
      %dma_wait3A_546 = arith.constant 0 : i32
      %dma_wait3A_547 = tpu.memref_slice %arg2[%dma_wait3A_545, %dma_wait3A_546] : memref<20000x64xf32, #tpu.memory_space<hbm>> -> memref<20000x64xf32, #tpu.memory_space<hbm>>
      tpu.wait_indirect_dma semaphore(%arg15 : memref<!tpu.dma_semaphore, #tpu.memory_space<semaphore_mem>>) src(%dma_wait3A_547 : memref<20000x64xf32, #tpu.memory_space<hbm>>) dst(%dma_wait3A_541 : memref<80x64xf32, #tpu.memory_space<vmem>>)
      %dma_start3A_548 = arith.constant 2 : i32
      %dma_start3A_549 = arith.constant 0 : i32
      %dma_start3A_550 = arith.constant 0 : i32
      %dma_start3A_551 = tpu.memref_slice %arg9[%dma_start3A_548, %dma_start3A_549, %dma_start3A_550] : memref<5x80x64xf32, #tpu.memory_space<vmem>> -> memref<1x80x64xf32, #tpu.memory_space<vmem>>
      %dma_start3A_552 = tpu.memref_squeeze %dma_start3A_551 : memref<1x80x64xf32, #tpu.memory_space<vmem>> -> memref<80x64xf32, #tpu.memory_space<vmem>>
      %dma_start3A_553 = arith.constant 0 : i32
      %dma_start3A_554 = tpu.memref_slice %arg8[%add3A_535, %dma_start3A_553] : memref<250x80xi32, #tpu.memory_space<vmem>> -> memref<1x80xi32, #tpu.memory_space<vmem>>
      %dma_start3A_555 = tpu.memref_squeeze %dma_start3A_554 : memref<1x80xi32, #tpu.memory_space<vmem>> -> memref<80xi32, #tpu.memory_space<vmem>>
      %dma_start3A_556 = arith.constant 0 : i32
      %dma_start3A_557 = arith.constant 0 : i32
      %dma_start3A_558 = tpu.memref_slice %arg13[%dma_start3A_556, %dma_start3A_557] : memref<10240x64xf32, #tpu.memory_space<vmem_shared>> -> memref<10240x64xf32, #tpu.memory_space<vmem_shared>>
      tpu.enqueue_indirect_dma source(%dma_start3A_552 : memref<80x64xf32, #tpu.memory_space<vmem>>) target(%dma_start3A_558 : memref<10240x64xf32, #tpu.memory_space<vmem_shared>>) offsets(%dma_start3A_555 : memref<80xi32, #tpu.memory_space<vmem>>) semaphore(%arg16 : memref<!tpu.dma_semaphore, #tpu.memory_space<semaphore_mem>>) {add = true}
      %jit3A_559 = arith.constant 2 : i32
      %eq3A_560 = arith.constant 0 : i32
      %eq3A_561 = arith.cmpi eq, %jit3A_559, %eq3A_560 : i32
      %jit3A_562 = arith.constant 1 : i32
      %select_n3A_563 = arith.select %eq3A_561, %jit3A_562, %jit3A_559 : i32
      %rem3A_564 = arith.remsi %add3A_535, %select_n3A_563 : i32
      %ne3A_565 = arith.constant 0 : i32
      %ne3A_566 = arith.cmpi ne, %rem3A_564, %ne3A_565 : i32
      %lt3A_567 = arith.constant 0 : i32
      %lt3A_568 = arith.cmpi slt, %rem3A_564, %lt3A_567 : i32
      %lt3A_569 = arith.constant 0 : i32
      %lt3A_570 = arith.cmpi slt, %select_n3A_563, %lt3A_569 : i32
      %ne3A_571 = arith.xori %lt3A_568, %lt3A_570 : i1
      %and3A_572 = arith.andi %ne3A_571, %ne3A_566 : i1
      %add3A_573 = arith.addi %rem3A_564, %select_n3A_563 : i32
      %select_n3A_574 = arith.select %and3A_572, %add3A_573, %rem3A_564 : i32
      %eq3A_575 = arith.cmpi eq, %select_n3A_574, %arg0 : i32
      %convert_element_type3A_576 = arith.extui %eq3A_575 : i1 to i32
      %cond3A_577 = arith.constant 0 : i32
      %cond3A_578 = arith.cmpi ne, %convert_element_type3A_576, %cond3A_577 : i32
      scf.if %cond3A_578 {
        %dma_start3A_779 = arith.constant 0 : i32
        %dma_start3A_780 = tpu.memref_slice %arg8[%add3A_535, %dma_start3A_779] : memref<250x80xi32, #tpu.memory_space<vmem>> -> memref<1x80xi32, #tpu.memory_space<vmem>>
        %dma_start3A_781 = tpu.memref_squeeze %dma_start3A_780 : memref<1x80xi32, #tpu.memory_space<vmem>> -> memref<80xi32, #tpu.memory_space<vmem>>
        %dma_start3A_782 = arith.constant 0 : i32
        %dma_start3A_783 = arith.constant 0 : i32
        %dma_start3A_784 = tpu.memref_slice %arg14[%dma_start3A_782, %dma_start3A_783] : memref<10240x16xf32, #tpu.memory_space<vmem_shared>> -> memref<10240x16xf32, #tpu.memory_space<vmem_shared>>
        tpu.enqueue_indirect_dma source(%arg11 : memref<80x16xf32, #tpu.memory_space<vmem>>) target(%dma_start3A_784 : memref<10240x16xf32, #tpu.memory_space<vmem_shared>>) offsets(%dma_start3A_781 : memref<80xi32, #tpu.memory_space<vmem>>) semaphore(%arg17 : memref<!tpu.dma_semaphore, #tpu.memory_space<semaphore_mem>>) {add = true}
      } else {
      }
      %jit3A_579 = arith.constant 2 : i32
      %eq3A_580 = arith.constant 0 : i32
      %eq3A_581 = arith.cmpi eq, %jit3A_579, %eq3A_580 : i32
      %jit3A_582 = arith.constant 1 : i32
      %select_n3A_583 = arith.select %eq3A_581, %jit3A_582, %jit3A_579 : i32
      %rem3A_584 = arith.remsi %add3A_535, %select_n3A_583 : i32
      %ne3A_585 = arith.constant 0 : i32
      %ne3A_586 = arith.cmpi ne, %rem3A_584, %ne3A_585 : i32
      %lt3A_587 = arith.constant 0 : i32
      %lt3A_588 = arith.cmpi slt, %rem3A_584, %lt3A_587 : i32
      %lt3A_589 = arith.constant 0 : i32
      %lt3A_590 = arith.cmpi slt, %select_n3A_583, %lt3A_589 : i32
      %ne3A_591 = arith.xori %lt3A_588, %lt3A_590 : i1
      %and3A_592 = arith.andi %ne3A_591, %ne3A_586 : i1
      %add3A_593 = arith.addi %rem3A_584, %select_n3A_583 : i32
      %select_n3A_594 = arith.select %and3A_592, %add3A_593, %rem3A_584 : i32
      %eq3A_595 = arith.cmpi eq, %select_n3A_594, %arg0 : i32
      %ge3A_596 = arith.constant 2 : i32
      %ge3A_597 = arith.cmpi sge, %add3A_535, %ge3A_596 : i32
      %and3A_598 = arith.andi %eq3A_595, %ge3A_597 : i1
      %convert_element_type3A_599 = arith.extui %and3A_598 : i1 to i32
      %cond3A_600 = arith.constant 0 : i32
      %cond3A_601 = arith.cmpi ne, %convert_element_type3A_599, %cond3A_600 : i32
      scf.if %cond3A_601 {
        %dma_wait3A_779 = arith.constant 0 : i32
        %dma_wait3A_780 = arith.constant 0 : i32
        %dma_wait3A_781 = tpu.memref_slice %arg8[%dma_wait3A_779, %dma_wait3A_780] : memref<250x80xi32, #tpu.memory_space<vmem>> -> memref<1x80xi32, #tpu.memory_space<vmem>>
        %dma_wait3A_782 = tpu.memref_squeeze %dma_wait3A_781 : memref<1x80xi32, #tpu.memory_space<vmem>> -> memref<80xi32, #tpu.memory_space<vmem>>
        %dma_wait3A_783 = arith.constant 0 : i32
        %dma_wait3A_784 = arith.constant 0 : i32
        %dma_wait3A_785 = tpu.memref_slice %arg14[%dma_wait3A_783, %dma_wait3A_784] : memref<10240x16xf32, #tpu.memory_space<vmem_shared>> -> memref<10240x16xf32, #tpu.memory_space<vmem_shared>>
        tpu.wait_indirect_dma semaphore(%arg17 : memref<!tpu.dma_semaphore, #tpu.memory_space<semaphore_mem>>) src(%arg11 : memref<80x16xf32, #tpu.memory_space<vmem>>) dst(%dma_wait3A_785 : memref<10240x16xf32, #tpu.memory_space<vmem_shared>>)
      } else {
      }
      %ge3A_602 = arith.constant 2 : i32
      %ge3A_603 = arith.cmpi sge, %add3A_535, %ge3A_602 : i32
      %convert_element_type3A_604 = arith.extui %ge3A_603 : i1 to i32
      %cond3A_605 = arith.constant 0 : i32
      %cond3A_606 = arith.cmpi ne, %convert_element_type3A_604, %cond3A_605 : i32
      scf.if %cond3A_606 {
        %dma_wait3A_779 = arith.constant 2 : i32
        %dma_wait3A_780 = arith.constant 0 : i32
        %dma_wait3A_781 = arith.constant 0 : i32
        %dma_wait3A_782 = arith.constant 0 : i32
        %dma_wait3A_783 = tpu.memref_slice %arg9[%dma_wait3A_779, %dma_wait3A_781, %dma_wait3A_782] : memref<5x80x64xf32, #tpu.memory_space<vmem>> -> memref<1x80x64xf32, #tpu.memory_space<vmem>>
        %dma_wait3A_784 = tpu.memref_squeeze %dma_wait3A_783 : memref<1x80x64xf32, #tpu.memory_space<vmem>> -> memref<80x64xf32, #tpu.memory_space<vmem>>
        %dma_wait3A_785 = arith.constant 0 : i32
        %dma_wait3A_786 = tpu.memref_slice %arg8[%dma_wait3A_780, %dma_wait3A_785] : memref<250x80xi32, #tpu.memory_space<vmem>> -> memref<1x80xi32, #tpu.memory_space<vmem>>
        %dma_wait3A_787 = tpu.memref_squeeze %dma_wait3A_786 : memref<1x80xi32, #tpu.memory_space<vmem>> -> memref<80xi32, #tpu.memory_space<vmem>>
        %dma_wait3A_788 = arith.constant 0 : i32
        %dma_wait3A_789 = arith.constant 0 : i32
        %dma_wait3A_790 = tpu.memref_slice %arg13[%dma_wait3A_788, %dma_wait3A_789] : memref<10240x64xf32, #tpu.memory_space<vmem_shared>> -> memref<10240x64xf32, #tpu.memory_space<vmem_shared>>
        tpu.wait_indirect_dma semaphore(%arg16 : memref<!tpu.dma_semaphore, #tpu.memory_space<semaphore_mem>>) src(%dma_wait3A_784 : memref<80x64xf32, #tpu.memory_space<vmem>>) dst(%dma_wait3A_790 : memref<10240x64xf32, #tpu.memory_space<vmem_shared>>)
      } else {
      }
      %add3A_607 = arith.constant 3 : i32
      %add3A_608 = arith.addi %add3A_535, %add3A_607 : i32
      %lt3A_609 = arith.constant 250 : i32
      %lt3A_610 = arith.cmpi slt, %add3A_608, %lt3A_609 : i32
      %convert_element_type3A_611 = arith.extui %lt3A_610 : i1 to i32
      %cond3A_612 = arith.constant 0 : i32
      %cond3A_613 = arith.cmpi ne, %convert_element_type3A_611, %cond3A_612 : i32
      scf.if %cond3A_613 {
        %add3A_779 = arith.constant 3 : i32
        %add3A_780 = arith.addi %add3A_535, %add3A_779 : i32
        %get3A_781 = arith.index_cast %add3A_780 : i32 to index
        %get3A_782 = arith.constant 0 : index
        %get3A_783 = tpu.vector_load %arg7[%get3A_781, %get3A_782] {strides = array<i32>} : memref<250x80xi32, #tpu.memory_space<vmem>>, vector<1x16xi32>,
        %get3A_784 = vector.shape_cast %get3A_783 : vector<1x16xi32> to vector<16xi32>
        %mul3A_785 = arith.constant 2 : i32
        %mul3A_786 = vector.broadcast %mul3A_785 : i32 to vector<16xi32>
        %mul3A_787 = arith.muli %get3A_784, %mul3A_786 : vector<16xi32>
        %add3A_788 = vector.broadcast %arg0 : i32 to vector<16xi32>
        %add3A_789 = arith.addi %mul3A_787, %add3A_788 : vector<16xi32>
        %swap3A_790 = arith.index_cast %add3A_780 : i32 to index
        %swap3A_791 = arith.constant 0 : index
        %swap3A_792 = tpu.vector_load %arg7[%swap3A_790, %swap3A_791] {strides = array<i32>} : memref<250x80xi32, #tpu.memory_space<vmem>>, vector<1x16xi32>,
        %swap3A_793 = vector.shape_cast %swap3A_792 : vector<1x16xi32> to vector<16xi32>
        %swap3A_794 = vector.shape_cast %add3A_789 : vector<16xi32> to vector<1x16xi32>
        tpu.vector_store %arg7[%swap3A_790, %swap3A_791], %swap3A_794 {strides = array<i32>} : memref<250x80xi32, #tpu.memory_space<vmem>>, vector<1x16xi32>,
        %get3A_795 = arith.index_cast %add3A_780 : i32 to index
        %get3A_796 = arith.constant 16 : index
        %get3A_797 = tpu.vector_load %arg7[%get3A_795, %get3A_796] {strides = array<i32>} : memref<250x80xi32, #tpu.memory_space<vmem>>, vector<1x16xi32>,
        %get3A_798 = vector.shape_cast %get3A_797 : vector<1x16xi32> to vector<16xi32>
        %mul3A_799 = arith.constant 2 : i32
        %mul3A_800 = vector.broadcast %mul3A_799 : i32 to vector<16xi32>
        %mul3A_801 = arith.muli %get3A_798, %mul3A_800 : vector<16xi32>
        %add3A_802 = vector.broadcast %arg0 : i32 to vector<16xi32>
        %add3A_803 = arith.addi %mul3A_801, %add3A_802 : vector<16xi32>
        %swap3A_804 = arith.index_cast %add3A_780 : i32 to index
        %swap3A_805 = arith.constant 16 : index
        %swap3A_806 = tpu.vector_load %arg7[%swap3A_804, %swap3A_805] {strides = array<i32>} : memref<250x80xi32, #tpu.memory_space<vmem>>, vector<1x16xi32>,
        %swap3A_807 = vector.shape_cast %swap3A_806 : vector<1x16xi32> to vector<16xi32>
        %swap3A_808 = vector.shape_cast %add3A_803 : vector<16xi32> to vector<1x16xi32>
        tpu.vector_store %arg7[%swap3A_804, %swap3A_805], %swap3A_808 {strides = array<i32>} : memref<250x80xi32, #tpu.memory_space<vmem>>, vector<1x16xi32>,
        %get3A_809 = arith.index_cast %add3A_780 : i32 to index
        %get3A_810 = arith.constant 32 : index
        %get3A_811 = tpu.vector_load %arg7[%get3A_809, %get3A_810] {strides = array<i32>} : memref<250x80xi32, #tpu.memory_space<vmem>>, vector<1x16xi32>,
        %get3A_812 = vector.shape_cast %get3A_811 : vector<1x16xi32> to vector<16xi32>
        %mul3A_813 = arith.constant 2 : i32
        %mul3A_814 = vector.broadcast %mul3A_813 : i32 to vector<16xi32>
        %mul3A_815 = arith.muli %get3A_812, %mul3A_814 : vector<16xi32>
        %add3A_816 = vector.broadcast %arg0 : i32 to vector<16xi32>
        %add3A_817 = arith.addi %mul3A_815, %add3A_816 : vector<16xi32>
        %swap3A_818 = arith.index_cast %add3A_780 : i32 to index
        %swap3A_819 = arith.constant 32 : index
        %swap3A_820 = tpu.vector_load %arg7[%swap3A_818, %swap3A_819] {strides = array<i32>} : memref<250x80xi32, #tpu.memory_space<vmem>>, vector<1x16xi32>,
        %swap3A_821 = vector.shape_cast %swap3A_820 : vector<1x16xi32> to vector<16xi32>
        %swap3A_822 = vector.shape_cast %add3A_817 : vector<16xi32> to vector<1x16xi32>
        tpu.vector_store %arg7[%swap3A_818, %swap3A_819], %swap3A_822 {strides = array<i32>} : memref<250x80xi32, #tpu.memory_space<vmem>>, vector<1x16xi32>,
        %get3A_823 = arith.index_cast %add3A_780 : i32 to index
        %get3A_824 = arith.constant 48 : index
        %get3A_825 = tpu.vector_load %arg7[%get3A_823, %get3A_824] {strides = array<i32>} : memref<250x80xi32, #tpu.memory_space<vmem>>, vector<1x16xi32>,
        %get3A_826 = vector.shape_cast %get3A_825 : vector<1x16xi32> to vector<16xi32>
        %mul3A_827 = arith.constant 2 : i32
        %mul3A_828 = vector.broadcast %mul3A_827 : i32 to vector<16xi32>
        %mul3A_829 = arith.muli %get3A_826, %mul3A_828 : vector<16xi32>
        %add3A_830 = vector.broadcast %arg0 : i32 to vector<16xi32>
        %add3A_831 = arith.addi %mul3A_829, %add3A_830 : vector<16xi32>
        %swap3A_832 = arith.index_cast %add3A_780 : i32 to index
        %swap3A_833 = arith.constant 48 : index
        %swap3A_834 = tpu.vector_load %arg7[%swap3A_832, %swap3A_833] {strides = array<i32>} : memref<250x80xi32, #tpu.memory_space<vmem>>, vector<1x16xi32>,
        %swap3A_835 = vector.shape_cast %swap3A_834 : vector<1x16xi32> to vector<16xi32>
        %swap3A_836 = vector.shape_cast %add3A_831 : vector<16xi32> to vector<1x16xi32>
        tpu.vector_store %arg7[%swap3A_832, %swap3A_833], %swap3A_836 {strides = array<i32>} : memref<250x80xi32, #tpu.memory_space<vmem>>, vector<1x16xi32>,
        %get3A_837 = arith.index_cast %add3A_780 : i32 to index
        %get3A_838 = arith.constant 64 : index
        %get3A_839 = tpu.vector_load %arg7[%get3A_837, %get3A_838] {strides = array<i32>} : memref<250x80xi32, #tpu.memory_space<vmem>>, vector<1x16xi32>,
        %get3A_840 = vector.shape_cast %get3A_839 : vector<1x16xi32> to vector<16xi32>
        %mul3A_841 = arith.constant 2 : i32
        %mul3A_842 = vector.broadcast %mul3A_841 : i32 to vector<16xi32>
        %mul3A_843 = arith.muli %get3A_840, %mul3A_842 : vector<16xi32>
        %add3A_844 = vector.broadcast %arg0 : i32 to vector<16xi32>
        %add3A_845 = arith.addi %mul3A_843, %add3A_844 : vector<16xi32>
        %swap3A_846 = arith.index_cast %add3A_780 : i32 to index
        %swap3A_847 = arith.constant 64 : index
        %swap3A_848 = tpu.vector_load %arg7[%swap3A_846, %swap3A_847] {strides = array<i32>} : memref<250x80xi32, #tpu.memory_space<vmem>>, vector<1x16xi32>,
        %swap3A_849 = vector.shape_cast %swap3A_848 : vector<1x16xi32> to vector<16xi32>
        %swap3A_850 = vector.shape_cast %add3A_845 : vector<16xi32> to vector<1x16xi32>
        tpu.vector_store %arg7[%swap3A_846, %swap3A_847], %swap3A_850 {strides = array<i32>} : memref<250x80xi32, #tpu.memory_space<vmem>>, vector<1x16xi32>,
        %dma_start3A_851 = arith.constant 0 : i32
        %dma_start3A_852 = arith.constant 0 : i32
        %dma_start3A_853 = arith.constant 0 : i32
        %dma_start3A_854 = tpu.memref_slice %arg9[%dma_start3A_851, %dma_start3A_852, %dma_start3A_853] : memref<5x80x64xf32, #tpu.memory_space<vmem>> -> memref<1x80x64xf32, #tpu.memory_space<vmem>>
        %dma_start3A_855 = tpu.memref_squeeze %dma_start3A_854 : memref<1x80x64xf32, #tpu.memory_space<vmem>> -> memref<80x64xf32, #tpu.memory_space<vmem>>
        %dma_start3A_856 = arith.constant 0 : i32
        %dma_start3A_857 = tpu.memref_slice %arg7[%add3A_780, %dma_start3A_856] : memref<250x80xi32, #tpu.memory_space<vmem>> -> memref<1x80xi32, #tpu.memory_space<vmem>>
        %dma_start3A_858 = tpu.memref_squeeze %dma_start3A_857 : memref<1x80xi32, #tpu.memory_space<vmem>> -> memref<80xi32, #tpu.memory_space<vmem>>
        %dma_start3A_859 = arith.constant 0 : i32
        %dma_start3A_860 = arith.constant 0 : i32
        %dma_start3A_861 = tpu.memref_slice %arg2[%dma_start3A_859, %dma_start3A_860] : memref<20000x64xf32, #tpu.memory_space<hbm>> -> memref<20000x64xf32, #tpu.memory_space<hbm>>
        tpu.enqueue_indirect_dma source(%dma_start3A_861 : memref<20000x64xf32, #tpu.memory_space<hbm>>) target(%dma_start3A_855 : memref<80x64xf32, #tpu.memory_space<vmem>>) offsets(%dma_start3A_858 : memref<80xi32, #tpu.memory_space<vmem>>) semaphore(%arg15 : memref<!tpu.dma_semaphore, #tpu.memory_space<semaphore_mem>>)
      } else {
      }
      %mul3A_614 = arith.constant 5 : i32
      %mul3A_615 = arith.muli %scan3A_376, %mul3A_614 : i32
      %add3A_616 = arith.constant 3 : i32
      %add3A_617 = arith.addi %mul3A_615, %add3A_616 : i32
      %dma_wait3A_618 = arith.constant 0 : i32
      %dma_wait3A_619 = arith.constant 3 : i32
      %dma_wait3A_620 = arith.constant 0 : i32
      %dma_wait3A_621 = arith.constant 0 : i32
      %dma_wait3A_622 = tpu.memref_slice %arg9[%dma_wait3A_619, %dma_wait3A_620, %dma_wait3A_621] : memref<5x80x64xf32, #tpu.memory_space<vmem>> -> memref<1x80x64xf32, #tpu.memory_space<vmem>>
      %dma_wait3A_623 = tpu.memref_squeeze %dma_wait3A_622 : memref<1x80x64xf32, #tpu.memory_space<vmem>> -> memref<80x64xf32, #tpu.memory_space<vmem>>
      %dma_wait3A_624 = arith.constant 0 : i32
      %dma_wait3A_625 = tpu.memref_slice %arg7[%dma_wait3A_618, %dma_wait3A_624] : memref<250x80xi32, #tpu.memory_space<vmem>> -> memref<1x80xi32, #tpu.memory_space<vmem>>
      %dma_wait3A_626 = tpu.memref_squeeze %dma_wait3A_625 : memref<1x80xi32, #tpu.memory_space<vmem>> -> memref<80xi32, #tpu.memory_space<vmem>>
      %dma_wait3A_627 = arith.constant 0 : i32
      %dma_wait3A_628 = arith.constant 0 : i32
      %dma_wait3A_629 = tpu.memref_slice %arg2[%dma_wait3A_627, %dma_wait3A_628] : memref<20000x64xf32, #tpu.memory_space<hbm>> -> memref<20000x64xf32, #tpu.memory_space<hbm>>
      tpu.wait_indirect_dma semaphore(%arg15 : memref<!tpu.dma_semaphore, #tpu.memory_space<semaphore_mem>>) src(%dma_wait3A_629 : memref<20000x64xf32, #tpu.memory_space<hbm>>) dst(%dma_wait3A_623 : memref<80x64xf32, #tpu.memory_space<vmem>>)
      %dma_start3A_630 = arith.constant 3 : i32
      %dma_start3A_631 = arith.constant 0 : i32
      %dma_start3A_632 = arith.constant 0 : i32
      %dma_start3A_633 = tpu.memref_slice %arg9[%dma_start3A_630, %dma_start3A_631, %dma_start3A_632] : memref<5x80x64xf32, #tpu.memory_space<vmem>> -> memref<1x80x64xf32, #tpu.memory_space<vmem>>
      %dma_start3A_634 = tpu.memref_squeeze %dma_start3A_633 : memref<1x80x64xf32, #tpu.memory_space<vmem>> -> memref<80x64xf32, #tpu.memory_space<vmem>>
      %dma_start3A_635 = arith.constant 0 : i32
      %dma_start3A_636 = tpu.memref_slice %arg8[%add3A_617, %dma_start3A_635] : memref<250x80xi32, #tpu.memory_space<vmem>> -> memref<1x80xi32, #tpu.memory_space<vmem>>
      %dma_start3A_637 = tpu.memref_squeeze %dma_start3A_636 : memref<1x80xi32, #tpu.memory_space<vmem>> -> memref<80xi32, #tpu.memory_space<vmem>>
      %dma_start3A_638 = arith.constant 0 : i32
      %dma_start3A_639 = arith.constant 0 : i32
      %dma_start3A_640 = tpu.memref_slice %arg13[%dma_start3A_638, %dma_start3A_639] : memref<10240x64xf32, #tpu.memory_space<vmem_shared>> -> memref<10240x64xf32, #tpu.memory_space<vmem_shared>>
      tpu.enqueue_indirect_dma source(%dma_start3A_634 : memref<80x64xf32, #tpu.memory_space<vmem>>) target(%dma_start3A_640 : memref<10240x64xf32, #tpu.memory_space<vmem_shared>>) offsets(%dma_start3A_637 : memref<80xi32, #tpu.memory_space<vmem>>) semaphore(%arg16 : memref<!tpu.dma_semaphore, #tpu.memory_space<semaphore_mem>>) {add = true}
      %jit3A_641 = arith.constant 2 : i32
      %eq3A_642 = arith.constant 0 : i32
      %eq3A_643 = arith.cmpi eq, %jit3A_641, %eq3A_642 : i32
      %jit3A_644 = arith.constant 1 : i32
      %select_n3A_645 = arith.select %eq3A_643, %jit3A_644, %jit3A_641 : i32
      %rem3A_646 = arith.remsi %add3A_617, %select_n3A_645 : i32
      %ne3A_647 = arith.constant 0 : i32
      %ne3A_648 = arith.cmpi ne, %rem3A_646, %ne3A_647 : i32
      %lt3A_649 = arith.constant 0 : i32
      %lt3A_650 = arith.cmpi slt, %rem3A_646, %lt3A_649 : i32
      %lt3A_651 = arith.constant 0 : i32
      %lt3A_652 = arith.cmpi slt, %select_n3A_645, %lt3A_651 : i32
      %ne3A_653 = arith.xori %lt3A_650, %lt3A_652 : i1
      %and3A_654 = arith.andi %ne3A_653, %ne3A_648 : i1
      %add3A_655 = arith.addi %rem3A_646, %select_n3A_645 : i32
      %select_n3A_656 = arith.select %and3A_654, %add3A_655, %rem3A_646 : i32
      %eq3A_657 = arith.cmpi eq, %select_n3A_656, %arg0 : i32
      %convert_element_type3A_658 = arith.extui %eq3A_657 : i1 to i32
      %cond3A_659 = arith.constant 0 : i32
      %cond3A_660 = arith.cmpi ne, %convert_element_type3A_658, %cond3A_659 : i32
      scf.if %cond3A_660 {
        %dma_start3A_779 = arith.constant 0 : i32
        %dma_start3A_780 = tpu.memref_slice %arg8[%add3A_617, %dma_start3A_779] : memref<250x80xi32, #tpu.memory_space<vmem>> -> memref<1x80xi32, #tpu.memory_space<vmem>>
        %dma_start3A_781 = tpu.memref_squeeze %dma_start3A_780 : memref<1x80xi32, #tpu.memory_space<vmem>> -> memref<80xi32, #tpu.memory_space<vmem>>
        %dma_start3A_782 = arith.constant 0 : i32
        %dma_start3A_783 = arith.constant 0 : i32
        %dma_start3A_784 = tpu.memref_slice %arg14[%dma_start3A_782, %dma_start3A_783] : memref<10240x16xf32, #tpu.memory_space<vmem_shared>> -> memref<10240x16xf32, #tpu.memory_space<vmem_shared>>
        tpu.enqueue_indirect_dma source(%arg11 : memref<80x16xf32, #tpu.memory_space<vmem>>) target(%dma_start3A_784 : memref<10240x16xf32, #tpu.memory_space<vmem_shared>>) offsets(%dma_start3A_781 : memref<80xi32, #tpu.memory_space<vmem>>) semaphore(%arg17 : memref<!tpu.dma_semaphore, #tpu.memory_space<semaphore_mem>>) {add = true}
      } else {
      }
      %jit3A_661 = arith.constant 2 : i32
      %eq3A_662 = arith.constant 0 : i32
      %eq3A_663 = arith.cmpi eq, %jit3A_661, %eq3A_662 : i32
      %jit3A_664 = arith.constant 1 : i32
      %select_n3A_665 = arith.select %eq3A_663, %jit3A_664, %jit3A_661 : i32
      %rem3A_666 = arith.remsi %add3A_617, %select_n3A_665 : i32
      %ne3A_667 = arith.constant 0 : i32
      %ne3A_668 = arith.cmpi ne, %rem3A_666, %ne3A_667 : i32
      %lt3A_669 = arith.constant 0 : i32
      %lt3A_670 = arith.cmpi slt, %rem3A_666, %lt3A_669 : i32
      %lt3A_671 = arith.constant 0 : i32
      %lt3A_672 = arith.cmpi slt, %select_n3A_665, %lt3A_671 : i32
      %ne3A_673 = arith.xori %lt3A_670, %lt3A_672 : i1
      %and3A_674 = arith.andi %ne3A_673, %ne3A_668 : i1
      %add3A_675 = arith.addi %rem3A_666, %select_n3A_665 : i32
      %select_n3A_676 = arith.select %and3A_674, %add3A_675, %rem3A_666 : i32
      %eq3A_677 = arith.cmpi eq, %select_n3A_676, %arg0 : i32
      %ge3A_678 = arith.constant 2 : i32
      %ge3A_679 = arith.cmpi sge, %add3A_617, %ge3A_678 : i32
      %and3A_680 = arith.andi %eq3A_677, %ge3A_679 : i1
      %convert_element_type3A_681 = arith.extui %and3A_680 : i1 to i32
      %cond3A_682 = arith.constant 0 : i32
      %cond3A_683 = arith.cmpi ne, %convert_element_type3A_681, %cond3A_682 : i32
      scf.if %cond3A_683 {
        %dma_wait3A_779 = arith.constant 0 : i32
        %dma_wait3A_780 = arith.constant 0 : i32
        %dma_wait3A_781 = tpu.memref_slice %arg8[%dma_wait3A_779, %dma_wait3A_780] : memref<250x80xi32, #tpu.memory_space<vmem>> -> memref<1x80xi32, #tpu.memory_space<vmem>>
        %dma_wait3A_782 = tpu.memref_squeeze %dma_wait3A_781 : memref<1x80xi32, #tpu.memory_space<vmem>> -> memref<80xi32, #tpu.memory_space<vmem>>
        %dma_wait3A_783 = arith.constant 0 : i32
        %dma_wait3A_784 = arith.constant 0 : i32
        %dma_wait3A_785 = tpu.memref_slice %arg14[%dma_wait3A_783, %dma_wait3A_784] : memref<10240x16xf32, #tpu.memory_space<vmem_shared>> -> memref<10240x16xf32, #tpu.memory_space<vmem_shared>>
        tpu.wait_indirect_dma semaphore(%arg17 : memref<!tpu.dma_semaphore, #tpu.memory_space<semaphore_mem>>) src(%arg11 : memref<80x16xf32, #tpu.memory_space<vmem>>) dst(%dma_wait3A_785 : memref<10240x16xf32, #tpu.memory_space<vmem_shared>>)
      } else {
      }
      %ge3A_684 = arith.constant 2 : i32
      %ge3A_685 = arith.cmpi sge, %add3A_617, %ge3A_684 : i32
      %convert_element_type3A_686 = arith.extui %ge3A_685 : i1 to i32
      %cond3A_687 = arith.constant 0 : i32
      %cond3A_688 = arith.cmpi ne, %convert_element_type3A_686, %cond3A_687 : i32
      scf.if %cond3A_688 {
        %dma_wait3A_779 = arith.constant 3 : i32
        %dma_wait3A_780 = arith.constant 0 : i32
        %dma_wait3A_781 = arith.constant 0 : i32
        %dma_wait3A_782 = arith.constant 0 : i32
        %dma_wait3A_783 = tpu.memref_slice %arg9[%dma_wait3A_779, %dma_wait3A_781, %dma_wait3A_782] : memref<5x80x64xf32, #tpu.memory_space<vmem>> -> memref<1x80x64xf32, #tpu.memory_space<vmem>>
        %dma_wait3A_784 = tpu.memref_squeeze %dma_wait3A_783 : memref<1x80x64xf32, #tpu.memory_space<vmem>> -> memref<80x64xf32, #tpu.memory_space<vmem>>
        %dma_wait3A_785 = arith.constant 0 : i32
        %dma_wait3A_786 = tpu.memref_slice %arg8[%dma_wait3A_780, %dma_wait3A_785] : memref<250x80xi32, #tpu.memory_space<vmem>> -> memref<1x80xi32, #tpu.memory_space<vmem>>
        %dma_wait3A_787 = tpu.memref_squeeze %dma_wait3A_786 : memref<1x80xi32, #tpu.memory_space<vmem>> -> memref<80xi32, #tpu.memory_space<vmem>>
        %dma_wait3A_788 = arith.constant 0 : i32
        %dma_wait3A_789 = arith.constant 0 : i32
        %dma_wait3A_790 = tpu.memref_slice %arg13[%dma_wait3A_788, %dma_wait3A_789] : memref<10240x64xf32, #tpu.memory_space<vmem_shared>> -> memref<10240x64xf32, #tpu.memory_space<vmem_shared>>
        tpu.wait_indirect_dma semaphore(%arg16 : memref<!tpu.dma_semaphore, #tpu.memory_space<semaphore_mem>>) src(%dma_wait3A_784 : memref<80x64xf32, #tpu.memory_space<vmem>>) dst(%dma_wait3A_790 : memref<10240x64xf32, #tpu.memory_space<vmem_shared>>)
      } else {
      }
      %add3A_689 = arith.constant 3 : i32
      %add3A_690 = arith.addi %add3A_617, %add3A_689 : i32
      %lt3A_691 = arith.constant 250 : i32
      %lt3A_692 = arith.cmpi slt, %add3A_690, %lt3A_691 : i32
      %convert_element_type3A_693 = arith.extui %lt3A_692 : i1 to i32
      %cond3A_694 = arith.constant 0 : i32
      %cond3A_695 = arith.cmpi ne, %convert_element_type3A_693, %cond3A_694 : i32
      scf.if %cond3A_695 {
        %add3A_779 = arith.constant 3 : i32
        %add3A_780 = arith.addi %add3A_617, %add3A_779 : i32
        %get3A_781 = arith.index_cast %add3A_780 : i32 to index
        %get3A_782 = arith.constant 0 : index
        %get3A_783 = tpu.vector_load %arg7[%get3A_781, %get3A_782] {strides = array<i32>} : memref<250x80xi32, #tpu.memory_space<vmem>>, vector<1x16xi32>,
        %get3A_784 = vector.shape_cast %get3A_783 : vector<1x16xi32> to vector<16xi32>
        %mul3A_785 = arith.constant 2 : i32
        %mul3A_786 = vector.broadcast %mul3A_785 : i32 to vector<16xi32>
        %mul3A_787 = arith.muli %get3A_784, %mul3A_786 : vector<16xi32>
        %add3A_788 = vector.broadcast %arg0 : i32 to vector<16xi32>
        %add3A_789 = arith.addi %mul3A_787, %add3A_788 : vector<16xi32>
        %swap3A_790 = arith.index_cast %add3A_780 : i32 to index
        %swap3A_791 = arith.constant 0 : index
        %swap3A_792 = tpu.vector_load %arg7[%swap3A_790, %swap3A_791] {strides = array<i32>} : memref<250x80xi32, #tpu.memory_space<vmem>>, vector<1x16xi32>,
        %swap3A_793 = vector.shape_cast %swap3A_792 : vector<1x16xi32> to vector<16xi32>
        %swap3A_794 = vector.shape_cast %add3A_789 : vector<16xi32> to vector<1x16xi32>
        tpu.vector_store %arg7[%swap3A_790, %swap3A_791], %swap3A_794 {strides = array<i32>} : memref<250x80xi32, #tpu.memory_space<vmem>>, vector<1x16xi32>,
        %get3A_795 = arith.index_cast %add3A_780 : i32 to index
        %get3A_796 = arith.constant 16 : index
        %get3A_797 = tpu.vector_load %arg7[%get3A_795, %get3A_796] {strides = array<i32>} : memref<250x80xi32, #tpu.memory_space<vmem>>, vector<1x16xi32>,
        %get3A_798 = vector.shape_cast %get3A_797 : vector<1x16xi32> to vector<16xi32>
        %mul3A_799 = arith.constant 2 : i32
        %mul3A_800 = vector.broadcast %mul3A_799 : i32 to vector<16xi32>
        %mul3A_801 = arith.muli %get3A_798, %mul3A_800 : vector<16xi32>
        %add3A_802 = vector.broadcast %arg0 : i32 to vector<16xi32>
        %add3A_803 = arith.addi %mul3A_801, %add3A_802 : vector<16xi32>
        %swap3A_804 = arith.index_cast %add3A_780 : i32 to index
        %swap3A_805 = arith.constant 16 : index
        %swap3A_806 = tpu.vector_load %arg7[%swap3A_804, %swap3A_805] {strides = array<i32>} : memref<250x80xi32, #tpu.memory_space<vmem>>, vector<1x16xi32>,
        %swap3A_807 = vector.shape_cast %swap3A_806 : vector<1x16xi32> to vector<16xi32>
        %swap3A_808 = vector.shape_cast %add3A_803 : vector<16xi32> to vector<1x16xi32>
        tpu.vector_store %arg7[%swap3A_804, %swap3A_805], %swap3A_808 {strides = array<i32>} : memref<250x80xi32, #tpu.memory_space<vmem>>, vector<1x16xi32>,
        %get3A_809 = arith.index_cast %add3A_780 : i32 to index
        %get3A_810 = arith.constant 32 : index
        %get3A_811 = tpu.vector_load %arg7[%get3A_809, %get3A_810] {strides = array<i32>} : memref<250x80xi32, #tpu.memory_space<vmem>>, vector<1x16xi32>,
        %get3A_812 = vector.shape_cast %get3A_811 : vector<1x16xi32> to vector<16xi32>
        %mul3A_813 = arith.constant 2 : i32
        %mul3A_814 = vector.broadcast %mul3A_813 : i32 to vector<16xi32>
        %mul3A_815 = arith.muli %get3A_812, %mul3A_814 : vector<16xi32>
        %add3A_816 = vector.broadcast %arg0 : i32 to vector<16xi32>
        %add3A_817 = arith.addi %mul3A_815, %add3A_816 : vector<16xi32>
        %swap3A_818 = arith.index_cast %add3A_780 : i32 to index
        %swap3A_819 = arith.constant 32 : index
        %swap3A_820 = tpu.vector_load %arg7[%swap3A_818, %swap3A_819] {strides = array<i32>} : memref<250x80xi32, #tpu.memory_space<vmem>>, vector<1x16xi32>,
        %swap3A_821 = vector.shape_cast %swap3A_820 : vector<1x16xi32> to vector<16xi32>
        %swap3A_822 = vector.shape_cast %add3A_817 : vector<16xi32> to vector<1x16xi32>
        tpu.vector_store %arg7[%swap3A_818, %swap3A_819], %swap3A_822 {strides = array<i32>} : memref<250x80xi32, #tpu.memory_space<vmem>>, vector<1x16xi32>,
        %get3A_823 = arith.index_cast %add3A_780 : i32 to index
        %get3A_824 = arith.constant 48 : index
        %get3A_825 = tpu.vector_load %arg7[%get3A_823, %get3A_824] {strides = array<i32>} : memref<250x80xi32, #tpu.memory_space<vmem>>, vector<1x16xi32>,
        %get3A_826 = vector.shape_cast %get3A_825 : vector<1x16xi32> to vector<16xi32>
        %mul3A_827 = arith.constant 2 : i32
        %mul3A_828 = vector.broadcast %mul3A_827 : i32 to vector<16xi32>
        %mul3A_829 = arith.muli %get3A_826, %mul3A_828 : vector<16xi32>
        %add3A_830 = vector.broadcast %arg0 : i32 to vector<16xi32>
        %add3A_831 = arith.addi %mul3A_829, %add3A_830 : vector<16xi32>
        %swap3A_832 = arith.index_cast %add3A_780 : i32 to index
        %swap3A_833 = arith.constant 48 : index
        %swap3A_834 = tpu.vector_load %arg7[%swap3A_832, %swap3A_833] {strides = array<i32>} : memref<250x80xi32, #tpu.memory_space<vmem>>, vector<1x16xi32>,
        %swap3A_835 = vector.shape_cast %swap3A_834 : vector<1x16xi32> to vector<16xi32>
        %swap3A_836 = vector.shape_cast %add3A_831 : vector<16xi32> to vector<1x16xi32>
        tpu.vector_store %arg7[%swap3A_832, %swap3A_833], %swap3A_836 {strides = array<i32>} : memref<250x80xi32, #tpu.memory_space<vmem>>, vector<1x16xi32>,
        %get3A_837 = arith.index_cast %add3A_780 : i32 to index
        %get3A_838 = arith.constant 64 : index
        %get3A_839 = tpu.vector_load %arg7[%get3A_837, %get3A_838] {strides = array<i32>} : memref<250x80xi32, #tpu.memory_space<vmem>>, vector<1x16xi32>,
        %get3A_840 = vector.shape_cast %get3A_839 : vector<1x16xi32> to vector<16xi32>
        %mul3A_841 = arith.constant 2 : i32
        %mul3A_842 = vector.broadcast %mul3A_841 : i32 to vector<16xi32>
        %mul3A_843 = arith.muli %get3A_840, %mul3A_842 : vector<16xi32>
        %add3A_844 = vector.broadcast %arg0 : i32 to vector<16xi32>
        %add3A_845 = arith.addi %mul3A_843, %add3A_844 : vector<16xi32>
        %swap3A_846 = arith.index_cast %add3A_780 : i32 to index
        %swap3A_847 = arith.constant 64 : index
        %swap3A_848 = tpu.vector_load %arg7[%swap3A_846, %swap3A_847] {strides = array<i32>} : memref<250x80xi32, #tpu.memory_space<vmem>>, vector<1x16xi32>,
        %swap3A_849 = vector.shape_cast %swap3A_848 : vector<1x16xi32> to vector<16xi32>
        %swap3A_850 = vector.shape_cast %add3A_845 : vector<16xi32> to vector<1x16xi32>
        tpu.vector_store %arg7[%swap3A_846, %swap3A_847], %swap3A_850 {strides = array<i32>} : memref<250x80xi32, #tpu.memory_space<vmem>>, vector<1x16xi32>,
        %dma_start3A_851 = arith.constant 1 : i32
        %dma_start3A_852 = arith.constant 0 : i32
        %dma_start3A_853 = arith.constant 0 : i32
        %dma_start3A_854 = tpu.memref_slice %arg9[%dma_start3A_851, %dma_start3A_852, %dma_start3A_853] : memref<5x80x64xf32, #tpu.memory_space<vmem>> -> memref<1x80x64xf32, #tpu.memory_space<vmem>>
        %dma_start3A_855 = tpu.memref_squeeze %dma_start3A_854 : memref<1x80x64xf32, #tpu.memory_space<vmem>> -> memref<80x64xf32, #tpu.memory_space<vmem>>
        %dma_start3A_856 = arith.constant 0 : i32
        %dma_start3A_857 = tpu.memref_slice %arg7[%add3A_780, %dma_start3A_856] : memref<250x80xi32, #tpu.memory_space<vmem>> -> memref<1x80xi32, #tpu.memory_space<vmem>>
        %dma_start3A_858 = tpu.memref_squeeze %dma_start3A_857 : memref<1x80xi32, #tpu.memory_space<vmem>> -> memref<80xi32, #tpu.memory_space<vmem>>
        %dma_start3A_859 = arith.constant 0 : i32
        %dma_start3A_860 = arith.constant 0 : i32
        %dma_start3A_861 = tpu.memref_slice %arg2[%dma_start3A_859, %dma_start3A_860] : memref<20000x64xf32, #tpu.memory_space<hbm>> -> memref<20000x64xf32, #tpu.memory_space<hbm>>
        tpu.enqueue_indirect_dma source(%dma_start3A_861 : memref<20000x64xf32, #tpu.memory_space<hbm>>) target(%dma_start3A_855 : memref<80x64xf32, #tpu.memory_space<vmem>>) offsets(%dma_start3A_858 : memref<80xi32, #tpu.memory_space<vmem>>) semaphore(%arg15 : memref<!tpu.dma_semaphore, #tpu.memory_space<semaphore_mem>>)
      } else {
      }
      %mul3A_696 = arith.constant 5 : i32
      %mul3A_697 = arith.muli %scan3A_376, %mul3A_696 : i32
      %add3A_698 = arith.constant 4 : i32
      %add3A_699 = arith.addi %mul3A_697, %add3A_698 : i32
      %dma_wait3A_700 = arith.constant 0 : i32
      %dma_wait3A_701 = arith.constant 4 : i32
      %dma_wait3A_702 = arith.constant 0 : i32
      %dma_wait3A_703 = arith.constant 0 : i32
      %dma_wait3A_704 = tpu.memref_slice %arg9[%dma_wait3A_701, %dma_wait3A_702, %dma_wait3A_703] : memref<5x80x64xf32, #tpu.memory_space<vmem>> -> memref<1x80x64xf32, #tpu.memory_space<vmem>>
      %dma_wait3A_705 = tpu.memref_squeeze %dma_wait3A_704 : memref<1x80x64xf32, #tpu.memory_space<vmem>> -> memref<80x64xf32, #tpu.memory_space<vmem>>
      %dma_wait3A_706 = arith.constant 0 : i32
      %dma_wait3A_707 = tpu.memref_slice %arg7[%dma_wait3A_700, %dma_wait3A_706] : memref<250x80xi32, #tpu.memory_space<vmem>> -> memref<1x80xi32, #tpu.memory_space<vmem>>
      %dma_wait3A_708 = tpu.memref_squeeze %dma_wait3A_707 : memref<1x80xi32, #tpu.memory_space<vmem>> -> memref<80xi32, #tpu.memory_space<vmem>>
      %dma_wait3A_709 = arith.constant 0 : i32
      %dma_wait3A_710 = arith.constant 0 : i32
      %dma_wait3A_711 = tpu.memref_slice %arg2[%dma_wait3A_709, %dma_wait3A_710] : memref<20000x64xf32, #tpu.memory_space<hbm>> -> memref<20000x64xf32, #tpu.memory_space<hbm>>
      tpu.wait_indirect_dma semaphore(%arg15 : memref<!tpu.dma_semaphore, #tpu.memory_space<semaphore_mem>>) src(%dma_wait3A_711 : memref<20000x64xf32, #tpu.memory_space<hbm>>) dst(%dma_wait3A_705 : memref<80x64xf32, #tpu.memory_space<vmem>>)
      %dma_start3A_712 = arith.constant 4 : i32
      %dma_start3A_713 = arith.constant 0 : i32
      %dma_start3A_714 = arith.constant 0 : i32
      %dma_start3A_715 = tpu.memref_slice %arg9[%dma_start3A_712, %dma_start3A_713, %dma_start3A_714] : memref<5x80x64xf32, #tpu.memory_space<vmem>> -> memref<1x80x64xf32, #tpu.memory_space<vmem>>
      %dma_start3A_716 = tpu.memref_squeeze %dma_start3A_715 : memref<1x80x64xf32, #tpu.memory_space<vmem>> -> memref<80x64xf32, #tpu.memory_space<vmem>>
      %dma_start3A_717 = arith.constant 0 : i32
      %dma_start3A_718 = tpu.memref_slice %arg8[%add3A_699, %dma_start3A_717] : memref<250x80xi32, #tpu.memory_space<vmem>> -> memref<1x80xi32, #tpu.memory_space<vmem>>
      %dma_start3A_719 = tpu.memref_squeeze %dma_start3A_718 : memref<1x80xi32, #tpu.memory_space<vmem>> -> memref<80xi32, #tpu.memory_space<vmem>>
      %dma_start3A_720 = arith.constant 0 : i32
      %dma_start3A_721 = arith.constant 0 : i32
      %dma_start3A_722 = tpu.memref_slice %arg13[%dma_start3A_720, %dma_start3A_721] : memref<10240x64xf32, #tpu.memory_space<vmem_shared>> -> memref<10240x64xf32, #tpu.memory_space<vmem_shared>>
      tpu.enqueue_indirect_dma source(%dma_start3A_716 : memref<80x64xf32, #tpu.memory_space<vmem>>) target(%dma_start3A_722 : memref<10240x64xf32, #tpu.memory_space<vmem_shared>>) offsets(%dma_start3A_719 : memref<80xi32, #tpu.memory_space<vmem>>) semaphore(%arg16 : memref<!tpu.dma_semaphore, #tpu.memory_space<semaphore_mem>>) {add = true}
      %jit3A_723 = arith.constant 2 : i32
      %eq3A_724 = arith.constant 0 : i32
      %eq3A_725 = arith.cmpi eq, %jit3A_723, %eq3A_724 : i32
      %jit3A_726 = arith.constant 1 : i32
      %select_n3A_727 = arith.select %eq3A_725, %jit3A_726, %jit3A_723 : i32
      %rem3A_728 = arith.remsi %add3A_699, %select_n3A_727 : i32
      %ne3A_729 = arith.constant 0 : i32
      %ne3A_730 = arith.cmpi ne, %rem3A_728, %ne3A_729 : i32
      %lt3A_731 = arith.constant 0 : i32
      %lt3A_732 = arith.cmpi slt, %rem3A_728, %lt3A_731 : i32
      %lt3A_733 = arith.constant 0 : i32
      %lt3A_734 = arith.cmpi slt, %select_n3A_727, %lt3A_733 : i32
      %ne3A_735 = arith.xori %lt3A_732, %lt3A_734 : i1
      %and3A_736 = arith.andi %ne3A_735, %ne3A_730 : i1
      %add3A_737 = arith.addi %rem3A_728, %select_n3A_727 : i32
      %select_n3A_738 = arith.select %and3A_736, %add3A_737, %rem3A_728 : i32
      %eq3A_739 = arith.cmpi eq, %select_n3A_738, %arg0 : i32
      %convert_element_type3A_740 = arith.extui %eq3A_739 : i1 to i32
      %cond3A_741 = arith.constant 0 : i32
      %cond3A_742 = arith.cmpi ne, %convert_element_type3A_740, %cond3A_741 : i32
      scf.if %cond3A_742 {
        %dma_start3A_779 = arith.constant 0 : i32
        %dma_start3A_780 = tpu.memref_slice %arg8[%add3A_699, %dma_start3A_779] : memref<250x80xi32, #tpu.memory_space<vmem>> -> memref<1x80xi32, #tpu.memory_space<vmem>>
        %dma_start3A_781 = tpu.memref_squeeze %dma_start3A_780 : memref<1x80xi32, #tpu.memory_space<vmem>> -> memref<80xi32, #tpu.memory_space<vmem>>
        %dma_start3A_782 = arith.constant 0 : i32
        %dma_start3A_783 = arith.constant 0 : i32
        %dma_start3A_784 = tpu.memref_slice %arg14[%dma_start3A_782, %dma_start3A_783] : memref<10240x16xf32, #tpu.memory_space<vmem_shared>> -> memref<10240x16xf32, #tpu.memory_space<vmem_shared>>
        tpu.enqueue_indirect_dma source(%arg11 : memref<80x16xf32, #tpu.memory_space<vmem>>) target(%dma_start3A_784 : memref<10240x16xf32, #tpu.memory_space<vmem_shared>>) offsets(%dma_start3A_781 : memref<80xi32, #tpu.memory_space<vmem>>) semaphore(%arg17 : memref<!tpu.dma_semaphore, #tpu.memory_space<semaphore_mem>>) {add = true}
      } else {
      }
      %jit3A_743 = arith.constant 2 : i32
      %eq3A_744 = arith.constant 0 : i32
      %eq3A_745 = arith.cmpi eq, %jit3A_743, %eq3A_744 : i32
      %jit3A_746 = arith.constant 1 : i32
      %select_n3A_747 = arith.select %eq3A_745, %jit3A_746, %jit3A_743 : i32
      %rem3A_748 = arith.remsi %add3A_699, %select_n3A_747 : i32
      %ne3A_749 = arith.constant 0 : i32
      %ne3A_750 = arith.cmpi ne, %rem3A_748, %ne3A_749 : i32
      %lt3A_751 = arith.constant 0 : i32
      %lt3A_752 = arith.cmpi slt, %rem3A_748, %lt3A_751 : i32
      %lt3A_753 = arith.constant 0 : i32
      %lt3A_754 = arith.cmpi slt, %select_n3A_747, %lt3A_753 : i32
      %ne3A_755 = arith.xori %lt3A_752, %lt3A_754 : i1
      %and3A_756 = arith.andi %ne3A_755, %ne3A_750 : i1
      %add3A_757 = arith.addi %rem3A_748, %select_n3A_747 : i32
      %select_n3A_758 = arith.select %and3A_756, %add3A_757, %rem3A_748 : i32
      %eq3A_759 = arith.cmpi eq, %select_n3A_758, %arg0 : i32
      %ge3A_760 = arith.constant 2 : i32
      %ge3A_761 = arith.cmpi sge, %add3A_699, %ge3A_760 : i32
      %and3A_762 = arith.andi %eq3A_759, %ge3A_761 : i1
      %convert_element_type3A_763 = arith.extui %and3A_762 : i1 to i32
      %cond3A_764 = arith.constant 0 : i32
      %cond3A_765 = arith.cmpi ne, %convert_element_type3A_763, %cond3A_764 : i32
      scf.if %cond3A_765 {
        %dma_wait3A_779 = arith.constant 0 : i32
        %dma_wait3A_780 = arith.constant 0 : i32
        %dma_wait3A_781 = tpu.memref_slice %arg8[%dma_wait3A_779, %dma_wait3A_780] : memref<250x80xi32, #tpu.memory_space<vmem>> -> memref<1x80xi32, #tpu.memory_space<vmem>>
        %dma_wait3A_782 = tpu.memref_squeeze %dma_wait3A_781 : memref<1x80xi32, #tpu.memory_space<vmem>> -> memref<80xi32, #tpu.memory_space<vmem>>
        %dma_wait3A_783 = arith.constant 0 : i32
        %dma_wait3A_784 = arith.constant 0 : i32
        %dma_wait3A_785 = tpu.memref_slice %arg14[%dma_wait3A_783, %dma_wait3A_784] : memref<10240x16xf32, #tpu.memory_space<vmem_shared>> -> memref<10240x16xf32, #tpu.memory_space<vmem_shared>>
        tpu.wait_indirect_dma semaphore(%arg17 : memref<!tpu.dma_semaphore, #tpu.memory_space<semaphore_mem>>) src(%arg11 : memref<80x16xf32, #tpu.memory_space<vmem>>) dst(%dma_wait3A_785 : memref<10240x16xf32, #tpu.memory_space<vmem_shared>>)
      } else {
      }
      %ge3A_766 = arith.constant 2 : i32
      %ge3A_767 = arith.cmpi sge, %add3A_699, %ge3A_766 : i32
      %convert_element_type3A_768 = arith.extui %ge3A_767 : i1 to i32
      %cond3A_769 = arith.constant 0 : i32
      %cond3A_770 = arith.cmpi ne, %convert_element_type3A_768, %cond3A_769 : i32
      scf.if %cond3A_770 {
        %dma_wait3A_779 = arith.constant 4 : i32
        %dma_wait3A_780 = arith.constant 0 : i32
        %dma_wait3A_781 = arith.constant 0 : i32
        %dma_wait3A_782 = arith.constant 0 : i32
        %dma_wait3A_783 = tpu.memref_slice %arg9[%dma_wait3A_779, %dma_wait3A_781, %dma_wait3A_782] : memref<5x80x64xf32, #tpu.memory_space<vmem>> -> memref<1x80x64xf32, #tpu.memory_space<vmem>>
        %dma_wait3A_784 = tpu.memref_squeeze %dma_wait3A_783 : memref<1x80x64xf32, #tpu.memory_space<vmem>> -> memref<80x64xf32, #tpu.memory_space<vmem>>
        %dma_wait3A_785 = arith.constant 0 : i32
        %dma_wait3A_786 = tpu.memref_slice %arg8[%dma_wait3A_780, %dma_wait3A_785] : memref<250x80xi32, #tpu.memory_space<vmem>> -> memref<1x80xi32, #tpu.memory_space<vmem>>
        %dma_wait3A_787 = tpu.memref_squeeze %dma_wait3A_786 : memref<1x80xi32, #tpu.memory_space<vmem>> -> memref<80xi32, #tpu.memory_space<vmem>>
        %dma_wait3A_788 = arith.constant 0 : i32
        %dma_wait3A_789 = arith.constant 0 : i32
        %dma_wait3A_790 = tpu.memref_slice %arg13[%dma_wait3A_788, %dma_wait3A_789] : memref<10240x64xf32, #tpu.memory_space<vmem_shared>> -> memref<10240x64xf32, #tpu.memory_space<vmem_shared>>
        tpu.wait_indirect_dma semaphore(%arg16 : memref<!tpu.dma_semaphore, #tpu.memory_space<semaphore_mem>>) src(%dma_wait3A_784 : memref<80x64xf32, #tpu.memory_space<vmem>>) dst(%dma_wait3A_790 : memref<10240x64xf32, #tpu.memory_space<vmem_shared>>)
      } else {
      }
      %add3A_771 = arith.constant 3 : i32
      %add3A_772 = arith.addi %add3A_699, %add3A_771 : i32
      %lt3A_773 = arith.constant 250 : i32
      %lt3A_774 = arith.cmpi slt, %add3A_772, %lt3A_773 : i32
      %convert_element_type3A_775 = arith.extui %lt3A_774 : i1 to i32
      %cond3A_776 = arith.constant 0 : i32
      %cond3A_777 = arith.cmpi ne, %convert_element_type3A_775, %cond3A_776 : i32
      scf.if %cond3A_777 {
        %add3A_779 = arith.constant 3 : i32
        %add3A_780 = arith.addi %add3A_699, %add3A_779 : i32
        %get3A_781 = arith.index_cast %add3A_780 : i32 to index
        %get3A_782 = arith.constant 0 : index
        %get3A_783 = tpu.vector_load %arg7[%get3A_781, %get3A_782] {strides = array<i32>} : memref<250x80xi32, #tpu.memory_space<vmem>>, vector<1x16xi32>,
        %get3A_784 = vector.shape_cast %get3A_783 : vector<1x16xi32> to vector<16xi32>
        %mul3A_785 = arith.constant 2 : i32
        %mul3A_786 = vector.broadcast %mul3A_785 : i32 to vector<16xi32>
        %mul3A_787 = arith.muli %get3A_784, %mul3A_786 : vector<16xi32>
        %add3A_788 = vector.broadcast %arg0 : i32 to vector<16xi32>
        %add3A_789 = arith.addi %mul3A_787, %add3A_788 : vector<16xi32>
        %swap3A_790 = arith.index_cast %add3A_780 : i32 to index
        %swap3A_791 = arith.constant 0 : index
        %swap3A_792 = tpu.vector_load %arg7[%swap3A_790, %swap3A_791] {strides = array<i32>} : memref<250x80xi32, #tpu.memory_space<vmem>>, vector<1x16xi32>,
        %swap3A_793 = vector.shape_cast %swap3A_792 : vector<1x16xi32> to vector<16xi32>
        %swap3A_794 = vector.shape_cast %add3A_789 : vector<16xi32> to vector<1x16xi32>
        tpu.vector_store %arg7[%swap3A_790, %swap3A_791], %swap3A_794 {strides = array<i32>} : memref<250x80xi32, #tpu.memory_space<vmem>>, vector<1x16xi32>,
        %get3A_795 = arith.index_cast %add3A_780 : i32 to index
        %get3A_796 = arith.constant 16 : index
        %get3A_797 = tpu.vector_load %arg7[%get3A_795, %get3A_796] {strides = array<i32>} : memref<250x80xi32, #tpu.memory_space<vmem>>, vector<1x16xi32>,
        %get3A_798 = vector.shape_cast %get3A_797 : vector<1x16xi32> to vector<16xi32>
        %mul3A_799 = arith.constant 2 : i32
        %mul3A_800 = vector.broadcast %mul3A_799 : i32 to vector<16xi32>
        %mul3A_801 = arith.muli %get3A_798, %mul3A_800 : vector<16xi32>
        %add3A_802 = vector.broadcast %arg0 : i32 to vector<16xi32>
        %add3A_803 = arith.addi %mul3A_801, %add3A_802 : vector<16xi32>
        %swap3A_804 = arith.index_cast %add3A_780 : i32 to index
        %swap3A_805 = arith.constant 16 : index
        %swap3A_806 = tpu.vector_load %arg7[%swap3A_804, %swap3A_805] {strides = array<i32>} : memref<250x80xi32, #tpu.memory_space<vmem>>, vector<1x16xi32>,
        %swap3A_807 = vector.shape_cast %swap3A_806 : vector<1x16xi32> to vector<16xi32>
        %swap3A_808 = vector.shape_cast %add3A_803 : vector<16xi32> to vector<1x16xi32>
        tpu.vector_store %arg7[%swap3A_804, %swap3A_805], %swap3A_808 {strides = array<i32>} : memref<250x80xi32, #tpu.memory_space<vmem>>, vector<1x16xi32>,
        %get3A_809 = arith.index_cast %add3A_780 : i32 to index
        %get3A_810 = arith.constant 32 : index
        %get3A_811 = tpu.vector_load %arg7[%get3A_809, %get3A_810] {strides = array<i32>} : memref<250x80xi32, #tpu.memory_space<vmem>>, vector<1x16xi32>,
        %get3A_812 = vector.shape_cast %get3A_811 : vector<1x16xi32> to vector<16xi32>
        %mul3A_813 = arith.constant 2 : i32
        %mul3A_814 = vector.broadcast %mul3A_813 : i32 to vector<16xi32>
        %mul3A_815 = arith.muli %get3A_812, %mul3A_814 : vector<16xi32>
        %add3A_816 = vector.broadcast %arg0 : i32 to vector<16xi32>
        %add3A_817 = arith.addi %mul3A_815, %add3A_816 : vector<16xi32>
        %swap3A_818 = arith.index_cast %add3A_780 : i32 to index
        %swap3A_819 = arith.constant 32 : index
        %swap3A_820 = tpu.vector_load %arg7[%swap3A_818, %swap3A_819] {strides = array<i32>} : memref<250x80xi32, #tpu.memory_space<vmem>>, vector<1x16xi32>,
        %swap3A_821 = vector.shape_cast %swap3A_820 : vector<1x16xi32> to vector<16xi32>
        %swap3A_822 = vector.shape_cast %add3A_817 : vector<16xi32> to vector<1x16xi32>
        tpu.vector_store %arg7[%swap3A_818, %swap3A_819], %swap3A_822 {strides = array<i32>} : memref<250x80xi32, #tpu.memory_space<vmem>>, vector<1x16xi32>,
        %get3A_823 = arith.index_cast %add3A_780 : i32 to index
        %get3A_824 = arith.constant 48 : index
        %get3A_825 = tpu.vector_load %arg7[%get3A_823, %get3A_824] {strides = array<i32>} : memref<250x80xi32, #tpu.memory_space<vmem>>, vector<1x16xi32>,
        %get3A_826 = vector.shape_cast %get3A_825 : vector<1x16xi32> to vector<16xi32>
        %mul3A_827 = arith.constant 2 : i32
        %mul3A_828 = vector.broadcast %mul3A_827 : i32 to vector<16xi32>
        %mul3A_829 = arith.muli %get3A_826, %mul3A_828 : vector<16xi32>
        %add3A_830 = vector.broadcast %arg0 : i32 to vector<16xi32>
        %add3A_831 = arith.addi %mul3A_829, %add3A_830 : vector<16xi32>
        %swap3A_832 = arith.index_cast %add3A_780 : i32 to index
        %swap3A_833 = arith.constant 48 : index
        %swap3A_834 = tpu.vector_load %arg7[%swap3A_832, %swap3A_833] {strides = array<i32>} : memref<250x80xi32, #tpu.memory_space<vmem>>, vector<1x16xi32>,
        %swap3A_835 = vector.shape_cast %swap3A_834 : vector<1x16xi32> to vector<16xi32>
        %swap3A_836 = vector.shape_cast %add3A_831 : vector<16xi32> to vector<1x16xi32>
        tpu.vector_store %arg7[%swap3A_832, %swap3A_833], %swap3A_836 {strides = array<i32>} : memref<250x80xi32, #tpu.memory_space<vmem>>, vector<1x16xi32>,
        %get3A_837 = arith.index_cast %add3A_780 : i32 to index
        %get3A_838 = arith.constant 64 : index
        %get3A_839 = tpu.vector_load %arg7[%get3A_837, %get3A_838] {strides = array<i32>} : memref<250x80xi32, #tpu.memory_space<vmem>>, vector<1x16xi32>,
        %get3A_840 = vector.shape_cast %get3A_839 : vector<1x16xi32> to vector<16xi32>
        %mul3A_841 = arith.constant 2 : i32
        %mul3A_842 = vector.broadcast %mul3A_841 : i32 to vector<16xi32>
        %mul3A_843 = arith.muli %get3A_840, %mul3A_842 : vector<16xi32>
        %add3A_844 = vector.broadcast %arg0 : i32 to vector<16xi32>
        %add3A_845 = arith.addi %mul3A_843, %add3A_844 : vector<16xi32>
        %swap3A_846 = arith.index_cast %add3A_780 : i32 to index
        %swap3A_847 = arith.constant 64 : index
        %swap3A_848 = tpu.vector_load %arg7[%swap3A_846, %swap3A_847] {strides = array<i32>} : memref<250x80xi32, #tpu.memory_space<vmem>>, vector<1x16xi32>,
        %swap3A_849 = vector.shape_cast %swap3A_848 : vector<1x16xi32> to vector<16xi32>
        %swap3A_850 = vector.shape_cast %add3A_845 : vector<16xi32> to vector<1x16xi32>
        tpu.vector_store %arg7[%swap3A_846, %swap3A_847], %swap3A_850 {strides = array<i32>} : memref<250x80xi32, #tpu.memory_space<vmem>>, vector<1x16xi32>,
        %dma_start3A_851 = arith.constant 2 : i32
        %dma_start3A_852 = arith.constant 0 : i32
        %dma_start3A_853 = arith.constant 0 : i32
        %dma_start3A_854 = tpu.memref_slice %arg9[%dma_start3A_851, %dma_start3A_852, %dma_start3A_853] : memref<5x80x64xf32, #tpu.memory_space<vmem>> -> memref<1x80x64xf32, #tpu.memory_space<vmem>>
        %dma_start3A_855 = tpu.memref_squeeze %dma_start3A_854 : memref<1x80x64xf32, #tpu.memory_space<vmem>> -> memref<80x64xf32, #tpu.memory_space<vmem>>
        %dma_start3A_856 = arith.constant 0 : i32
        %dma_start3A_857 = tpu.memref_slice %arg7[%add3A_780, %dma_start3A_856] : memref<250x80xi32, #tpu.memory_space<vmem>> -> memref<1x80xi32, #tpu.memory_space<vmem>>
        %dma_start3A_858 = tpu.memref_squeeze %dma_start3A_857 : memref<1x80xi32, #tpu.memory_space<vmem>> -> memref<80xi32, #tpu.memory_space<vmem>>
        %dma_start3A_859 = arith.constant 0 : i32
        %dma_start3A_860 = arith.constant 0 : i32
        %dma_start3A_861 = tpu.memref_slice %arg2[%dma_start3A_859, %dma_start3A_860] : memref<20000x64xf32, #tpu.memory_space<hbm>> -> memref<20000x64xf32, #tpu.memory_space<hbm>>
        tpu.enqueue_indirect_dma source(%dma_start3A_861 : memref<20000x64xf32, #tpu.memory_space<hbm>>) target(%dma_start3A_855 : memref<80x64xf32, #tpu.memory_space<vmem>>) offsets(%dma_start3A_858 : memref<80xi32, #tpu.memory_space<vmem>>) semaphore(%arg15 : memref<!tpu.dma_semaphore, #tpu.memory_space<semaphore_mem>>)
      } else {
      }
      %scan3A_778 = arith.constant 0 : i32
      scf.yield %scan3A_778 : i32
    }
    %scan3A_339 = arith.constant 50 : i32
    %dma_wait3A = arith.constant 0 : i32
    %dma_wait3A_340 = arith.constant 0 : i32
    %dma_wait3A_341 = arith.constant 0 : i32
    %dma_wait3A_342 = arith.constant 0 : i32
    %dma_wait3A_343 = tpu.memref_slice %arg9[%dma_wait3A, %dma_wait3A_341, %dma_wait3A_342] : memref<5x80x64xf32, #tpu.memory_space<vmem>> -> memref<1x80x64xf32, #tpu.memory_space<vmem>>
    %dma_wait3A_344 = tpu.memref_squeeze %dma_wait3A_343 : memref<1x80x64xf32, #tpu.memory_space<vmem>> -> memref<80x64xf32, #tpu.memory_space<vmem>>
    %dma_wait3A_345 = arith.constant 0 : i32
    %dma_wait3A_346 = tpu.memref_slice %arg8[%dma_wait3A_340, %dma_wait3A_345] : memref<250x80xi32, #tpu.memory_space<vmem>> -> memref<1x80xi32, #tpu.memory_space<vmem>>
    %dma_wait3A_347 = tpu.memref_squeeze %dma_wait3A_346 : memref<1x80xi32, #tpu.memory_space<vmem>> -> memref<80xi32, #tpu.memory_space<vmem>>
    %dma_wait3A_348 = arith.constant 0 : i32
    %dma_wait3A_349 = arith.constant 0 : i32
    %dma_wait3A_350 = tpu.memref_slice %arg13[%dma_wait3A_348, %dma_wait3A_349] : memref<10240x64xf32, #tpu.memory_space<vmem_shared>> -> memref<10240x64xf32, #tpu.memory_space<vmem_shared>>
    tpu.wait_indirect_dma semaphore(%arg16 : memref<!tpu.dma_semaphore, #tpu.memory_space<semaphore_mem>>) src(%dma_wait3A_344 : memref<80x64xf32, #tpu.memory_space<vmem>>) dst(%dma_wait3A_350 : memref<10240x64xf32, #tpu.memory_space<vmem_shared>>)
    %dma_wait3A_351 = arith.constant 0 : i32
    %dma_wait3A_352 = arith.constant 0 : i32
    %dma_wait3A_353 = arith.constant 0 : i32
    %dma_wait3A_354 = arith.constant 0 : i32
    %dma_wait3A_355 = tpu.memref_slice %arg9[%dma_wait3A_351, %dma_wait3A_353, %dma_wait3A_354] : memref<5x80x64xf32, #tpu.memory_space<vmem>> -> memref<1x80x64xf32, #tpu.memory_space<vmem>>
    %dma_wait3A_356 = tpu.memref_squeeze %dma_wait3A_355 : memref<1x80x64xf32, #tpu.memory_space<vmem>> -> memref<80x64xf32, #tpu.memory_space<vmem>>
    %dma_wait3A_357 = arith.constant 0 : i32
    %dma_wait3A_358 = tpu.memref_slice %arg8[%dma_wait3A_352, %dma_wait3A_357] : memref<250x80xi32, #tpu.memory_space<vmem>> -> memref<1x80xi32, #tpu.memory_space<vmem>>
    %dma_wait3A_359 = tpu.memref_squeeze %dma_wait3A_358 : memref<1x80xi32, #tpu.memory_space<vmem>> -> memref<80xi32, #tpu.memory_space<vmem>>
    %dma_wait3A_360 = arith.constant 0 : i32
    %dma_wait3A_361 = arith.constant 0 : i32
    %dma_wait3A_362 = tpu.memref_slice %arg13[%dma_wait3A_360, %dma_wait3A_361] : memref<10240x64xf32, #tpu.memory_space<vmem_shared>> -> memref<10240x64xf32, #tpu.memory_space<vmem_shared>>
    tpu.wait_indirect_dma semaphore(%arg16 : memref<!tpu.dma_semaphore, #tpu.memory_space<semaphore_mem>>) src(%dma_wait3A_356 : memref<80x64xf32, #tpu.memory_space<vmem>>) dst(%dma_wait3A_362 : memref<10240x64xf32, #tpu.memory_space<vmem_shared>>)
    %dma_wait3A_363 = arith.constant 0 : i32
    %dma_wait3A_364 = arith.constant 0 : i32
    %dma_wait3A_365 = tpu.memref_slice %arg8[%dma_wait3A_363, %dma_wait3A_364] : memref<250x80xi32, #tpu.memory_space<vmem>> -> memref<1x80xi32, #tpu.memory_space<vmem>>
    %dma_wait3A_366 = tpu.memref_squeeze %dma_wait3A_365 : memref<1x80xi32, #tpu.memory_space<vmem>> -> memref<80xi32, #tpu.memory_space<vmem>>
    %dma_wait3A_367 = arith.constant 0 : i32
    %dma_wait3A_368 = arith.constant 0 : i32
    %dma_wait3A_369 = tpu.memref_slice %arg14[%dma_wait3A_367, %dma_wait3A_368] : memref<10240x16xf32, #tpu.memory_space<vmem_shared>> -> memref<10240x16xf32, #tpu.memory_space<vmem_shared>>
    tpu.wait_indirect_dma semaphore(%arg17 : memref<!tpu.dma_semaphore, #tpu.memory_space<semaphore_mem>>) src(%arg11 : memref<80x16xf32, #tpu.memory_space<vmem>>) dst(%dma_wait3A_369 : memref<10240x16xf32, #tpu.memory_space<vmem_shared>>)
    %barrier3A_370 = arith.constant 0 : index
    tpu.barrier barrier_id(%barrier3A_370)
    %mul3A_371 = arith.constant 64 : i32
    %mul3A_372 = arith.muli %arg0, %mul3A_371 : i32
    "tpu.region"() ({
      %run_scoped3A = tpu.sem_alloc : memref<!tpu.dma_semaphore, #tpu.memory_space<semaphore_mem>>
      %dma_start3A_376 = tpu.memref_slice %arg5[%mul3A_20, %mul3A_372] : memref<10240x128xf32, #tpu.memory_space<hbm>> -> memref<640x64xf32, #tpu.memory_space<hbm>>
      %dma_start3A_377 = arith.constant 0 : i32
      %dma_start3A_378 = tpu.memref_slice %arg13[%mul3A_20, %dma_start3A_377] : memref<10240x64xf32, #tpu.memory_space<vmem_shared>> -> memref<640x64xf32, #tpu.memory_space<vmem_shared>>
      tpu.enqueue_dma source(%dma_start3A_378 : memref<640x64xf32, #tpu.memory_space<vmem_shared>>) target(%dma_start3A_376 : memref<640x64xf32, #tpu.memory_space<hbm>>) target_semaphore(%run_scoped3A : memref<!tpu.dma_semaphore, #tpu.memory_space<semaphore_mem>>)
      %dma_wait3A_379 = tpu.memref_slice %arg5[%mul3A_20, %mul3A_372] : memref<10240x128xf32, #tpu.memory_space<hbm>> -> memref<640x64xf32, #tpu.memory_space<hbm>>
      %dma_wait3A_380 = arith.constant 0 : i32
      %dma_wait3A_381 = tpu.memref_slice %arg13[%mul3A_20, %dma_wait3A_380] : memref<10240x64xf32, #tpu.memory_space<vmem_shared>> -> memref<640x64xf32, #tpu.memory_space<vmem_shared>>
      tpu.wait_dma2 semaphore(%run_scoped3A : memref<!tpu.dma_semaphore, #tpu.memory_space<semaphore_mem>>) src(%dma_wait3A_381 : memref<640x64xf32, #tpu.memory_space<vmem_shared>>) dst(%dma_wait3A_379 : memref<640x64xf32, #tpu.memory_space<hbm>>)
      tpu.yield
    }) : () -> ()
    %mul3A_373 = arith.constant 10240 : i32
    %mul3A_374 = arith.muli %arg0, %mul3A_373 : i32
    %add3A_375 = arith.addi %mul3A_374, %mul3A_20 : i32
    "tpu.region"() ({
      %run_scoped3A = tpu.sem_alloc : memref<!tpu.dma_semaphore, #tpu.memory_space<semaphore_mem>>
      %dma_start3A_376 = arith.constant 0 : i32
      %dma_start3A_377 = tpu.memref_slice %arg6[%add3A_375, %dma_start3A_376] : memref<20480x16xf32, #tpu.memory_space<hbm>> -> memref<640x16xf32, #tpu.memory_space<hbm>>
      %dma_start3A_378 = arith.constant 0 : i32
      %dma_start3A_379 = tpu.memref_slice %arg14[%mul3A_20, %dma_start3A_378] : memref<10240x16xf32, #tpu.memory_space<vmem_shared>> -> memref<640x16xf32, #tpu.memory_space<vmem_shared>>
      tpu.enqueue_dma source(%dma_start3A_379 : memref<640x16xf32, #tpu.memory_space<vmem_shared>>) target(%dma_start3A_377 : memref<640x16xf32, #tpu.memory_space<hbm>>) target_semaphore(%run_scoped3A : memref<!tpu.dma_semaphore, #tpu.memory_space<semaphore_mem>>)
      %dma_wait3A_380 = arith.constant 0 : i32
      %dma_wait3A_381 = tpu.memref_slice %arg6[%add3A_375, %dma_wait3A_380] : memref<20480x16xf32, #tpu.memory_space<hbm>> -> memref<640x16xf32, #tpu.memory_space<hbm>>
      %dma_wait3A_382 = arith.constant 0 : i32
      %dma_wait3A_383 = tpu.memref_slice %arg14[%mul3A_20, %dma_wait3A_382] : memref<10240x16xf32, #tpu.memory_space<vmem_shared>> -> memref<640x16xf32, #tpu.memory_space<vmem_shared>>
      tpu.wait_dma2 semaphore(%run_scoped3A : memref<!tpu.dma_semaphore, #tpu.memory_space<semaphore_mem>>) src(%dma_wait3A_383 : memref<640x16xf32, #tpu.memory_space<vmem_shared>>) dst(%dma_wait3A_381 : memref<640x16xf32, #tpu.memory_space<hbm>>)
      tpu.yield
    }) : () -> ()
    return
  }
}

module attributes {stable_mosaic.version = 14 : i64} {
  func.func @_tc_mid_body(%arg0: i32, %arg1: memref<2000x128xf32, #tpu.memory_space<vmem>>, %arg2: memref<2000x128xf32, #tpu.memory_space<vmem>>, %arg3: memref<2x2000x16xf32, #tpu.memory_space<vmem>>, %arg4: memref<128x128xf32, #tpu.memory_space<vmem>>, %arg5: memref<128x128xf32, #tpu.memory_space<vmem>>, %arg6: memref<128xf32, #tpu.memory_space<vmem>>, %arg7: memref<128x64xf32, #tpu.memory_space<vmem>>, %arg8: memref<128x64xf32, #tpu.memory_space<vmem>>, %arg9: memref<64xf32, #tpu.memory_space<vmem>>, %arg10: memref<2000x128xf32, #tpu.memory_space<vmem>>, %arg11: memref<2000x64xf32, #tpu.memory_space<vmem>>) attributes {dimension_semantics = [#tpu.dimension_semantics<arbitrary>], iteration_bounds = array<i64: 5>, scalar_prefetch = 0 : i64, scratch_operands = 0 : i64, tpu.core_type = #tpu.core_type<tc>, window_params = [{transform_indices = @transform_0, window_bounds = array<i64: 2000, 128>}, {transform_indices = @transform_1, window_bounds = array<i64: 2000, 128>}, {transform_indices = @transform_2, window_bounds = array<i64: 2, 2000, 16>}, {pipeline_mode = #tpu.pipeline_mode<synchronous>, transform_indices = @transform_3, window_bounds = array<i64: 128, 128>}, {pipeline_mode = #tpu.pipeline_mode<synchronous>, transform_indices = @transform_4, window_bounds = array<i64: 128, 128>}, {pipeline_mode = #tpu.pipeline_mode<synchronous>, transform_indices = @transform_5, window_bounds = array<i64: 128>}, {pipeline_mode = #tpu.pipeline_mode<synchronous>, transform_indices = @transform_6, window_bounds = array<i64: 128, 64>}, {pipeline_mode = #tpu.pipeline_mode<synchronous>, transform_indices = @transform_7, window_bounds = array<i64: 128, 64>}, {pipeline_mode = #tpu.pipeline_mode<synchronous>, transform_indices = @transform_8, window_bounds = array<i64: 64>}, {transform_indices = @transform_9, window_bounds = array<i64: 2000, 128>}, {transform_indices = @transform_10, window_bounds = array<i64: 2000, 64>}]} {
    %get3A = arith.constant 0 : index
    %get3A_0 = arith.constant 0 : index
    %get3A_1 = arith.constant 0 : index
    %get3A_2 = vector.load %arg3[%get3A, %get3A_0, %get3A_1] : memref<2x2000x16xf32, #tpu.memory_space<vmem>>, vector<1x2000x1xf32>
    %get3A_3 = vector.shape_cast %get3A_2 : vector<1x2000x1xf32> to vector<2000x1xf32>
    %get3A_4 = arith.constant 1 : index
    %get3A_5 = arith.constant 0 : index
    %get3A_6 = arith.constant 0 : index
    %get3A_7 = vector.load %arg3[%get3A_4, %get3A_5, %get3A_6] : memref<2x2000x16xf32, #tpu.memory_space<vmem>>, vector<1x2000x1xf32>
    %get3A_8 = vector.shape_cast %get3A_7 : vector<1x2000x1xf32> to vector<2000x1xf32>
    %add3A = arith.addf %get3A_3, %get3A_8 : vector<2000x1xf32>
    %max3A = arith.constant 1.000000e+00 : f32
    %max3A_9 = vector.broadcast %max3A : f32 to vector<2000x1xf32>
    %max3A_10 = arith.maximumf %add3A, %max3A_9 : vector<2000x1xf32>
    %div3A = arith.constant 1.000000e+00 : f32
    %div3A_11 = vector.broadcast %div3A : f32 to vector<2000x1xf32>
    %div3A_12 = arith.divf %div3A_11, %max3A_10 : vector<2000x1xf32>
    %get3A_13 = arith.constant 0 : index
    %get3A_14 = arith.constant 0 : index
    %get3A_15 = vector.load %arg2[%get3A_13, %get3A_14] : memref<2000x128xf32, #tpu.memory_space<vmem>>, vector<2000x128xf32>
    %mul3A = vector.broadcast %div3A_12 : vector<2000x1xf32> to vector<2000x128xf32>
    %mul3A_16 = arith.mulf %get3A_15, %mul3A : vector<2000x128xf32>
    %get3A_17 = arith.constant 0 : index
    %get3A_18 = arith.constant 0 : index
    %get3A_19 = vector.load %arg1[%get3A_17, %get3A_18] : memref<2000x128xf32, #tpu.memory_space<vmem>>, vector<2000x128xf32>
    %get3A_20 = arith.constant 0 : index
    %get3A_21 = arith.constant 0 : index
    %get3A_22 = vector.load %arg4[%get3A_20, %get3A_21] : memref<128x128xf32, #tpu.memory_space<vmem>>, vector<128x128xf32>
    %dot_general3A = arith.constant dense<0.000000e+00> : vector<2000x128xf32>
    %dot_general3A_23 = tpu.matmul %get3A_19, %get3A_22, %dot_general3A {dimension_numbers = #tpu.dot_dimension_numbers<[1], [0], [0], [1], [0, 0, 1, 1], [], []>, transpose_lhs_hint = false} : vector<2000x128xf32>, vector<128x128xf32>, vector<2000x128xf32> -> vector<2000x128xf32>
    %get3A_24 = arith.constant 0 : index
    %get3A_25 = arith.constant 0 : index
    %get3A_26 = vector.load %arg5[%get3A_24, %get3A_25] : memref<128x128xf32, #tpu.memory_space<vmem>>, vector<128x128xf32>
    %dot_general3A_27 = arith.constant dense<0.000000e+00> : vector<2000x128xf32>
    %dot_general3A_28 = tpu.matmul %mul3A_16, %get3A_26, %dot_general3A_27 {dimension_numbers = #tpu.dot_dimension_numbers<[1], [0], [0], [1], [0, 0, 1, 1], [], []>, transpose_lhs_hint = false} : vector<2000x128xf32>, vector<128x128xf32>, vector<2000x128xf32> -> vector<2000x128xf32>
    %add3A_29 = arith.addf %dot_general3A_23, %dot_general3A_28 : vector<2000x128xf32>
    %get3A_30 = arith.constant 0 : index
    %get3A_31 = vector.load %arg6[%get3A_30] : memref<128xf32, #tpu.memory_space<vmem>>, vector<128xf32>
    %broadcast_in_dim3A = vector.shape_cast %get3A_31 : vector<128xf32> to vector<1x128xf32>
    %add3A_32 = vector.broadcast %broadcast_in_dim3A : vector<1x128xf32> to vector<2000x128xf32>
    %add3A_33 = arith.addf %add3A_29, %add3A_32 : vector<2000x128xf32>
    %max3A_34 = arith.constant 0.000000e+00 : f32
    %max3A_35 = vector.broadcast %max3A_34 : f32 to vector<2000x128xf32>
    %max3A_36 = arith.maximumf %add3A_33, %max3A_35 : vector<2000x128xf32>
    %get3A_37 = arith.constant 0 : index
    %get3A_38 = arith.constant 0 : index
    %get3A_39 = vector.load %arg8[%get3A_37, %get3A_38] : memref<128x64xf32, #tpu.memory_space<vmem>>, vector<128x64xf32>
    %dot_general3A_40 = arith.constant dense<0.000000e+00> : vector<2000x64xf32>
    %dot_general3A_41 = tpu.matmul %max3A_36, %get3A_39, %dot_general3A_40 {dimension_numbers = #tpu.dot_dimension_numbers<[1], [0], [0], [1], [0, 0, 1, 1], [], []>, transpose_lhs_hint = false} : vector<2000x128xf32>, vector<128x64xf32>, vector<2000x64xf32> -> vector<2000x64xf32>
    %broadcast_in_dim3A_42 = arith.constant 0.000000e+00 : f32
    %broadcast_in_dim3A_43 = vector.broadcast %broadcast_in_dim3A_42 : f32 to vector<2000x64xf32>
    %concatenate3A = tpu.concatenate %dot_general3A_41, %broadcast_in_dim3A_43 in 1 : vector<2000x64xf32>, vector<2000x64xf32> -> vector<2000x128xf32>
    %swap3A = arith.constant 0 : index
    %swap3A_44 = arith.constant 0 : index
    %swap3A_45 = vector.load %arg10[%swap3A, %swap3A_44] : memref<2000x128xf32, #tpu.memory_space<vmem>>, vector<2000x128xf32>
    tpu.vector_store %arg10[%swap3A, %swap3A_44], %concatenate3A {strides = array<i32>} : memref<2000x128xf32, #tpu.memory_space<vmem>>, vector<2000x128xf32>,
    %get3A_46 = arith.constant 0 : index
    %get3A_47 = arith.constant 0 : index
    %get3A_48 = vector.load %arg7[%get3A_46, %get3A_47] : memref<128x64xf32, #tpu.memory_space<vmem>>, vector<128x64xf32>
    %dot_general3A_49 = arith.constant dense<0.000000e+00> : vector<2000x64xf32>
    %dot_general3A_50 = tpu.matmul %max3A_36, %get3A_48, %dot_general3A_49 {dimension_numbers = #tpu.dot_dimension_numbers<[1], [0], [0], [1], [0, 0, 1, 1], [], []>, transpose_lhs_hint = false} : vector<2000x128xf32>, vector<128x64xf32>, vector<2000x64xf32> -> vector<2000x64xf32>
    %get3A_51 = arith.constant 0 : index
    %get3A_52 = vector.load %arg9[%get3A_51] : memref<64xf32, #tpu.memory_space<vmem>>, vector<64xf32>
    %broadcast_in_dim3A_53 = vector.shape_cast %get3A_52 : vector<64xf32> to vector<1x64xf32>
    %add3A_54 = vector.broadcast %broadcast_in_dim3A_53 : vector<1x64xf32> to vector<2000x64xf32>
    %add3A_55 = arith.addf %dot_general3A_50, %add3A_54 : vector<2000x64xf32>
    %swap3A_56 = arith.constant 0 : index
    %swap3A_57 = arith.constant 0 : index
    %swap3A_58 = vector.load %arg11[%swap3A_56, %swap3A_57] : memref<2000x64xf32, #tpu.memory_space<vmem>>, vector<2000x64xf32>
    tpu.vector_store %arg11[%swap3A_56, %swap3A_57], %add3A_55 {strides = array<i32>} : memref<2000x64xf32, #tpu.memory_space<vmem>>, vector<2000x64xf32>,
    return
  }
  func.func @transform_0(%arg0: i32) -> (i32, i32) {
    %c0_i32 = arith.constant 0 : i32
    %c0_i32_0 = arith.constant 0 : i32
    return %arg0, %c0_i32 : i32, i32
  }
  func.func @transform_1(%arg0: i32) -> (i32, i32) {
    %c0_i32 = arith.constant 0 : i32
    %c0_i32_0 = arith.constant 0 : i32
    return %arg0, %c0_i32 : i32, i32
  }
  func.func @transform_2(%arg0: i32) -> (i32, i32, i32) {
    %c0_i32 = arith.constant 0 : i32
    %c0_i32_0 = arith.constant 0 : i32
    %c0_i32_1 = arith.constant 0 : i32
    return %c0_i32, %arg0, %c0_i32_0 : i32, i32, i32
  }
  func.func @transform_3(%arg0: i32) -> (i32, i32) {
    %c0_i32 = arith.constant 0 : i32
    %c0_i32_0 = arith.constant 0 : i32
    %c0_i32_1 = arith.constant 0 : i32
    return %c0_i32, %c0_i32_0 : i32, i32
  }
  func.func @transform_4(%arg0: i32) -> (i32, i32) {
    %c0_i32 = arith.constant 0 : i32
    %c0_i32_0 = arith.constant 0 : i32
    %c0_i32_1 = arith.constant 0 : i32
    return %c0_i32, %c0_i32_0 : i32, i32
  }
  func.func @transform_5(%arg0: i32) -> i32 {
    %c0_i32 = arith.constant 0 : i32
    %c0_i32_0 = arith.constant 0 : i32
    return %c0_i32 : i32
  }
  func.func @transform_6(%arg0: i32) -> (i32, i32) {
    %c0_i32 = arith.constant 0 : i32
    %c0_i32_0 = arith.constant 0 : i32
    %c0_i32_1 = arith.constant 0 : i32
    return %c0_i32, %c0_i32_0 : i32, i32
  }
  func.func @transform_7(%arg0: i32) -> (i32, i32) {
    %c0_i32 = arith.constant 0 : i32
    %c0_i32_0 = arith.constant 0 : i32
    %c0_i32_1 = arith.constant 0 : i32
    return %c0_i32, %c0_i32_0 : i32, i32
  }
  func.func @transform_8(%arg0: i32) -> i32 {
    %c0_i32 = arith.constant 0 : i32
    %c0_i32_0 = arith.constant 0 : i32
    return %c0_i32 : i32
  }
  func.func @transform_9(%arg0: i32) -> (i32, i32) {
    %c0_i32 = arith.constant 0 : i32
    %c0_i32_0 = arith.constant 0 : i32
    return %arg0, %c0_i32 : i32, i32
  }
  func.func @transform_10(%arg0: i32) -> (i32, i32) {
    %c0_i32 = arith.constant 0 : i32
    %c0_i32_0 = arith.constant 0 : i32
    return %arg0, %c0_i32 : i32, i32
  }
}

module attributes {stable_mosaic.version = 14 : i64} {
  func.func @_tc_out_body(%arg0: i32, %arg1: memref<2000x64xf32, #tpu.memory_space<vmem>>, %arg2: memref<2000x128xf32, #tpu.memory_space<vmem>>, %arg3: memref<2x2000x16xf32, #tpu.memory_space<vmem>>, %arg4: memref<2000x64xf32, #tpu.memory_space<vmem>>) attributes {dimension_semantics = [#tpu.dimension_semantics<arbitrary>], iteration_bounds = array<i64: 5>, scalar_prefetch = 0 : i64, scratch_operands = 0 : i64, tpu.core_type = #tpu.core_type<tc>, window_params = [{transform_indices = @transform_0, window_bounds = array<i64: 2000, 64>}, {transform_indices = @transform_1, window_bounds = array<i64: 2000, 128>}, {transform_indices = @transform_2, window_bounds = array<i64: 2, 2000, 16>}, {transform_indices = @transform_3, window_bounds = array<i64: 2000, 64>}]} {
    %get3A = arith.constant 0 : index
    %get3A_0 = arith.constant 0 : index
    %get3A_1 = arith.constant 0 : index
    %get3A_2 = vector.load %arg3[%get3A, %get3A_0, %get3A_1] : memref<2x2000x16xf32, #tpu.memory_space<vmem>>, vector<1x2000x1xf32>
    %get3A_3 = vector.shape_cast %get3A_2 : vector<1x2000x1xf32> to vector<2000x1xf32>
    %get3A_4 = arith.constant 1 : index
    %get3A_5 = arith.constant 0 : index
    %get3A_6 = arith.constant 0 : index
    %get3A_7 = vector.load %arg3[%get3A_4, %get3A_5, %get3A_6] : memref<2x2000x16xf32, #tpu.memory_space<vmem>>, vector<1x2000x1xf32>
    %get3A_8 = vector.shape_cast %get3A_7 : vector<1x2000x1xf32> to vector<2000x1xf32>
    %add3A = arith.addf %get3A_3, %get3A_8 : vector<2000x1xf32>
    %max3A = arith.constant 1.000000e+00 : f32
    %max3A_9 = vector.broadcast %max3A : f32 to vector<2000x1xf32>
    %max3A_10 = arith.maximumf %add3A, %max3A_9 : vector<2000x1xf32>
    %div3A = arith.constant 1.000000e+00 : f32
    %div3A_11 = vector.broadcast %div3A : f32 to vector<2000x1xf32>
    %div3A_12 = arith.divf %div3A_11, %max3A_10 : vector<2000x1xf32>
    %get3A_13 = arith.constant 0 : index
    %get3A_14 = arith.constant 0 : index
    %get3A_15 = vector.load %arg1[%get3A_13, %get3A_14] : memref<2000x64xf32, #tpu.memory_space<vmem>>, vector<2000x64xf32>
    %get3A_16 = arith.constant 0 : index
    %get3A_17 = arith.constant 0 : index
    %get3A_18 = vector.load %arg2[%get3A_16, %get3A_17] : memref<2000x128xf32, #tpu.memory_space<vmem>>, vector<2000x64xf32>
    %get3A_19 = arith.constant 0 : index
    %get3A_20 = arith.constant 64 : index
    %get3A_21 = vector.load %arg2[%get3A_19, %get3A_20] : memref<2000x128xf32, #tpu.memory_space<vmem>>, vector<2000x64xf32>
    %add3A_22 = arith.addf %get3A_18, %get3A_21 : vector<2000x64xf32>
    %mul3A = vector.broadcast %div3A_12 : vector<2000x1xf32> to vector<2000x64xf32>
    %mul3A_23 = arith.mulf %add3A_22, %mul3A : vector<2000x64xf32>
    %add3A_24 = arith.addf %get3A_15, %mul3A_23 : vector<2000x64xf32>
    %reduce_max3A = arith.constant dense<0xFF800000> : vector<2000xf32>
    %reduce_max3A_25 = vector.multi_reduction <maximumf>, %add3A_24, %reduce_max3A [1] : vector<2000x64xf32> to vector<2000xf32>
    %broadcast_in_dim3A = vector.shape_cast %reduce_max3A_25 : vector<2000xf32> to vector<2000x1xf32>
    %sub3A = vector.broadcast %broadcast_in_dim3A : vector<2000x1xf32> to vector<2000x64xf32>
    %sub3A_26 = arith.subf %add3A_24, %sub3A : vector<2000x64xf32>
    %exp3A = math.exp %sub3A_26 : vector<2000x64xf32>
    %reduce_sum3A = arith.constant dense<0.000000e+00> : vector<2000xf32>
    %reduce_sum3A_27 = vector.multi_reduction <add>, %exp3A, %reduce_sum3A [1] : vector<2000x64xf32> to vector<2000xf32>
    %broadcast_in_dim3A_28 = vector.shape_cast %reduce_sum3A_27 : vector<2000xf32> to vector<2000x1xf32>
    %log3A = math.log %broadcast_in_dim3A_28 : vector<2000x1xf32>
    %add3A_29 = arith.addf %log3A, %broadcast_in_dim3A : vector<2000x1xf32>
    %sub3A_30 = vector.broadcast %add3A_29 : vector<2000x1xf32> to vector<2000x64xf32>
    %sub3A_31 = arith.subf %add3A_24, %sub3A_30 : vector<2000x64xf32>
    %swap3A = arith.constant 0 : index
    %swap3A_32 = arith.constant 0 : index
    %swap3A_33 = vector.load %arg4[%swap3A, %swap3A_32] : memref<2000x64xf32, #tpu.memory_space<vmem>>, vector<2000x64xf32>
    tpu.vector_store %arg4[%swap3A, %swap3A_32], %sub3A_31 {strides = array<i32>} : memref<2000x64xf32, #tpu.memory_space<vmem>>, vector<2000x64xf32>,
    return
  }
  func.func @transform_0(%arg0: i32) -> (i32, i32) {
    %c0_i32 = arith.constant 0 : i32
    %c0_i32_0 = arith.constant 0 : i32
    return %arg0, %c0_i32 : i32, i32
  }
  func.func @transform_1(%arg0: i32) -> (i32, i32) {
    %c0_i32 = arith.constant 0 : i32
    %c0_i32_0 = arith.constant 0 : i32
    return %arg0, %c0_i32 : i32, i32
  }
  func.func @transform_2(%arg0: i32) -> (i32, i32, i32) {
    %c0_i32 = arith.constant 0 : i32
    %c0_i32_0 = arith.constant 0 : i32
    %c0_i32_1 = arith.constant 0 : i32
    return %c0_i32, %arg0, %c0_i32_0 : i32, i32, i32
  }
  func.func @transform_3(%arg0: i32) -> (i32, i32) {
    %c0_i32 = arith.constant 0 : i32
    %c0_i32_0 = arith.constant 0 : i32
    return %arg0, %c0_i32 : i32, i32
  }
}

</mosaic_0001>

<sc_bundles>
// kernel: kernel.6.cloned.1.call-start
scs
__scs_entry_jumppad:
0x0: {  	(pc) =	sbr.rel $0x88, $3  }
0x1: {  	(tag) =	ssettag $0x0;
	lr =	simm.s32 $0x1  }
0x2: {  	[smem:$0x3F99] =	sst lr;
	_ =	strace $0xD0000000  }
0x3: {  	_ = 	snop  }
0x4: {  	_ = 	snop  }
0x5: {  	_ = 	snop  }
0x6: {  	_ = 	snop  }
0x7: {  	_ = 	snop  }
__scs_overlays_trampoline_lowered:
0x8: {  	[smem:$0x3FA8] =	sst s0  }
0x9: {  	[smem:$0x3FA9] =	sst s1  }
0xa: {  	[smem:$0x3FAA] =	sst s2  }
0xb: {  	[smem:$0x3FAB] =	sst s3  }
0xc: {  	[smem:$0x3FAC] =	sst s4  }
0xd: {  	[smem:$0x3FAD] =	sst s5  }
0xe: {  	[smem:$0x3FAE] =	sst s6  }
0xf: {  	[smem:$0x3FAF] =	sst s7  }
0x10: {  	[smem:$0x3FB0] =	sst s8  }
0x11: {  	[smem:$0x3FB1] =	sst s9;
	s0 =	simm.s32 @!p0 $0x0  }
0x12: {  	s1 =	sld [smem:$0x3F97];
	s0 =	simm.s32 @p0 $0x1  }
0x13: {  	[smem:$0x3FB2] =	sst s0;
	s0 =	simm.s32 @!p1 $0x0  }
0x14: {  	s2 =	sld [smem:$0x3F96];
	s0 =	simm.s32 @p1 $0x1  }
0x15: {  	[smem:$0x3FB3] =	sst s0;
	s0 =	simm.s32 @!p2 $0x0  }
0x16: {  	s3 =	sld [smem:$0x3FDB];
	s0 =	simm.s32 @p2 $0x1  }
0x17: {  	s4 =	simm.s32 $0x1BF5;
	[smem:$0x3FB5] =	sst s0  }
0x18: {  	s0 =	sld [smem:$0x3F98];
	_ =	swait.ge [sflag:s4], $0x0  }
0x19: {  	s7 =	sld [smem:$0x3F99]  }
0x1a: {  	s8 =	sadd.s32 $0xFFFFE003, lr  }
0x1b: {  	s9 =	sadd.s32 $0xFFFFFEF7, lr;
	s5 =	simm.s32 $0xFFFFFFFF;
	p2 =	slt.u32 s8, $0xFFFFF086  }
0x1c: {  	p1 =	slt.u32 s9, $0xF7A;
	s5 =	simm.s32 @!p2 $0x0  }
0x1d: {  	s5 =	simm.s32 @p1 $0x1;
	p0 =	seq.s32 s7, s2  }
0x1e: {  	s7 =	smul.u32 @!p0 $0xF7A, s2;
	p2 =	seq.s32 @!p0 s5, $0x0  }
0x1f: {  	s9 =	smul.u32 $0xF7A, s1;
	s8 =	simm.s32 @!p0 $0x1BF5;
	p2 =	por !p2, p0  }
0x20: {  	[sflag:s8] =	ssyncset.s32 @!p0 $0xFFFFF086;
	s6 =	sadd.s32 @!p0 s3, s7;
	s7 =	simm.s32 @!p0 $0x108  }
0x21: {  	s3 =	sadd.s32 s3, s9;
	s6 =	sadd.s32 @!p0 $0x88, s6;
	s7 =	simm.s32 @p2 $0x1082  }
0x22: {  	[simem:s7], [sflag:s8] =	dma.local @!p0 [hbm:s6], $0xF7A  }
0x23: {  	s9 =	sor.u32 $0xD0000000, s2;
	s6 =	simm.s32 $0x108;
	_ =	swait.ge @!p0 [sflag:s8], $0x0  }
0x24: {  	s3 =	sadd.s32 $0x88, s3;
	s6 =	simm.s32 @!p1 $0x1082;
	[sflag:s4] =	ssyncset.s32 $0xFFFFF086  }
0x25: {  	[simem:s6], [sflag:s4] =	dma.local [hbm:s3], $0xF7A  }
0x26: {  	[smem:$0x3F99] =	sst s1;
	(tag) =	ssettag s2;
	_ =	strace s9  }
0x27: {  	s1 =	sld [smem:$0x3FA9]  }
0x28: {  	s2 =	sld [smem:$0x3FAA]  }
0x29: {  	s4 =	sld [smem:$0x3FAC]  }
0x2a: {  	p0 =	seq.s32 s5, $0x0;
	s5 =	sld [smem:$0x3FAD]  }
0x2b: {  	s6 =	sld [smem:$0x3FAE]  }
0x2c: {  	s7 =	sld [smem:$0x3FAF]  }
0x2d: {  	s3 =	simm.s32 $0x108;
	s8 =	sld [smem:$0x3FB0]  }
0x2e: {  	s3 =	simm.s32 @!p0 $0x1082;
	s9 =	sld [smem:$0x3FB1]  }
0x2f: {  	lr =	sadd.s32 s0, s3;
	s0 =	sld [smem:$0x3FA8]  }
0x30: {  	s3 =	sld [smem:$0x3FAB]  }
0x31: {  	[smem:$0x3FB4] =	sst s10  }
0x32: {  	s10 =	sld [smem:$0x3FB2];
	_ =	sdelay $0x3  }
0x33: {  	p0 =	seq.s32 s10, $0x1;
	s10 =	sld [smem:$0x3FB4];
	_ =	sdelay $0x3  }
0x34: {  	[smem:$0x3FB4] =	sst s10  }
0x35: {  	s10 =	sld [smem:$0x3FB3];
	_ =	sdelay $0x3  }
0x36: {  	p1 =	seq.s32 s10, $0x1;
	s10 =	sld [smem:$0x3FB4];
	_ =	sdelay $0x3  }
0x37: {  	[smem:$0x3FB4] =	sst s10  }
0x38: {  	s10 =	sld [smem:$0x3FB5]  }
0x39: {  	_ = 	snop;
	(pc) =	sbr.ind lr, $3  }
0x3a: {  	_ = 	snop  }
0x3b: {  	_ = 	snop  }
0x3c: {  	p2 =	seq.s32 s10, $0x1;
	s10 =	sld [smem:$0x3FB4]  }
0x3d: {  	_ =	shalt  }
0x3e: {  	_ =	shalt  }
0x3f: {  	_ =	shalt  }
0x40: {  	_ =	shalt  }
0x41: {  	_ =	shalt  }
0x42: {  	_ =	shalt  }
0x43: {  	_ =	shalt  }
0x44: {  	_ =	shalt  }
0x45: {  	_ =	shalt  }
0x46: {  	_ =	shalt  }
0x47: {  	_ =	shalt  }
0x48: {  	_ =	shalt  }
0x49: {  	_ =	shalt  }
0x4a: {  	_ =	shalt  }
0x4b: {  	_ =	shalt  }
0x4c: {  	_ =	shalt  }
0x4d: {  	_ =	shalt  }
0x4e: {  	_ =	shalt  }
0x4f: {  	_ =	shalt  }
0x50: {  	_ =	shalt  }
0x51: {  	_ =	shalt  }
0x52: {  	_ =	shalt  }
0x53: {  	_ =	shalt  }
0x54: {  	_ =	shalt  }
0x55: {  	_ =	shalt  }
0x56: {  	_ =	shalt  }
0x57: {  	_ =	shalt  }
0x58: {  	_ =	shalt  }
0x59: {  	_ =	shalt  }
0x5a: {  	_ =	shalt  }
0x5b: {  	_ =	shalt  }
0x5c: {  	_ =	shalt  }
0x5d: {  	_ =	shalt  }
0x5e: {  	_ =	shalt  }
0x5f: {  	_ =	shalt  }
0x60: {  	_ =	shalt  }
0x61: {  	_ =	shalt  }
0x62: {  	_ =	shalt  }
0x63: {  	_ =	shalt  }
0x64: {  	_ =	shalt  }
0x65: {  	_ =	shalt  }
0x66: {  	_ =	shalt  }
0x67: {  	_ =	shalt  }
0x68: {  	_ =	shalt  }
0x69: {  	_ =	shalt  }
0x6a: {  	_ =	shalt  }
0x6b: {  	_ =	shalt  }
0x6c: {  	_ =	shalt  }
0x6d: {  	_ =	shalt  }
0x6e: {  	_ =	shalt  }
0x6f: {  	_ =	shalt  }
0x70: {  	_ =	shalt  }
0x71: {  	_ =	shalt  }
0x72: {  	_ =	shalt  }
0x73: {  	_ =	shalt  }
0x74: {  	_ =	shalt  }
0x75: {  	_ =	shalt  }
0x76: {  	_ =	shalt  }
0x77: {  	_ =	shalt  }
0x78: {  	_ =	shalt  }
0x79: {  	_ =	shalt  }
0x7a: {  	_ =	shalt  }
0x7b: {  	_ =	shalt  }
0x7c: {  	_ =	shalt  }
0x7d: {  	_ =	shalt  }
0x7e: {  	_ =	shalt  }
0x7f: {  	_ =	shalt  }
0x80: {  	_ =	shalt  }
0x81: {  	_ =	shalt  }
0x82: {  	_ =	shalt  }
0x83: {  	_ =	shalt  }
0x84: {  	_ =	shalt  }
0x85: {  	_ =	shalt  }
0x86: {  	_ =	shalt  }
0x87: {  	_ =	shalt  }
.Lfunc_end0:
.L_simem_size_0:
called_computation_lowered:
.L_overlay_start_0:
0x88: {  	s2 =	sld [smem:$0x3FD9]  }
0x89: {  	s3 =	sld [smem:$0x3FFE];
	_ =	sdelay $0x1  }
0x8a: {  	s1 =	srdreg.scid  }
0x8b: {  	s0 =	sand.u32 $0x1, s1  }
0x8c: {  	s17 =	sshll.u32 s0, $0xA;
	s2 =	sadd.s32 s3, s2  }
0x8d: {  	s2 =	sadd.s32 s2, s17  }
0x8e: {  	[smem:$0x3FC0] =	sst s2  }
0x8f: {  	_ = 	snop  }
0x90: {  	s2 =	sld [smem:$0x3FC9]  }
0x91: {  	s18 =	sld [smem:$0x3FD0];
	(tm) =	ssettm $0x1  }
0x92: {  	s4 =	sld [smem:$0x3FFB];
	_ =	sdelay $0x3  }
0x93: {  	_ =	strace s4  }
0x94: {  	s4 =	sld [smem:$0x3FFC];
	_ =	sdelay $0x3  }
0x95: {  	_ =	strace s4  }
0x96: {  	s4 =	sld [smem:$0x3FFD];
	_ =	sdelay $0x3  }
0x97: {  	_ =	strace s4  }
0x98: {  	_ =	strace $0x8FFFFFFF  }
0x99: {  	s19 =	sld [smem:$0x3FDB];
	_ =	sdelay $0x1  }
0x9a: {  	s5 =	simm.s32 $_scs_section_size  }
0x9b: {  	s6 =	simm.s32 $_size__tile_overlayer_lowered;
	s7 =	simm.s32 $_tile_overlayer_lowered  }
0x9c: {  	s22 =	simm.s32 $0x1BFF;
	s21 =	sshll.u32 s7, $0x1;
	s4 =	sadd.s32 s5, s19  }
0x9d: {  	s8 =	simm.s32 $0x0;
	s20 =	sshll.u32 s6, $0x1;
	s6 =	sadd.s32 s21, s4  }
0x9e: {  	[timem:s8], [sflag:s22] =	dma.local [hbm:s6], s20  }
0x9f: {  	_ =	swait.ge [sflag:s22], s20  }
0xa0: {  	s5 =	ssub.s32 $0x0, s20;
	[sflag:s22] =	ssyncset.done $0x0  }
0xa1: {  	[sflag:s22] =	ssyncadd.s32 s5;
	_ =	sdelay $0x1  }
0xa2: {  	s23 =	simm.s32 $0x1B8B  }
0xa3: {  	_ =	swait.ge [sflag:s23], $0x1  }
0xa4: {  	[sflag:s23] =	ssyncset.done $0x0  }
0xa5: {  	s25 =	simm.s32 $0x1B8E;
	s24 =	sld [smem:$0x3FFE];
	[sflag:s23] =	ssyncadd.s32 $0xFFFFFFFF  }
0xa6: {  	s26 =	simm.s32 $execute0_lowered;
	[smem:$0x3FD2] =	sst s25  }
0xa7: {  	s6 =	sshll.u32 s26, $0x1;
	_ =	strace $0x80000046;
	[dreg:$0x1] =	wrdreg $0xFFFFFFFF  }
0xa8: {  	s28 =	simm.s32 $_size_execute0_lowered;
	s4 =	sadd.s32 s4, s6;
	[dreg:$0x0] =	wrdreg $0x0  }
0xa9: {  	s6 =	sshll.u32 s28, $0x1;
	[dreg:$0x2] =	wrdreg s4  }
0xaa: {  	[dreg:$0x3] =	wrdreg s6  }
0xab: {  	[dreg:$0x4] =	wrdreg $0xC0  }
0xac: {  	_ =	task [dreg:s8], $0x5FFFF  }
0xad: {  	[dreg:$0x1] =	wrdreg $0xFFFFFFFF  }
0xae: {  	[dreg:$0x0] =	wrdreg $0x60  }
0xaf: {  	[dreg:$0x2] =	wrdreg s2  }
0xb0: {  	[dreg:$0x3] =	wrdreg s24  }
0xb1: {  	[dreg:$0x4] =	wrdreg s18  }
0xb2: {  	[dreg:$0x5] =	wrdreg $0x119400  }
0xb3: {  	[dreg:$0x6] =	wrdreg $0x1B9400  }
0xb4: {  	[dreg:$0x7] =	wrdreg $0x9  }
0xb5: {  	_ =	task.clear_ibuf [dreg:s8], $0x8FFFF;
	_ =	strace $0x90000046  }
0xb6: {  	s29 =	simm.s32 $0x9;
	_ =	strace $0x80000048  }
0xb7: {  	_ =	swait.ge [sflag:s29], $0x1  }
0xb8: {  	[sflag:s29] =	ssyncadd.s32 $0xFFFFFFFF  }
0xb9: {  	_ =	strace $0x90000048  }
0xba: {  	_ =	sfence  }
0xbb: {  	s30 =	sld [smem:$0x0];
	_ =	sdelay $0x2  }
0xbc: {  	s31 =	sshll.u32 s1, $0xD;
	s1 =	sshrl.u32 s1, $0x2  }
0xbd: {  	s3 =	sand.u32 $0x4000, s31;
	s1 =	sadd.s32 s1, s30  }
0xbe: {  	s0 =	sor.u32 s3, s0;
	s1 =	sshll.u32 s1, $0x11  }
0xbf: {  	s0 =	sor.u32 s1, s0  }
0xc0: {  	s0 =	sadd.s32 $0x8F2B, s0  }
0xc1: {  	[sflag:s0] =	ssyncadd.remote.s32 $0x1  }
0xc2: {  	_ =	sfence.sel $0xFFFF  }
0xc3: {  	[dreg:$0x0] =	wrdreg $0xFFFFFFFF;
	(pc) =	sbr.abs _section_cstart, $3  }
0xc4: {  	[dreg:$0x1] =	wrdreg $0xFFFFFFFF  }
0xc5: {  	_ =	task.clear_ibuf [dreg:s8], $0x2FFFF;
	_ =	strace $0x9FFFFFFF  }
0xc6: {  	(tm) =	ssettm $0x7FFFFFFF  }
0xc7: {  	_ =	shalt  }
tec
execute0_lowered:
.L_overlay_start_1:
0x0: {  	(tag) =	ssettag $0x1  }
0x1: {  	s1 =	rddreg [dreg:$0x0]  }
0x2: {  	s2 =	rddreg [dreg:$0x1]  }
0x3: {  	s9 =	rddreg [dreg:$0x2];
	s12 =	stileid.u32  }
0x4: {  	s3 =	rddreg [dreg:$0x3];
	s0 =	smul.u32 $0x9C4, s12  }
0x5: {  	s4 =	rddreg [dreg:$0x4];
	s7 =	smul.u32 $0x14000, s12  }
0x6: {  	s5 =	simm.s32 $0x0;
	s6 =	srdreg.scid;
	s16 =	smul.u32 $0x28000, s12  }
0x7: {  	[smem:$0x7FF] =	sst s5;
	s11 =	smul.u32 $0xA000, s12  }
0x8: {  	s6 =	sand.u32 $0x1, s6;
	s12 =	smul.u32 $0x280, s12;
	_ =	strace $0x80000047  }
0x9: {  	s8 =	sshll.u32 s6, $0x6;
	s10 =	ssub.s32 $0x2, s6;
	s15 =	smul.u32 $0x2800, s6  }
0xa: {  	s0 =	sadd.s32 s0, s2;
	s7 =	sor.u32 s8, s7;
	s17 =	sshrl.u32 s10, $0x1  }
0xb: {  	s18 =	sshrl.u32 s16, $0x2;
	s19 =	sshrl.u32 s11, $0x2;
	s20 =	sor.u32 $0x40, s12  }
0xc: {  	s14 =	sadd.s32 $0x80, s12;
	s23 =	sadd.s32 $0xC0, s12;
	s26 =	sadd.s32 $0x100, s12  }
0xd: {  	s29 =	sadd.s32 $0x140, s12;
	s16 =	sadd.s32 $0x180, s12;
	s7 =	sshrl.u32 s7, $0x3  }
0xe: {  	s10 =	ssub.s32 s10, s17;
	s8 =	sadd.s32 s19, s4;
	s13 =	sshll.u32 s20, $0x6  }
0xf: {  	s11 =	sshll.u32 s20, $0x4;
	s21 =	sshll.u32 s14, $0x6;
	s22 =	sshll.u32 s14, $0x4  }
0x10: {  	s24 =	sshll.u32 s23, $0x6;
	s28 =	sshll.u32 s26, $0x6;
	s30 =	sshll.u32 s29, $0x6  }
0x11: {  	s17 =	sshll.u32 s16, $0x6;
	s19 =	sadd.s32 $0x1C0, s12;
	s14 =	simm.s32 $0xC440  }
0x12: {  	s2 =	sadd.s32 s7, s2;
	s7 =	sadd.s32 s18, s3;
	s13 =	sadd.s32 s13, s3  }
0x13: {  	s11 =	sadd.s32 s11, s4;
	s31 =	sadd.s32 s30, s3;
	[dreg:$0x6] =	wrdreg s13  }
0x14: {  	s18 =	sshll.u32 s16, $0x4;
	s20 =	sshll.u32 s19, $0x6;
	[dreg:$0x7] =	wrdreg s11  }
0x15: {  	s16 =	simm.s32 $0x11040;
	s11 =	sadd.s32 s21, s3;
	[dreg:$0xe] =	wrdreg s31  }
0x16: {  	s13 =	sshll.u32 s23, $0x4;
	s30 =	sadd.s32 $0x15C00, s2;
	[dreg:$0x8] =	wrdreg s11  }
0x17: {  	s21 =	sadd.s32 $0x200, s12;
	s31 =	smax.u32 s10, $0x1;
	[dreg:$0x1b] =	wrdreg s30  }
0x18: {  	s2 =	simm.s32 $0x10040;
	s11 =	sadd.s32 s22, s4;
	[dreg:$0x1c] =	wrdreg s31  }
0x19: {  	s10 =	simm.s32 $0x11540;
	s25 =	sadd.s32 s13, s4;
	[dreg:$0x9] =	wrdreg s11  }
0x1a: {  	s13 =	sadd.s32 s28, s3;
	s23 =	sshll.u32 s21, $0x6;
	[dreg:$0xb] =	wrdreg s25  }
0x1b: {  	s11 =	sadd.s32 s24, s3;
	[dreg:$0xc] =	wrdreg s13;
	s13 =	sadd.s32 s12, s15  }
0x1c: {  	s15 =	sshll.u32 s29, $0x4;
	s24 =	sadd.s32 s23, s3;
	[dreg:$0xa] =	wrdreg s11  }
0x1d: {  	s25 =	sadd.s32 $0x240, s12;
	s29 =	sadd.s32 $0xBE00, s0;
	[dreg:$0x15] =	wrdreg s24  }
0x1e: {  	s0 =	sadd.s32 $0x2000, s0;
	s11 =	sshll.u32 s26, $0x4;
	[dreg:$0x19] =	wrdreg s29  }
0x1f: {  	s12 =	sshll.u32 s25, $0x6;
	[dreg:$0x1a] =	wrdreg s0;
	s11 =	sadd.s32 s11, s4  }
0x20: {  	s22 =	sshll.u32 s19, $0x4;
	s28 =	sadd.s32 s12, s3;
	[dreg:$0xd] =	wrdreg s11  }
0x21: {  	s11 =	sshll.u32 s13, $0x1;
	s13 =	sadd.s32 s15, s4;
	[dreg:$0x17] =	wrdreg s28  }
0x22: {  	s26 =	sshll.u32 s21, $0x4;
	[dreg:$0xf] =	wrdreg s13;
	s9 =	sadd.s32 s9, s11  }
0x23: {  	s19 =	simm.s32 $0x2;
	s11 =	sadd.s32 s26, s4;
	[dreg:$0x10] =	wrdreg s9  }
0x24: {  	s12 =	simm.s32 $0x9C40;
	s9 =	sadd.s32 s17, s3;
	[dreg:$0x16] =	wrdreg s11  }
0x25: {  	s15 =	simm.s32 $0x1;
	[dreg:$0x11] =	wrdreg s9;
	s9 =	sadd.s32 s18, s4  }
.Ltmp0:
0x26: {  	[dreg:$0x12] =	wrdreg s9;
	s9 =	sadd.s32 s20, s3;
	(pc) =	sbr.rel .LBB2_1-.Ltmp0, $4  }
0x27: {  	s13 =	simm.s32 $0xB040;
	[dreg:$0x13] =	wrdreg s9;
	s9 =	sadd.s32 s22, s4  }
0x28: {  	s11 =	simm.s32 $0x50;
	[dreg:$0x14] =	wrdreg s9;
	s9 =	sshll.u32 s25, $0x4  }
0x29: {  	s17 =	simm.s32 $0x3;
	s18 =	simm.s32 $0xD840;
	s9 =	sadd.s32 s9, s4  }
0x2a: {  	v1 =	vimm.f32 $0.0e+00;
	v2 =	vimm.f32 $1.000000000e+00;
	v0 =	vmov s6;
	s20 =	simm.s32 $0xEC40;
	[dreg:$0x18] =	wrdreg s9;
	s9 =	simm.s32 $0x4  }
.LBB2_22:
0x2b: {  	_ =	swait.ge [sflag:s19], $0x1400  }
0x2c: {  	[sflag:s19] =	ssyncset.done $0x0  }
0x2d: {  	[sflag:s19] =	ssyncadd.s32 $0xFFFFEC00  }
0x2e: {  	_ =	swait.ge [sflag:s19], $0x1400  }
0x2f: {  	[sflag:s19] =	ssyncset.done $0x0  }
0x30: {  	[sflag:s19] =	ssyncadd.s32 $0xFFFFEC00  }
0x31: {  	_ =	swait.ge [sflag:s17], $0x500  }
0x32: {  	[sflag:s17] =	ssyncset.done $0x0  }
0x33: {  	s0 =	stileid.u32;
	s21 =	sshrl.u32 s7, $0x3;
	[sflag:s17] =	ssyncadd.s32 $0xFFFFFB00  }
0x34: {  	s23 =	simm.s32 $0x10;
	s0 =	sshll.u32 s0, $0x6;
	[bflag:$0x0] =	sbarrier.arrive $0xFFFF  }
0x35: {  	s24 =	simm.s32 $0x8;
	s0 =	sor.u32 $0x1C04, s0;
	s22 =	rddreg [dreg:$0x1b]  }
0x36: {  	[hbm:s22@s23], [sflag:s0] =	dma.strided [spmem:s21@s24], $0x1400, s15, $0x8   }
0x37: {  	_ =	swait.ge [sflag:s9], $0x1400  }
0x38: {  	[sflag:s9] =	ssyncset.done $0x0  }
0x39: {  	s29 =	sshrl.u32 s8, $0x3;
	s30 =	rddreg [dreg:$0x10];
	[sflag:s9] =	ssyncadd.s32 $0xFFFFEC00  }
0x3a: {  	[hbm:s30], [sflag:s0] =	dma.local [spmem:s29], $0x500  }
0x3b: {  	_ =	swait.ge [sflag:s9], $0x500  }
0x3c: {  	s5 =	sadd.s32 $0x1, s5;
	s31 =	rddreg [dreg:$0x1c]  }
0x3d: {  	p0 =	sne.s32 s5, s31  }
.Ltmp1:
0x3e: {  	_ = 	snop;
	(pc) =	sbr.rel @!p0 .LBB2_23-.Ltmp1, $3  }
0x3f: {  	_ =	sdelay $0x1  }
0x40: {  	[sflag:s9] =	ssyncset.done $0x0  }
0x41: {  	[sflag:s9] =	ssyncadd.s32 $0xFFFFFB00  }
.LBB2_1:
0x42: {  	s22 =	simm.s32 $0x100;
	s21 =	simm.s32 $0x0  }
.LBB2_2:
0x43: {  	p0 =	sne.s32 s22, $0x3F00;
	[tilespmem:s21+$0x10070] =	vst v1;
	s23 =	smov.u32 s22;
	s22 =	sadd.s32 $0x100, s22  }
.Ltmp2:
0x44: {  	[tilespmem:s21+$0x10060] =	vst v1;
	(pc) =	sbr.rel @p0 .LBB2_2-.Ltmp2, $3  }
0x45: {  	[tilespmem:s21+$0x10040] =	vst v1  }
0x46: {  	[tilespmem:s21+$0x10050] =	vst v1;
	_ =	sdelay $0x1  }
0x47: {  	s21 =	sshra.s32 s23, $0x2  }
0x48: {  	[tilespmem:s21+$0x10070] =	vst v1  }
0x49: {  	[tilespmem:s21+$0x10060] =	vst v1  }
0x4a: {  	[tilespmem:s21+$0x10040] =	vst v1  }
0x4b: {  	[tilespmem:s21+$0x10050] =	vst v1;
	s21 =	simm.s32 $0x40;
	s22 =	simm.s32 $0x0  }
.LBB2_4:
0x4c: {  	p0 =	sne.s32 s21, $0x13C0;
	[tilespmem:s22+$0x11040] =	vst v2;
	s22 =	smov.u32 s21;
	s21 =	sadd.s32 $0x40, s21  }
.Ltmp3:
0x4d: {  	(pc) =	sbr.rel @p0 .LBB2_4-.Ltmp3, $2  }
0x4e: {  	_ =	sdelay $0x2  }
0x4f: {  	s22 =	sshra.s32 s22, $0x2  }
0x50: {  	[tilespmem:s22+$0x11040] =	vst v2;
	s21 =	simm.s32 $0x40;
	s22 =	simm.s32 $0x0  }
.LBB2_6:
0x51: {  	p0 =	sne.s32 s21, $0xFC0;
	[tilespmem:s22+$0x11540] =	vst v1;
	s22 =	smov.u32 s21;
	s21 =	sadd.s32 $0x40, s21  }
.Ltmp4:
0x52: {  	(pc) =	sbr.rel @p0 .LBB2_6-.Ltmp4, $2  }
0x53: {  	_ =	sdelay $0x2  }
0x54: {  	s22 =	sshra.s32 s22, $0x2  }
0x55: {  	[tilespmem:s22+$0x11540] =	vst v1  }
0x56: {  	[spmem:s7] =	stream.linear.scatter [tilespmem:s2], [sflag:$0x4], $0x1000, $0x38;
	[tilespmem:$0x1E140] =	vst v63  }
0x57: {  	_ =	swait.ge [sflag:s9], $0x1000  }
0x58: {  	[sflag:s9] =	ssyncset.done $0x0  }
0x59: {  	[sflag:s9] =	ssyncadd.s32 $0xFFFFF000  }
0x5a: {  	[spmem:s8] =	stream.linear.scatter [tilespmem:s10], [sflag:$0x4], $0x400, $0x38;
	[tilespmem:$0x1E140] =	vst v63  }
0x5b: {  	_ =	swait.ge [sflag:s9], $0x400  }
0x5c: {  	[sflag:s9] =	ssyncset.done $0x0  }
0x5d: {  	s0 =	rddreg [dreg:$0x6];
	[sflag:s9] =	ssyncadd.s32 $0xFFFFFC00  }
0x5e: {  	[spmem:s0] =	stream.linear.scatter [tilespmem:s2], [sflag:$0x4], $0x1000, $0x38;
	[tilespmem:$0x1E140] =	vst v63  }
0x5f: {  	_ =	swait.ge [sflag:s9], $0x1000  }
0x60: {  	[sflag:s9] =	ssyncset.done $0x0  }
0x61: {  	s31 =	rddreg [dreg:$0x7];
	[sflag:s9] =	ssyncadd.s32 $0xFFFFF000  }
0x62: {  	[spmem:s31] =	stream.linear.scatter [tilespmem:s10], [sflag:$0x4], $0x400, $0x38;
	[tilespmem:$0x1E140] =	vst v63  }
0x63: {  	_ =	swait.ge [sflag:s9], $0x400  }
0x64: {  	[sflag:s9] =	ssyncset.done $0x0  }
0x65: {  	s21 =	rddreg [dreg:$0x8];
	[sflag:s9] =	ssyncadd.s32 $0xFFFFFC00  }
0x66: {  	[spmem:s21] =	stream.linear.scatter [tilespmem:s2], [sflag:$0x4], $0x1000, $0x38;
	[tilespmem:$0x1E140] =	vst v63  }
0x67: {  	_ =	swait.ge [sflag:s9], $0x1000  }
0x68: {  	[sflag:s9] =	ssyncset.done $0x0  }
0x69: {  	s22 =	rddreg [dreg:$0x9];
	[sflag:s9] =	ssyncadd.s32 $0xFFFFF000  }
0x6a: {  	[spmem:s22] =	stream.linear.scatter [tilespmem:s10], [sflag:$0x4], $0x400, $0x38;
	[tilespmem:$0x1E140] =	vst v63  }
0x6b: {  	_ =	swait.ge [sflag:s9], $0x400  }
0x6c: {  	[sflag:s9] =	ssyncset.done $0x0  }
0x6d: {  	s23 =	rddreg [dreg:$0xa];
	[sflag:s9] =	ssyncadd.s32 $0xFFFFFC00  }
0x6e: {  	[spmem:s23] =	stream.linear.scatter [tilespmem:s2], [sflag:$0x4], $0x1000, $0x38;
	[tilespmem:$0x1E140] =	vst v63  }
0x6f: {  	_ =	swait.ge [sflag:s9], $0x1000  }
0x70: {  	[sflag:s9] =	ssyncset.done $0x0  }
0x71: {  	s24 =	rddreg [dreg:$0xb];
	[sflag:s9] =	ssyncadd.s32 $0xFFFFF000  }
0x72: {  	[spmem:s24] =	stream.linear.scatter [tilespmem:s10], [sflag:$0x4], $0x400, $0x38;
	[tilespmem:$0x1E140] =	vst v63  }
0x73: {  	_ =	swait.ge [sflag:s9], $0x400  }
0x74: {  	[sflag:s9] =	ssyncset.done $0x0  }
0x75: {  	s25 =	rddreg [dreg:$0xc];
	[sflag:s9] =	ssyncadd.s32 $0xFFFFFC00  }
0x76: {  	[spmem:s25] =	stream.linear.scatter [tilespmem:s2], [sflag:$0x4], $0x1000, $0x38;
	[tilespmem:$0x1E140] =	vst v63  }
0x77: {  	_ =	swait.ge [sflag:s9], $0x1000  }
0x78: {  	[sflag:s9] =	ssyncset.done $0x0  }
0x79: {  	s26 =	rddreg [dreg:$0xd];
	[sflag:s9] =	ssyncadd.s32 $0xFFFFF000  }
0x7a: {  	[spmem:s26] =	stream.linear.scatter [tilespmem:s10], [sflag:$0x4], $0x400, $0x38;
	[tilespmem:$0x1E140] =	vst v63  }
0x7b: {  	_ =	swait.ge [sflag:s9], $0x400  }
0x7c: {  	[sflag:s9] =	ssyncset.done $0x0  }
0x7d: {  	s28 =	rddreg [dreg:$0xe];
	[sflag:s9] =	ssyncadd.s32 $0xFFFFFC00  }
0x7e: {  	[spmem:s28] =	stream.linear.scatter [tilespmem:s2], [sflag:$0x4], $0x1000, $0x38;
	[tilespmem:$0x1E140] =	vst v63  }
0x7f: {  	_ =	swait.ge [sflag:s9], $0x1000  }
0x80: {  	[sflag:s9] =	ssyncset.done $0x0  }
0x81: {  	s29 =	rddreg [dreg:$0xf];
	[sflag:s9] =	ssyncadd.s32 $0xFFFFF000  }
0x82: {  	[spmem:s29] =	stream.linear.scatter [tilespmem:s10], [sflag:$0x4], $0x400, $0x38;
	[tilespmem:$0x1E140] =	vst v63  }
0x83: {  	_ =	swait.ge [sflag:s9], $0x400  }
0x84: {  	[sflag:s9] =	ssyncset.done $0x0  }
0x85: {  	s30 =	rddreg [dreg:$0x11];
	[sflag:s9] =	ssyncadd.s32 $0xFFFFFC00  }
0x86: {  	[spmem:s30] =	stream.linear.scatter [tilespmem:s2], [sflag:$0x4], $0x1000, $0x38;
	[tilespmem:$0x1E140] =	vst v63  }
0x87: {  	_ =	swait.ge [sflag:s9], $0x1000  }
0x88: {  	[sflag:s9] =	ssyncset.done $0x0  }
0x89: {  	s31 =	rddreg [dreg:$0x12];
	[sflag:s9] =	ssyncadd.s32 $0xFFFFF000  }
0x8a: {  	[spmem:s31] =	stream.linear.scatter [tilespmem:s10], [sflag:$0x4], $0x400, $0x38;
	[tilespmem:$0x1E140] =	vst v63  }
0x8b: {  	_ =	swait.ge [sflag:s9], $0x400  }
0x8c: {  	[sflag:s9] =	ssyncset.done $0x0  }
0x8d: {  	s21 =	rddreg [dreg:$0x13];
	[sflag:s9] =	ssyncadd.s32 $0xFFFFFC00  }
0x8e: {  	[spmem:s21] =	stream.linear.scatter [tilespmem:s2], [sflag:$0x4], $0x1000, $0x38;
	[tilespmem:$0x1E140] =	vst v63  }
0x8f: {  	_ =	swait.ge [sflag:s9], $0x1000  }
0x90: {  	[sflag:s9] =	ssyncset.done $0x0  }
0x91: {  	s22 =	rddreg [dreg:$0x14];
	[sflag:s9] =	ssyncadd.s32 $0xFFFFF000  }
0x92: {  	[spmem:s22] =	stream.linear.scatter [tilespmem:s10], [sflag:$0x4], $0x400, $0x38;
	[tilespmem:$0x1E140] =	vst v63  }
0x93: {  	_ =	swait.ge [sflag:s9], $0x400  }
0x94: {  	[sflag:s9] =	ssyncset.done $0x0  }
0x95: {  	s23 =	rddreg [dreg:$0x15];
	[sflag:s9] =	ssyncadd.s32 $0xFFFFFC00  }
0x96: {  	[spmem:s23] =	stream.linear.scatter [tilespmem:s2], [sflag:$0x4], $0x1000, $0x38;
	[tilespmem:$0x1E140] =	vst v63  }
0x97: {  	_ =	swait.ge [sflag:s9], $0x1000  }
0x98: {  	[sflag:s9] =	ssyncset.done $0x0  }
0x99: {  	s24 =	rddreg [dreg:$0x16];
	[sflag:s9] =	ssyncadd.s32 $0xFFFFF000  }
0x9a: {  	[spmem:s24] =	stream.linear.scatter [tilespmem:s10], [sflag:$0x4], $0x400, $0x38;
	[tilespmem:$0x1E140] =	vst v63  }
0x9b: {  	_ =	swait.ge [sflag:s9], $0x400  }
0x9c: {  	[sflag:s9] =	ssyncset.done $0x0  }
0x9d: {  	s25 =	rddreg [dreg:$0x17];
	[sflag:s9] =	ssyncadd.s32 $0xFFFFFC00  }
0x9e: {  	[spmem:s25] =	stream.linear.scatter [tilespmem:s2], [sflag:$0x4], $0x1000, $0x38;
	[tilespmem:$0x1E140] =	vst v63  }
0x9f: {  	_ =	swait.ge [sflag:s9], $0x1000  }
0xa0: {  	[sflag:s9] =	ssyncset.done $0x0  }
0xa1: {  	s26 =	rddreg [dreg:$0x18];
	[sflag:s9] =	ssyncadd.s32 $0xFFFFF000  }
0xa2: {  	[spmem:s26] =	stream.linear.scatter [tilespmem:s10], [sflag:$0x4], $0x400, $0x38;
	[tilespmem:$0x1E140] =	vst v63  }
0xa3: {  	_ =	swait.ge [sflag:s9], $0x400  }
0xa4: {  	[sflag:s9] =	ssyncset.done $0x0  }
0xa5: {  	[sflag:s9] =	ssyncadd.s32 $0xFFFFFC00  }
0xa6: {  	[bflag:$0x0] =	sbarrier.arrive $0xFFFF  }
0xa7: {  	s21 =	simm.s32 $0x0;
	s28 =	rddreg [dreg:$0x19]  }
0xa8: {  	[tilespmem:s21], [sflag:$0x4] =	stream.linear.gather [hbm4b:s28+s21], $0x4E20, $0x38;
	[tilespmem:$0x1E140] =	vst v63  }
0xa9: {  	_ =	swait.ge [sflag:s9], $0x4E20  }
0xaa: {  	[sflag:s9] =	ssyncset.done $0x0  }
0xab: {  	s30 =	simm.s32 $0x4E20;
	s29 =	rddreg [dreg:$0x1a];
	[sflag:s9] =	ssyncadd.s32 $0xFFFFB1E0  }
0xac: {  	[tilespmem:s30], [sflag:$0x4] =	stream.linear.gather [hbm4b:s29+s21], $0x4E20, $0x38;
	[tilespmem:$0x1E140] =	vst v63  }
0xad: {  	_ =	swait.ge [sflag:s9], $0x4E20  }
0xae: {  	[sflag:s9] =	ssyncset.done $0x0  }
0xaf: {  	[sflag:s9] =	ssyncadd.s32 $0xFFFFB1E0  }
0xb0: {  	v3 =	vld [tilespmem:$0x0]  }
0xb1: {  	v4 =	vld [tilespmem:$0x10]  }
0xb2: {  	v5 =	vld [tilespmem:$0x20]  }
0xb3: {  	v6 =	vld [tilespmem:$0x30]  }
0xb4: {  	v7 =	vld [tilespmem:$0x40]  }
0xb5: {  	v3 =	vshll.u32 v3, $0x1  }
0xb6: {  	v4 =	vshll.u32 v4, $0x1;
	v3 =	vor.u32 v0, v3  }
0xb7: {  	v47 =	vshll.u32 v5, $0x1;
	[tilespmem:$0x0] =	vst v3;
	v3 =	vor.u32 v0, v4  }
0xb8: {  	v48 =	vshll.u32 v6, $0x1;
	[tilespmem:$0x10] =	vst v3;
	v3 =	vor.u32 v0, v47  }
0xb9: {  	v49 =	vshll.u32 v7, $0x1;
	[tilespmem:$0x20] =	vst v3;
	v3 =	vor.u32 v0, v48  }
0xba: {  	[tilespmem:$0x30] =	vst v3;
	v3 =	vor.u32 v0, v49  }
0xbb: {  	[tilespmem:$0x40] =	vst v3  }
0xbc: {  	[tilespmem:s12], [sflag:$0x1] =	stream.indirect.gather [hbm4b:s1+s11], $0x40, s21, s11, $0xb8;
	[tilespmem:$0x1E140] =	vst v63  }
0xbd: {  	v3 =	vld [tilespmem:$0x50]  }
0xbe: {  	v50 =	vld [tilespmem:$0x60]  }
0xbf: {  	v51 =	vld [tilespmem:$0x70]  }
0xc0: {  	v52 =	vld [tilespmem:$0x80]  }
0xc1: {  	v53 =	vld [tilespmem:$0x90]  }
0xc2: {  	v3 =	vshll.u32 v3, $0x1  }
0xc3: {  	v4 =	vshll.u32 v50, $0x1;
	v3 =	vor.u32 v0, v3  }
0xc4: {  	v54 =	vshll.u32 v51, $0x1;
	[tilespmem:$0x50] =	vst v3;
	v3 =	vor.u32 v0, v4  }
0xc5: {  	v55 =	vshll.u32 v52, $0x1;
	[tilespmem:$0x60] =	vst v3;
	v3 =	vor.u32 v0, v54  }
0xc6: {  	v56 =	vshll.u32 v53, $0x1;
	[tilespmem:$0x70] =	vst v3;
	v3 =	vor.u32 v0, v55  }
0xc7: {  	[tilespmem:$0x80] =	vst v3;
	v3 =	vor.u32 v0, v56  }
0xc8: {  	[tilespmem:$0x90] =	vst v3  }
0xc9: {  	[tilespmem:s13], [sflag:$0x1] =	stream.indirect.gather [hbm4b:s1+s11], $0x40, s11, s11, $0xb8;
	[tilespmem:$0x1E140] =	vst v63  }
0xca: {  	v3 =	vld [tilespmem:$0xA0]  }
0xcb: {  	v57 =	vld [tilespmem:$0xB0]  }
0xcc: {  	v58 =	vld [tilespmem:$0xC0]  }
0xcd: {  	v59 =	vld [tilespmem:$0xD0]  }
0xce: {  	v60 =	vld [tilespmem:$0xE0]  }
0xcf: {  	v3 =	vshll.u32 v3, $0x1  }
0xd0: {  	v4 =	vshll.u32 v57, $0x1;
	v3 =	vor.u32 v0, v3  }
0xd1: {  	v61 =	vshll.u32 v58, $0x1;
	[tilespmem:$0xA0] =	vst v3;
	v3 =	vor.u32 v0, v4  }
0xd2: {  	v62 =	vshll.u32 v59, $0x1;
	[tilespmem:$0xB0] =	vst v3;
	v3 =	vor.u32 v0, v61  }
0xd3: {  	v63 =	vshll.u32 v60, $0x1;
	[tilespmem:$0xC0] =	vst v3;
	v3 =	vor.u32 v0, v62  }
0xd4: {  	[tilespmem:$0xD0] =	vst v3;
	v3 =	vor.u32 v0, v63  }
0xd5: {  	s31 =	simm.s32 $0xA0;
	s22 =	simm.s32 $0x3;
	[tilespmem:$0xE0] =	vst v3  }
0xd6: {  	[tilespmem:s14], [sflag:$0x1] =	stream.indirect.gather [hbm4b:s1+s11], $0x40, s31, s11, $0xb8;
	[tilespmem:$0x1E140] =	vst v63  }
.LBB2_8:
0xd7: {  	s24 =	sadd.s32 $0xFFFFFFFF, s22  }
0xd8: {  	s24 =	sand.u32 $0x1, s24  }
0xd9: {  	p1 =	seq.s32 s24, s6  }
.Ltmp5:
0xda: {  	_ = 	snop;
	(pc) =	sbr.rel @!p1 .LBB2_9-.Ltmp5, $4  }
0xdb: {  	_ =	swait.ge [sflag:s15], $0x1400  }
0xdc: {  	s23 =	sshra.s32 s21, $0x2;
	[sflag:s15] =	ssyncset.done $0x0  }
0xdd: {  	p0 =	seq.s32 s21, $0x0;
	s25 =	sadd.s32 $0x4E20, s23;
	[sflag:s15] =	ssyncadd.s32 $0xFFFFEC00  }
0xde: {  	[spmem:s3] =	stream.indirect.scatter.add.f32 [tilespmem:s12], [sflag:$0x2], $0x40, s25, s11, $0xb8;
	[tilespmem:$0x1E140] =	vst v63  }
.Ltmp6:
0xdf: {  	(pc) =	sbr.rel @p0 .LBB2_12-.Ltmp6, $2  }
0xe0: {  	_ =	sdelay $0x2  }
0xe1: {  	[spmem:s4] =	stream.indirect.scatter.add.f32 [tilespmem:s16], [sflag:$0x3], $0x10, s25, s11, $0xb8;
	[tilespmem:$0x1E140] =	vst v63  }
.Ltmp7:
0xe2: {  	(pc) =	sbr.rel .LBB2_14-.Ltmp7, $4  }
0xe3: {  	_ = 	snop  }
0xe4: {  	_ =	swait.ge [sflag:s17], $0x500  }
0xe5: {  	[sflag:s17] =	ssyncset.done $0x0  }
0xe6: {  	[sflag:s17] =	ssyncadd.s32 $0xFFFFFB00  }
.LBB2_9:
.Ltmp8:
0xe7: {  	(pc) =	sbr.rel @p0 .LBB2_10-.Ltmp8, $1  }
0xe8: {  	_ =	sdelay $0x3  }
.LBB2_14:
.Ltmp9:
0xe9: {  	(pc) =	sbr.rel .LBB2_15-.Ltmp9, $4  }
0xea: {  	_ = 	snop  }
0xeb: {  	_ =	swait.ge [sflag:s19], $0x1400  }
0xec: {  	[sflag:s19] =	ssyncset.done $0x0  }
0xed: {  	p0 =	por $0x1, $0x1;
	[sflag:s19] =	ssyncadd.s32 $0xFFFFEC00  }
.LBB2_12:
.Ltmp10:
0xee: {  	(pc) =	sbr.rel .LBB2_15-.Ltmp10, $2  }
0xef: {  	_ =	sdelay $0x2  }
0xf0: {  	p0 =	por $0x0, $0x0  }
.LBB2_10:
0xf1: {  	p0 =	por $0x0, $0x0  }
.LBB2_15:
0xf2: {  	v3 =	vld [tilespmem:s23+$0xF0]  }
0xf3: {  	v4 =	vld [tilespmem:s23+$0x100]  }
0xf4: {  	v5 =	vld [tilespmem:s23+$0x110]  }
0xf5: {  	v6 =	vld [tilespmem:s23+$0x120]  }
0xf6: {  	v7 =	vld [tilespmem:s23+$0x130]  }
0xf7: {  	v3 =	vshll.u32 v3, $0x1  }
0xf8: {  	v4 =	vshll.u32 v4, $0x1;
	v3 =	vor.u32 v0, v3  }
0xf9: {  	v61 =	vshll.u32 v5, $0x1;
	[tilespmem:s23+$0xF0] =	vst v3;
	v3 =	vor.u32 v0, v4  }
0xfa: {  	v62 =	vshll.u32 v6, $0x1;
	[tilespmem:s23+$0x100] =	vst v3;
	v3 =	vor.u32 v0, v61  }
0xfb: {  	s26 =	sadd.s32 $0xFFFFFFFE, s22;
	v63 =	vshll.u32 v7, $0x1;
	[tilespmem:s23+$0x110] =	vst v3;
	v3 =	vor.u32 v0, v62  }
0xfc: {  	s26 =	sand.u32 $0x1, s26;
	[tilespmem:s23+$0x120] =	vst v3;
	v3 =	vor.u32 v0, v63  }
0xfd: {  	s25 =	sadd.s32 $0xF0, s23;
	p1 =	sne.s32 s26, s6;
	[tilespmem:s23+$0x130] =	vst v3  }
0xfe: {  	[tilespmem:s18], [sflag:$0x1] =	stream.indirect.gather [hbm4b:s1+s11], $0x40, s25, s11, $0xb8;
	[tilespmem:$0x1E140] =	vst v63  }
.Ltmp11:
0xff: {  	_ = 	snop;
	(pc) =	sbr.rel @p1 .LBB2_18-.Ltmp11, $4  }
0x100: {  	_ =	swait.ge [sflag:s15], $0x1400  }
0x101: {  	[sflag:s15] =	ssyncset.done $0x0  }
0x102: {  	s25 =	sadd.s32 $0x4E70, s23;
	[sflag:s15] =	ssyncadd.s32 $0xFFFFEC00  }
0x103: {  	[spmem:s3] =	stream.indirect.scatter.add.f32 [tilespmem:s13], [sflag:$0x2], $0x40, s25, s11, $0xb8;
	[tilespmem:$0x1E140] =	vst v63  }
.Ltmp12:
0x104: {  	(pc) =	sbr.rel @!p0 .LBB2_20-.Ltmp12, $2  }
0x105: {  	_ =	sdelay $0x2  }
0x106: {  	[spmem:s4] =	stream.indirect.scatter.add.f32 [tilespmem:s16], [sflag:$0x3], $0x10, s25, s11, $0xb8;
	[tilespmem:$0x1E140] =	vst v63  }
.Ltmp13:
0x107: {  	(pc) =	sbr.rel .LBB2_19-.Ltmp13, $4  }
0x108: {  	_ = 	snop  }
0x109: {  	_ =	swait.ge [sflag:s17], $0x500  }
0x10a: {  	[sflag:s17] =	ssyncset.done $0x0  }
0x10b: {  	[sflag:s17] =	ssyncadd.s32 $0xFFFFFB00  }
.LBB2_18:
.Ltmp14:
0x10c: {  	(pc) =	sbr.rel @!p0 .LBB2_20-.Ltmp14, $1  }
0x10d: {  	_ =	sdelay $0x3  }
.LBB2_19:
0x10e: {  	_ =	swait.ge [sflag:s19], $0x1400  }
0x10f: {  	[sflag:s19] =	ssyncset.done $0x0  }
0x110: {  	[sflag:s19] =	ssyncadd.s32 $0xFFFFEC00  }
.LBB2_20:
0x111: {  	v3 =	vld [tilespmem:s23+$0x140]  }
0x112: {  	v4 =	vld [tilespmem:s23+$0x150]  }
0x113: {  	v5 =	vld [tilespmem:s23+$0x160]  }
0x114: {  	v6 =	vld [tilespmem:s23+$0x170]  }
0x115: {  	v7 =	vld [tilespmem:s23+$0x180]  }
0x116: {  	v3 =	vshll.u32 v3, $0x1  }
0x117: {  	v4 =	vshll.u32 v4, $0x1;
	v3 =	vor.u32 v0, v3  }
0x118: {  	v61 =	vshll.u32 v5, $0x1;
	[tilespmem:s23+$0x140] =	vst v3;
	v3 =	vor.u32 v0, v4  }
0x119: {  	v62 =	vshll.u32 v6, $0x1;
	[tilespmem:s23+$0x150] =	vst v3;
	v3 =	vor.u32 v0, v61  }
0x11a: {  	v63 =	vshll.u32 v7, $0x1;
	[tilespmem:s23+$0x160] =	vst v3;
	v3 =	vor.u32 v0, v62  }
0x11b: {  	[tilespmem:s23+$0x170] =	vst v3;
	v3 =	vor.u32 v0, v63  }
0x11c: {  	s25 =	sadd.s32 $0x140, s23;
	[tilespmem:s23+$0x180] =	vst v3  }
0x11d: {  	[tilespmem:s20], [sflag:$0x1] =	stream.indirect.gather [hbm4b:s1+s11], $0x40, s25, s11, $0xb8;
	[tilespmem:$0x1E140] =	vst v63  }
0x11e: {  	_ =	swait.ge [sflag:s15], $0x1400  }
0x11f: {  	[sflag:s15] =	ssyncset.done $0x0  }
0x120: {  	p0 =	sne.s32 s24, s6;
	s25 =	sadd.s32 $0x4EC0, s23;
	[sflag:s15] =	ssyncadd.s32 $0xFFFFEC00  }
0x121: {  	[spmem:s3] =	stream.indirect.scatter.add.f32 [tilespmem:s14], [sflag:$0x2], $0x40, s25, s11, $0xb8;
	[tilespmem:$0x1E140] =	vst v63  }
0x122: {  	s24 =	simm.s32 @!p0 $0x50;
	s26 =	simm.s32 @!p0 $0x11040  }
0x123: {  	[spmem:s4] =	stream.indirect.scatter.add.f32 @!p0 [tilespmem:s26], [sflag:$0x3], $0x10, s25, s24, $0xb8;
	[tilespmem:$0x1E140] =	vst v63  }
0x124: {  	s25 =	simm.s32 @!p0 $0x3  }
0x125: {  	_ =	swait.ge @!p0 [sflag:s25], $0x500  }
0x126: {  	[sflag:s25] =	ssyncset.done @!p0 $0x0  }
0x127: {  	[sflag:s25] =	ssyncadd.s32 @!p0 $0xFFFFFB00  }
0x128: {  	_ =	swait.ge [sflag:s19], $0x1400  }
0x129: {  	p1 =	seq.s32 s21, $0x13240;
	[sflag:s19] =	ssyncset.done $0x0  }
0x12a: {  	s28 =	sshra.s32 @!p1 s21, $0x2;
	[sflag:s19] =	ssyncadd.s32 $0xFFFFEC00  }
0x12b: {  	v3 =	vld @!p1 [tilespmem:s28+$0x190]  }
0x12c: {  	v4 =	vld @!p1 [tilespmem:s28+$0x1A0]  }
0x12d: {  	v5 =	vld @!p1 [tilespmem:s28+$0x1B0]  }
0x12e: {  	v6 =	vld @!p1 [tilespmem:s28+$0x1C0]  }
0x12f: {  	v7 =	vld @!p1 [tilespmem:s28+$0x1D0]  }
0x130: {  	v3 =	vshll.u32 @!p1 v3, $0x1  }
0x131: {  	v4 =	vshll.u32 @!p1 v4, $0x1;
	v3 =	vor.u32 @!p1 v0, v3  }
0x132: {  	[tilespmem:s28+$0x190] =	vst @!p1 v3;
	v3 =	vor.u32 @!p1 v0, v4;
	v4 =	vshll.u32 @!p1 v5, $0x1  }
0x133: {  	[tilespmem:s28+$0x1A0] =	vst @!p1 v3;
	v3 =	vor.u32 @!p1 v0, v4;
	v4 =	vshll.u32 @!p1 v6, $0x1  }
0x134: {  	[tilespmem:s28+$0x1B0] =	vst @!p1 v3;
	v3 =	vor.u32 @!p1 v0, v4;
	v4 =	vshll.u32 @!p1 v7, $0x1  }
0x135: {  	[tilespmem:s28+$0x1C0] =	vst @!p1 v3;
	v3 =	vor.u32 @!p1 v0, v4  }
0x136: {  	s30 =	simm.s32 @!p1 $0x50;
	s31 =	simm.s32 @!p1 $0x9C40;
	s29 =	sadd.s32 @!p1 $0x190, s28;
	[tilespmem:s28+$0x1D0] =	vst @!p1 v3  }
0x137: {  	[tilespmem:s31], [sflag:$0x1] =	stream.indirect.gather @!p1 [hbm4b:s1+s30], $0x40, s29, s30, $0xb8;
	[tilespmem:$0x1E140] =	vst v63  }
0x138: {  	_ =	swait.ge [sflag:s15], $0x1400  }
0x139: {  	s0 =	sand.u32 $0x1, s22;
	[sflag:s15] =	ssyncset.done $0x0  }
0x13a: {  	p2 =	sne.s32 s0, s6;
	s29 =	sadd.s32 $0x4F10, s23;
	[sflag:s15] =	ssyncadd.s32 $0xFFFFEC00  }
0x13b: {  	[spmem:s3] =	stream.indirect.scatter.add.f32 [tilespmem:s18], [sflag:$0x2], $0x40, s29, s11, $0xb8;
	[tilespmem:$0x1E140] =	vst v63  }
0x13c: {  	s0 =	simm.s32 @!p2 $0x11040;
	s31 =	simm.s32 @!p2 $0x50  }
0x13d: {  	[spmem:s4] =	stream.indirect.scatter.add.f32 @!p2 [tilespmem:s0], [sflag:$0x3], $0x10, s29, s31, $0xb8;
	[tilespmem:$0x1E140] =	vst v63  }
0x13e: {  	s0 =	simm.s32 @!p2 $0x3  }
0x13f: {  	_ =	swait.ge @!p2 [sflag:s0], $0x500  }
0x140: {  	[sflag:s0] =	ssyncset.done @!p2 $0x0  }
0x141: {  	[sflag:s0] =	ssyncadd.s32 @!p2 $0xFFFFFB00  }
0x142: {  	_ =	swait.ge [sflag:s19], $0x1400  }
0x143: {  	[sflag:s19] =	ssyncset.done $0x0  }
0x144: {  	[sflag:s19] =	ssyncadd.s32 $0xFFFFEC00  }
0x145: {  	v3 =	vld @!p1 [tilespmem:s28+$0x1E0]  }
0x146: {  	v4 =	vld @!p1 [tilespmem:s28+$0x1F0]  }
0x147: {  	v5 =	vld @!p1 [tilespmem:s28+$0x200]  }
0x148: {  	v6 =	vld @!p1 [tilespmem:s28+$0x210]  }
0x149: {  	v7 =	vld @!p1 [tilespmem:s28+$0x220]  }
0x14a: {  	v3 =	vshll.u32 @!p1 v3, $0x1  }
0x14b: {  	v4 =	vshll.u32 @!p1 v4, $0x1;
	v3 =	vor.u32 @!p1 v0, v3  }
0x14c: {  	[tilespmem:s28+$0x1E0] =	vst @!p1 v3;
	v3 =	vor.u32 @!p1 v0, v4;
	v4 =	vshll.u32 @!p1 v5, $0x1  }
0x14d: {  	[tilespmem:s28+$0x1F0] =	vst @!p1 v3;
	v3 =	vor.u32 @!p1 v0, v4;
	v4 =	vshll.u32 @!p1 v6, $0x1  }
0x14e: {  	[tilespmem:s28+$0x200] =	vst @!p1 v3;
	v3 =	vor.u32 @!p1 v0, v4;
	v4 =	vshll.u32 @!p1 v7, $0x1  }
0x14f: {  	[tilespmem:s28+$0x210] =	vst @!p1 v3;
	v3 =	vor.u32 @!p1 v0, v4  }
0x150: {  	s0 =	sadd.s32 @!p1 $0x1E0, s28;
	[tilespmem:s28+$0x220] =	vst @!p1 v3;
	s28 =	simm.s32 @!p1 $0xB040  }
0x151: {  	[tilespmem:s28], [sflag:$0x1] =	stream.indirect.gather @!p1 [hbm4b:s1+s30], $0x40, s0, s30, $0xb8;
	[tilespmem:$0x1E140] =	vst v63  }
0x152: {  	_ =	swait.ge [sflag:s15], $0x1400  }
0x153: {  	[sflag:s15] =	ssyncset.done $0x0  }
0x154: {  	s0 =	sadd.s32 $0x4F60, s23;
	[sflag:s15] =	ssyncadd.s32 $0xFFFFEC00  }
0x155: {  	[spmem:s3] =	stream.indirect.scatter.add.f32 [tilespmem:s20], [sflag:$0x2], $0x40, s0, s11, $0xb8;
	[tilespmem:$0x1E140] =	vst v63  }
0x156: {  	_ = 	snop  }
0x157: {  	[spmem:s4] =	stream.indirect.scatter.add.f32 @!p0 [tilespmem:s26], [sflag:$0x3], $0x10, s0, s24, $0xb8;
	[tilespmem:$0x1E140] =	vst v63  }
0x158: {  	_ =	swait.ge @!p0 [sflag:s25], $0x500  }
.Ltmp15:
0x159: {  	[sflag:s25] =	ssyncset.done @!p0 $0x0;
	(pc) =	sbr.rel @p1 .LBB2_22-.Ltmp15, $4  }
0x15a: {  	[sflag:s25] =	ssyncadd.s32 @!p0 $0xFFFFFB00  }
0x15b: {  	_ =	swait.ge [sflag:s19], $0x1400  }
0x15c: {  	[sflag:s19] =	ssyncset.done $0x0  }
0x15d: {  	[sflag:s19] =	ssyncadd.s32 $0xFFFFEC00  }
0x15e: {  	v3 =	vld [tilespmem:s23+$0x230]  }
0x15f: {  	v4 =	vld [tilespmem:s23+$0x240]  }
0x160: {  	v5 =	vld [tilespmem:s23+$0x250]  }
0x161: {  	v6 =	vld [tilespmem:s23+$0x260]  }
0x162: {  	v7 =	vld [tilespmem:s23+$0x270]  }
0x163: {  	v3 =	vshll.u32 v3, $0x1  }
0x164: {  	v4 =	vshll.u32 v4, $0x1;
	v3 =	vor.u32 v0, v3  }
0x165: {  	v61 =	vshll.u32 v5, $0x1;
	[tilespmem:s23+$0x230] =	vst v3;
	v3 =	vor.u32 v0, v4  }
.Ltmp16:
0x166: {  	v62 =	vshll.u32 v6, $0x1;
	[tilespmem:s23+$0x240] =	vst v3;
	v3 =	vor.u32 v0, v61;
	(pc) =	sbr.rel .LBB2_8-.Ltmp16, $4  }
0x167: {  	v63 =	vshll.u32 v7, $0x1;
	[tilespmem:s23+$0x250] =	vst v3;
	v3 =	vor.u32 v0, v62  }
0x168: {  	[tilespmem:s23+$0x260] =	vst v3;
	v3 =	vor.u32 v0, v63  }
0x169: {  	s0 =	sadd.s32 $0x230, s23;
	s21 =	sadd.s32 $0x640, s21;
	s22 =	sadd.s32 $0x5, s22;
	[tilespmem:s23+$0x270] =	vst v3  }
0x16a: {  	[tilespmem:s14], [sflag:$0x1] =	stream.indirect.gather [hbm4b:s1+s11], $0x40, s0, s11, $0xb8;
	[tilespmem:$0x1E140] =	vst v63  }
.LBB2_23:
0x16b: {  	_ =	sfence.sel $0x180000  }
0x16c: {  	[bflag:$0x0] =	sbarrier.arrive $0xFFFF  }
0x16d: {  	_ =	strace $0x90000047  }
0x16e: {  	s0 =	stileid.u32;
	[bflag:$0x2] =	sbarrier.arrive $0xFFFF  }
0x16f: {  	p0 =	sne.s32 s0, $0x0;
	s0 =	rddreg [dreg:$0x5]  }
0x170: {  	s0 =	sadd.s32 @!p0 $0x100000, s0  }
0x171: {  	[sflag:s0] =	ssyncadd.tile.s32 @!p0 $0x1;
	_ =	shalt  }
.Lfunc_end2:
_tile_overlayer_lowered:
.L_overlay_start_2:
0x172: {  	(tag) =	ssettag $0x2  }
0x173: {  	s0 =	rddreg [dreg:$0x0];
	s2 =	stileid.u32  }
0x174: {  	s1 =	rddreg [dreg:$0x1];
	p0 =	sne.s32 s2, $0x0  }
0x175: {  	s3 =	rddreg [dreg:$0x2];
	[bflag:$0x3] =	sbarrier.arrive $0xFFFF;
	s2 =	simm.s32 @!p0 $0x1C04  }
0x176: {  	[timem:s3], [sflag:s2] =	dma.local @!p0 [hbm:s0], s1  }
0x177: {  	s0 =	simm.s32 @!p0 $0x4  }
0x178: {  	_ =	swait.ge @!p0 [sflag:s0], s1  }
0x179: {  	s1 =	ssub.s32 @!p0 $0x0, s1;
	[sflag:s0] =	ssyncset.done @!p0 $0x0  }
0x17a: {  	[sflag:s0] =	ssyncadd.s32 @!p0 s1  }
0x17b: {  	[bflag:$0x3] =	sbarrier.arrive $0xFFFF  }
0x17c: {  	_ =	shalt  }

// kernel: kernel.9.cloned.1.call-start
scs
__scs_entry_jumppad:
0x0: {  	(pc) =	sbr.rel $0x88, $3  }
0x1: {  	(tag) =	ssettag $0x0;
	lr =	simm.s32 $0x1  }
0x2: {  	[smem:$0x3F99] =	sst lr;
	_ =	strace $0xD0000000  }
0x3: {  	_ = 	snop  }
0x4: {  	_ = 	snop  }
0x5: {  	_ = 	snop  }
0x6: {  	_ = 	snop  }
0x7: {  	_ = 	snop  }
__scs_overlays_trampoline_lowered:
0x8: {  	[smem:$0x3FA8] =	sst s0  }
0x9: {  	[smem:$0x3FA9] =	sst s1  }
0xa: {  	[smem:$0x3FAA] =	sst s2  }
0xb: {  	[smem:$0x3FAB] =	sst s3  }
0xc: {  	[smem:$0x3FAC] =	sst s4  }
0xd: {  	[smem:$0x3FAD] =	sst s5  }
0xe: {  	[smem:$0x3FAE] =	sst s6  }
0xf: {  	[smem:$0x3FAF] =	sst s7  }
0x10: {  	[smem:$0x3FB0] =	sst s8  }
0x11: {  	[smem:$0x3FB1] =	sst s9;
	s0 =	simm.s32 @!p0 $0x0  }
0x12: {  	s1 =	sld [smem:$0x3F97];
	s0 =	simm.s32 @p0 $0x1  }
0x13: {  	[smem:$0x3FB2] =	sst s0;
	s0 =	simm.s32 @!p1 $0x0  }
0x14: {  	s2 =	sld [smem:$0x3F96];
	s0 =	simm.s32 @p1 $0x1  }
0x15: {  	[smem:$0x3FB3] =	sst s0;
	s0 =	simm.s32 @!p2 $0x0  }
0x16: {  	s3 =	sld [smem:$0x3FDB];
	s0 =	simm.s32 @p2 $0x1  }
0x17: {  	s4 =	simm.s32 $0x1BF5;
	[smem:$0x3FB5] =	sst s0  }
0x18: {  	s0 =	sld [smem:$0x3F98];
	_ =	swait.ge [sflag:s4], $0x0  }
0x19: {  	s7 =	sld [smem:$0x3F99]  }
0x1a: {  	s8 =	sadd.s32 $0xFFFFE003, lr  }
0x1b: {  	s9 =	sadd.s32 $0xFFFFFEF7, lr;
	s5 =	simm.s32 $0xFFFFFFFF;
	p2 =	slt.u32 s8, $0xFFFFF086  }
0x1c: {  	p1 =	slt.u32 s9, $0xF7A;
	s5 =	simm.s32 @!p2 $0x0  }
0x1d: {  	s5 =	simm.s32 @p1 $0x1;
	p0 =	seq.s32 s7, s2  }
0x1e: {  	s7 =	smul.u32 @!p0 $0xF7A, s2;
	p2 =	seq.s32 @!p0 s5, $0x0  }
0x1f: {  	s9 =	smul.u32 $0xF7A, s1;
	s8 =	simm.s32 @!p0 $0x1BF5;
	p2 =	por !p2, p0  }
0x20: {  	[sflag:s8] =	ssyncset.s32 @!p0 $0xFFFFF086;
	s6 =	sadd.s32 @!p0 s3, s7;
	s7 =	simm.s32 @!p0 $0x108  }
0x21: {  	s3 =	sadd.s32 s3, s9;
	s6 =	sadd.s32 @!p0 $0x88, s6;
	s7 =	simm.s32 @p2 $0x1082  }
0x22: {  	[simem:s7], [sflag:s8] =	dma.local @!p0 [hbm:s6], $0xF7A  }
0x23: {  	s9 =	sor.u32 $0xD0000000, s2;
	s6 =	simm.s32 $0x108;
	_ =	swait.ge @!p0 [sflag:s8], $0x0  }
0x24: {  	s3 =	sadd.s32 $0x88, s3;
	s6 =	simm.s32 @!p1 $0x1082;
	[sflag:s4] =	ssyncset.s32 $0xFFFFF086  }
0x25: {  	[simem:s6], [sflag:s4] =	dma.local [hbm:s3], $0xF7A  }
0x26: {  	[smem:$0x3F99] =	sst s1;
	(tag) =	ssettag s2;
	_ =	strace s9  }
0x27: {  	s1 =	sld [smem:$0x3FA9]  }
0x28: {  	s2 =	sld [smem:$0x3FAA]  }
0x29: {  	s4 =	sld [smem:$0x3FAC]  }
0x2a: {  	p0 =	seq.s32 s5, $0x0;
	s5 =	sld [smem:$0x3FAD]  }
0x2b: {  	s6 =	sld [smem:$0x3FAE]  }
0x2c: {  	s7 =	sld [smem:$0x3FAF]  }
0x2d: {  	s3 =	simm.s32 $0x108;
	s8 =	sld [smem:$0x3FB0]  }
0x2e: {  	s3 =	simm.s32 @!p0 $0x1082;
	s9 =	sld [smem:$0x3FB1]  }
0x2f: {  	lr =	sadd.s32 s0, s3;
	s0 =	sld [smem:$0x3FA8]  }
0x30: {  	s3 =	sld [smem:$0x3FAB]  }
0x31: {  	[smem:$0x3FB4] =	sst s10  }
0x32: {  	s10 =	sld [smem:$0x3FB2];
	_ =	sdelay $0x3  }
0x33: {  	p0 =	seq.s32 s10, $0x1;
	s10 =	sld [smem:$0x3FB4];
	_ =	sdelay $0x3  }
0x34: {  	[smem:$0x3FB4] =	sst s10  }
0x35: {  	s10 =	sld [smem:$0x3FB3];
	_ =	sdelay $0x3  }
0x36: {  	p1 =	seq.s32 s10, $0x1;
	s10 =	sld [smem:$0x3FB4];
	_ =	sdelay $0x3  }
0x37: {  	[smem:$0x3FB4] =	sst s10  }
0x38: {  	s10 =	sld [smem:$0x3FB5]  }
0x39: {  	_ = 	snop;
	(pc) =	sbr.ind lr, $3  }
0x3a: {  	_ = 	snop  }
0x3b: {  	_ = 	snop  }
0x3c: {  	p2 =	seq.s32 s10, $0x1;
	s10 =	sld [smem:$0x3FB4]  }
0x3d: {  	_ =	shalt  }
0x3e: {  	_ =	shalt  }
0x3f: {  	_ =	shalt  }
0x40: {  	_ =	shalt  }
0x41: {  	_ =	shalt  }
0x42: {  	_ =	shalt  }
0x43: {  	_ =	shalt  }
0x44: {  	_ =	shalt  }
0x45: {  	_ =	shalt  }
0x46: {  	_ =	shalt  }
0x47: {  	_ =	shalt  }
0x48: {  	_ =	shalt  }
0x49: {  	_ =	shalt  }
0x4a: {  	_ =	shalt  }
0x4b: {  	_ =	shalt  }
0x4c: {  	_ =	shalt  }
0x4d: {  	_ =	shalt  }
0x4e: {  	_ =	shalt  }
0x4f: {  	_ =	shalt  }
0x50: {  	_ =	shalt  }
0x51: {  	_ =	shalt  }
0x52: {  	_ =	shalt  }
0x53: {  	_ =	shalt  }
0x54: {  	_ =	shalt  }
0x55: {  	_ =	shalt  }
0x56: {  	_ =	shalt  }
0x57: {  	_ =	shalt  }
0x58: {  	_ =	shalt  }
0x59: {  	_ =	shalt  }
0x5a: {  	_ =	shalt  }
0x5b: {  	_ =	shalt  }
0x5c: {  	_ =	shalt  }
0x5d: {  	_ =	shalt  }
0x5e: {  	_ =	shalt  }
0x5f: {  	_ =	shalt  }
0x60: {  	_ =	shalt  }
0x61: {  	_ =	shalt  }
0x62: {  	_ =	shalt  }
0x63: {  	_ =	shalt  }
0x64: {  	_ =	shalt  }
0x65: {  	_ =	shalt  }
0x66: {  	_ =	shalt  }
0x67: {  	_ =	shalt  }
0x68: {  	_ =	shalt  }
0x69: {  	_ =	shalt  }
0x6a: {  	_ =	shalt  }
0x6b: {  	_ =	shalt  }
0x6c: {  	_ =	shalt  }
0x6d: {  	_ =	shalt  }
0x6e: {  	_ =	shalt  }
0x6f: {  	_ =	shalt  }
0x70: {  	_ =	shalt  }
0x71: {  	_ =	shalt  }
0x72: {  	_ =	shalt  }
0x73: {  	_ =	shalt  }
0x74: {  	_ =	shalt  }
0x75: {  	_ =	shalt  }
0x76: {  	_ =	shalt  }
0x77: {  	_ =	shalt  }
0x78: {  	_ =	shalt  }
0x79: {  	_ =	shalt  }
0x7a: {  	_ =	shalt  }
0x7b: {  	_ =	shalt  }
0x7c: {  	_ =	shalt  }
0x7d: {  	_ =	shalt  }
0x7e: {  	_ =	shalt  }
0x7f: {  	_ =	shalt  }
0x80: {  	_ =	shalt  }
0x81: {  	_ =	shalt  }
0x82: {  	_ =	shalt  }
0x83: {  	_ =	shalt  }
0x84: {  	_ =	shalt  }
0x85: {  	_ =	shalt  }
0x86: {  	_ =	shalt  }
0x87: {  	_ =	shalt  }
.Lfunc_end0:
.L_simem_size_0:
called_computation.1_lowered:
.L_overlay_start_0:
0x88: {  	s2 =	sld [smem:$0x3FD9]  }
0x89: {  	s3 =	sld [smem:$0x3FFE];
	_ =	sdelay $0x1  }
0x8a: {  	s1 =	srdreg.scid  }
0x8b: {  	s0 =	sand.u32 $0x1, s1  }
0x8c: {  	s16 =	sshll.u32 s0, $0xA;
	s2 =	sadd.s32 s3, s2  }
0x8d: {  	s2 =	sadd.s32 s2, s16  }
0x8e: {  	[smem:$0x3FC0] =	sst s2  }
0x8f: {  	_ = 	snop  }
0x90: {  	(tm) =	ssettm $0x1  }
0x91: {  	s17 =	sld [smem:$0x3FFB];
	_ =	sdelay $0x3  }
0x92: {  	_ =	strace s17  }
0x93: {  	s2 =	sld [smem:$0x3FFC];
	_ =	sdelay $0x3  }
0x94: {  	_ =	strace s2  }
0x95: {  	s2 =	sld [smem:$0x3FFD];
	_ =	sdelay $0x3  }
0x96: {  	_ =	strace s2  }
0x97: {  	_ =	strace $0x8FFFFFFF  }
0x98: {  	s18 =	sld [smem:$0x3FDB];
	_ =	sdelay $0x1  }
0x99: {  	s19 =	simm.s32 $_scs_section_size  }
0x9a: {  	s4 =	simm.s32 $_size__tile_overlayer_lowered;
	s5 =	simm.s32 $_tile_overlayer_lowered  }
0x9b: {  	s22 =	simm.s32 $0x1BFF;
	s21 =	sshll.u32 s5, $0x1;
	s2 =	sadd.s32 s19, s18  }
0x9c: {  	s6 =	simm.s32 $0x0;
	s20 =	sshll.u32 s4, $0x1;
	s4 =	sadd.s32 s21, s2  }
0x9d: {  	[timem:s6], [sflag:s22] =	dma.local [hbm:s4], s20  }
0x9e: {  	_ =	swait.ge [sflag:s22], s20  }
0x9f: {  	s3 =	ssub.s32 $0x0, s20;
	[sflag:s22] =	ssyncset.done $0x0  }
0xa0: {  	[sflag:s22] =	ssyncadd.s32 s3;
	_ =	sdelay $0x1  }
0xa1: {  	s23 =	simm.s32 $0x1B8B  }
0xa2: {  	_ =	swait.ge [sflag:s23], $0x1  }
0xa3: {  	[sflag:s23] =	ssyncset.done $0x0  }
0xa4: {  	s25 =	simm.s32 $0x1B8E;
	s24 =	sld [smem:$0x3FFE];
	[sflag:s23] =	ssyncadd.s32 $0xFFFFFFFF  }
0xa5: {  	s26 =	simm.s32 $execute0_lowered;
	[smem:$0x3FD2] =	sst s25  }
0xa6: {  	s4 =	sshll.u32 s26, $0x1;
	_ =	strace $0x80000049;
	[dreg:$0x1] =	wrdreg $0xFFFFFFFF  }
0xa7: {  	s28 =	simm.s32 $_size_execute0_lowered;
	s2 =	sadd.s32 s2, s4;
	[dreg:$0x0] =	wrdreg $0x0  }
0xa8: {  	s4 =	sshll.u32 s28, $0x1;
	[dreg:$0x2] =	wrdreg s2  }
0xa9: {  	[dreg:$0x3] =	wrdreg s4  }
0xaa: {  	[dreg:$0x4] =	wrdreg $0xC0  }
0xab: {  	_ =	task [dreg:s6], $0x5FFFF  }
0xac: {  	[dreg:$0x1] =	wrdreg $0xFFFFFFFF  }
0xad: {  	[dreg:$0x0] =	wrdreg $0x60  }
0xae: {  	[dreg:$0x2] =	wrdreg s24  }
0xaf: {  	[dreg:$0x3] =	wrdreg $0xC2200  }
0xb0: {  	[dreg:$0x4] =	wrdreg $0x9  }
0xb1: {  	_ =	task.clear_ibuf [dreg:s6], $0x5FFFF;
	_ =	strace $0x90000049  }
0xb2: {  	s29 =	simm.s32 $0x9;
	_ =	strace $0x8000004B  }
0xb3: {  	_ =	swait.ge [sflag:s29], $0x1  }
0xb4: {  	[sflag:s29] =	ssyncadd.s32 $0xFFFFFFFF  }
0xb5: {  	_ =	strace $0x9000004B  }
0xb6: {  	_ =	sfence  }
0xb7: {  	s30 =	sld [smem:$0x0];
	_ =	sdelay $0x2  }
0xb8: {  	s31 =	sshll.u32 s1, $0xD;
	s1 =	sshrl.u32 s1, $0x2  }
0xb9: {  	s3 =	sand.u32 $0x4000, s31;
	s1 =	sadd.s32 s1, s30  }
0xba: {  	s0 =	sor.u32 s3, s0;
	s1 =	sshll.u32 s1, $0x11  }
0xbb: {  	s0 =	sor.u32 s1, s0  }
0xbc: {  	s0 =	sadd.s32 $0x8F2B, s0  }
0xbd: {  	[sflag:s0] =	ssyncadd.remote.s32 $0x1  }
0xbe: {  	_ =	sfence.sel $0xFFFF  }
0xbf: {  	[dreg:$0x0] =	wrdreg $0xFFFFFFFF;
	(pc) =	sbr.abs _section_cstart, $3  }
0xc0: {  	[dreg:$0x1] =	wrdreg $0xFFFFFFFF  }
0xc1: {  	_ =	task.clear_ibuf [dreg:s6], $0x2FFFF;
	_ =	strace $0x9FFFFFFF  }
0xc2: {  	(tm) =	ssettm $0x7FFFFFFF  }
0xc3: {  	_ =	shalt  }
tec
execute0_lowered:
.L_overlay_start_1:
0x0: {  	(tag) =	ssettag $0x1  }
0x1: {  	s0 =	rddreg [dreg:$0x0];
	s1 =	srdreg.scid  }
0x2: {  	s8 =	stileid.u32;
	s2 =	rddreg [dreg:$0x1];
	s3 =	simm.s32 $0x0  }
0x3: {  	s19 =	simm.s32 $0xB220;
	s20 =	simm.s32 $0x3;
	s28 =	simm.s32 $0x1  }
0x4: {  	s29 =	simm.s32 $0x8A20;
	s30 =	simm.s32 $0x9E20;
	s31 =	simm.s32 $0x2  }
0x5: {  	s1 =	sand.u32 $0x1, s1;
	s4 =	sshll.u32 s8, $0x1;
	s6 =	smul.u32 $0x14000, s8  }
0x6: {  	[smem:$0x7FF] =	sst s3;
	s8 =	smul.u32 $0x28000, s8;
	s4 =	sor.u32 s1, s4  }
0x7: {  	_ =	strace $0x8000004A;
	s7 =	sshll.u32 s1, $0x6;
	s1 =	ssub.s32 $0x2, s1  }
0x8: {  	s5 =	smul.u32 $0x4E2, s4;
	s4 =	sadd.s32 $0x15C00, s0;
	s23 =	sshrl.u32 s1, $0x1  }
0x9: {  	s22 =	sor.u32 s7, s6;
	s24 =	sshrl.u32 s8, $0x2;
	s1 =	ssub.s32 s1, s23  }
0xa: {  	s23 =	simm.s32 $0x4E20;
	s16 =	sadd.s32 s5, s0;
	s5 =	sshrl.u32 s22, $0x3  }
0xb: {  	s18 =	smax.u32 s1, $0x1;
	s22 =	simm.s32 $0x50;
	s0 =	sadd.s32 s5, s0  }
0xc: {  	s5 =	sadd.s32 s24, s2;
	s15 =	sadd.s32 $0xBE00, s16;
	s16 =	sadd.s32 $0x2000, s16  }
.Ltmp0:
0xd: {  	s24 =	simm.s32 $0x6220;
	s25 =	sadd.s32 $0x1000, s5;
	(pc) =	sbr.rel .LBB2_1-.Ltmp0, $4  }
0xe: {  	s26 =	sadd.s32 $0x2000, s5;
	s8 =	sadd.s32 $0x3000, s5;
	s9 =	sadd.s32 $0x4000, s5  }
0xf: {  	s10 =	sadd.s32 $0x5000, s5;
	s11 =	sadd.s32 $0x6000, s5;
	s12 =	sadd.s32 $0x7000, s5  }
0x10: {  	s13 =	sadd.s32 $0x8000, s5;
	s14 =	sadd.s32 $0x9000, s5;
	[dreg:$0x3] =	wrdreg s25  }
0x11: {  	v0 =	vimm.f32 $0.0e+00;
	s17 =	sadd.s32 $0x8DC00, s0;
	[dreg:$0x4] =	wrdreg s26;
	s26 =	simm.s32 $0x7620  }
.LBB2_6:
0x12: {  	_ =	swait.ge [sflag:s31], $0x1400  }
0x13: {  	[sflag:s31] =	ssyncset.done $0x0  }
0x14: {  	s0 =	stileid.u32;
	[sflag:s31] =	ssyncadd.s32 $0xFFFFEC00  }
0x15: {  	s1 =	sshrl.u32 s5, $0x3;
	s6 =	simm.s32 $0x10;
	_ =	swait.ge [sflag:s31], $0x1400  }
0x16: {  	s7 =	simm.s32 $0x8;
	s3 =	sadd.s32 $0x1, s3;
	[sflag:s31] =	ssyncset.done $0x0  }
0x17: {  	s0 =	sshll.u32 s0, $0x6;
	p0 =	sne.s32 s3, s18;
	[sflag:s31] =	ssyncadd.s32 $0xFFFFEC00  }
.Ltmp1:
0x18: {  	s0 =	sor.u32 $0x1C03, s0;
	[bflag:$0x0] =	sbarrier.arrive $0xFFFF;
	(pc) =	sbr.rel @!p0 .LBB2_7-.Ltmp1, $4  }
0x19: {  	[hbm:s17@s6], [sflag:s0] =	dma.strided [spmem:s1@s7], $0x1400, s28, $0x8   }
0x1a: {  	_ =	swait.ge [sflag:s20], $0x1400  }
0x1b: {  	[sflag:s20] =	ssyncset.done $0x0  }
0x1c: {  	[sflag:s20] =	ssyncadd.s32 $0xFFFFEC00  }
.LBB2_1:
0x1d: {  	s25 =	simm.s32 $0x100;
	s21 =	simm.s32 $0x0  }
.LBB2_2:
0x1e: {  	p0 =	sne.s32 s25, $0x3F00;
	[tilespmem:s21+$0xB250] =	vst v0;
	s1 =	smov.u32 s25;
	s25 =	sadd.s32 $0x100, s25  }
.Ltmp2:
0x1f: {  	[tilespmem:s21+$0xB240] =	vst v0;
	(pc) =	sbr.rel @p0 .LBB2_2-.Ltmp2, $3  }
0x20: {  	[tilespmem:s21+$0xB220] =	vst v0  }
0x21: {  	[tilespmem:s21+$0xB230] =	vst v0;
	_ =	sdelay $0x1  }
0x22: {  	s21 =	sshra.s32 s1, $0x2  }
0x23: {  	[tilespmem:s21+$0xB250] =	vst v0  }
0x24: {  	[tilespmem:s21+$0xB240] =	vst v0  }
0x25: {  	[tilespmem:s21+$0xB220] =	vst v0  }
0x26: {  	[tilespmem:s21+$0xB230] =	vst v0  }
0x27: {  	[spmem:s5] =	stream.linear.scatter [tilespmem:s19], [sflag:$0x3], $0x1000, $0x38;
	[tilespmem:$0x16220] =	vst v63  }
0x28: {  	_ =	swait.ge [sflag:s20], $0x1000  }
0x29: {  	[sflag:s20] =	ssyncset.done $0x0  }
0x2a: {  	s0 =	rddreg [dreg:$0x3];
	[sflag:s20] =	ssyncadd.s32 $0xFFFFF000  }
0x2b: {  	[spmem:s0] =	stream.linear.scatter [tilespmem:s19], [sflag:$0x3], $0x1000, $0x38;
	[tilespmem:$0x16220] =	vst v63  }
0x2c: {  	_ =	swait.ge [sflag:s20], $0x1000  }
0x2d: {  	[sflag:s20] =	ssyncset.done $0x0  }
0x2e: {  	s6 =	rddreg [dreg:$0x4];
	[sflag:s20] =	ssyncadd.s32 $0xFFFFF000  }
0x2f: {  	[spmem:s6] =	stream.linear.scatter [tilespmem:s19], [sflag:$0x3], $0x1000, $0x38;
	[tilespmem:$0x16220] =	vst v63  }
0x30: {  	_ =	swait.ge [sflag:s20], $0x1000  }
0x31: {  	[sflag:s20] =	ssyncset.done $0x0  }
0x32: {  	[sflag:s20] =	ssyncadd.s32 $0xFFFFF000  }
0x33: {  	[spmem:s8] =	stream.linear.scatter [tilespmem:s19], [sflag:$0x3], $0x1000, $0x38;
	[tilespmem:$0x16220] =	vst v63  }
0x34: {  	_ =	swait.ge [sflag:s20], $0x1000  }
0x35: {  	[sflag:s20] =	ssyncset.done $0x0  }
0x36: {  	[sflag:s20] =	ssyncadd.s32 $0xFFFFF000  }
0x37: {  	[spmem:s9] =	stream.linear.scatter [tilespmem:s19], [sflag:$0x3], $0x1000, $0x38;
	[tilespmem:$0x16220] =	vst v63  }
0x38: {  	_ =	swait.ge [sflag:s20], $0x1000  }
0x39: {  	[sflag:s20] =	ssyncset.done $0x0  }
0x3a: {  	[sflag:s20] =	ssyncadd.s32 $0xFFFFF000  }
0x3b: {  	[spmem:s10] =	stream.linear.scatter [tilespmem:s19], [sflag:$0x3], $0x1000, $0x38;
	[tilespmem:$0x16220] =	vst v63  }
0x3c: {  	_ =	swait.ge [sflag:s20], $0x1000  }
0x3d: {  	[sflag:s20] =	ssyncset.done $0x0  }
0x3e: {  	[sflag:s20] =	ssyncadd.s32 $0xFFFFF000  }
0x3f: {  	[spmem:s11] =	stream.linear.scatter [tilespmem:s19], [sflag:$0x3], $0x1000, $0x38;
	[tilespmem:$0x16220] =	vst v63  }
0x40: {  	_ =	swait.ge [sflag:s20], $0x1000  }
0x41: {  	[sflag:s20] =	ssyncset.done $0x0  }
0x42: {  	[sflag:s20] =	ssyncadd.s32 $0xFFFFF000  }
0x43: {  	[spmem:s12] =	stream.linear.scatter [tilespmem:s19], [sflag:$0x3], $0x1000, $0x38;
	[tilespmem:$0x16220] =	vst v63  }
0x44: {  	_ =	swait.ge [sflag:s20], $0x1000  }
0x45: {  	[sflag:s20] =	ssyncset.done $0x0  }
0x46: {  	[sflag:s20] =	ssyncadd.s32 $0xFFFFF000  }
0x47: {  	[spmem:s13] =	stream.linear.scatter [tilespmem:s19], [sflag:$0x3], $0x1000, $0x38;
	[tilespmem:$0x16220] =	vst v63  }
0x48: {  	_ =	swait.ge [sflag:s20], $0x1000  }
0x49: {  	[sflag:s20] =	ssyncset.done $0x0  }
0x4a: {  	[sflag:s20] =	ssyncadd.s32 $0xFFFFF000  }
0x4b: {  	[spmem:s14] =	stream.linear.scatter [tilespmem:s19], [sflag:$0x3], $0x1000, $0x38;
	[tilespmem:$0x16220] =	vst v63  }
0x4c: {  	_ =	swait.ge [sflag:s20], $0x1000  }
0x4d: {  	[sflag:s20] =	ssyncset.done $0x0  }
0x4e: {  	[sflag:s20] =	ssyncadd.s32 $0xFFFFF000  }
0x4f: {  	s21 =	simm.s32 $0x0;
	[bflag:$0x0] =	sbarrier.arrive $0xFFFF  }
0x50: {  	[tilespmem:s21], [sflag:$0x3] =	stream.linear.gather [hbm4b:s15+s21], $0x2710, $0x38;
	[tilespmem:$0x16220] =	vst v63  }
0x51: {  	_ =	swait.ge [sflag:s20], $0x2710  }
0x52: {  	[sflag:s20] =	ssyncset.done $0x0  }
0x53: {  	s7 =	simm.s32 $0x2710;
	[sflag:s20] =	ssyncadd.s32 $0xFFFFD8F0  }
0x54: {  	[tilespmem:s7], [sflag:$0x3] =	stream.linear.gather [hbm4b:s16+s21], $0x2710, $0x38;
	[tilespmem:$0x16220] =	vst v63  }
0x55: {  	_ =	swait.ge [sflag:s20], $0x2710  }
0x56: {  	[sflag:s20] =	ssyncset.done $0x0  }
0x57: {  	[sflag:s20] =	ssyncadd.s32 $0xFFFFD8F0  }
0x58: {  	v1 =	vld [tilespmem:$0x0]  }
0x59: {  	v2 =	vld [tilespmem:$0x10]  }
0x5a: {  	v3 =	vld [tilespmem:$0x20]  }
0x5b: {  	v4 =	vld [tilespmem:$0x30]  }
0x5c: {  	v5 =	vld [tilespmem:$0x40]  }
0x5d: {  	v1 =	vshll.u32 v1, $0x1  }
0x5e: {  	[tilespmem:$0x0] =	vst v1;
	v1 =	vshll.u32 v2, $0x1  }
0x5f: {  	[tilespmem:$0x10] =	vst v1;
	v1 =	vshll.u32 v3, $0x1  }
0x60: {  	[tilespmem:$0x20] =	vst v1;
	v1 =	vshll.u32 v4, $0x1  }
0x61: {  	[tilespmem:$0x30] =	vst v1;
	v1 =	vshll.u32 v5, $0x1  }
0x62: {  	[tilespmem:$0x40] =	vst v1  }
0x63: {  	[tilespmem:s23], [sflag:$0x1] =	stream.indirect.gather [hbm4b:s4+s22], $0x40, s21, s22, $0xb8;
	[tilespmem:$0x16220] =	vst v63  }
0x64: {  	v1 =	vld [tilespmem:$0x50]  }
0x65: {  	v2 =	vld [tilespmem:$0x60]  }
0x66: {  	v3 =	vld [tilespmem:$0x70]  }
0x67: {  	v60 =	vld [tilespmem:$0x80]  }
0x68: {  	v61 =	vld [tilespmem:$0x90]  }
0x69: {  	v1 =	vshll.u32 v1, $0x1  }
0x6a: {  	[tilespmem:$0x50] =	vst v1;
	v1 =	vshll.u32 v2, $0x1  }
0x6b: {  	[tilespmem:$0x60] =	vst v1;
	v1 =	vshll.u32 v3, $0x1  }
0x6c: {  	[tilespmem:$0x70] =	vst v1;
	v1 =	vshll.u32 v60, $0x1  }
0x6d: {  	[tilespmem:$0x80] =	vst v1;
	v1 =	vshll.u32 v61, $0x1  }
0x6e: {  	[tilespmem:$0x90] =	vst v1  }
0x6f: {  	[tilespmem:s24], [sflag:$0x1] =	stream.indirect.gather [hbm4b:s4+s22], $0x40, s22, s22, $0xb8;
	[tilespmem:$0x16220] =	vst v63  }
0x70: {  	v1 =	vld [tilespmem:$0xA0]  }
0x71: {  	v2 =	vld [tilespmem:$0xB0]  }
0x72: {  	v3 =	vld [tilespmem:$0xC0]  }
0x73: {  	v62 =	vld [tilespmem:$0xD0]  }
0x74: {  	v63 =	vld [tilespmem:$0xE0]  }
0x75: {  	v1 =	vshll.u32 v1, $0x1  }
0x76: {  	[tilespmem:$0xA0] =	vst v1;
	v1 =	vshll.u32 v2, $0x1  }
0x77: {  	[tilespmem:$0xB0] =	vst v1;
	v1 =	vshll.u32 v3, $0x1  }
0x78: {  	[tilespmem:$0xC0] =	vst v1;
	v1 =	vshll.u32 v62, $0x1  }
0x79: {  	[tilespmem:$0xD0] =	vst v1;
	v1 =	vshll.u32 v63, $0x1  }
0x7a: {  	s25 =	simm.s32 $0xA0;
	[tilespmem:$0xE0] =	vst v1  }
0x7b: {  	[tilespmem:s26], [sflag:$0x1] =	stream.indirect.gather [hbm4b:s4+s22], $0x40, s25, s22, $0xb8;
	[tilespmem:$0x16220] =	vst v63  }
.LBB2_4:
0x7c: {  	_ =	swait.ge [sflag:s28], $0x1400  }
0x7d: {  	s25 =	sshra.s32 s21, $0x2;
	[sflag:s28] =	ssyncset.done $0x0  }
0x7e: {  	p0 =	seq.s32 s21, $0x0;
	s1 =	sadd.s32 $0x2710, s25;
	[sflag:s28] =	ssyncadd.s32 $0xFFFFEC00  }
0x7f: {  	[spmem:s2] =	stream.indirect.scatter.add.f32 [tilespmem:s23], [sflag:$0x2], $0x40, s1, s22, $0xb8;
	[tilespmem:$0x16220] =	vst v63  }
0x80: {  	s1 =	simm.s32 @!p0 $0x2  }
0x81: {  	_ =	swait.ge @!p0 [sflag:s1], $0x1400  }
0x82: {  	[sflag:s1] =	ssyncset.done @!p0 $0x0  }
0x83: {  	[sflag:s1] =	ssyncadd.s32 @!p0 $0xFFFFEC00  }
0x84: {  	v1 =	vld [tilespmem:s25+$0xF0]  }
0x85: {  	v2 =	vld [tilespmem:s25+$0x100]  }
0x86: {  	v3 =	vld [tilespmem:s25+$0x110]  }
0x87: {  	v4 =	vld [tilespmem:s25+$0x120]  }
0x88: {  	v5 =	vld [tilespmem:s25+$0x130]  }
0x89: {  	v1 =	vshll.u32 v1, $0x1  }
0x8a: {  	[tilespmem:s25+$0xF0] =	vst v1;
	v1 =	vshll.u32 v2, $0x1  }
0x8b: {  	[tilespmem:s25+$0x100] =	vst v1;
	v1 =	vshll.u32 v3, $0x1  }
0x8c: {  	[tilespmem:s25+$0x110] =	vst v1;
	v1 =	vshll.u32 v4, $0x1  }
0x8d: {  	[tilespmem:s25+$0x120] =	vst v1;
	v1 =	vshll.u32 v5, $0x1  }
0x8e: {  	s0 =	sadd.s32 $0xF0, s25;
	[tilespmem:s25+$0x130] =	vst v1  }
0x8f: {  	[tilespmem:s29], [sflag:$0x1] =	stream.indirect.gather [hbm4b:s4+s22], $0x40, s0, s22, $0xb8;
	[tilespmem:$0x16220] =	vst v63  }
0x90: {  	_ =	swait.ge [sflag:s28], $0x1400  }
0x91: {  	[sflag:s28] =	ssyncset.done $0x0  }
0x92: {  	s7 =	sadd.s32 $0x2760, s25;
	[sflag:s28] =	ssyncadd.s32 $0xFFFFEC00  }
0x93: {  	[spmem:s2] =	stream.indirect.scatter.add.f32 [tilespmem:s24], [sflag:$0x2], $0x40, s7, s22, $0xb8;
	[tilespmem:$0x16220] =	vst v63  }
0x94: {  	_ =	swait.ge @!p0 [sflag:s1], $0x1400  }
0x95: {  	[sflag:s1] =	ssyncset.done @!p0 $0x0  }
0x96: {  	[sflag:s1] =	ssyncadd.s32 @!p0 $0xFFFFEC00  }
0x97: {  	v1 =	vld [tilespmem:s25+$0x140]  }
0x98: {  	v2 =	vld [tilespmem:s25+$0x150]  }
0x99: {  	v3 =	vld [tilespmem:s25+$0x160]  }
0x9a: {  	v62 =	vld [tilespmem:s25+$0x170]  }
0x9b: {  	v63 =	vld [tilespmem:s25+$0x180]  }
0x9c: {  	v1 =	vshll.u32 v1, $0x1  }
0x9d: {  	[tilespmem:s25+$0x140] =	vst v1;
	v1 =	vshll.u32 v2, $0x1  }
0x9e: {  	[tilespmem:s25+$0x150] =	vst v1;
	v1 =	vshll.u32 v3, $0x1  }
0x9f: {  	[tilespmem:s25+$0x160] =	vst v1;
	v1 =	vshll.u32 v62, $0x1  }
0xa0: {  	[tilespmem:s25+$0x170] =	vst v1;
	v1 =	vshll.u32 v63, $0x1  }
0xa1: {  	s1 =	sadd.s32 $0x140, s25;
	[tilespmem:s25+$0x180] =	vst v1  }
0xa2: {  	[tilespmem:s30], [sflag:$0x1] =	stream.indirect.gather [hbm4b:s4+s22], $0x40, s1, s22, $0xb8;
	[tilespmem:$0x16220] =	vst v63  }
0xa3: {  	_ =	swait.ge [sflag:s28], $0x1400  }
0xa4: {  	[sflag:s28] =	ssyncset.done $0x0  }
0xa5: {  	s6 =	sadd.s32 $0x27B0, s25;
	[sflag:s28] =	ssyncadd.s32 $0xFFFFEC00  }
0xa6: {  	[spmem:s2] =	stream.indirect.scatter.add.f32 [tilespmem:s26], [sflag:$0x2], $0x40, s6, s22, $0xb8;
	[tilespmem:$0x16220] =	vst v63  }
0xa7: {  	_ =	swait.ge [sflag:s31], $0x1400  }
0xa8: {  	p0 =	seq.s32 s21, $0x9600;
	[sflag:s31] =	ssyncset.done $0x0  }
0xa9: {  	s0 =	simm.s32 @p0 $0x1;
	[sflag:s31] =	ssyncadd.s32 $0xFFFFEC00  }
0xaa: {  	_ =	swait.ge @p0 [sflag:s0], $0x1400  }
0xab: {  	[sflag:s0] =	ssyncset.done @p0 $0x0  }
0xac: {  	[sflag:s0] =	ssyncadd.s32 @p0 $0xFFFFEC00;
	s0 =	sshra.s32 @p0 s21, $0x2  }
0xad: {  	s1 =	simm.s32 @p0 $0x50;
	s6 =	simm.s32 @p0 $0x8A20;
	s0 =	sadd.s32 @p0 $0x2800, s0  }
0xae: {  	[spmem:s2] =	stream.indirect.scatter.add.f32 @p0 [tilespmem:s6], [sflag:$0x2], $0x40, s0, s1, $0xb8;
	[tilespmem:$0x16220] =	vst v63  }
0xaf: {  	s0 =	simm.s32 @p0 $0x2  }
0xb0: {  	_ =	swait.ge @p0 [sflag:s0], $0x1400  }
0xb1: {  	[sflag:s0] =	ssyncset.done @p0 $0x0  }
0xb2: {  	[sflag:s0] =	ssyncadd.s32 @p0 $0xFFFFEC00;
	s0 =	sshra.s32 @!p0 s21, $0x2  }
0xb3: {  	v1 =	vld @!p0 [tilespmem:s0+$0x190]  }
0xb4: {  	v2 =	vld @!p0 [tilespmem:s0+$0x1A0]  }
0xb5: {  	v3 =	vld @!p0 [tilespmem:s0+$0x1B0]  }
0xb6: {  	v4 =	vld @!p0 [tilespmem:s0+$0x1C0]  }
0xb7: {  	v5 =	vld @!p0 [tilespmem:s0+$0x1D0]  }
0xb8: {  	v1 =	vshll.u32 @!p0 v1, $0x1  }
0xb9: {  	[tilespmem:s0+$0x190] =	vst @!p0 v1;
	v1 =	vshll.u32 @!p0 v2, $0x1  }
0xba: {  	[tilespmem:s0+$0x1A0] =	vst @!p0 v1;
	v1 =	vshll.u32 @!p0 v3, $0x1  }
0xbb: {  	[tilespmem:s0+$0x1B0] =	vst @!p0 v1;
	v1 =	vshll.u32 @!p0 v4, $0x1  }
0xbc: {  	[tilespmem:s0+$0x1C0] =	vst @!p0 v1;
	v1 =	vshll.u32 @!p0 v5, $0x1  }
0xbd: {  	s7 =	simm.s32 @!p0 $0x4E20;
	s6 =	simm.s32 @!p0 $0x50;
	s1 =	sadd.s32 @!p0 $0x190, s0;
	[tilespmem:s0+$0x1D0] =	vst @!p0 v1  }
0xbe: {  	[tilespmem:s7], [sflag:$0x1] =	stream.indirect.gather @!p0 [hbm4b:s4+s6], $0x40, s1, s6, $0xb8;
	[tilespmem:$0x16220] =	vst v63  }
0xbf: {  	s1 =	simm.s32 @!p0 $0x1  }
0xc0: {  	_ =	swait.ge @!p0 [sflag:s1], $0x1400  }
0xc1: {  	[sflag:s1] =	ssyncset.done @!p0 $0x0  }
0xc2: {  	s7 =	simm.s32 @!p0 $0x8A20;
	[sflag:s1] =	ssyncadd.s32 @!p0 $0xFFFFEC00;
	s1 =	sadd.s32 @!p0 $0x2800, s0  }
0xc3: {  	[spmem:s2] =	stream.indirect.scatter.add.f32 @!p0 [tilespmem:s7], [sflag:$0x2], $0x40, s1, s6, $0xb8;
	[tilespmem:$0x16220] =	vst v63  }
0xc4: {  	s1 =	simm.s32 @!p0 $0x2  }
0xc5: {  	_ =	swait.ge @!p0 [sflag:s1], $0x1400  }
0xc6: {  	[sflag:s1] =	ssyncset.done @!p0 $0x0  }
0xc7: {  	[sflag:s1] =	ssyncadd.s32 @!p0 $0xFFFFEC00  }
0xc8: {  	v1 =	vld @!p0 [tilespmem:s0+$0x1E0]  }
0xc9: {  	v2 =	vld @!p0 [tilespmem:s0+$0x1F0]  }
0xca: {  	v3 =	vld @!p0 [tilespmem:s0+$0x200]  }
0xcb: {  	v4 =	vld @!p0 [tilespmem:s0+$0x210]  }
0xcc: {  	v5 =	vld @!p0 [tilespmem:s0+$0x220]  }
0xcd: {  	v1 =	vshll.u32 @!p0 v1, $0x1  }
0xce: {  	[tilespmem:s0+$0x1E0] =	vst @!p0 v1;
	v1 =	vshll.u32 @!p0 v2, $0x1  }
0xcf: {  	[tilespmem:s0+$0x1F0] =	vst @!p0 v1;
	v1 =	vshll.u32 @!p0 v3, $0x1  }
0xd0: {  	[tilespmem:s0+$0x200] =	vst @!p0 v1;
	v1 =	vshll.u32 @!p0 v4, $0x1  }
0xd1: {  	[tilespmem:s0+$0x210] =	vst @!p0 v1;
	v1 =	vshll.u32 @!p0 v5, $0x1  }
0xd2: {  	s1 =	sadd.s32 @!p0 $0x1E0, s0;
	[tilespmem:s0+$0x220] =	vst @!p0 v1;
	s0 =	simm.s32 @!p0 $0x6220  }
0xd3: {  	[tilespmem:s0], [sflag:$0x1] =	stream.indirect.gather @!p0 [hbm4b:s4+s6], $0x40, s1, s6, $0xb8;
	[tilespmem:$0x16220] =	vst v63  }
0xd4: {  	_ =	swait.ge [sflag:s28], $0x1400  }
0xd5: {  	[sflag:s28] =	ssyncset.done $0x0  }
.Ltmp3:
0xd6: {  	s7 =	sadd.s32 $0x2850, s25;
	[sflag:s28] =	ssyncadd.s32 $0xFFFFEC00;
	(pc) =	sbr.rel @p0 .LBB2_6-.Ltmp3, $4  }
0xd7: {  	[spmem:s2] =	stream.indirect.scatter.add.f32 [tilespmem:s30], [sflag:$0x2], $0x40, s7, s22, $0xb8;
	[tilespmem:$0x16220] =	vst v63  }
0xd8: {  	_ =	swait.ge [sflag:s31], $0x1400  }
0xd9: {  	[sflag:s31] =	ssyncset.done $0x0  }
0xda: {  	[sflag:s31] =	ssyncadd.s32 $0xFFFFEC00  }
0xdb: {  	v1 =	vld [tilespmem:s25+$0x230]  }
0xdc: {  	v2 =	vld [tilespmem:s25+$0x240]  }
0xdd: {  	v3 =	vld [tilespmem:s25+$0x250]  }
0xde: {  	v4 =	vld [tilespmem:s25+$0x260]  }
0xdf: {  	v5 =	vld [tilespmem:s25+$0x270]  }
0xe0: {  	v1 =	vshll.u32 v1, $0x1  }
0xe1: {  	[tilespmem:s25+$0x230] =	vst v1;
	v1 =	vshll.u32 v2, $0x1  }
.Ltmp4:
0xe2: {  	[tilespmem:s25+$0x240] =	vst v1;
	v1 =	vshll.u32 v3, $0x1;
	(pc) =	sbr.rel .LBB2_4-.Ltmp4, $4  }
0xe3: {  	[tilespmem:s25+$0x250] =	vst v1;
	v1 =	vshll.u32 v4, $0x1  }
0xe4: {  	[tilespmem:s25+$0x260] =	vst v1;
	v1 =	vshll.u32 v5, $0x1  }
0xe5: {  	s0 =	sadd.s32 $0x230, s25;
	s21 =	sadd.s32 $0x640, s21;
	[tilespmem:s25+$0x270] =	vst v1  }
0xe6: {  	[tilespmem:s26], [sflag:$0x1] =	stream.indirect.gather [hbm4b:s4+s22], $0x40, s0, s22, $0xb8;
	[tilespmem:$0x16220] =	vst v63  }
.LBB2_7:
0xe7: {  	_ =	sfence.sel $0x180000  }
0xe8: {  	[bflag:$0x0] =	sbarrier.arrive $0xFFFF  }
0xe9: {  	_ =	strace $0x9000004A  }
0xea: {  	s0 =	stileid.u32;
	[bflag:$0x2] =	sbarrier.arrive $0xFFFF  }
0xeb: {  	p0 =	sne.s32 s0, $0x0;
	s0 =	rddreg [dreg:$0x2]  }
0xec: {  	s0 =	sadd.s32 @!p0 $0x100000, s0  }
0xed: {  	[sflag:s0] =	ssyncadd.tile.s32 @!p0 $0x1;
	_ =	shalt  }
.Lfunc_end2:
_tile_overlayer_lowered:
.L_overlay_start_2:
0xee: {  	(tag) =	ssettag $0x2  }
0xef: {  	s0 =	rddreg [dreg:$0x0];
	s2 =	stileid.u32  }
0xf0: {  	s1 =	rddreg [dreg:$0x1];
	p0 =	sne.s32 s2, $0x0  }
0xf1: {  	s3 =	rddreg [dreg:$0x2];
	[bflag:$0x3] =	sbarrier.arrive $0xFFFF;
	s2 =	simm.s32 @!p0 $0x1C03  }
0xf2: {  	[timem:s3], [sflag:s2] =	dma.local @!p0 [hbm:s0], s1  }
0xf3: {  	s0 =	simm.s32 @!p0 $0x3  }
0xf4: {  	_ =	swait.ge @!p0 [sflag:s0], s1  }
0xf5: {  	s1 =	ssub.s32 @!p0 $0x0, s1;
	[sflag:s0] =	ssyncset.done @!p0 $0x0  }
0xf6: {  	[sflag:s0] =	ssyncadd.s32 @!p0 s1  }
0xf7: {  	[bflag:$0x3] =	sbarrier.arrive $0xFFFF  }
0xf8: {  	_ =	shalt  }

</sc_bundles>
